<compile_context>
chip_gen: v7x
topology: tpu7x:2x2x1
jax: 0.10.2.dev20260603
libtpu: 0.0.44.dev20260713+nightly
codegen_flags: <defaults>
</compile_context>

<pallas_src>
import functools

import jax
import jax.numpy as jnp
from jax import lax
from jax.experimental import pallas as pl
from jax.experimental.pallas import tpu as pltpu
from jax.experimental.pallas import tpu_sc as plsc

NC = 2
NS = 16
NW = NC * NS

B_PER_GROUP = 16
CH_PER_GROUP = 8


@functools.lru_cache(maxsize=None)
def _build_sc_gather(b, l, vocab, embed):
    n_total = b * l
    per_w = n_total // NW
    b_per_w = b // NW
    grp_rows = B_PER_GROUP * l
    ngrp = b_per_w // B_PER_GROUP
    chunk = grp_rows // CH_PER_GROUP
    nch = per_w // chunk

    mesh = plsc.VectorSubcoreMesh(core_axis_name="c", subcore_axis_name="s")

    @functools.partial(
        pl.kernel,
        out_type=jax.ShapeDtypeStruct((b, l, embed), jnp.float32),
        mesh=mesh,
        scratch_types=[
            pltpu.VMEM((nch, chunk), jnp.int32),
            pltpu.VMEM((2, grp_rows, embed), jnp.float32),
            pltpu.SemaphoreType.DMA,
            pltpu.SemaphoreType.DMA,
            pltpu.SemaphoreType.DMA,
            pltpu.SemaphoreType.DMA,
        ],
        compiler_params=pltpu.CompilerParams(use_tc_tiling_on_sc=False),
    )
    def gather_kernel(idx_hbm, table_hbm, out_hbm, idx_v, rows_v,
                      gsem0, gsem1, ssem0, ssem1):
        wid = lax.axis_index("s") * NC + lax.axis_index("c")
        b_base = wid * b_per_w
        pltpu.sync_copy(idx_hbm.at[wid], idx_v)

        gsems = (gsem0, gsem1)
        ssems = (ssem0, ssem1)

        def gather_descr(g, bufset, sem, k):
            c = g * CH_PER_GROUP + k
            return pltpu.make_async_copy(
                table_hbm.at[idx_v.at[c]],
                rows_v.at[bufset, pl.ds(k * chunk, chunk)],
                sem,
            )

        def store_descr(g, bufset, sem, j):
            return pltpu.make_async_copy(
                rows_v.at[bufset, pl.ds(j * l, l)],
                out_hbm.at[b_base + g * B_PER_GROUP + j],
                sem,
            )

        def issue_gathers(g, bufset):
            for k in range(CH_PER_GROUP):
                gather_descr(g, bufset, gsems[bufset], k).start()

        def drain_gathers(g, bufset):
            for k in range(CH_PER_GROUP):
                gather_descr(g, bufset, gsems[bufset], k).wait()

        def issue_stores(g, bufset):
            for j in range(B_PER_GROUP):
                store_descr(g, bufset, ssems[bufset], j).start()

        def drain_stores(g, bufset):
            for j in range(B_PER_GROUP):
                store_descr(g, bufset, ssems[bufset], j).wait()

        issue_gathers(0, 0)

        def body(i, _):
            for half in range(2):
                g = 2 * i + half
                bufset = half

                @pl.when(g + 1 < ngrp)
                def _():
                    @pl.when(g >= 1)
                    def _():
                        drain_stores(g - 1, 1 - bufset)

                    issue_gathers(g + 1, 1 - bufset)

                drain_gathers(g, bufset)
                issue_stores(g, bufset)
            return 0

        lax.fori_loop(0, ngrp // 2, body, 0)
        drain_stores(ngrp - 2, 0)
        drain_stores(ngrp - 1, 1)

    return gather_kernel


def kernel(text, weight):
    b, l = text.shape
    vocab, embed = weight.shape
    n_total = b * l
    per_w = n_total // NW
    chunk = (B_PER_GROUP * l) // CH_PER_GROUP
    idx = text.reshape(NW, per_w // chunk, chunk).astype(jnp.int32)
    return _build_sc_gather(b, l, vocab, embed)(idx, weight)

# --- scband reference (transcript-rebuilt; emitter-appended) ---
"""Pipeline reference for scband-custom-embedding-70033736728778 (READ-ONLY COPY).

The authoritative reference and input builder live on the scoring server;
editing this copy changes nothing except your own understanding.
"""

import jax, jax.numpy as jnp
import numpy as np

VOCAB = 1000000
EMBED = 32
B = 16384
L = 50

def setup_inputs(seed: int = 0) -> dict:
    key = jax.random.key(seed)
    k1, k2 = jax.random.split(key)
    text = jax.random.randint(k1, (B, L), 0, VOCAB, dtype=jnp.int64 if jax.config.jax_enable_x64 else jnp.int32)
    weight = jax.random.normal(k2, (VOCAB, EMBED), dtype=jnp.float32)
    return {"text": text, "weight": weight}

def reference(text, weight):
    # text is an integer tensor -> plain embedding lookup (the float/matmul branch
    # in the original module only triggers for cuda FloatTensor inputs).
    # Dropout is identity in eval mode.
    embed = jnp.take(weight, text, axis=0)
    return embed

if __name__ == "__main__":
    import jax
    _d = setup_inputs()
    print(jax.jit(kernel)(*tuple(_d.values())))

</pallas_src>

<mosaic_0001>
#map = affine_map<(d0, d1) -> (0, 0, 0)>
#map1 = affine_map<(d0, d1) -> (0, 0)>
module attributes {stable_mosaic.version = 14 : i64} {
  func.func @gather_kernel(%arg0: i32, %arg1: i32, %arg2: memref<32x256x100xi32, #tpu.memory_space<hbm>>, %arg3: memref<1000000x32xf32, #tpu.memory_space<hbm>>, %arg4: memref<16384x50x32xf32, #tpu.memory_space<hbm>>, %arg5: memref<256x100xi32, #tpu.memory_space<vmem>>, %arg6: memref<2x800x32xf32, #tpu.memory_space<vmem>>, %arg7: memref<!tpu.dma_semaphore, #tpu.memory_space<semaphore_mem>>, %arg8: memref<!tpu.dma_semaphore, #tpu.memory_space<semaphore_mem>>, %arg9: memref<!tpu.dma_semaphore, #tpu.memory_space<semaphore_mem>>, %arg10: memref<!tpu.dma_semaphore, #tpu.memory_space<semaphore_mem>>) attributes {dimension_semantics = [#tpu.dimension_semantics<core_parallel>, #tpu.dimension_semantics<subcore_parallel>], iteration_bounds = array<i64: 2, 16>, scalar_prefetch = 0 : i64, scratch_operands = 6 : i64, tpu.core_type = #tpu.core_type<sc_vector_subcore>, window_params = [{transform_indices = #map}, {transform_indices = #map1}, {transform_indices = #map}]} {
    %mul3A = arith.constant 2 : i32
    %mul3A_0 = arith.muli %arg1, %mul3A : i32
    %add3A = arith.addi %mul3A_0, %arg0 : i32
    %mul3A_1 = arith.constant 512 : i32
    %mul3A_2 = arith.muli %add3A, %mul3A_1 : i32
    "tpu.region"() ({
      %run_scoped3A = tpu.sem_alloc : memref<!tpu.dma_semaphore, #tpu.memory_space<semaphore_mem>>
      %dma_start3A_775 = arith.constant 0 : i32
      %dma_start3A_776 = arith.constant 0 : i32
      %dma_start3A_777 = tpu.memref_slice %arg2[%add3A, %dma_start3A_775, %dma_start3A_776] : memref<32x256x100xi32, #tpu.memory_space<hbm>> -> memref<1x256x100xi32, #tpu.memory_space<hbm>>
      %dma_start3A_778 = tpu.memref_squeeze %dma_start3A_777 : memref<1x256x100xi32, #tpu.memory_space<hbm>> -> memref<256x100xi32, #tpu.memory_space<hbm>>
      %dma_start3A_779 = arith.constant 0 : i32
      %dma_start3A_780 = arith.constant 0 : i32
      %dma_start3A_781 = tpu.memref_slice %arg2[%add3A, %dma_start3A_779, %dma_start3A_780] : memref<32x256x100xi32, #tpu.memory_space<hbm>> -> memref<1x256x100xi32, #tpu.memory_space<hbm>>
      %dma_start3A_782 = tpu.memref_squeeze %dma_start3A_781 : memref<1x256x100xi32, #tpu.memory_space<hbm>> -> memref<256x100xi32, #tpu.memory_space<hbm>>
      tpu.enqueue_dma source(%dma_start3A_782 : memref<256x100xi32, #tpu.memory_space<hbm>>) target(%arg5 : memref<256x100xi32, #tpu.memory_space<vmem>>) target_semaphore(%run_scoped3A : memref<!tpu.dma_semaphore, #tpu.memory_space<semaphore_mem>>)
      %dma_wait3A_783 = arith.constant 0 : i32
      %dma_wait3A_784 = arith.constant 0 : i32
      %dma_wait3A_785 = tpu.memref_slice %arg2[%add3A, %dma_wait3A_783, %dma_wait3A_784] : memref<32x256x100xi32, #tpu.memory_space<hbm>> -> memref<1x256x100xi32, #tpu.memory_space<hbm>>
      %dma_wait3A_786 = tpu.memref_squeeze %dma_wait3A_785 : memref<1x256x100xi32, #tpu.memory_space<hbm>> -> memref<256x100xi32, #tpu.memory_space<hbm>>
      %dma_wait3A_787 = arith.constant 0 : i32
      %dma_wait3A_788 = arith.constant 0 : i32
      %dma_wait3A_789 = tpu.memref_slice %arg2[%add3A, %dma_wait3A_787, %dma_wait3A_788] : memref<32x256x100xi32, #tpu.memory_space<hbm>> -> memref<1x256x100xi32, #tpu.memory_space<hbm>>
      %dma_wait3A_790 = tpu.memref_squeeze %dma_wait3A_789 : memref<1x256x100xi32, #tpu.memory_space<hbm>> -> memref<256x100xi32, #tpu.memory_space<hbm>>
      tpu.wait_dma2 semaphore(%run_scoped3A : memref<!tpu.dma_semaphore, #tpu.memory_space<semaphore_mem>>) src(%dma_wait3A_790 : memref<256x100xi32, #tpu.memory_space<hbm>>) dst(%arg5 : memref<256x100xi32, #tpu.memory_space<vmem>>)
      tpu.yield
    }) : () -> ()
    %dma_start3A = arith.constant 0 : i32
    %dma_start3A_3 = arith.constant 0 : i32
    %dma_start3A_4 = arith.constant 0 : i32
    %dma_start3A_5 = arith.constant 0 : i32
    %dma_start3A_6 = tpu.memref_slice %arg6[%dma_start3A_3, %dma_start3A_4, %dma_start3A_5] : memref<2x800x32xf32, #tpu.memory_space<vmem>> -> memref<1x100x32xf32, #tpu.memory_space<vmem>>
    %dma_start3A_7 = tpu.memref_squeeze %dma_start3A_6 : memref<1x100x32xf32, #tpu.memory_space<vmem>> -> memref<100x32xf32, #tpu.memory_space<vmem>>
    %dma_start3A_8 = arith.constant 0 : i32
    %dma_start3A_9 = tpu.memref_slice %arg5[%dma_start3A, %dma_start3A_8] : memref<256x100xi32, #tpu.memory_space<vmem>> -> memref<1x100xi32, #tpu.memory_space<vmem>>
    %dma_start3A_10 = tpu.memref_squeeze %dma_start3A_9 : memref<1x100xi32, #tpu.memory_space<vmem>> -> memref<100xi32, #tpu.memory_space<vmem>>
    %dma_start3A_11 = arith.constant 0 : i32
    %dma_start3A_12 = arith.constant 0 : i32
    %dma_start3A_13 = tpu.memref_slice %arg3[%dma_start3A_11, %dma_start3A_12] : memref<1000000x32xf32, #tpu.memory_space<hbm>> -> memref<1000000x32xf32, #tpu.memory_space<hbm>>
    tpu.enqueue_indirect_dma source(%dma_start3A_13 : memref<1000000x32xf32, #tpu.memory_space<hbm>>) target(%dma_start3A_7 : memref<100x32xf32, #tpu.memory_space<vmem>>) offsets(%dma_start3A_10 : memref<100xi32, #tpu.memory_space<vmem>>) semaphore(%arg7 : memref<!tpu.dma_semaphore, #tpu.memory_space<semaphore_mem>>)
    %dma_start3A_14 = arith.constant 1 : i32
    %dma_start3A_15 = arith.constant 0 : i32
    %dma_start3A_16 = arith.constant 100 : i32
    %dma_start3A_17 = arith.constant 0 : i32
    %dma_start3A_18 = tpu.memref_slice %arg6[%dma_start3A_15, %dma_start3A_16, %dma_start3A_17] : memref<2x800x32xf32, #tpu.memory_space<vmem>> -> memref<1x100x32xf32, #tpu.memory_space<vmem>>
    %dma_start3A_19 = tpu.memref_squeeze %dma_start3A_18 : memref<1x100x32xf32, #tpu.memory_space<vmem>> -> memref<100x32xf32, #tpu.memory_space<vmem>>
    %dma_start3A_20 = arith.constant 0 : i32
    %dma_start3A_21 = tpu.memref_slice %arg5[%dma_start3A_14, %dma_start3A_20] : memref<256x100xi32, #tpu.memory_space<vmem>> -> memref<1x100xi32, #tpu.memory_space<vmem>>
    %dma_start3A_22 = tpu.memref_squeeze %dma_start3A_21 : memref<1x100xi32, #tpu.memory_space<vmem>> -> memref<100xi32, #tpu.memory_space<vmem>>
    %dma_start3A_23 = arith.constant 0 : i32
    %dma_start3A_24 = arith.constant 0 : i32
    %dma_start3A_25 = tpu.memref_slice %arg3[%dma_start3A_23, %dma_start3A_24] : memref<1000000x32xf32, #tpu.memory_space<hbm>> -> memref<1000000x32xf32, #tpu.memory_space<hbm>>
    tpu.enqueue_indirect_dma source(%dma_start3A_25 : memref<1000000x32xf32, #tpu.memory_space<hbm>>) target(%dma_start3A_19 : memref<100x32xf32, #tpu.memory_space<vmem>>) offsets(%dma_start3A_22 : memref<100xi32, #tpu.memory_space<vmem>>) semaphore(%arg7 : memref<!tpu.dma_semaphore, #tpu.memory_space<semaphore_mem>>)
    %dma_start3A_26 = arith.constant 2 : i32
    %dma_start3A_27 = arith.constant 0 : i32
    %dma_start3A_28 = arith.constant 200 : i32
    %dma_start3A_29 = arith.constant 0 : i32
    %dma_start3A_30 = tpu.memref_slice %arg6[%dma_start3A_27, %dma_start3A_28, %dma_start3A_29] : memref<2x800x32xf32, #tpu.memory_space<vmem>> -> memref<1x100x32xf32, #tpu.memory_space<vmem>>
    %dma_start3A_31 = tpu.memref_squeeze %dma_start3A_30 : memref<1x100x32xf32, #tpu.memory_space<vmem>> -> memref<100x32xf32, #tpu.memory_space<vmem>>
    %dma_start3A_32 = arith.constant 0 : i32
    %dma_start3A_33 = tpu.memref_slice %arg5[%dma_start3A_26, %dma_start3A_32] : memref<256x100xi32, #tpu.memory_space<vmem>> -> memref<1x100xi32, #tpu.memory_space<vmem>>
    %dma_start3A_34 = tpu.memref_squeeze %dma_start3A_33 : memref<1x100xi32, #tpu.memory_space<vmem>> -> memref<100xi32, #tpu.memory_space<vmem>>
    %dma_start3A_35 = arith.constant 0 : i32
    %dma_start3A_36 = arith.constant 0 : i32
    %dma_start3A_37 = tpu.memref_slice %arg3[%dma_start3A_35, %dma_start3A_36] : memref<1000000x32xf32, #tpu.memory_space<hbm>> -> memref<1000000x32xf32, #tpu.memory_space<hbm>>
    tpu.enqueue_indirect_dma source(%dma_start3A_37 : memref<1000000x32xf32, #tpu.memory_space<hbm>>) target(%dma_start3A_31 : memref<100x32xf32, #tpu.memory_space<vmem>>) offsets(%dma_start3A_34 : memref<100xi32, #tpu.memory_space<vmem>>) semaphore(%arg7 : memref<!tpu.dma_semaphore, #tpu.memory_space<semaphore_mem>>)
    %dma_start3A_38 = arith.constant 3 : i32
    %dma_start3A_39 = arith.constant 0 : i32
    %dma_start3A_40 = arith.constant 300 : i32
    %dma_start3A_41 = arith.constant 0 : i32
    %dma_start3A_42 = tpu.memref_slice %arg6[%dma_start3A_39, %dma_start3A_40, %dma_start3A_41] : memref<2x800x32xf32, #tpu.memory_space<vmem>> -> memref<1x100x32xf32, #tpu.memory_space<vmem>>
    %dma_start3A_43 = tpu.memref_squeeze %dma_start3A_42 : memref<1x100x32xf32, #tpu.memory_space<vmem>> -> memref<100x32xf32, #tpu.memory_space<vmem>>
    %dma_start3A_44 = arith.constant 0 : i32
    %dma_start3A_45 = tpu.memref_slice %arg5[%dma_start3A_38, %dma_start3A_44] : memref<256x100xi32, #tpu.memory_space<vmem>> -> memref<1x100xi32, #tpu.memory_space<vmem>>
    %dma_start3A_46 = tpu.memref_squeeze %dma_start3A_45 : memref<1x100xi32, #tpu.memory_space<vmem>> -> memref<100xi32, #tpu.memory_space<vmem>>
    %dma_start3A_47 = arith.constant 0 : i32
    %dma_start3A_48 = arith.constant 0 : i32
    %dma_start3A_49 = tpu.memref_slice %arg3[%dma_start3A_47, %dma_start3A_48] : memref<1000000x32xf32, #tpu.memory_space<hbm>> -> memref<1000000x32xf32, #tpu.memory_space<hbm>>
    tpu.enqueue_indirect_dma source(%dma_start3A_49 : memref<1000000x32xf32, #tpu.memory_space<hbm>>) target(%dma_start3A_43 : memref<100x32xf32, #tpu.memory_space<vmem>>) offsets(%dma_start3A_46 : memref<100xi32, #tpu.memory_space<vmem>>) semaphore(%arg7 : memref<!tpu.dma_semaphore, #tpu.memory_space<semaphore_mem>>)
    %dma_start3A_50 = arith.constant 4 : i32
    %dma_start3A_51 = arith.constant 0 : i32
    %dma_start3A_52 = arith.constant 400 : i32
    %dma_start3A_53 = arith.constant 0 : i32
    %dma_start3A_54 = tpu.memref_slice %arg6[%dma_start3A_51, %dma_start3A_52, %dma_start3A_53] : memref<2x800x32xf32, #tpu.memory_space<vmem>> -> memref<1x100x32xf32, #tpu.memory_space<vmem>>
    %dma_start3A_55 = tpu.memref_squeeze %dma_start3A_54 : memref<1x100x32xf32, #tpu.memory_space<vmem>> -> memref<100x32xf32, #tpu.memory_space<vmem>>
    %dma_start3A_56 = arith.constant 0 : i32
    %dma_start3A_57 = tpu.memref_slice %arg5[%dma_start3A_50, %dma_start3A_56] : memref<256x100xi32, #tpu.memory_space<vmem>> -> memref<1x100xi32, #tpu.memory_space<vmem>>
    %dma_start3A_58 = tpu.memref_squeeze %dma_start3A_57 : memref<1x100xi32, #tpu.memory_space<vmem>> -> memref<100xi32, #tpu.memory_space<vmem>>
    %dma_start3A_59 = arith.constant 0 : i32
    %dma_start3A_60 = arith.constant 0 : i32
    %dma_start3A_61 = tpu.memref_slice %arg3[%dma_start3A_59, %dma_start3A_60] : memref<1000000x32xf32, #tpu.memory_space<hbm>> -> memref<1000000x32xf32, #tpu.memory_space<hbm>>
    tpu.enqueue_indirect_dma source(%dma_start3A_61 : memref<1000000x32xf32, #tpu.memory_space<hbm>>) target(%dma_start3A_55 : memref<100x32xf32, #tpu.memory_space<vmem>>) offsets(%dma_start3A_58 : memref<100xi32, #tpu.memory_space<vmem>>) semaphore(%arg7 : memref<!tpu.dma_semaphore, #tpu.memory_space<semaphore_mem>>)
    %dma_start3A_62 = arith.constant 5 : i32
    %dma_start3A_63 = arith.constant 0 : i32
    %dma_start3A_64 = arith.constant 500 : i32
    %dma_start3A_65 = arith.constant 0 : i32
    %dma_start3A_66 = tpu.memref_slice %arg6[%dma_start3A_63, %dma_start3A_64, %dma_start3A_65] : memref<2x800x32xf32, #tpu.memory_space<vmem>> -> memref<1x100x32xf32, #tpu.memory_space<vmem>>
    %dma_start3A_67 = tpu.memref_squeeze %dma_start3A_66 : memref<1x100x32xf32, #tpu.memory_space<vmem>> -> memref<100x32xf32, #tpu.memory_space<vmem>>
    %dma_start3A_68 = arith.constant 0 : i32
    %dma_start3A_69 = tpu.memref_slice %arg5[%dma_start3A_62, %dma_start3A_68] : memref<256x100xi32, #tpu.memory_space<vmem>> -> memref<1x100xi32, #tpu.memory_space<vmem>>
    %dma_start3A_70 = tpu.memref_squeeze %dma_start3A_69 : memref<1x100xi32, #tpu.memory_space<vmem>> -> memref<100xi32, #tpu.memory_space<vmem>>
    %dma_start3A_71 = arith.constant 0 : i32
    %dma_start3A_72 = arith.constant 0 : i32
    %dma_start3A_73 = tpu.memref_slice %arg3[%dma_start3A_71, %dma_start3A_72] : memref<1000000x32xf32, #tpu.memory_space<hbm>> -> memref<1000000x32xf32, #tpu.memory_space<hbm>>
    tpu.enqueue_indirect_dma source(%dma_start3A_73 : memref<1000000x32xf32, #tpu.memory_space<hbm>>) target(%dma_start3A_67 : memref<100x32xf32, #tpu.memory_space<vmem>>) offsets(%dma_start3A_70 : memref<100xi32, #tpu.memory_space<vmem>>) semaphore(%arg7 : memref<!tpu.dma_semaphore, #tpu.memory_space<semaphore_mem>>)
    %dma_start3A_74 = arith.constant 6 : i32
    %dma_start3A_75 = arith.constant 0 : i32
    %dma_start3A_76 = arith.constant 600 : i32
    %dma_start3A_77 = arith.constant 0 : i32
    %dma_start3A_78 = tpu.memref_slice %arg6[%dma_start3A_75, %dma_start3A_76, %dma_start3A_77] : memref<2x800x32xf32, #tpu.memory_space<vmem>> -> memref<1x100x32xf32, #tpu.memory_space<vmem>>
    %dma_start3A_79 = tpu.memref_squeeze %dma_start3A_78 : memref<1x100x32xf32, #tpu.memory_space<vmem>> -> memref<100x32xf32, #tpu.memory_space<vmem>>
    %dma_start3A_80 = arith.constant 0 : i32
    %dma_start3A_81 = tpu.memref_slice %arg5[%dma_start3A_74, %dma_start3A_80] : memref<256x100xi32, #tpu.memory_space<vmem>> -> memref<1x100xi32, #tpu.memory_space<vmem>>
    %dma_start3A_82 = tpu.memref_squeeze %dma_start3A_81 : memref<1x100xi32, #tpu.memory_space<vmem>> -> memref<100xi32, #tpu.memory_space<vmem>>
    %dma_start3A_83 = arith.constant 0 : i32
    %dma_start3A_84 = arith.constant 0 : i32
    %dma_start3A_85 = tpu.memref_slice %arg3[%dma_start3A_83, %dma_start3A_84] : memref<1000000x32xf32, #tpu.memory_space<hbm>> -> memref<1000000x32xf32, #tpu.memory_space<hbm>>
    tpu.enqueue_indirect_dma source(%dma_start3A_85 : memref<1000000x32xf32, #tpu.memory_space<hbm>>) target(%dma_start3A_79 : memref<100x32xf32, #tpu.memory_space<vmem>>) offsets(%dma_start3A_82 : memref<100xi32, #tpu.memory_space<vmem>>) semaphore(%arg7 : memref<!tpu.dma_semaphore, #tpu.memory_space<semaphore_mem>>)
    %dma_start3A_86 = arith.constant 7 : i32
    %dma_start3A_87 = arith.constant 0 : i32
    %dma_start3A_88 = arith.constant 700 : i32
    %dma_start3A_89 = arith.constant 0 : i32
    %dma_start3A_90 = tpu.memref_slice %arg6[%dma_start3A_87, %dma_start3A_88, %dma_start3A_89] : memref<2x800x32xf32, #tpu.memory_space<vmem>> -> memref<1x100x32xf32, #tpu.memory_space<vmem>>
    %dma_start3A_91 = tpu.memref_squeeze %dma_start3A_90 : memref<1x100x32xf32, #tpu.memory_space<vmem>> -> memref<100x32xf32, #tpu.memory_space<vmem>>
    %dma_start3A_92 = arith.constant 0 : i32
    %dma_start3A_93 = tpu.memref_slice %arg5[%dma_start3A_86, %dma_start3A_92] : memref<256x100xi32, #tpu.memory_space<vmem>> -> memref<1x100xi32, #tpu.memory_space<vmem>>
    %dma_start3A_94 = tpu.memref_squeeze %dma_start3A_93 : memref<1x100xi32, #tpu.memory_space<vmem>> -> memref<100xi32, #tpu.memory_space<vmem>>
    %dma_start3A_95 = arith.constant 0 : i32
    %dma_start3A_96 = arith.constant 0 : i32
    %dma_start3A_97 = tpu.memref_slice %arg3[%dma_start3A_95, %dma_start3A_96] : memref<1000000x32xf32, #tpu.memory_space<hbm>> -> memref<1000000x32xf32, #tpu.memory_space<hbm>>
    tpu.enqueue_indirect_dma source(%dma_start3A_97 : memref<1000000x32xf32, #tpu.memory_space<hbm>>) target(%dma_start3A_91 : memref<100x32xf32, #tpu.memory_space<vmem>>) offsets(%dma_start3A_94 : memref<100xi32, #tpu.memory_space<vmem>>) semaphore(%arg7 : memref<!tpu.dma_semaphore, #tpu.memory_space<semaphore_mem>>)
    %scan3A = arith.constant 0 : i32
    %scan3A_98 = arith.constant 0 : i32
    %scan3A_99 = arith.constant 16 : i32
    %scan3A_100 = arith.addi %scan3A_98, %scan3A_99 : i32
    %scan3A_101 = arith.constant 1 : i32
    %scan3A_102 = scf.for %scan3A_775 = %scan3A_98 to %scan3A_100 step %scan3A_101 iter_args(%scan3A_776 = %scan3A) -> (i32)  : i32 {
      %mul3A_777 = arith.constant 2 : i32
      %mul3A_778 = arith.muli %mul3A_777, %scan3A_775 : i32
      %add3A_779 = arith.constant 0 : i32
      %add3A_780 = arith.addi %mul3A_778, %add3A_779 : i32
      %add3A_781 = arith.constant 1 : i32
      %add3A_782 = arith.addi %add3A_780, %add3A_781 : i32
      %lt3A = arith.constant 32 : i32
      %lt3A_783 = arith.cmpi slt, %add3A_782, %lt3A : i32
      %convert_element_type3A = arith.extui %lt3A_783 : i1 to i32
      %cond3A = arith.constant 0 : i32
      %cond3A_784 = arith.cmpi ne, %convert_element_type3A, %cond3A : i32
      scf.if %cond3A_784 {
        %ge3A = arith.constant 1 : i32
        %ge3A_1741 = arith.cmpi sge, %add3A_780, %ge3A : i32
        %convert_element_type3A_1742 = arith.extui %ge3A_1741 : i1 to i32
        %cond3A_1743 = arith.constant 0 : i32
        %cond3A_1744 = arith.cmpi ne, %convert_element_type3A_1742, %cond3A_1743 : i32
        scf.if %cond3A_1744 {
          %sub3A = arith.constant 1 : i32
          %sub3A_1867 = arith.subi %add3A_780, %sub3A : i32
          %mul3A_1868 = arith.constant 16 : i32
          %mul3A_1869 = arith.muli %sub3A_1867, %mul3A_1868 : i32
          %add3A_1870 = arith.addi %mul3A_2, %mul3A_1869 : i32
          %add3A_1871 = arith.constant 0 : i32
          %add3A_1872 = arith.addi %add3A_1870, %add3A_1871 : i32
          %dma_wait3A_1873 = arith.constant 1 : i32
          %dma_wait3A_1874 = arith.constant 0 : i32
          %dma_wait3A_1875 = arith.constant 0 : i32
          %dma_wait3A_1876 = tpu.memref_slice %arg6[%dma_wait3A_1873, %dma_wait3A_1874, %dma_wait3A_1875] : memref<2x800x32xf32, #tpu.memory_space<vmem>> -> memref<1x50x32xf32, #tpu.memory_space<vmem>>
          %dma_wait3A_1877 = tpu.memref_squeeze %dma_wait3A_1876 : memref<1x50x32xf32, #tpu.memory_space<vmem>> -> memref<50x32xf32, #tpu.memory_space<vmem>>
          %dma_wait3A_1878 = arith.constant 0 : i32
          %dma_wait3A_1879 = arith.constant 0 : i32
          %dma_wait3A_1880 = tpu.memref_slice %arg4[%add3A_1872, %dma_wait3A_1878, %dma_wait3A_1879] : memref<16384x50x32xf32, #tpu.memory_space<hbm>> -> memref<1x50x32xf32, #tpu.memory_space<hbm>>
          %dma_wait3A_1881 = tpu.memref_squeeze %dma_wait3A_1880 : memref<1x50x32xf32, #tpu.memory_space<hbm>> -> memref<50x32xf32, #tpu.memory_space<hbm>>
          %dma_wait3A_1882 = arith.constant 0 : i32
          %dma_wait3A_1883 = arith.constant 0 : i32
          %dma_wait3A_1884 = tpu.memref_slice %arg4[%add3A_1872, %dma_wait3A_1882, %dma_wait3A_1883] : memref<16384x50x32xf32, #tpu.memory_space<hbm>> -> memref<1x50x32xf32, #tpu.memory_space<hbm>>
          %dma_wait3A_1885 = tpu.memref_squeeze %dma_wait3A_1884 : memref<1x50x32xf32, #tpu.memory_space<hbm>> -> memref<50x32xf32, #tpu.memory_space<hbm>>
          %dma_wait3A_1886 = arith.constant 0 : i32
          %dma_wait3A_1887 = arith.constant 0 : i32
          %dma_wait3A_1888 = tpu.memref_slice %arg6[%dma_wait3A_1873, %dma_wait3A_1886, %dma_wait3A_1887] : memref<2x800x32xf32, #tpu.memory_space<vmem>> -> memref<1x50x32xf32, #tpu.memory_space<vmem>>
          %dma_wait3A_1889 = tpu.memref_squeeze %dma_wait3A_1888 : memref<1x50x32xf32, #tpu.memory_space<vmem>> -> memref<50x32xf32, #tpu.memory_space<vmem>>
          tpu.wait_dma2 semaphore(%arg10 : memref<!tpu.dma_semaphore, #tpu.memory_space<semaphore_mem>>) src(%dma_wait3A_1889 : memref<50x32xf32, #tpu.memory_space<vmem>>) dst(%dma_wait3A_1885 : memref<50x32xf32, #tpu.memory_space<hbm>>)
          %mul3A_1890 = arith.constant 16 : i32
          %mul3A_1891 = arith.muli %sub3A_1867, %mul3A_1890 : i32
          %add3A_1892 = arith.addi %mul3A_2, %mul3A_1891 : i32
          %add3A_1893 = arith.constant 1 : i32
          %add3A_1894 = arith.addi %add3A_1892, %add3A_1893 : i32
          %dma_wait3A_1895 = arith.constant 1 : i32
          %dma_wait3A_1896 = arith.constant 50 : i32
          %dma_wait3A_1897 = arith.constant 0 : i32
          %dma_wait3A_1898 = tpu.memref_slice %arg6[%dma_wait3A_1895, %dma_wait3A_1896, %dma_wait3A_1897] : memref<2x800x32xf32, #tpu.memory_space<vmem>> -> memref<1x50x32xf32, #tpu.memory_space<vmem>>
          %dma_wait3A_1899 = tpu.memref_squeeze %dma_wait3A_1898 : memref<1x50x32xf32, #tpu.memory_space<vmem>> -> memref<50x32xf32, #tpu.memory_space<vmem>>
          %dma_wait3A_1900 = arith.constant 0 : i32
          %dma_wait3A_1901 = arith.constant 0 : i32
          %dma_wait3A_1902 = tpu.memref_slice %arg4[%add3A_1894, %dma_wait3A_1900, %dma_wait3A_1901] : memref<16384x50x32xf32, #tpu.memory_space<hbm>> -> memref<1x50x32xf32, #tpu.memory_space<hbm>>
          %dma_wait3A_1903 = tpu.memref_squeeze %dma_wait3A_1902 : memref<1x50x32xf32, #tpu.memory_space<hbm>> -> memref<50x32xf32, #tpu.memory_space<hbm>>
          %dma_wait3A_1904 = arith.constant 0 : i32
          %dma_wait3A_1905 = arith.constant 0 : i32
          %dma_wait3A_1906 = tpu.memref_slice %arg4[%add3A_1894, %dma_wait3A_1904, %dma_wait3A_1905] : memref<16384x50x32xf32, #tpu.memory_space<hbm>> -> memref<1x50x32xf32, #tpu.memory_space<hbm>>
          %dma_wait3A_1907 = tpu.memref_squeeze %dma_wait3A_1906 : memref<1x50x32xf32, #tpu.memory_space<hbm>> -> memref<50x32xf32, #tpu.memory_space<hbm>>
          %dma_wait3A_1908 = arith.constant 50 : i32
          %dma_wait3A_1909 = arith.constant 0 : i32
          %dma_wait3A_1910 = tpu.memref_slice %arg6[%dma_wait3A_1895, %dma_wait3A_1908, %dma_wait3A_1909] : memref<2x800x32xf32, #tpu.memory_space<vmem>> -> memref<1x50x32xf32, #tpu.memory_space<vmem>>
          %dma_wait3A_1911 = tpu.memref_squeeze %dma_wait3A_1910 : memref<1x50x32xf32, #tpu.memory_space<vmem>> -> memref<50x32xf32, #tpu.memory_space<vmem>>
          tpu.wait_dma2 semaphore(%arg10 : memref<!tpu.dma_semaphore, #tpu.memory_space<semaphore_mem>>) src(%dma_wait3A_1911 : memref<50x32xf32, #tpu.memory_space<vmem>>) dst(%dma_wait3A_1907 : memref<50x32xf32, #tpu.memory_space<hbm>>)
          %mul3A_1912 = arith.constant 16 : i32
          %mul3A_1913 = arith.muli %sub3A_1867, %mul3A_1912 : i32
          %add3A_1914 = arith.addi %mul3A_2, %mul3A_1913 : i32
          %add3A_1915 = arith.constant 2 : i32
          %add3A_1916 = arith.addi %add3A_1914, %add3A_1915 : i32
          %dma_wait3A_1917 = arith.constant 1 : i32
          %dma_wait3A_1918 = arith.constant 100 : i32
          %dma_wait3A_1919 = arith.constant 0 : i32
          %dma_wait3A_1920 = tpu.memref_slice %arg6[%dma_wait3A_1917, %dma_wait3A_1918, %dma_wait3A_1919] : memref<2x800x32xf32, #tpu.memory_space<vmem>> -> memref<1x50x32xf32, #tpu.memory_space<vmem>>
          %dma_wait3A_1921 = tpu.memref_squeeze %dma_wait3A_1920 : memref<1x50x32xf32, #tpu.memory_space<vmem>> -> memref<50x32xf32, #tpu.memory_space<vmem>>
          %dma_wait3A_1922 = arith.constant 0 : i32
          %dma_wait3A_1923 = arith.constant 0 : i32
          %dma_wait3A_1924 = tpu.memref_slice %arg4[%add3A_1916, %dma_wait3A_1922, %dma_wait3A_1923] : memref<16384x50x32xf32, #tpu.memory_space<hbm>> -> memref<1x50x32xf32, #tpu.memory_space<hbm>>
          %dma_wait3A_1925 = tpu.memref_squeeze %dma_wait3A_1924 : memref<1x50x32xf32, #tpu.memory_space<hbm>> -> memref<50x32xf32, #tpu.memory_space<hbm>>
          %dma_wait3A_1926 = arith.constant 0 : i32
          %dma_wait3A_1927 = arith.constant 0 : i32
          %dma_wait3A_1928 = tpu.memref_slice %arg4[%add3A_1916, %dma_wait3A_1926, %dma_wait3A_1927] : memref<16384x50x32xf32, #tpu.memory_space<hbm>> -> memref<1x50x32xf32, #tpu.memory_space<hbm>>
          %dma_wait3A_1929 = tpu.memref_squeeze %dma_wait3A_1928 : memref<1x50x32xf32, #tpu.memory_space<hbm>> -> memref<50x32xf32, #tpu.memory_space<hbm>>
          %dma_wait3A_1930 = arith.constant 100 : i32
          %dma_wait3A_1931 = arith.constant 0 : i32
          %dma_wait3A_1932 = tpu.memref_slice %arg6[%dma_wait3A_1917, %dma_wait3A_1930, %dma_wait3A_1931] : memref<2x800x32xf32, #tpu.memory_space<vmem>> -> memref<1x50x32xf32, #tpu.memory_space<vmem>>
          %dma_wait3A_1933 = tpu.memref_squeeze %dma_wait3A_1932 : memref<1x50x32xf32, #tpu.memory_space<vmem>> -> memref<50x32xf32, #tpu.memory_space<vmem>>
          tpu.wait_dma2 semaphore(%arg10 : memref<!tpu.dma_semaphore, #tpu.memory_space<semaphore_mem>>) src(%dma_wait3A_1933 : memref<50x32xf32, #tpu.memory_space<vmem>>) dst(%dma_wait3A_1929 : memref<50x32xf32, #tpu.memory_space<hbm>>)
          %mul3A_1934 = arith.constant 16 : i32
          %mul3A_1935 = arith.muli %sub3A_1867, %mul3A_1934 : i32
          %add3A_1936 = arith.addi %mul3A_2, %mul3A_1935 : i32
          %add3A_1937 = arith.constant 3 : i32
          %add3A_1938 = arith.addi %add3A_1936, %add3A_1937 : i32
          %dma_wait3A_1939 = arith.constant 1 : i32
          %dma_wait3A_1940 = arith.constant 150 : i32
          %dma_wait3A_1941 = arith.constant 0 : i32
          %dma_wait3A_1942 = tpu.memref_slice %arg6[%dma_wait3A_1939, %dma_wait3A_1940, %dma_wait3A_1941] : memref<2x800x32xf32, #tpu.memory_space<vmem>> -> memref<1x50x32xf32, #tpu.memory_space<vmem>>
          %dma_wait3A_1943 = tpu.memref_squeeze %dma_wait3A_1942 : memref<1x50x32xf32, #tpu.memory_space<vmem>> -> memref<50x32xf32, #tpu.memory_space<vmem>>
          %dma_wait3A_1944 = arith.constant 0 : i32
          %dma_wait3A_1945 = arith.constant 0 : i32
          %dma_wait3A_1946 = tpu.memref_slice %arg4[%add3A_1938, %dma_wait3A_1944, %dma_wait3A_1945] : memref<16384x50x32xf32, #tpu.memory_space<hbm>> -> memref<1x50x32xf32, #tpu.memory_space<hbm>>
          %dma_wait3A_1947 = tpu.memref_squeeze %dma_wait3A_1946 : memref<1x50x32xf32, #tpu.memory_space<hbm>> -> memref<50x32xf32, #tpu.memory_space<hbm>>
          %dma_wait3A_1948 = arith.constant 0 : i32
          %dma_wait3A_1949 = arith.constant 0 : i32
          %dma_wait3A_1950 = tpu.memref_slice %arg4[%add3A_1938, %dma_wait3A_1948, %dma_wait3A_1949] : memref<16384x50x32xf32, #tpu.memory_space<hbm>> -> memref<1x50x32xf32, #tpu.memory_space<hbm>>
          %dma_wait3A_1951 = tpu.memref_squeeze %dma_wait3A_1950 : memref<1x50x32xf32, #tpu.memory_space<hbm>> -> memref<50x32xf32, #tpu.memory_space<hbm>>
          %dma_wait3A_1952 = arith.constant 150 : i32
          %dma_wait3A_1953 = arith.constant 0 : i32
          %dma_wait3A_1954 = tpu.memref_slice %arg6[%dma_wait3A_1939, %dma_wait3A_1952, %dma_wait3A_1953] : memref<2x800x32xf32, #tpu.memory_space<vmem>> -> memref<1x50x32xf32, #tpu.memory_space<vmem>>
          %dma_wait3A_1955 = tpu.memref_squeeze %dma_wait3A_1954 : memref<1x50x32xf32, #tpu.memory_space<vmem>> -> memref<50x32xf32, #tpu.memory_space<vmem>>
          tpu.wait_dma2 semaphore(%arg10 : memref<!tpu.dma_semaphore, #tpu.memory_space<semaphore_mem>>) src(%dma_wait3A_1955 : memref<50x32xf32, #tpu.memory_space<vmem>>) dst(%dma_wait3A_1951 : memref<50x32xf32, #tpu.memory_space<hbm>>)
          %mul3A_1956 = arith.constant 16 : i32
          %mul3A_1957 = arith.muli %sub3A_1867, %mul3A_1956 : i32
          %add3A_1958 = arith.addi %mul3A_2, %mul3A_1957 : i32
          %add3A_1959 = arith.constant 4 : i32
          %add3A_1960 = arith.addi %add3A_1958, %add3A_1959 : i32
          %dma_wait3A_1961 = arith.constant 1 : i32
          %dma_wait3A_1962 = arith.constant 200 : i32
          %dma_wait3A_1963 = arith.constant 0 : i32
          %dma_wait3A_1964 = tpu.memref_slice %arg6[%dma_wait3A_1961, %dma_wait3A_1962, %dma_wait3A_1963] : memref<2x800x32xf32, #tpu.memory_space<vmem>> -> memref<1x50x32xf32, #tpu.memory_space<vmem>>
          %dma_wait3A_1965 = tpu.memref_squeeze %dma_wait3A_1964 : memref<1x50x32xf32, #tpu.memory_space<vmem>> -> memref<50x32xf32, #tpu.memory_space<vmem>>
          %dma_wait3A_1966 = arith.constant 0 : i32
          %dma_wait3A_1967 = arith.constant 0 : i32
          %dma_wait3A_1968 = tpu.memref_slice %arg4[%add3A_1960, %dma_wait3A_1966, %dma_wait3A_1967] : memref<16384x50x32xf32, #tpu.memory_space<hbm>> -> memref<1x50x32xf32, #tpu.memory_space<hbm>>
          %dma_wait3A_1969 = tpu.memref_squeeze %dma_wait3A_1968 : memref<1x50x32xf32, #tpu.memory_space<hbm>> -> memref<50x32xf32, #tpu.memory_space<hbm>>
          %dma_wait3A_1970 = arith.constant 0 : i32
          %dma_wait3A_1971 = arith.constant 0 : i32
          %dma_wait3A_1972 = tpu.memref_slice %arg4[%add3A_1960, %dma_wait3A_1970, %dma_wait3A_1971] : memref<16384x50x32xf32, #tpu.memory_space<hbm>> -> memref<1x50x32xf32, #tpu.memory_space<hbm>>
          %dma_wait3A_1973 = tpu.memref_squeeze %dma_wait3A_1972 : memref<1x50x32xf32, #tpu.memory_space<hbm>> -> memref<50x32xf32, #tpu.memory_space<hbm>>
          %dma_wait3A_1974 = arith.constant 200 : i32
          %dma_wait3A_1975 = arith.constant 0 : i32
          %dma_wait3A_1976 = tpu.memref_slice %arg6[%dma_wait3A_1961, %dma_wait3A_1974, %dma_wait3A_1975] : memref<2x800x32xf32, #tpu.memory_space<vmem>> -> memref<1x50x32xf32, #tpu.memory_space<vmem>>
          %dma_wait3A_1977 = tpu.memref_squeeze %dma_wait3A_1976 : memref<1x50x32xf32, #tpu.memory_space<vmem>> -> memref<50x32xf32, #tpu.memory_space<vmem>>
          tpu.wait_dma2 semaphore(%arg10 : memref<!tpu.dma_semaphore, #tpu.memory_space<semaphore_mem>>) src(%dma_wait3A_1977 : memref<50x32xf32, #tpu.memory_space<vmem>>) dst(%dma_wait3A_1973 : memref<50x32xf32, #tpu.memory_space<hbm>>)
          %mul3A_1978 = arith.constant 16 : i32
          %mul3A_1979 = arith.muli %sub3A_1867, %mul3A_1978 : i32
          %add3A_1980 = arith.addi %mul3A_2, %mul3A_1979 : i32
          %add3A_1981 = arith.constant 5 : i32
          %add3A_1982 = arith.addi %add3A_1980, %add3A_1981 : i32
          %dma_wait3A_1983 = arith.constant 1 : i32
          %dma_wait3A_1984 = arith.constant 250 : i32
          %dma_wait3A_1985 = arith.constant 0 : i32
          %dma_wait3A_1986 = tpu.memref_slice %arg6[%dma_wait3A_1983, %dma_wait3A_1984, %dma_wait3A_1985] : memref<2x800x32xf32, #tpu.memory_space<vmem>> -> memref<1x50x32xf32, #tpu.memory_space<vmem>>
          %dma_wait3A_1987 = tpu.memref_squeeze %dma_wait3A_1986 : memref<1x50x32xf32, #tpu.memory_space<vmem>> -> memref<50x32xf32, #tpu.memory_space<vmem>>
          %dma_wait3A_1988 = arith.constant 0 : i32
          %dma_wait3A_1989 = arith.constant 0 : i32
          %dma_wait3A_1990 = tpu.memref_slice %arg4[%add3A_1982, %dma_wait3A_1988, %dma_wait3A_1989] : memref<16384x50x32xf32, #tpu.memory_space<hbm>> -> memref<1x50x32xf32, #tpu.memory_space<hbm>>
          %dma_wait3A_1991 = tpu.memref_squeeze %dma_wait3A_1990 : memref<1x50x32xf32, #tpu.memory_space<hbm>> -> memref<50x32xf32, #tpu.memory_space<hbm>>
          %dma_wait3A_1992 = arith.constant 0 : i32
          %dma_wait3A_1993 = arith.constant 0 : i32
          %dma_wait3A_1994 = tpu.memref_slice %arg4[%add3A_1982, %dma_wait3A_1992, %dma_wait3A_1993] : memref<16384x50x32xf32, #tpu.memory_space<hbm>> -> memref<1x50x32xf32, #tpu.memory_space<hbm>>
          %dma_wait3A_1995 = tpu.memref_squeeze %dma_wait3A_1994 : memref<1x50x32xf32, #tpu.memory_space<hbm>> -> memref<50x32xf32, #tpu.memory_space<hbm>>
          %dma_wait3A_1996 = arith.constant 250 : i32
          %dma_wait3A_1997 = arith.constant 0 : i32
          %dma_wait3A_1998 = tpu.memref_slice %arg6[%dma_wait3A_1983, %dma_wait3A_1996, %dma_wait3A_1997] : memref<2x800x32xf32, #tpu.memory_space<vmem>> -> memref<1x50x32xf32, #tpu.memory_space<vmem>>
          %dma_wait3A_1999 = tpu.memref_squeeze %dma_wait3A_1998 : memref<1x50x32xf32, #tpu.memory_space<vmem>> -> memref<50x32xf32, #tpu.memory_space<vmem>>
          tpu.wait_dma2 semaphore(%arg10 : memref<!tpu.dma_semaphore, #tpu.memory_space<semaphore_mem>>) src(%dma_wait3A_1999 : memref<50x32xf32, #tpu.memory_space<vmem>>) dst(%dma_wait3A_1995 : memref<50x32xf32, #tpu.memory_space<hbm>>)
          %mul3A_2000 = arith.constant 16 : i32
          %mul3A_2001 = arith.muli %sub3A_1867, %mul3A_2000 : i32
          %add3A_2002 = arith.addi %mul3A_2, %mul3A_2001 : i32
          %add3A_2003 = arith.constant 6 : i32
          %add3A_2004 = arith.addi %add3A_2002, %add3A_2003 : i32
          %dma_wait3A_2005 = arith.constant 1 : i32
          %dma_wait3A_2006 = arith.constant 300 : i32
          %dma_wait3A_2007 = arith.constant 0 : i32
          %dma_wait3A_2008 = tpu.memref_slice %arg6[%dma_wait3A_2005, %dma_wait3A_2006, %dma_wait3A_2007] : memref<2x800x32xf32, #tpu.memory_space<vmem>> -> memref<1x50x32xf32, #tpu.memory_space<vmem>>
          %dma_wait3A_2009 = tpu.memref_squeeze %dma_wait3A_2008 : memref<1x50x32xf32, #tpu.memory_space<vmem>> -> memref<50x32xf32, #tpu.memory_space<vmem>>
          %dma_wait3A_2010 = arith.constant 0 : i32
          %dma_wait3A_2011 = arith.constant 0 : i32
          %dma_wait3A_2012 = tpu.memref_slice %arg4[%add3A_2004, %dma_wait3A_2010, %dma_wait3A_2011] : memref<16384x50x32xf32, #tpu.memory_space<hbm>> -> memref<1x50x32xf32, #tpu.memory_space<hbm>>
          %dma_wait3A_2013 = tpu.memref_squeeze %dma_wait3A_2012 : memref<1x50x32xf32, #tpu.memory_space<hbm>> -> memref<50x32xf32, #tpu.memory_space<hbm>>
          %dma_wait3A_2014 = arith.constant 0 : i32
          %dma_wait3A_2015 = arith.constant 0 : i32
          %dma_wait3A_2016 = tpu.memref_slice %arg4[%add3A_2004, %dma_wait3A_2014, %dma_wait3A_2015] : memref<16384x50x32xf32, #tpu.memory_space<hbm>> -> memref<1x50x32xf32, #tpu.memory_space<hbm>>
          %dma_wait3A_2017 = tpu.memref_squeeze %dma_wait3A_2016 : memref<1x50x32xf32, #tpu.memory_space<hbm>> -> memref<50x32xf32, #tpu.memory_space<hbm>>
          %dma_wait3A_2018 = arith.constant 300 : i32
          %dma_wait3A_2019 = arith.constant 0 : i32
          %dma_wait3A_2020 = tpu.memref_slice %arg6[%dma_wait3A_2005, %dma_wait3A_2018, %dma_wait3A_2019] : memref<2x800x32xf32, #tpu.memory_space<vmem>> -> memref<1x50x32xf32, #tpu.memory_space<vmem>>
          %dma_wait3A_2021 = tpu.memref_squeeze %dma_wait3A_2020 : memref<1x50x32xf32, #tpu.memory_space<vmem>> -> memref<50x32xf32, #tpu.memory_space<vmem>>
          tpu.wait_dma2 semaphore(%arg10 : memref<!tpu.dma_semaphore, #tpu.memory_space<semaphore_mem>>) src(%dma_wait3A_2021 : memref<50x32xf32, #tpu.memory_space<vmem>>) dst(%dma_wait3A_2017 : memref<50x32xf32, #tpu.memory_space<hbm>>)
          %mul3A_2022 = arith.constant 16 : i32
          %mul3A_2023 = arith.muli %sub3A_1867, %mul3A_2022 : i32
          %add3A_2024 = arith.addi %mul3A_2, %mul3A_2023 : i32
          %add3A_2025 = arith.constant 7 : i32
          %add3A_2026 = arith.addi %add3A_2024, %add3A_2025 : i32
          %dma_wait3A_2027 = arith.constant 1 : i32
          %dma_wait3A_2028 = arith.constant 350 : i32
          %dma_wait3A_2029 = arith.constant 0 : i32
          %dma_wait3A_2030 = tpu.memref_slice %arg6[%dma_wait3A_2027, %dma_wait3A_2028, %dma_wait3A_2029] : memref<2x800x32xf32, #tpu.memory_space<vmem>> -> memref<1x50x32xf32, #tpu.memory_space<vmem>>
          %dma_wait3A_2031 = tpu.memref_squeeze %dma_wait3A_2030 : memref<1x50x32xf32, #tpu.memory_space<vmem>> -> memref<50x32xf32, #tpu.memory_space<vmem>>
          %dma_wait3A_2032 = arith.constant 0 : i32
          %dma_wait3A_2033 = arith.constant 0 : i32
          %dma_wait3A_2034 = tpu.memref_slice %arg4[%add3A_2026, %dma_wait3A_2032, %dma_wait3A_2033] : memref<16384x50x32xf32, #tpu.memory_space<hbm>> -> memref<1x50x32xf32, #tpu.memory_space<hbm>>
          %dma_wait3A_2035 = tpu.memref_squeeze %dma_wait3A_2034 : memref<1x50x32xf32, #tpu.memory_space<hbm>> -> memref<50x32xf32, #tpu.memory_space<hbm>>
          %dma_wait3A_2036 = arith.constant 0 : i32
          %dma_wait3A_2037 = arith.constant 0 : i32
          %dma_wait3A_2038 = tpu.memref_slice %arg4[%add3A_2026, %dma_wait3A_2036, %dma_wait3A_2037] : memref<16384x50x32xf32, #tpu.memory_space<hbm>> -> memref<1x50x32xf32, #tpu.memory_space<hbm>>
          %dma_wait3A_2039 = tpu.memref_squeeze %dma_wait3A_2038 : memref<1x50x32xf32, #tpu.memory_space<hbm>> -> memref<50x32xf32, #tpu.memory_space<hbm>>
          %dma_wait3A_2040 = arith.constant 350 : i32
          %dma_wait3A_2041 = arith.constant 0 : i32
          %dma_wait3A_2042 = tpu.memref_slice %arg6[%dma_wait3A_2027, %dma_wait3A_2040, %dma_wait3A_2041] : memref<2x800x32xf32, #tpu.memory_space<vmem>> -> memref<1x50x32xf32, #tpu.memory_space<vmem>>
          %dma_wait3A_2043 = tpu.memref_squeeze %dma_wait3A_2042 : memref<1x50x32xf32, #tpu.memory_space<vmem>> -> memref<50x32xf32, #tpu.memory_space<vmem>>
          tpu.wait_dma2 semaphore(%arg10 : memref<!tpu.dma_semaphore, #tpu.memory_space<semaphore_mem>>) src(%dma_wait3A_2043 : memref<50x32xf32, #tpu.memory_space<vmem>>) dst(%dma_wait3A_2039 : memref<50x32xf32, #tpu.memory_space<hbm>>)
          %mul3A_2044 = arith.constant 16 : i32
          %mul3A_2045 = arith.muli %sub3A_1867, %mul3A_2044 : i32
          %add3A_2046 = arith.addi %mul3A_2, %mul3A_2045 : i32
          %add3A_2047 = arith.constant 8 : i32
          %add3A_2048 = arith.addi %add3A_2046, %add3A_2047 : i32
          %dma_wait3A_2049 = arith.constant 1 : i32
          %dma_wait3A_2050 = arith.constant 400 : i32
          %dma_wait3A_2051 = arith.constant 0 : i32
          %dma_wait3A_2052 = tpu.memref_slice %arg6[%dma_wait3A_2049, %dma_wait3A_2050, %dma_wait3A_2051] : memref<2x800x32xf32, #tpu.memory_space<vmem>> -> memref<1x50x32xf32, #tpu.memory_space<vmem>>
          %dma_wait3A_2053 = tpu.memref_squeeze %dma_wait3A_2052 : memref<1x50x32xf32, #tpu.memory_space<vmem>> -> memref<50x32xf32, #tpu.memory_space<vmem>>
          %dma_wait3A_2054 = arith.constant 0 : i32
          %dma_wait3A_2055 = arith.constant 0 : i32
          %dma_wait3A_2056 = tpu.memref_slice %arg4[%add3A_2048, %dma_wait3A_2054, %dma_wait3A_2055] : memref<16384x50x32xf32, #tpu.memory_space<hbm>> -> memref<1x50x32xf32, #tpu.memory_space<hbm>>
          %dma_wait3A_2057 = tpu.memref_squeeze %dma_wait3A_2056 : memref<1x50x32xf32, #tpu.memory_space<hbm>> -> memref<50x32xf32, #tpu.memory_space<hbm>>
          %dma_wait3A_2058 = arith.constant 0 : i32
          %dma_wait3A_2059 = arith.constant 0 : i32
          %dma_wait3A_2060 = tpu.memref_slice %arg4[%add3A_2048, %dma_wait3A_2058, %dma_wait3A_2059] : memref<16384x50x32xf32, #tpu.memory_space<hbm>> -> memref<1x50x32xf32, #tpu.memory_space<hbm>>
          %dma_wait3A_2061 = tpu.memref_squeeze %dma_wait3A_2060 : memref<1x50x32xf32, #tpu.memory_space<hbm>> -> memref<50x32xf32, #tpu.memory_space<hbm>>
          %dma_wait3A_2062 = arith.constant 400 : i32
          %dma_wait3A_2063 = arith.constant 0 : i32
          %dma_wait3A_2064 = tpu.memref_slice %arg6[%dma_wait3A_2049, %dma_wait3A_2062, %dma_wait3A_2063] : memref<2x800x32xf32, #tpu.memory_space<vmem>> -> memref<1x50x32xf32, #tpu.memory_space<vmem>>
          %dma_wait3A_2065 = tpu.memref_squeeze %dma_wait3A_2064 : memref<1x50x32xf32, #tpu.memory_space<vmem>> -> memref<50x32xf32, #tpu.memory_space<vmem>>
          tpu.wait_dma2 semaphore(%arg10 : memref<!tpu.dma_semaphore, #tpu.memory_space<semaphore_mem>>) src(%dma_wait3A_2065 : memref<50x32xf32, #tpu.memory_space<vmem>>) dst(%dma_wait3A_2061 : memref<50x32xf32, #tpu.memory_space<hbm>>)
          %mul3A_2066 = arith.constant 16 : i32
          %mul3A_2067 = arith.muli %sub3A_1867, %mul3A_2066 : i32
          %add3A_2068 = arith.addi %mul3A_2, %mul3A_2067 : i32
          %add3A_2069 = arith.constant 9 : i32
          %add3A_2070 = arith.addi %add3A_2068, %add3A_2069 : i32
          %dma_wait3A_2071 = arith.constant 1 : i32
          %dma_wait3A_2072 = arith.constant 450 : i32
          %dma_wait3A_2073 = arith.constant 0 : i32
          %dma_wait3A_2074 = tpu.memref_slice %arg6[%dma_wait3A_2071, %dma_wait3A_2072, %dma_wait3A_2073] : memref<2x800x32xf32, #tpu.memory_space<vmem>> -> memref<1x50x32xf32, #tpu.memory_space<vmem>>
          %dma_wait3A_2075 = tpu.memref_squeeze %dma_wait3A_2074 : memref<1x50x32xf32, #tpu.memory_space<vmem>> -> memref<50x32xf32, #tpu.memory_space<vmem>>
          %dma_wait3A_2076 = arith.constant 0 : i32
          %dma_wait3A_2077 = arith.constant 0 : i32
          %dma_wait3A_2078 = tpu.memref_slice %arg4[%add3A_2070, %dma_wait3A_2076, %dma_wait3A_2077] : memref<16384x50x32xf32, #tpu.memory_space<hbm>> -> memref<1x50x32xf32, #tpu.memory_space<hbm>>
          %dma_wait3A_2079 = tpu.memref_squeeze %dma_wait3A_2078 : memref<1x50x32xf32, #tpu.memory_space<hbm>> -> memref<50x32xf32, #tpu.memory_space<hbm>>
          %dma_wait3A_2080 = arith.constant 0 : i32
          %dma_wait3A_2081 = arith.constant 0 : i32
          %dma_wait3A_2082 = tpu.memref_slice %arg4[%add3A_2070, %dma_wait3A_2080, %dma_wait3A_2081] : memref<16384x50x32xf32, #tpu.memory_space<hbm>> -> memref<1x50x32xf32, #tpu.memory_space<hbm>>
          %dma_wait3A_2083 = tpu.memref_squeeze %dma_wait3A_2082 : memref<1x50x32xf32, #tpu.memory_space<hbm>> -> memref<50x32xf32, #tpu.memory_space<hbm>>
          %dma_wait3A_2084 = arith.constant 450 : i32
          %dma_wait3A_2085 = arith.constant 0 : i32
          %dma_wait3A_2086 = tpu.memref_slice %arg6[%dma_wait3A_2071, %dma_wait3A_2084, %dma_wait3A_2085] : memref<2x800x32xf32, #tpu.memory_space<vmem>> -> memref<1x50x32xf32, #tpu.memory_space<vmem>>
          %dma_wait3A_2087 = tpu.memref_squeeze %dma_wait3A_2086 : memref<1x50x32xf32, #tpu.memory_space<vmem>> -> memref<50x32xf32, #tpu.memory_space<vmem>>
          tpu.wait_dma2 semaphore(%arg10 : memref<!tpu.dma_semaphore, #tpu.memory_space<semaphore_mem>>) src(%dma_wait3A_2087 : memref<50x32xf32, #tpu.memory_space<vmem>>) dst(%dma_wait3A_2083 : memref<50x32xf32, #tpu.memory_space<hbm>>)
          %mul3A_2088 = arith.constant 16 : i32
          %mul3A_2089 = arith.muli %sub3A_1867, %mul3A_2088 : i32
          %add3A_2090 = arith.addi %mul3A_2, %mul3A_2089 : i32
          %add3A_2091 = arith.constant 10 : i32
          %add3A_2092 = arith.addi %add3A_2090, %add3A_2091 : i32
          %dma_wait3A_2093 = arith.constant 1 : i32
          %dma_wait3A_2094 = arith.constant 500 : i32
          %dma_wait3A_2095 = arith.constant 0 : i32
          %dma_wait3A_2096 = tpu.memref_slice %arg6[%dma_wait3A_2093, %dma_wait3A_2094, %dma_wait3A_2095] : memref<2x800x32xf32, #tpu.memory_space<vmem>> -> memref<1x50x32xf32, #tpu.memory_space<vmem>>
          %dma_wait3A_2097 = tpu.memref_squeeze %dma_wait3A_2096 : memref<1x50x32xf32, #tpu.memory_space<vmem>> -> memref<50x32xf32, #tpu.memory_space<vmem>>
          %dma_wait3A_2098 = arith.constant 0 : i32
          %dma_wait3A_2099 = arith.constant 0 : i32
          %dma_wait3A_2100 = tpu.memref_slice %arg4[%add3A_2092, %dma_wait3A_2098, %dma_wait3A_2099] : memref<16384x50x32xf32, #tpu.memory_space<hbm>> -> memref<1x50x32xf32, #tpu.memory_space<hbm>>
          %dma_wait3A_2101 = tpu.memref_squeeze %dma_wait3A_2100 : memref<1x50x32xf32, #tpu.memory_space<hbm>> -> memref<50x32xf32, #tpu.memory_space<hbm>>
          %dma_wait3A_2102 = arith.constant 0 : i32
          %dma_wait3A_2103 = arith.constant 0 : i32
          %dma_wait3A_2104 = tpu.memref_slice %arg4[%add3A_2092, %dma_wait3A_2102, %dma_wait3A_2103] : memref<16384x50x32xf32, #tpu.memory_space<hbm>> -> memref<1x50x32xf32, #tpu.memory_space<hbm>>
          %dma_wait3A_2105 = tpu.memref_squeeze %dma_wait3A_2104 : memref<1x50x32xf32, #tpu.memory_space<hbm>> -> memref<50x32xf32, #tpu.memory_space<hbm>>
          %dma_wait3A_2106 = arith.constant 500 : i32
          %dma_wait3A_2107 = arith.constant 0 : i32
          %dma_wait3A_2108 = tpu.memref_slice %arg6[%dma_wait3A_2093, %dma_wait3A_2106, %dma_wait3A_2107] : memref<2x800x32xf32, #tpu.memory_space<vmem>> -> memref<1x50x32xf32, #tpu.memory_space<vmem>>
          %dma_wait3A_2109 = tpu.memref_squeeze %dma_wait3A_2108 : memref<1x50x32xf32, #tpu.memory_space<vmem>> -> memref<50x32xf32, #tpu.memory_space<vmem>>
          tpu.wait_dma2 semaphore(%arg10 : memref<!tpu.dma_semaphore, #tpu.memory_space<semaphore_mem>>) src(%dma_wait3A_2109 : memref<50x32xf32, #tpu.memory_space<vmem>>) dst(%dma_wait3A_2105 : memref<50x32xf32, #tpu.memory_space<hbm>>)
          %mul3A_2110 = arith.constant 16 : i32
          %mul3A_2111 = arith.muli %sub3A_1867, %mul3A_2110 : i32
          %add3A_2112 = arith.addi %mul3A_2, %mul3A_2111 : i32
          %add3A_2113 = arith.constant 11 : i32
          %add3A_2114 = arith.addi %add3A_2112, %add3A_2113 : i32
          %dma_wait3A_2115 = arith.constant 1 : i32
          %dma_wait3A_2116 = arith.constant 550 : i32
          %dma_wait3A_2117 = arith.constant 0 : i32
          %dma_wait3A_2118 = tpu.memref_slice %arg6[%dma_wait3A_2115, %dma_wait3A_2116, %dma_wait3A_2117] : memref<2x800x32xf32, #tpu.memory_space<vmem>> -> memref<1x50x32xf32, #tpu.memory_space<vmem>>
          %dma_wait3A_2119 = tpu.memref_squeeze %dma_wait3A_2118 : memref<1x50x32xf32, #tpu.memory_space<vmem>> -> memref<50x32xf32, #tpu.memory_space<vmem>>
          %dma_wait3A_2120 = arith.constant 0 : i32
          %dma_wait3A_2121 = arith.constant 0 : i32
          %dma_wait3A_2122 = tpu.memref_slice %arg4[%add3A_2114, %dma_wait3A_2120, %dma_wait3A_2121] : memref<16384x50x32xf32, #tpu.memory_space<hbm>> -> memref<1x50x32xf32, #tpu.memory_space<hbm>>
          %dma_wait3A_2123 = tpu.memref_squeeze %dma_wait3A_2122 : memref<1x50x32xf32, #tpu.memory_space<hbm>> -> memref<50x32xf32, #tpu.memory_space<hbm>>
          %dma_wait3A_2124 = arith.constant 0 : i32
          %dma_wait3A_2125 = arith.constant 0 : i32
          %dma_wait3A_2126 = tpu.memref_slice %arg4[%add3A_2114, %dma_wait3A_2124, %dma_wait3A_2125] : memref<16384x50x32xf32, #tpu.memory_space<hbm>> -> memref<1x50x32xf32, #tpu.memory_space<hbm>>
          %dma_wait3A_2127 = tpu.memref_squeeze %dma_wait3A_2126 : memref<1x50x32xf32, #tpu.memory_space<hbm>> -> memref<50x32xf32, #tpu.memory_space<hbm>>
          %dma_wait3A_2128 = arith.constant 550 : i32
          %dma_wait3A_2129 = arith.constant 0 : i32
          %dma_wait3A_2130 = tpu.memref_slice %arg6[%dma_wait3A_2115, %dma_wait3A_2128, %dma_wait3A_2129] : memref<2x800x32xf32, #tpu.memory_space<vmem>> -> memref<1x50x32xf32, #tpu.memory_space<vmem>>
          %dma_wait3A_2131 = tpu.memref_squeeze %dma_wait3A_2130 : memref<1x50x32xf32, #tpu.memory_space<vmem>> -> memref<50x32xf32, #tpu.memory_space<vmem>>
          tpu.wait_dma2 semaphore(%arg10 : memref<!tpu.dma_semaphore, #tpu.memory_space<semaphore_mem>>) src(%dma_wait3A_2131 : memref<50x32xf32, #tpu.memory_space<vmem>>) dst(%dma_wait3A_2127 : memref<50x32xf32, #tpu.memory_space<hbm>>)
          %mul3A_2132 = arith.constant 16 : i32
          %mul3A_2133 = arith.muli %sub3A_1867, %mul3A_2132 : i32
          %add3A_2134 = arith.addi %mul3A_2, %mul3A_2133 : i32
          %add3A_2135 = arith.constant 12 : i32
          %add3A_2136 = arith.addi %add3A_2134, %add3A_2135 : i32
          %dma_wait3A_2137 = arith.constant 1 : i32
          %dma_wait3A_2138 = arith.constant 600 : i32
          %dma_wait3A_2139 = arith.constant 0 : i32
          %dma_wait3A_2140 = tpu.memref_slice %arg6[%dma_wait3A_2137, %dma_wait3A_2138, %dma_wait3A_2139] : memref<2x800x32xf32, #tpu.memory_space<vmem>> -> memref<1x50x32xf32, #tpu.memory_space<vmem>>
          %dma_wait3A_2141 = tpu.memref_squeeze %dma_wait3A_2140 : memref<1x50x32xf32, #tpu.memory_space<vmem>> -> memref<50x32xf32, #tpu.memory_space<vmem>>
          %dma_wait3A_2142 = arith.constant 0 : i32
          %dma_wait3A_2143 = arith.constant 0 : i32
          %dma_wait3A_2144 = tpu.memref_slice %arg4[%add3A_2136, %dma_wait3A_2142, %dma_wait3A_2143] : memref<16384x50x32xf32, #tpu.memory_space<hbm>> -> memref<1x50x32xf32, #tpu.memory_space<hbm>>
          %dma_wait3A_2145 = tpu.memref_squeeze %dma_wait3A_2144 : memref<1x50x32xf32, #tpu.memory_space<hbm>> -> memref<50x32xf32, #tpu.memory_space<hbm>>
          %dma_wait3A_2146 = arith.constant 0 : i32
          %dma_wait3A_2147 = arith.constant 0 : i32
          %dma_wait3A_2148 = tpu.memref_slice %arg4[%add3A_2136, %dma_wait3A_2146, %dma_wait3A_2147] : memref<16384x50x32xf32, #tpu.memory_space<hbm>> -> memref<1x50x32xf32, #tpu.memory_space<hbm>>
          %dma_wait3A_2149 = tpu.memref_squeeze %dma_wait3A_2148 : memref<1x50x32xf32, #tpu.memory_space<hbm>> -> memref<50x32xf32, #tpu.memory_space<hbm>>
          %dma_wait3A_2150 = arith.constant 600 : i32
          %dma_wait3A_2151 = arith.constant 0 : i32
          %dma_wait3A_2152 = tpu.memref_slice %arg6[%dma_wait3A_2137, %dma_wait3A_2150, %dma_wait3A_2151] : memref<2x800x32xf32, #tpu.memory_space<vmem>> -> memref<1x50x32xf32, #tpu.memory_space<vmem>>
          %dma_wait3A_2153 = tpu.memref_squeeze %dma_wait3A_2152 : memref<1x50x32xf32, #tpu.memory_space<vmem>> -> memref<50x32xf32, #tpu.memory_space<vmem>>
          tpu.wait_dma2 semaphore(%arg10 : memref<!tpu.dma_semaphore, #tpu.memory_space<semaphore_mem>>) src(%dma_wait3A_2153 : memref<50x32xf32, #tpu.memory_space<vmem>>) dst(%dma_wait3A_2149 : memref<50x32xf32, #tpu.memory_space<hbm>>)
          %mul3A_2154 = arith.constant 16 : i32
          %mul3A_2155 = arith.muli %sub3A_1867, %mul3A_2154 : i32
          %add3A_2156 = arith.addi %mul3A_2, %mul3A_2155 : i32
          %add3A_2157 = arith.constant 13 : i32
          %add3A_2158 = arith.addi %add3A_2156, %add3A_2157 : i32
          %dma_wait3A_2159 = arith.constant 1 : i32
          %dma_wait3A_2160 = arith.constant 650 : i32
          %dma_wait3A_2161 = arith.constant 0 : i32
          %dma_wait3A_2162 = tpu.memref_slice %arg6[%dma_wait3A_2159, %dma_wait3A_2160, %dma_wait3A_2161] : memref<2x800x32xf32, #tpu.memory_space<vmem>> -> memref<1x50x32xf32, #tpu.memory_space<vmem>>
          %dma_wait3A_2163 = tpu.memref_squeeze %dma_wait3A_2162 : memref<1x50x32xf32, #tpu.memory_space<vmem>> -> memref<50x32xf32, #tpu.memory_space<vmem>>
          %dma_wait3A_2164 = arith.constant 0 : i32
          %dma_wait3A_2165 = arith.constant 0 : i32
          %dma_wait3A_2166 = tpu.memref_slice %arg4[%add3A_2158, %dma_wait3A_2164, %dma_wait3A_2165] : memref<16384x50x32xf32, #tpu.memory_space<hbm>> -> memref<1x50x32xf32, #tpu.memory_space<hbm>>
          %dma_wait3A_2167 = tpu.memref_squeeze %dma_wait3A_2166 : memref<1x50x32xf32, #tpu.memory_space<hbm>> -> memref<50x32xf32, #tpu.memory_space<hbm>>
          %dma_wait3A_2168 = arith.constant 0 : i32
          %dma_wait3A_2169 = arith.constant 0 : i32
          %dma_wait3A_2170 = tpu.memref_slice %arg4[%add3A_2158, %dma_wait3A_2168, %dma_wait3A_2169] : memref<16384x50x32xf32, #tpu.memory_space<hbm>> -> memref<1x50x32xf32, #tpu.memory_space<hbm>>
          %dma_wait3A_2171 = tpu.memref_squeeze %dma_wait3A_2170 : memref<1x50x32xf32, #tpu.memory_space<hbm>> -> memref<50x32xf32, #tpu.memory_space<hbm>>
          %dma_wait3A_2172 = arith.constant 650 : i32
          %dma_wait3A_2173 = arith.constant 0 : i32
          %dma_wait3A_2174 = tpu.memref_slice %arg6[%dma_wait3A_2159, %dma_wait3A_2172, %dma_wait3A_2173] : memref<2x800x32xf32, #tpu.memory_space<vmem>> -> memref<1x50x32xf32, #tpu.memory_space<vmem>>
          %dma_wait3A_2175 = tpu.memref_squeeze %dma_wait3A_2174 : memref<1x50x32xf32, #tpu.memory_space<vmem>> -> memref<50x32xf32, #tpu.memory_space<vmem>>
          tpu.wait_dma2 semaphore(%arg10 : memref<!tpu.dma_semaphore, #tpu.memory_space<semaphore_mem>>) src(%dma_wait3A_2175 : memref<50x32xf32, #tpu.memory_space<vmem>>) dst(%dma_wait3A_2171 : memref<50x32xf32, #tpu.memory_space<hbm>>)
          %mul3A_2176 = arith.constant 16 : i32
          %mul3A_2177 = arith.muli %sub3A_1867, %mul3A_2176 : i32
          %add3A_2178 = arith.addi %mul3A_2, %mul3A_2177 : i32
          %add3A_2179 = arith.constant 14 : i32
          %add3A_2180 = arith.addi %add3A_2178, %add3A_2179 : i32
          %dma_wait3A_2181 = arith.constant 1 : i32
          %dma_wait3A_2182 = arith.constant 700 : i32
          %dma_wait3A_2183 = arith.constant 0 : i32
          %dma_wait3A_2184 = tpu.memref_slice %arg6[%dma_wait3A_2181, %dma_wait3A_2182, %dma_wait3A_2183] : memref<2x800x32xf32, #tpu.memory_space<vmem>> -> memref<1x50x32xf32, #tpu.memory_space<vmem>>
          %dma_wait3A_2185 = tpu.memref_squeeze %dma_wait3A_2184 : memref<1x50x32xf32, #tpu.memory_space<vmem>> -> memref<50x32xf32, #tpu.memory_space<vmem>>
          %dma_wait3A_2186 = arith.constant 0 : i32
          %dma_wait3A_2187 = arith.constant 0 : i32
          %dma_wait3A_2188 = tpu.memref_slice %arg4[%add3A_2180, %dma_wait3A_2186, %dma_wait3A_2187] : memref<16384x50x32xf32, #tpu.memory_space<hbm>> -> memref<1x50x32xf32, #tpu.memory_space<hbm>>
          %dma_wait3A_2189 = tpu.memref_squeeze %dma_wait3A_2188 : memref<1x50x32xf32, #tpu.memory_space<hbm>> -> memref<50x32xf32, #tpu.memory_space<hbm>>
          %dma_wait3A_2190 = arith.constant 0 : i32
          %dma_wait3A_2191 = arith.constant 0 : i32
          %dma_wait3A_2192 = tpu.memref_slice %arg4[%add3A_2180, %dma_wait3A_2190, %dma_wait3A_2191] : memref<16384x50x32xf32, #tpu.memory_space<hbm>> -> memref<1x50x32xf32, #tpu.memory_space<hbm>>
          %dma_wait3A_2193 = tpu.memref_squeeze %dma_wait3A_2192 : memref<1x50x32xf32, #tpu.memory_space<hbm>> -> memref<50x32xf32, #tpu.memory_space<hbm>>
          %dma_wait3A_2194 = arith.constant 700 : i32
          %dma_wait3A_2195 = arith.constant 0 : i32
          %dma_wait3A_2196 = tpu.memref_slice %arg6[%dma_wait3A_2181, %dma_wait3A_2194, %dma_wait3A_2195] : memref<2x800x32xf32, #tpu.memory_space<vmem>> -> memref<1x50x32xf32, #tpu.memory_space<vmem>>
          %dma_wait3A_2197 = tpu.memref_squeeze %dma_wait3A_2196 : memref<1x50x32xf32, #tpu.memory_space<vmem>> -> memref<50x32xf32, #tpu.memory_space<vmem>>
          tpu.wait_dma2 semaphore(%arg10 : memref<!tpu.dma_semaphore, #tpu.memory_space<semaphore_mem>>) src(%dma_wait3A_2197 : memref<50x32xf32, #tpu.memory_space<vmem>>) dst(%dma_wait3A_2193 : memref<50x32xf32, #tpu.memory_space<hbm>>)
          %mul3A_2198 = arith.constant 16 : i32
          %mul3A_2199 = arith.muli %sub3A_1867, %mul3A_2198 : i32
          %add3A_2200 = arith.addi %mul3A_2, %mul3A_2199 : i32
          %add3A_2201 = arith.constant 15 : i32
          %add3A_2202 = arith.addi %add3A_2200, %add3A_2201 : i32
          %dma_wait3A_2203 = arith.constant 1 : i32
          %dma_wait3A_2204 = arith.constant 750 : i32
          %dma_wait3A_2205 = arith.constant 0 : i32
          %dma_wait3A_2206 = tpu.memref_slice %arg6[%dma_wait3A_2203, %dma_wait3A_2204, %dma_wait3A_2205] : memref<2x800x32xf32, #tpu.memory_space<vmem>> -> memref<1x50x32xf32, #tpu.memory_space<vmem>>
          %dma_wait3A_2207 = tpu.memref_squeeze %dma_wait3A_2206 : memref<1x50x32xf32, #tpu.memory_space<vmem>> -> memref<50x32xf32, #tpu.memory_space<vmem>>
          %dma_wait3A_2208 = arith.constant 0 : i32
          %dma_wait3A_2209 = arith.constant 0 : i32
          %dma_wait3A_2210 = tpu.memref_slice %arg4[%add3A_2202, %dma_wait3A_2208, %dma_wait3A_2209] : memref<16384x50x32xf32, #tpu.memory_space<hbm>> -> memref<1x50x32xf32, #tpu.memory_space<hbm>>
          %dma_wait3A_2211 = tpu.memref_squeeze %dma_wait3A_2210 : memref<1x50x32xf32, #tpu.memory_space<hbm>> -> memref<50x32xf32, #tpu.memory_space<hbm>>
          %dma_wait3A_2212 = arith.constant 0 : i32
          %dma_wait3A_2213 = arith.constant 0 : i32
          %dma_wait3A_2214 = tpu.memref_slice %arg4[%add3A_2202, %dma_wait3A_2212, %dma_wait3A_2213] : memref<16384x50x32xf32, #tpu.memory_space<hbm>> -> memref<1x50x32xf32, #tpu.memory_space<hbm>>
          %dma_wait3A_2215 = tpu.memref_squeeze %dma_wait3A_2214 : memref<1x50x32xf32, #tpu.memory_space<hbm>> -> memref<50x32xf32, #tpu.memory_space<hbm>>
          %dma_wait3A_2216 = arith.constant 750 : i32
          %dma_wait3A_2217 = arith.constant 0 : i32
          %dma_wait3A_2218 = tpu.memref_slice %arg6[%dma_wait3A_2203, %dma_wait3A_2216, %dma_wait3A_2217] : memref<2x800x32xf32, #tpu.memory_space<vmem>> -> memref<1x50x32xf32, #tpu.memory_space<vmem>>
          %dma_wait3A_2219 = tpu.memref_squeeze %dma_wait3A_2218 : memref<1x50x32xf32, #tpu.memory_space<vmem>> -> memref<50x32xf32, #tpu.memory_space<vmem>>
          tpu.wait_dma2 semaphore(%arg10 : memref<!tpu.dma_semaphore, #tpu.memory_space<semaphore_mem>>) src(%dma_wait3A_2219 : memref<50x32xf32, #tpu.memory_space<vmem>>) dst(%dma_wait3A_2215 : memref<50x32xf32, #tpu.memory_space<hbm>>)
        } else {
        }
        %add3A_1745 = arith.constant 1 : i32
        %add3A_1746 = arith.addi %add3A_780, %add3A_1745 : i32
        %mul3A_1747 = arith.constant 8 : i32
        %mul3A_1748 = arith.muli %add3A_1746, %mul3A_1747 : i32
        %add3A_1749 = arith.constant 0 : i32
        %add3A_1750 = arith.addi %mul3A_1748, %add3A_1749 : i32
        %dma_start3A_1751 = arith.constant 1 : i32
        %dma_start3A_1752 = arith.constant 0 : i32
        %dma_start3A_1753 = arith.constant 0 : i32
        %dma_start3A_1754 = tpu.memref_slice %arg6[%dma_start3A_1751, %dma_start3A_1752, %dma_start3A_1753] : memref<2x800x32xf32, #tpu.memory_space<vmem>> -> memref<1x100x32xf32, #tpu.memory_space<vmem>>
        %dma_start3A_1755 = tpu.memref_squeeze %dma_start3A_1754 : memref<1x100x32xf32, #tpu.memory_space<vmem>> -> memref<100x32xf32, #tpu.memory_space<vmem>>
        %dma_start3A_1756 = arith.constant 0 : i32
        %dma_start3A_1757 = tpu.memref_slice %arg5[%add3A_1750, %dma_start3A_1756] : memref<256x100xi32, #tpu.memory_space<vmem>> -> memref<1x100xi32, #tpu.memory_space<vmem>>
        %dma_start3A_1758 = tpu.memref_squeeze %dma_start3A_1757 : memref<1x100xi32, #tpu.memory_space<vmem>> -> memref<100xi32, #tpu.memory_space<vmem>>
        %dma_start3A_1759 = arith.constant 0 : i32
        %dma_start3A_1760 = arith.constant 0 : i32
        %dma_start3A_1761 = tpu.memref_slice %arg3[%dma_start3A_1759, %dma_start3A_1760] : memref<1000000x32xf32, #tpu.memory_space<hbm>> -> memref<1000000x32xf32, #tpu.memory_space<hbm>>
        tpu.enqueue_indirect_dma source(%dma_start3A_1761 : memref<1000000x32xf32, #tpu.memory_space<hbm>>) target(%dma_start3A_1755 : memref<100x32xf32, #tpu.memory_space<vmem>>) offsets(%dma_start3A_1758 : memref<100xi32, #tpu.memory_space<vmem>>) semaphore(%arg8 : memref<!tpu.dma_semaphore, #tpu.memory_space<semaphore_mem>>)
        %mul3A_1762 = arith.constant 8 : i32
        %mul3A_1763 = arith.muli %add3A_1746, %mul3A_1762 : i32
        %add3A_1764 = arith.constant 1 : i32
        %add3A_1765 = arith.addi %mul3A_1763, %add3A_1764 : i32
        %dma_start3A_1766 = arith.constant 1 : i32
        %dma_start3A_1767 = arith.constant 100 : i32
        %dma_start3A_1768 = arith.constant 0 : i32
        %dma_start3A_1769 = tpu.memref_slice %arg6[%dma_start3A_1766, %dma_start3A_1767, %dma_start3A_1768] : memref<2x800x32xf32, #tpu.memory_space<vmem>> -> memref<1x100x32xf32, #tpu.memory_space<vmem>>
        %dma_start3A_1770 = tpu.memref_squeeze %dma_start3A_1769 : memref<1x100x32xf32, #tpu.memory_space<vmem>> -> memref<100x32xf32, #tpu.memory_space<vmem>>
        %dma_start3A_1771 = arith.constant 0 : i32
        %dma_start3A_1772 = tpu.memref_slice %arg5[%add3A_1765, %dma_start3A_1771] : memref<256x100xi32, #tpu.memory_space<vmem>> -> memref<1x100xi32, #tpu.memory_space<vmem>>
        %dma_start3A_1773 = tpu.memref_squeeze %dma_start3A_1772 : memref<1x100xi32, #tpu.memory_space<vmem>> -> memref<100xi32, #tpu.memory_space<vmem>>
        %dma_start3A_1774 = arith.constant 0 : i32
        %dma_start3A_1775 = arith.constant 0 : i32
        %dma_start3A_1776 = tpu.memref_slice %arg3[%dma_start3A_1774, %dma_start3A_1775] : memref<1000000x32xf32, #tpu.memory_space<hbm>> -> memref<1000000x32xf32, #tpu.memory_space<hbm>>
        tpu.enqueue_indirect_dma source(%dma_start3A_1776 : memref<1000000x32xf32, #tpu.memory_space<hbm>>) target(%dma_start3A_1770 : memref<100x32xf32, #tpu.memory_space<vmem>>) offsets(%dma_start3A_1773 : memref<100xi32, #tpu.memory_space<vmem>>) semaphore(%arg8 : memref<!tpu.dma_semaphore, #tpu.memory_space<semaphore_mem>>)
        %mul3A_1777 = arith.constant 8 : i32
        %mul3A_1778 = arith.muli %add3A_1746, %mul3A_1777 : i32
        %add3A_1779 = arith.constant 2 : i32
        %add3A_1780 = arith.addi %mul3A_1778, %add3A_1779 : i32
        %dma_start3A_1781 = arith.constant 1 : i32
        %dma_start3A_1782 = arith.constant 200 : i32
        %dma_start3A_1783 = arith.constant 0 : i32
        %dma_start3A_1784 = tpu.memref_slice %arg6[%dma_start3A_1781, %dma_start3A_1782, %dma_start3A_1783] : memref<2x800x32xf32, #tpu.memory_space<vmem>> -> memref<1x100x32xf32, #tpu.memory_space<vmem>>
        %dma_start3A_1785 = tpu.memref_squeeze %dma_start3A_1784 : memref<1x100x32xf32, #tpu.memory_space<vmem>> -> memref<100x32xf32, #tpu.memory_space<vmem>>
        %dma_start3A_1786 = arith.constant 0 : i32
        %dma_start3A_1787 = tpu.memref_slice %arg5[%add3A_1780, %dma_start3A_1786] : memref<256x100xi32, #tpu.memory_space<vmem>> -> memref<1x100xi32, #tpu.memory_space<vmem>>
        %dma_start3A_1788 = tpu.memref_squeeze %dma_start3A_1787 : memref<1x100xi32, #tpu.memory_space<vmem>> -> memref<100xi32, #tpu.memory_space<vmem>>
        %dma_start3A_1789 = arith.constant 0 : i32
        %dma_start3A_1790 = arith.constant 0 : i32
        %dma_start3A_1791 = tpu.memref_slice %arg3[%dma_start3A_1789, %dma_start3A_1790] : memref<1000000x32xf32, #tpu.memory_space<hbm>> -> memref<1000000x32xf32, #tpu.memory_space<hbm>>
        tpu.enqueue_indirect_dma source(%dma_start3A_1791 : memref<1000000x32xf32, #tpu.memory_space<hbm>>) target(%dma_start3A_1785 : memref<100x32xf32, #tpu.memory_space<vmem>>) offsets(%dma_start3A_1788 : memref<100xi32, #tpu.memory_space<vmem>>) semaphore(%arg8 : memref<!tpu.dma_semaphore, #tpu.memory_space<semaphore_mem>>)
        %mul3A_1792 = arith.constant 8 : i32
        %mul3A_1793 = arith.muli %add3A_1746, %mul3A_1792 : i32
        %add3A_1794 = arith.constant 3 : i32
        %add3A_1795 = arith.addi %mul3A_1793, %add3A_1794 : i32
        %dma_start3A_1796 = arith.constant 1 : i32
        %dma_start3A_1797 = arith.constant 300 : i32
        %dma_start3A_1798 = arith.constant 0 : i32
        %dma_start3A_1799 = tpu.memref_slice %arg6[%dma_start3A_1796, %dma_start3A_1797, %dma_start3A_1798] : memref<2x800x32xf32, #tpu.memory_space<vmem>> -> memref<1x100x32xf32, #tpu.memory_space<vmem>>
        %dma_start3A_1800 = tpu.memref_squeeze %dma_start3A_1799 : memref<1x100x32xf32, #tpu.memory_space<vmem>> -> memref<100x32xf32, #tpu.memory_space<vmem>>
        %dma_start3A_1801 = arith.constant 0 : i32
        %dma_start3A_1802 = tpu.memref_slice %arg5[%add3A_1795, %dma_start3A_1801] : memref<256x100xi32, #tpu.memory_space<vmem>> -> memref<1x100xi32, #tpu.memory_space<vmem>>
        %dma_start3A_1803 = tpu.memref_squeeze %dma_start3A_1802 : memref<1x100xi32, #tpu.memory_space<vmem>> -> memref<100xi32, #tpu.memory_space<vmem>>
        %dma_start3A_1804 = arith.constant 0 : i32
        %dma_start3A_1805 = arith.constant 0 : i32
        %dma_start3A_1806 = tpu.memref_slice %arg3[%dma_start3A_1804, %dma_start3A_1805] : memref<1000000x32xf32, #tpu.memory_space<hbm>> -> memref<1000000x32xf32, #tpu.memory_space<hbm>>
        tpu.enqueue_indirect_dma source(%dma_start3A_1806 : memref<1000000x32xf32, #tpu.memory_space<hbm>>) target(%dma_start3A_1800 : memref<100x32xf32, #tpu.memory_space<vmem>>) offsets(%dma_start3A_1803 : memref<100xi32, #tpu.memory_space<vmem>>) semaphore(%arg8 : memref<!tpu.dma_semaphore, #tpu.memory_space<semaphore_mem>>)
        %mul3A_1807 = arith.constant 8 : i32
        %mul3A_1808 = arith.muli %add3A_1746, %mul3A_1807 : i32
        %add3A_1809 = arith.constant 4 : i32
        %add3A_1810 = arith.addi %mul3A_1808, %add3A_1809 : i32
        %dma_start3A_1811 = arith.constant 1 : i32
        %dma_start3A_1812 = arith.constant 400 : i32
        %dma_start3A_1813 = arith.constant 0 : i32
        %dma_start3A_1814 = tpu.memref_slice %arg6[%dma_start3A_1811, %dma_start3A_1812, %dma_start3A_1813] : memref<2x800x32xf32, #tpu.memory_space<vmem>> -> memref<1x100x32xf32, #tpu.memory_space<vmem>>
        %dma_start3A_1815 = tpu.memref_squeeze %dma_start3A_1814 : memref<1x100x32xf32, #tpu.memory_space<vmem>> -> memref<100x32xf32, #tpu.memory_space<vmem>>
        %dma_start3A_1816 = arith.constant 0 : i32
        %dma_start3A_1817 = tpu.memref_slice %arg5[%add3A_1810, %dma_start3A_1816] : memref<256x100xi32, #tpu.memory_space<vmem>> -> memref<1x100xi32, #tpu.memory_space<vmem>>
        %dma_start3A_1818 = tpu.memref_squeeze %dma_start3A_1817 : memref<1x100xi32, #tpu.memory_space<vmem>> -> memref<100xi32, #tpu.memory_space<vmem>>
        %dma_start3A_1819 = arith.constant 0 : i32
        %dma_start3A_1820 = arith.constant 0 : i32
        %dma_start3A_1821 = tpu.memref_slice %arg3[%dma_start3A_1819, %dma_start3A_1820] : memref<1000000x32xf32, #tpu.memory_space<hbm>> -> memref<1000000x32xf32, #tpu.memory_space<hbm>>
        tpu.enqueue_indirect_dma source(%dma_start3A_1821 : memref<1000000x32xf32, #tpu.memory_space<hbm>>) target(%dma_start3A_1815 : memref<100x32xf32, #tpu.memory_space<vmem>>) offsets(%dma_start3A_1818 : memref<100xi32, #tpu.memory_space<vmem>>) semaphore(%arg8 : memref<!tpu.dma_semaphore, #tpu.memory_space<semaphore_mem>>)
        %mul3A_1822 = arith.constant 8 : i32
        %mul3A_1823 = arith.muli %add3A_1746, %mul3A_1822 : i32
        %add3A_1824 = arith.constant 5 : i32
        %add3A_1825 = arith.addi %mul3A_1823, %add3A_1824 : i32
        %dma_start3A_1826 = arith.constant 1 : i32
        %dma_start3A_1827 = arith.constant 500 : i32
        %dma_start3A_1828 = arith.constant 0 : i32
        %dma_start3A_1829 = tpu.memref_slice %arg6[%dma_start3A_1826, %dma_start3A_1827, %dma_start3A_1828] : memref<2x800x32xf32, #tpu.memory_space<vmem>> -> memref<1x100x32xf32, #tpu.memory_space<vmem>>
        %dma_start3A_1830 = tpu.memref_squeeze %dma_start3A_1829 : memref<1x100x32xf32, #tpu.memory_space<vmem>> -> memref<100x32xf32, #tpu.memory_space<vmem>>
        %dma_start3A_1831 = arith.constant 0 : i32
        %dma_start3A_1832 = tpu.memref_slice %arg5[%add3A_1825, %dma_start3A_1831] : memref<256x100xi32, #tpu.memory_space<vmem>> -> memref<1x100xi32, #tpu.memory_space<vmem>>
        %dma_start3A_1833 = tpu.memref_squeeze %dma_start3A_1832 : memref<1x100xi32, #tpu.memory_space<vmem>> -> memref<100xi32, #tpu.memory_space<vmem>>
        %dma_start3A_1834 = arith.constant 0 : i32
        %dma_start3A_1835 = arith.constant 0 : i32
        %dma_start3A_1836 = tpu.memref_slice %arg3[%dma_start3A_1834, %dma_start3A_1835] : memref<1000000x32xf32, #tpu.memory_space<hbm>> -> memref<1000000x32xf32, #tpu.memory_space<hbm>>
        tpu.enqueue_indirect_dma source(%dma_start3A_1836 : memref<1000000x32xf32, #tpu.memory_space<hbm>>) target(%dma_start3A_1830 : memref<100x32xf32, #tpu.memory_space<vmem>>) offsets(%dma_start3A_1833 : memref<100xi32, #tpu.memory_space<vmem>>) semaphore(%arg8 : memref<!tpu.dma_semaphore, #tpu.memory_space<semaphore_mem>>)
        %mul3A_1837 = arith.constant 8 : i32
        %mul3A_1838 = arith.muli %add3A_1746, %mul3A_1837 : i32
        %add3A_1839 = arith.constant 6 : i32
        %add3A_1840 = arith.addi %mul3A_1838, %add3A_1839 : i32
        %dma_start3A_1841 = arith.constant 1 : i32
        %dma_start3A_1842 = arith.constant 600 : i32
        %dma_start3A_1843 = arith.constant 0 : i32
        %dma_start3A_1844 = tpu.memref_slice %arg6[%dma_start3A_1841, %dma_start3A_1842, %dma_start3A_1843] : memref<2x800x32xf32, #tpu.memory_space<vmem>> -> memref<1x100x32xf32, #tpu.memory_space<vmem>>
        %dma_start3A_1845 = tpu.memref_squeeze %dma_start3A_1844 : memref<1x100x32xf32, #tpu.memory_space<vmem>> -> memref<100x32xf32, #tpu.memory_space<vmem>>
        %dma_start3A_1846 = arith.constant 0 : i32
        %dma_start3A_1847 = tpu.memref_slice %arg5[%add3A_1840, %dma_start3A_1846] : memref<256x100xi32, #tpu.memory_space<vmem>> -> memref<1x100xi32, #tpu.memory_space<vmem>>
        %dma_start3A_1848 = tpu.memref_squeeze %dma_start3A_1847 : memref<1x100xi32, #tpu.memory_space<vmem>> -> memref<100xi32, #tpu.memory_space<vmem>>
        %dma_start3A_1849 = arith.constant 0 : i32
        %dma_start3A_1850 = arith.constant 0 : i32
        %dma_start3A_1851 = tpu.memref_slice %arg3[%dma_start3A_1849, %dma_start3A_1850] : memref<1000000x32xf32, #tpu.memory_space<hbm>> -> memref<1000000x32xf32, #tpu.memory_space<hbm>>
        tpu.enqueue_indirect_dma source(%dma_start3A_1851 : memref<1000000x32xf32, #tpu.memory_space<hbm>>) target(%dma_start3A_1845 : memref<100x32xf32, #tpu.memory_space<vmem>>) offsets(%dma_start3A_1848 : memref<100xi32, #tpu.memory_space<vmem>>) semaphore(%arg8 : memref<!tpu.dma_semaphore, #tpu.memory_space<semaphore_mem>>)
        %mul3A_1852 = arith.constant 8 : i32
        %mul3A_1853 = arith.muli %add3A_1746, %mul3A_1852 : i32
        %add3A_1854 = arith.constant 7 : i32
        %add3A_1855 = arith.addi %mul3A_1853, %add3A_1854 : i32
        %dma_start3A_1856 = arith.constant 1 : i32
        %dma_start3A_1857 = arith.constant 700 : i32
        %dma_start3A_1858 = arith.constant 0 : i32
        %dma_start3A_1859 = tpu.memref_slice %arg6[%dma_start3A_1856, %dma_start3A_1857, %dma_start3A_1858] : memref<2x800x32xf32, #tpu.memory_space<vmem>> -> memref<1x100x32xf32, #tpu.memory_space<vmem>>
        %dma_start3A_1860 = tpu.memref_squeeze %dma_start3A_1859 : memref<1x100x32xf32, #tpu.memory_space<vmem>> -> memref<100x32xf32, #tpu.memory_space<vmem>>
        %dma_start3A_1861 = arith.constant 0 : i32
        %dma_start3A_1862 = tpu.memref_slice %arg5[%add3A_1855, %dma_start3A_1861] : memref<256x100xi32, #tpu.memory_space<vmem>> -> memref<1x100xi32, #tpu.memory_space<vmem>>
        %dma_start3A_1863 = tpu.memref_squeeze %dma_start3A_1862 : memref<1x100xi32, #tpu.memory_space<vmem>> -> memref<100xi32, #tpu.memory_space<vmem>>
        %dma_start3A_1864 = arith.constant 0 : i32
        %dma_start3A_1865 = arith.constant 0 : i32
        %dma_start3A_1866 = tpu.memref_slice %arg3[%dma_start3A_1864, %dma_start3A_1865] : memref<1000000x32xf32, #tpu.memory_space<hbm>> -> memref<1000000x32xf32, #tpu.memory_space<hbm>>
        tpu.enqueue_indirect_dma source(%dma_start3A_1866 : memref<1000000x32xf32, #tpu.memory_space<hbm>>) target(%dma_start3A_1860 : memref<100x32xf32, #tpu.memory_space<vmem>>) offsets(%dma_start3A_1863 : memref<100xi32, #tpu.memory_space<vmem>>) semaphore(%arg8 : memref<!tpu.dma_semaphore, #tpu.memory_space<semaphore_mem>>)
      } else {
      }
      %mul3A_785 = arith.constant 8 : i32
      %mul3A_786 = arith.muli %add3A_780, %mul3A_785 : i32
      %add3A_787 = arith.constant 0 : i32
      %add3A_788 = arith.addi %mul3A_786, %add3A_787 : i32
      %dma_wait3A_789 = arith.constant 0 : i32
      %dma_wait3A_790 = arith.constant 0 : i32
      %dma_wait3A_791 = arith.constant 0 : i32
      %dma_wait3A_792 = tpu.memref_slice %arg6[%dma_wait3A_789, %dma_wait3A_790, %dma_wait3A_791] : memref<2x800x32xf32, #tpu.memory_space<vmem>> -> memref<1x100x32xf32, #tpu.memory_space<vmem>>
      %dma_wait3A_793 = tpu.memref_squeeze %dma_wait3A_792 : memref<1x100x32xf32, #tpu.memory_space<vmem>> -> memref<100x32xf32, #tpu.memory_space<vmem>>
      %dma_wait3A_794 = arith.constant 0 : i32
      %dma_wait3A_795 = tpu.memref_slice %arg5[%add3A_788, %dma_wait3A_794] : memref<256x100xi32, #tpu.memory_space<vmem>> -> memref<1x100xi32, #tpu.memory_space<vmem>>
      %dma_wait3A_796 = tpu.memref_squeeze %dma_wait3A_795 : memref<1x100xi32, #tpu.memory_space<vmem>> -> memref<100xi32, #tpu.memory_space<vmem>>
      %dma_wait3A_797 = arith.constant 0 : i32
      %dma_wait3A_798 = arith.constant 0 : i32
      %dma_wait3A_799 = tpu.memref_slice %arg3[%dma_wait3A_797, %dma_wait3A_798] : memref<1000000x32xf32, #tpu.memory_space<hbm>> -> memref<1000000x32xf32, #tpu.memory_space<hbm>>
      tpu.wait_indirect_dma semaphore(%arg7 : memref<!tpu.dma_semaphore, #tpu.memory_space<semaphore_mem>>) src(%dma_wait3A_799 : memref<1000000x32xf32, #tpu.memory_space<hbm>>) dst(%dma_wait3A_793 : memref<100x32xf32, #tpu.memory_space<vmem>>)
      %mul3A_800 = arith.constant 8 : i32
      %mul3A_801 = arith.muli %add3A_780, %mul3A_800 : i32
      %add3A_802 = arith.constant 1 : i32
      %add3A_803 = arith.addi %mul3A_801, %add3A_802 : i32
      %dma_wait3A_804 = arith.constant 0 : i32
      %dma_wait3A_805 = arith.constant 100 : i32
      %dma_wait3A_806 = arith.constant 0 : i32
      %dma_wait3A_807 = tpu.memref_slice %arg6[%dma_wait3A_804, %dma_wait3A_805, %dma_wait3A_806] : memref<2x800x32xf32, #tpu.memory_space<vmem>> -> memref<1x100x32xf32, #tpu.memory_space<vmem>>
      %dma_wait3A_808 = tpu.memref_squeeze %dma_wait3A_807 : memref<1x100x32xf32, #tpu.memory_space<vmem>> -> memref<100x32xf32, #tpu.memory_space<vmem>>
      %dma_wait3A_809 = arith.constant 0 : i32
      %dma_wait3A_810 = tpu.memref_slice %arg5[%add3A_803, %dma_wait3A_809] : memref<256x100xi32, #tpu.memory_space<vmem>> -> memref<1x100xi32, #tpu.memory_space<vmem>>
      %dma_wait3A_811 = tpu.memref_squeeze %dma_wait3A_810 : memref<1x100xi32, #tpu.memory_space<vmem>> -> memref<100xi32, #tpu.memory_space<vmem>>
      %dma_wait3A_812 = arith.constant 0 : i32
      %dma_wait3A_813 = arith.constant 0 : i32
      %dma_wait3A_814 = tpu.memref_slice %arg3[%dma_wait3A_812, %dma_wait3A_813] : memref<1000000x32xf32, #tpu.memory_space<hbm>> -> memref<1000000x32xf32, #tpu.memory_space<hbm>>
      tpu.wait_indirect_dma semaphore(%arg7 : memref<!tpu.dma_semaphore, #tpu.memory_space<semaphore_mem>>) src(%dma_wait3A_814 : memref<1000000x32xf32, #tpu.memory_space<hbm>>) dst(%dma_wait3A_808 : memref<100x32xf32, #tpu.memory_space<vmem>>)
      %mul3A_815 = arith.constant 8 : i32
      %mul3A_816 = arith.muli %add3A_780, %mul3A_815 : i32
      %add3A_817 = arith.constant 2 : i32
      %add3A_818 = arith.addi %mul3A_816, %add3A_817 : i32
      %dma_wait3A_819 = arith.constant 0 : i32
      %dma_wait3A_820 = arith.constant 200 : i32
      %dma_wait3A_821 = arith.constant 0 : i32
      %dma_wait3A_822 = tpu.memref_slice %arg6[%dma_wait3A_819, %dma_wait3A_820, %dma_wait3A_821] : memref<2x800x32xf32, #tpu.memory_space<vmem>> -> memref<1x100x32xf32, #tpu.memory_space<vmem>>
      %dma_wait3A_823 = tpu.memref_squeeze %dma_wait3A_822 : memref<1x100x32xf32, #tpu.memory_space<vmem>> -> memref<100x32xf32, #tpu.memory_space<vmem>>
      %dma_wait3A_824 = arith.constant 0 : i32
      %dma_wait3A_825 = tpu.memref_slice %arg5[%add3A_818, %dma_wait3A_824] : memref<256x100xi32, #tpu.memory_space<vmem>> -> memref<1x100xi32, #tpu.memory_space<vmem>>
      %dma_wait3A_826 = tpu.memref_squeeze %dma_wait3A_825 : memref<1x100xi32, #tpu.memory_space<vmem>> -> memref<100xi32, #tpu.memory_space<vmem>>
      %dma_wait3A_827 = arith.constant 0 : i32
      %dma_wait3A_828 = arith.constant 0 : i32
      %dma_wait3A_829 = tpu.memref_slice %arg3[%dma_wait3A_827, %dma_wait3A_828] : memref<1000000x32xf32, #tpu.memory_space<hbm>> -> memref<1000000x32xf32, #tpu.memory_space<hbm>>
      tpu.wait_indirect_dma semaphore(%arg7 : memref<!tpu.dma_semaphore, #tpu.memory_space<semaphore_mem>>) src(%dma_wait3A_829 : memref<1000000x32xf32, #tpu.memory_space<hbm>>) dst(%dma_wait3A_823 : memref<100x32xf32, #tpu.memory_space<vmem>>)
      %mul3A_830 = arith.constant 8 : i32
      %mul3A_831 = arith.muli %add3A_780, %mul3A_830 : i32
      %add3A_832 = arith.constant 3 : i32
      %add3A_833 = arith.addi %mul3A_831, %add3A_832 : i32
      %dma_wait3A_834 = arith.constant 0 : i32
      %dma_wait3A_835 = arith.constant 300 : i32
      %dma_wait3A_836 = arith.constant 0 : i32
      %dma_wait3A_837 = tpu.memref_slice %arg6[%dma_wait3A_834, %dma_wait3A_835, %dma_wait3A_836] : memref<2x800x32xf32, #tpu.memory_space<vmem>> -> memref<1x100x32xf32, #tpu.memory_space<vmem>>
      %dma_wait3A_838 = tpu.memref_squeeze %dma_wait3A_837 : memref<1x100x32xf32, #tpu.memory_space<vmem>> -> memref<100x32xf32, #tpu.memory_space<vmem>>
      %dma_wait3A_839 = arith.constant 0 : i32
      %dma_wait3A_840 = tpu.memref_slice %arg5[%add3A_833, %dma_wait3A_839] : memref<256x100xi32, #tpu.memory_space<vmem>> -> memref<1x100xi32, #tpu.memory_space<vmem>>
      %dma_wait3A_841 = tpu.memref_squeeze %dma_wait3A_840 : memref<1x100xi32, #tpu.memory_space<vmem>> -> memref<100xi32, #tpu.memory_space<vmem>>
      %dma_wait3A_842 = arith.constant 0 : i32
      %dma_wait3A_843 = arith.constant 0 : i32
      %dma_wait3A_844 = tpu.memref_slice %arg3[%dma_wait3A_842, %dma_wait3A_843] : memref<1000000x32xf32, #tpu.memory_space<hbm>> -> memref<1000000x32xf32, #tpu.memory_space<hbm>>
      tpu.wait_indirect_dma semaphore(%arg7 : memref<!tpu.dma_semaphore, #tpu.memory_space<semaphore_mem>>) src(%dma_wait3A_844 : memref<1000000x32xf32, #tpu.memory_space<hbm>>) dst(%dma_wait3A_838 : memref<100x32xf32, #tpu.memory_space<vmem>>)
      %mul3A_845 = arith.constant 8 : i32
      %mul3A_846 = arith.muli %add3A_780, %mul3A_845 : i32
      %add3A_847 = arith.constant 4 : i32
      %add3A_848 = arith.addi %mul3A_846, %add3A_847 : i32
      %dma_wait3A_849 = arith.constant 0 : i32
      %dma_wait3A_850 = arith.constant 400 : i32
      %dma_wait3A_851 = arith.constant 0 : i32
      %dma_wait3A_852 = tpu.memref_slice %arg6[%dma_wait3A_849, %dma_wait3A_850, %dma_wait3A_851] : memref<2x800x32xf32, #tpu.memory_space<vmem>> -> memref<1x100x32xf32, #tpu.memory_space<vmem>>
      %dma_wait3A_853 = tpu.memref_squeeze %dma_wait3A_852 : memref<1x100x32xf32, #tpu.memory_space<vmem>> -> memref<100x32xf32, #tpu.memory_space<vmem>>
      %dma_wait3A_854 = arith.constant 0 : i32
      %dma_wait3A_855 = tpu.memref_slice %arg5[%add3A_848, %dma_wait3A_854] : memref<256x100xi32, #tpu.memory_space<vmem>> -> memref<1x100xi32, #tpu.memory_space<vmem>>
      %dma_wait3A_856 = tpu.memref_squeeze %dma_wait3A_855 : memref<1x100xi32, #tpu.memory_space<vmem>> -> memref<100xi32, #tpu.memory_space<vmem>>
      %dma_wait3A_857 = arith.constant 0 : i32
      %dma_wait3A_858 = arith.constant 0 : i32
      %dma_wait3A_859 = tpu.memref_slice %arg3[%dma_wait3A_857, %dma_wait3A_858] : memref<1000000x32xf32, #tpu.memory_space<hbm>> -> memref<1000000x32xf32, #tpu.memory_space<hbm>>
      tpu.wait_indirect_dma semaphore(%arg7 : memref<!tpu.dma_semaphore, #tpu.memory_space<semaphore_mem>>) src(%dma_wait3A_859 : memref<1000000x32xf32, #tpu.memory_space<hbm>>) dst(%dma_wait3A_853 : memref<100x32xf32, #tpu.memory_space<vmem>>)
      %mul3A_860 = arith.constant 8 : i32
      %mul3A_861 = arith.muli %add3A_780, %mul3A_860 : i32
      %add3A_862 = arith.constant 5 : i32
      %add3A_863 = arith.addi %mul3A_861, %add3A_862 : i32
      %dma_wait3A_864 = arith.constant 0 : i32
      %dma_wait3A_865 = arith.constant 500 : i32
      %dma_wait3A_866 = arith.constant 0 : i32
      %dma_wait3A_867 = tpu.memref_slice %arg6[%dma_wait3A_864, %dma_wait3A_865, %dma_wait3A_866] : memref<2x800x32xf32, #tpu.memory_space<vmem>> -> memref<1x100x32xf32, #tpu.memory_space<vmem>>
      %dma_wait3A_868 = tpu.memref_squeeze %dma_wait3A_867 : memref<1x100x32xf32, #tpu.memory_space<vmem>> -> memref<100x32xf32, #tpu.memory_space<vmem>>
      %dma_wait3A_869 = arith.constant 0 : i32
      %dma_wait3A_870 = tpu.memref_slice %arg5[%add3A_863, %dma_wait3A_869] : memref<256x100xi32, #tpu.memory_space<vmem>> -> memref<1x100xi32, #tpu.memory_space<vmem>>
      %dma_wait3A_871 = tpu.memref_squeeze %dma_wait3A_870 : memref<1x100xi32, #tpu.memory_space<vmem>> -> memref<100xi32, #tpu.memory_space<vmem>>
      %dma_wait3A_872 = arith.constant 0 : i32
      %dma_wait3A_873 = arith.constant 0 : i32
      %dma_wait3A_874 = tpu.memref_slice %arg3[%dma_wait3A_872, %dma_wait3A_873] : memref<1000000x32xf32, #tpu.memory_space<hbm>> -> memref<1000000x32xf32, #tpu.memory_space<hbm>>
      tpu.wait_indirect_dma semaphore(%arg7 : memref<!tpu.dma_semaphore, #tpu.memory_space<semaphore_mem>>) src(%dma_wait3A_874 : memref<1000000x32xf32, #tpu.memory_space<hbm>>) dst(%dma_wait3A_868 : memref<100x32xf32, #tpu.memory_space<vmem>>)
      %mul3A_875 = arith.constant 8 : i32
      %mul3A_876 = arith.muli %add3A_780, %mul3A_875 : i32
      %add3A_877 = arith.constant 6 : i32
      %add3A_878 = arith.addi %mul3A_876, %add3A_877 : i32
      %dma_wait3A_879 = arith.constant 0 : i32
      %dma_wait3A_880 = arith.constant 600 : i32
      %dma_wait3A_881 = arith.constant 0 : i32
      %dma_wait3A_882 = tpu.memref_slice %arg6[%dma_wait3A_879, %dma_wait3A_880, %dma_wait3A_881] : memref<2x800x32xf32, #tpu.memory_space<vmem>> -> memref<1x100x32xf32, #tpu.memory_space<vmem>>
      %dma_wait3A_883 = tpu.memref_squeeze %dma_wait3A_882 : memref<1x100x32xf32, #tpu.memory_space<vmem>> -> memref<100x32xf32, #tpu.memory_space<vmem>>
      %dma_wait3A_884 = arith.constant 0 : i32
      %dma_wait3A_885 = tpu.memref_slice %arg5[%add3A_878, %dma_wait3A_884] : memref<256x100xi32, #tpu.memory_space<vmem>> -> memref<1x100xi32, #tpu.memory_space<vmem>>
      %dma_wait3A_886 = tpu.memref_squeeze %dma_wait3A_885 : memref<1x100xi32, #tpu.memory_space<vmem>> -> memref<100xi32, #tpu.memory_space<vmem>>
      %dma_wait3A_887 = arith.constant 0 : i32
      %dma_wait3A_888 = arith.constant 0 : i32
      %dma_wait3A_889 = tpu.memref_slice %arg3[%dma_wait3A_887, %dma_wait3A_888] : memref<1000000x32xf32, #tpu.memory_space<hbm>> -> memref<1000000x32xf32, #tpu.memory_space<hbm>>
      tpu.wait_indirect_dma semaphore(%arg7 : memref<!tpu.dma_semaphore, #tpu.memory_space<semaphore_mem>>) src(%dma_wait3A_889 : memref<1000000x32xf32, #tpu.memory_space<hbm>>) dst(%dma_wait3A_883 : memref<100x32xf32, #tpu.memory_space<vmem>>)
      %mul3A_890 = arith.constant 8 : i32
      %mul3A_891 = arith.muli %add3A_780, %mul3A_890 : i32
      %add3A_892 = arith.constant 7 : i32
      %add3A_893 = arith.addi %mul3A_891, %add3A_892 : i32
      %dma_wait3A_894 = arith.constant 0 : i32
      %dma_wait3A_895 = arith.constant 700 : i32
      %dma_wait3A_896 = arith.constant 0 : i32
      %dma_wait3A_897 = tpu.memref_slice %arg6[%dma_wait3A_894, %dma_wait3A_895, %dma_wait3A_896] : memref<2x800x32xf32, #tpu.memory_space<vmem>> -> memref<1x100x32xf32, #tpu.memory_space<vmem>>
      %dma_wait3A_898 = tpu.memref_squeeze %dma_wait3A_897 : memref<1x100x32xf32, #tpu.memory_space<vmem>> -> memref<100x32xf32, #tpu.memory_space<vmem>>
      %dma_wait3A_899 = arith.constant 0 : i32
      %dma_wait3A_900 = tpu.memref_slice %arg5[%add3A_893, %dma_wait3A_899] : memref<256x100xi32, #tpu.memory_space<vmem>> -> memref<1x100xi32, #tpu.memory_space<vmem>>
      %dma_wait3A_901 = tpu.memref_squeeze %dma_wait3A_900 : memref<1x100xi32, #tpu.memory_space<vmem>> -> memref<100xi32, #tpu.memory_space<vmem>>
      %dma_wait3A_902 = arith.constant 0 : i32
      %dma_wait3A_903 = arith.constant 0 : i32
      %dma_wait3A_904 = tpu.memref_slice %arg3[%dma_wait3A_902, %dma_wait3A_903] : memref<1000000x32xf32, #tpu.memory_space<hbm>> -> memref<1000000x32xf32, #tpu.memory_space<hbm>>
      tpu.wait_indirect_dma semaphore(%arg7 : memref<!tpu.dma_semaphore, #tpu.memory_space<semaphore_mem>>) src(%dma_wait3A_904 : memref<1000000x32xf32, #tpu.memory_space<hbm>>) dst(%dma_wait3A_898 : memref<100x32xf32, #tpu.memory_space<vmem>>)
      %mul3A_905 = arith.constant 16 : i32
      %mul3A_906 = arith.muli %add3A_780, %mul3A_905 : i32
      %add3A_907 = arith.addi %mul3A_2, %mul3A_906 : i32
      %add3A_908 = arith.constant 0 : i32
      %add3A_909 = arith.addi %add3A_907, %add3A_908 : i32
      %dma_start3A_910 = arith.constant 0 : i32
      %dma_start3A_911 = arith.constant 0 : i32
      %dma_start3A_912 = arith.constant 0 : i32
      %dma_start3A_913 = tpu.memref_slice %arg6[%dma_start3A_910, %dma_start3A_911, %dma_start3A_912] : memref<2x800x32xf32, #tpu.memory_space<vmem>> -> memref<1x50x32xf32, #tpu.memory_space<vmem>>
      %dma_start3A_914 = tpu.memref_squeeze %dma_start3A_913 : memref<1x50x32xf32, #tpu.memory_space<vmem>> -> memref<50x32xf32, #tpu.memory_space<vmem>>
      %dma_start3A_915 = arith.constant 0 : i32
      %dma_start3A_916 = arith.constant 0 : i32
      %dma_start3A_917 = tpu.memref_slice %arg4[%add3A_909, %dma_start3A_915, %dma_start3A_916] : memref<16384x50x32xf32, #tpu.memory_space<hbm>> -> memref<1x50x32xf32, #tpu.memory_space<hbm>>
      %dma_start3A_918 = tpu.memref_squeeze %dma_start3A_917 : memref<1x50x32xf32, #tpu.memory_space<hbm>> -> memref<50x32xf32, #tpu.memory_space<hbm>>
      %dma_start3A_919 = arith.constant 0 : i32
      %dma_start3A_920 = arith.constant 0 : i32
      %dma_start3A_921 = tpu.memref_slice %arg4[%add3A_909, %dma_start3A_919, %dma_start3A_920] : memref<16384x50x32xf32, #tpu.memory_space<hbm>> -> memref<1x50x32xf32, #tpu.memory_space<hbm>>
      %dma_start3A_922 = tpu.memref_squeeze %dma_start3A_921 : memref<1x50x32xf32, #tpu.memory_space<hbm>> -> memref<50x32xf32, #tpu.memory_space<hbm>>
      %dma_start3A_923 = arith.constant 0 : i32
      %dma_start3A_924 = arith.constant 0 : i32
      %dma_start3A_925 = tpu.memref_slice %arg6[%dma_start3A_910, %dma_start3A_923, %dma_start3A_924] : memref<2x800x32xf32, #tpu.memory_space<vmem>> -> memref<1x50x32xf32, #tpu.memory_space<vmem>>
      %dma_start3A_926 = tpu.memref_squeeze %dma_start3A_925 : memref<1x50x32xf32, #tpu.memory_space<vmem>> -> memref<50x32xf32, #tpu.memory_space<vmem>>
      tpu.enqueue_dma source(%dma_start3A_926 : memref<50x32xf32, #tpu.memory_space<vmem>>) target(%dma_start3A_922 : memref<50x32xf32, #tpu.memory_space<hbm>>) target_semaphore(%arg9 : memref<!tpu.dma_semaphore, #tpu.memory_space<semaphore_mem>>)
      %mul3A_927 = arith.constant 16 : i32
      %mul3A_928 = arith.muli %add3A_780, %mul3A_927 : i32
      %add3A_929 = arith.addi %mul3A_2, %mul3A_928 : i32
      %add3A_930 = arith.constant 1 : i32
      %add3A_931 = arith.addi %add3A_929, %add3A_930 : i32
      %dma_start3A_932 = arith.constant 0 : i32
      %dma_start3A_933 = arith.constant 50 : i32
      %dma_start3A_934 = arith.constant 0 : i32
      %dma_start3A_935 = tpu.memref_slice %arg6[%dma_start3A_932, %dma_start3A_933, %dma_start3A_934] : memref<2x800x32xf32, #tpu.memory_space<vmem>> -> memref<1x50x32xf32, #tpu.memory_space<vmem>>
      %dma_start3A_936 = tpu.memref_squeeze %dma_start3A_935 : memref<1x50x32xf32, #tpu.memory_space<vmem>> -> memref<50x32xf32, #tpu.memory_space<vmem>>
      %dma_start3A_937 = arith.constant 0 : i32
      %dma_start3A_938 = arith.constant 0 : i32
      %dma_start3A_939 = tpu.memref_slice %arg4[%add3A_931, %dma_start3A_937, %dma_start3A_938] : memref<16384x50x32xf32, #tpu.memory_space<hbm>> -> memref<1x50x32xf32, #tpu.memory_space<hbm>>
      %dma_start3A_940 = tpu.memref_squeeze %dma_start3A_939 : memref<1x50x32xf32, #tpu.memory_space<hbm>> -> memref<50x32xf32, #tpu.memory_space<hbm>>
      %dma_start3A_941 = arith.constant 0 : i32
      %dma_start3A_942 = arith.constant 0 : i32
      %dma_start3A_943 = tpu.memref_slice %arg4[%add3A_931, %dma_start3A_941, %dma_start3A_942] : memref<16384x50x32xf32, #tpu.memory_space<hbm>> -> memref<1x50x32xf32, #tpu.memory_space<hbm>>
      %dma_start3A_944 = tpu.memref_squeeze %dma_start3A_943 : memref<1x50x32xf32, #tpu.memory_space<hbm>> -> memref<50x32xf32, #tpu.memory_space<hbm>>
      %dma_start3A_945 = arith.constant 50 : i32
      %dma_start3A_946 = arith.constant 0 : i32
      %dma_start3A_947 = tpu.memref_slice %arg6[%dma_start3A_932, %dma_start3A_945, %dma_start3A_946] : memref<2x800x32xf32, #tpu.memory_space<vmem>> -> memref<1x50x32xf32, #tpu.memory_space<vmem>>
      %dma_start3A_948 = tpu.memref_squeeze %dma_start3A_947 : memref<1x50x32xf32, #tpu.memory_space<vmem>> -> memref<50x32xf32, #tpu.memory_space<vmem>>
      tpu.enqueue_dma source(%dma_start3A_948 : memref<50x32xf32, #tpu.memory_space<vmem>>) target(%dma_start3A_944 : memref<50x32xf32, #tpu.memory_space<hbm>>) target_semaphore(%arg9 : memref<!tpu.dma_semaphore, #tpu.memory_space<semaphore_mem>>)
      %mul3A_949 = arith.constant 16 : i32
      %mul3A_950 = arith.muli %add3A_780, %mul3A_949 : i32
      %add3A_951 = arith.addi %mul3A_2, %mul3A_950 : i32
      %add3A_952 = arith.constant 2 : i32
      %add3A_953 = arith.addi %add3A_951, %add3A_952 : i32
      %dma_start3A_954 = arith.constant 0 : i32
      %dma_start3A_955 = arith.constant 100 : i32
      %dma_start3A_956 = arith.constant 0 : i32
      %dma_start3A_957 = tpu.memref_slice %arg6[%dma_start3A_954, %dma_start3A_955, %dma_start3A_956] : memref<2x800x32xf32, #tpu.memory_space<vmem>> -> memref<1x50x32xf32, #tpu.memory_space<vmem>>
      %dma_start3A_958 = tpu.memref_squeeze %dma_start3A_957 : memref<1x50x32xf32, #tpu.memory_space<vmem>> -> memref<50x32xf32, #tpu.memory_space<vmem>>
      %dma_start3A_959 = arith.constant 0 : i32
      %dma_start3A_960 = arith.constant 0 : i32
      %dma_start3A_961 = tpu.memref_slice %arg4[%add3A_953, %dma_start3A_959, %dma_start3A_960] : memref<16384x50x32xf32, #tpu.memory_space<hbm>> -> memref<1x50x32xf32, #tpu.memory_space<hbm>>
      %dma_start3A_962 = tpu.memref_squeeze %dma_start3A_961 : memref<1x50x32xf32, #tpu.memory_space<hbm>> -> memref<50x32xf32, #tpu.memory_space<hbm>>
      %dma_start3A_963 = arith.constant 0 : i32
      %dma_start3A_964 = arith.constant 0 : i32
      %dma_start3A_965 = tpu.memref_slice %arg4[%add3A_953, %dma_start3A_963, %dma_start3A_964] : memref<16384x50x32xf32, #tpu.memory_space<hbm>> -> memref<1x50x32xf32, #tpu.memory_space<hbm>>
      %dma_start3A_966 = tpu.memref_squeeze %dma_start3A_965 : memref<1x50x32xf32, #tpu.memory_space<hbm>> -> memref<50x32xf32, #tpu.memory_space<hbm>>
      %dma_start3A_967 = arith.constant 100 : i32
      %dma_start3A_968 = arith.constant 0 : i32
      %dma_start3A_969 = tpu.memref_slice %arg6[%dma_start3A_954, %dma_start3A_967, %dma_start3A_968] : memref<2x800x32xf32, #tpu.memory_space<vmem>> -> memref<1x50x32xf32, #tpu.memory_space<vmem>>
      %dma_start3A_970 = tpu.memref_squeeze %dma_start3A_969 : memref<1x50x32xf32, #tpu.memory_space<vmem>> -> memref<50x32xf32, #tpu.memory_space<vmem>>
      tpu.enqueue_dma source(%dma_start3A_970 : memref<50x32xf32, #tpu.memory_space<vmem>>) target(%dma_start3A_966 : memref<50x32xf32, #tpu.memory_space<hbm>>) target_semaphore(%arg9 : memref<!tpu.dma_semaphore, #tpu.memory_space<semaphore_mem>>)
      %mul3A_971 = arith.constant 16 : i32
      %mul3A_972 = arith.muli %add3A_780, %mul3A_971 : i32
      %add3A_973 = arith.addi %mul3A_2, %mul3A_972 : i32
      %add3A_974 = arith.constant 3 : i32
      %add3A_975 = arith.addi %add3A_973, %add3A_974 : i32
      %dma_start3A_976 = arith.constant 0 : i32
      %dma_start3A_977 = arith.constant 150 : i32
      %dma_start3A_978 = arith.constant 0 : i32
      %dma_start3A_979 = tpu.memref_slice %arg6[%dma_start3A_976, %dma_start3A_977, %dma_start3A_978] : memref<2x800x32xf32, #tpu.memory_space<vmem>> -> memref<1x50x32xf32, #tpu.memory_space<vmem>>
      %dma_start3A_980 = tpu.memref_squeeze %dma_start3A_979 : memref<1x50x32xf32, #tpu.memory_space<vmem>> -> memref<50x32xf32, #tpu.memory_space<vmem>>
      %dma_start3A_981 = arith.constant 0 : i32
      %dma_start3A_982 = arith.constant 0 : i32
      %dma_start3A_983 = tpu.memref_slice %arg4[%add3A_975, %dma_start3A_981, %dma_start3A_982] : memref<16384x50x32xf32, #tpu.memory_space<hbm>> -> memref<1x50x32xf32, #tpu.memory_space<hbm>>
      %dma_start3A_984 = tpu.memref_squeeze %dma_start3A_983 : memref<1x50x32xf32, #tpu.memory_space<hbm>> -> memref<50x32xf32, #tpu.memory_space<hbm>>
      %dma_start3A_985 = arith.constant 0 : i32
      %dma_start3A_986 = arith.constant 0 : i32
      %dma_start3A_987 = tpu.memref_slice %arg4[%add3A_975, %dma_start3A_985, %dma_start3A_986] : memref<16384x50x32xf32, #tpu.memory_space<hbm>> -> memref<1x50x32xf32, #tpu.memory_space<hbm>>
      %dma_start3A_988 = tpu.memref_squeeze %dma_start3A_987 : memref<1x50x32xf32, #tpu.memory_space<hbm>> -> memref<50x32xf32, #tpu.memory_space<hbm>>
      %dma_start3A_989 = arith.constant 150 : i32
      %dma_start3A_990 = arith.constant 0 : i32
      %dma_start3A_991 = tpu.memref_slice %arg6[%dma_start3A_976, %dma_start3A_989, %dma_start3A_990] : memref<2x800x32xf32, #tpu.memory_space<vmem>> -> memref<1x50x32xf32, #tpu.memory_space<vmem>>
      %dma_start3A_992 = tpu.memref_squeeze %dma_start3A_991 : memref<1x50x32xf32, #tpu.memory_space<vmem>> -> memref<50x32xf32, #tpu.memory_space<vmem>>
      tpu.enqueue_dma source(%dma_start3A_992 : memref<50x32xf32, #tpu.memory_space<vmem>>) target(%dma_start3A_988 : memref<50x32xf32, #tpu.memory_space<hbm>>) target_semaphore(%arg9 : memref<!tpu.dma_semaphore, #tpu.memory_space<semaphore_mem>>)
      %mul3A_993 = arith.constant 16 : i32
      %mul3A_994 = arith.muli %add3A_780, %mul3A_993 : i32
      %add3A_995 = arith.addi %mul3A_2, %mul3A_994 : i32
      %add3A_996 = arith.constant 4 : i32
      %add3A_997 = arith.addi %add3A_995, %add3A_996 : i32
      %dma_start3A_998 = arith.constant 0 : i32
      %dma_start3A_999 = arith.constant 200 : i32
      %dma_start3A_1000 = arith.constant 0 : i32
      %dma_start3A_1001 = tpu.memref_slice %arg6[%dma_start3A_998, %dma_start3A_999, %dma_start3A_1000] : memref<2x800x32xf32, #tpu.memory_space<vmem>> -> memref<1x50x32xf32, #tpu.memory_space<vmem>>
      %dma_start3A_1002 = tpu.memref_squeeze %dma_start3A_1001 : memref<1x50x32xf32, #tpu.memory_space<vmem>> -> memref<50x32xf32, #tpu.memory_space<vmem>>
      %dma_start3A_1003 = arith.constant 0 : i32
      %dma_start3A_1004 = arith.constant 0 : i32
      %dma_start3A_1005 = tpu.memref_slice %arg4[%add3A_997, %dma_start3A_1003, %dma_start3A_1004] : memref<16384x50x32xf32, #tpu.memory_space<hbm>> -> memref<1x50x32xf32, #tpu.memory_space<hbm>>
      %dma_start3A_1006 = tpu.memref_squeeze %dma_start3A_1005 : memref<1x50x32xf32, #tpu.memory_space<hbm>> -> memref<50x32xf32, #tpu.memory_space<hbm>>
      %dma_start3A_1007 = arith.constant 0 : i32
      %dma_start3A_1008 = arith.constant 0 : i32
      %dma_start3A_1009 = tpu.memref_slice %arg4[%add3A_997, %dma_start3A_1007, %dma_start3A_1008] : memref<16384x50x32xf32, #tpu.memory_space<hbm>> -> memref<1x50x32xf32, #tpu.memory_space<hbm>>
      %dma_start3A_1010 = tpu.memref_squeeze %dma_start3A_1009 : memref<1x50x32xf32, #tpu.memory_space<hbm>> -> memref<50x32xf32, #tpu.memory_space<hbm>>
      %dma_start3A_1011 = arith.constant 200 : i32
      %dma_start3A_1012 = arith.constant 0 : i32
      %dma_start3A_1013 = tpu.memref_slice %arg6[%dma_start3A_998, %dma_start3A_1011, %dma_start3A_1012] : memref<2x800x32xf32, #tpu.memory_space<vmem>> -> memref<1x50x32xf32, #tpu.memory_space<vmem>>
      %dma_start3A_1014 = tpu.memref_squeeze %dma_start3A_1013 : memref<1x50x32xf32, #tpu.memory_space<vmem>> -> memref<50x32xf32, #tpu.memory_space<vmem>>
      tpu.enqueue_dma source(%dma_start3A_1014 : memref<50x32xf32, #tpu.memory_space<vmem>>) target(%dma_start3A_1010 : memref<50x32xf32, #tpu.memory_space<hbm>>) target_semaphore(%arg9 : memref<!tpu.dma_semaphore, #tpu.memory_space<semaphore_mem>>)
      %mul3A_1015 = arith.constant 16 : i32
      %mul3A_1016 = arith.muli %add3A_780, %mul3A_1015 : i32
      %add3A_1017 = arith.addi %mul3A_2, %mul3A_1016 : i32
      %add3A_1018 = arith.constant 5 : i32
      %add3A_1019 = arith.addi %add3A_1017, %add3A_1018 : i32
      %dma_start3A_1020 = arith.constant 0 : i32
      %dma_start3A_1021 = arith.constant 250 : i32
      %dma_start3A_1022 = arith.constant 0 : i32
      %dma_start3A_1023 = tpu.memref_slice %arg6[%dma_start3A_1020, %dma_start3A_1021, %dma_start3A_1022] : memref<2x800x32xf32, #tpu.memory_space<vmem>> -> memref<1x50x32xf32, #tpu.memory_space<vmem>>
      %dma_start3A_1024 = tpu.memref_squeeze %dma_start3A_1023 : memref<1x50x32xf32, #tpu.memory_space<vmem>> -> memref<50x32xf32, #tpu.memory_space<vmem>>
      %dma_start3A_1025 = arith.constant 0 : i32
      %dma_start3A_1026 = arith.constant 0 : i32
      %dma_start3A_1027 = tpu.memref_slice %arg4[%add3A_1019, %dma_start3A_1025, %dma_start3A_1026] : memref<16384x50x32xf32, #tpu.memory_space<hbm>> -> memref<1x50x32xf32, #tpu.memory_space<hbm>>
      %dma_start3A_1028 = tpu.memref_squeeze %dma_start3A_1027 : memref<1x50x32xf32, #tpu.memory_space<hbm>> -> memref<50x32xf32, #tpu.memory_space<hbm>>
      %dma_start3A_1029 = arith.constant 0 : i32
      %dma_start3A_1030 = arith.constant 0 : i32
      %dma_start3A_1031 = tpu.memref_slice %arg4[%add3A_1019, %dma_start3A_1029, %dma_start3A_1030] : memref<16384x50x32xf32, #tpu.memory_space<hbm>> -> memref<1x50x32xf32, #tpu.memory_space<hbm>>
      %dma_start3A_1032 = tpu.memref_squeeze %dma_start3A_1031 : memref<1x50x32xf32, #tpu.memory_space<hbm>> -> memref<50x32xf32, #tpu.memory_space<hbm>>
      %dma_start3A_1033 = arith.constant 250 : i32
      %dma_start3A_1034 = arith.constant 0 : i32
      %dma_start3A_1035 = tpu.memref_slice %arg6[%dma_start3A_1020, %dma_start3A_1033, %dma_start3A_1034] : memref<2x800x32xf32, #tpu.memory_space<vmem>> -> memref<1x50x32xf32, #tpu.memory_space<vmem>>
      %dma_start3A_1036 = tpu.memref_squeeze %dma_start3A_1035 : memref<1x50x32xf32, #tpu.memory_space<vmem>> -> memref<50x32xf32, #tpu.memory_space<vmem>>
      tpu.enqueue_dma source(%dma_start3A_1036 : memref<50x32xf32, #tpu.memory_space<vmem>>) target(%dma_start3A_1032 : memref<50x32xf32, #tpu.memory_space<hbm>>) target_semaphore(%arg9 : memref<!tpu.dma_semaphore, #tpu.memory_space<semaphore_mem>>)
      %mul3A_1037 = arith.constant 16 : i32
      %mul3A_1038 = arith.muli %add3A_780, %mul3A_1037 : i32
      %add3A_1039 = arith.addi %mul3A_2, %mul3A_1038 : i32
      %add3A_1040 = arith.constant 6 : i32
      %add3A_1041 = arith.addi %add3A_1039, %add3A_1040 : i32
      %dma_start3A_1042 = arith.constant 0 : i32
      %dma_start3A_1043 = arith.constant 300 : i32
      %dma_start3A_1044 = arith.constant 0 : i32
      %dma_start3A_1045 = tpu.memref_slice %arg6[%dma_start3A_1042, %dma_start3A_1043, %dma_start3A_1044] : memref<2x800x32xf32, #tpu.memory_space<vmem>> -> memref<1x50x32xf32, #tpu.memory_space<vmem>>
      %dma_start3A_1046 = tpu.memref_squeeze %dma_start3A_1045 : memref<1x50x32xf32, #tpu.memory_space<vmem>> -> memref<50x32xf32, #tpu.memory_space<vmem>>
      %dma_start3A_1047 = arith.constant 0 : i32
      %dma_start3A_1048 = arith.constant 0 : i32
      %dma_start3A_1049 = tpu.memref_slice %arg4[%add3A_1041, %dma_start3A_1047, %dma_start3A_1048] : memref<16384x50x32xf32, #tpu.memory_space<hbm>> -> memref<1x50x32xf32, #tpu.memory_space<hbm>>
      %dma_start3A_1050 = tpu.memref_squeeze %dma_start3A_1049 : memref<1x50x32xf32, #tpu.memory_space<hbm>> -> memref<50x32xf32, #tpu.memory_space<hbm>>
      %dma_start3A_1051 = arith.constant 0 : i32
      %dma_start3A_1052 = arith.constant 0 : i32
      %dma_start3A_1053 = tpu.memref_slice %arg4[%add3A_1041, %dma_start3A_1051, %dma_start3A_1052] : memref<16384x50x32xf32, #tpu.memory_space<hbm>> -> memref<1x50x32xf32, #tpu.memory_space<hbm>>
      %dma_start3A_1054 = tpu.memref_squeeze %dma_start3A_1053 : memref<1x50x32xf32, #tpu.memory_space<hbm>> -> memref<50x32xf32, #tpu.memory_space<hbm>>
      %dma_start3A_1055 = arith.constant 300 : i32
      %dma_start3A_1056 = arith.constant 0 : i32
      %dma_start3A_1057 = tpu.memref_slice %arg6[%dma_start3A_1042, %dma_start3A_1055, %dma_start3A_1056] : memref<2x800x32xf32, #tpu.memory_space<vmem>> -> memref<1x50x32xf32, #tpu.memory_space<vmem>>
      %dma_start3A_1058 = tpu.memref_squeeze %dma_start3A_1057 : memref<1x50x32xf32, #tpu.memory_space<vmem>> -> memref<50x32xf32, #tpu.memory_space<vmem>>
      tpu.enqueue_dma source(%dma_start3A_1058 : memref<50x32xf32, #tpu.memory_space<vmem>>) target(%dma_start3A_1054 : memref<50x32xf32, #tpu.memory_space<hbm>>) target_semaphore(%arg9 : memref<!tpu.dma_semaphore, #tpu.memory_space<semaphore_mem>>)
      %mul3A_1059 = arith.constant 16 : i32
      %mul3A_1060 = arith.muli %add3A_780, %mul3A_1059 : i32
      %add3A_1061 = arith.addi %mul3A_2, %mul3A_1060 : i32
      %add3A_1062 = arith.constant 7 : i32
      %add3A_1063 = arith.addi %add3A_1061, %add3A_1062 : i32
      %dma_start3A_1064 = arith.constant 0 : i32
      %dma_start3A_1065 = arith.constant 350 : i32
      %dma_start3A_1066 = arith.constant 0 : i32
      %dma_start3A_1067 = tpu.memref_slice %arg6[%dma_start3A_1064, %dma_start3A_1065, %dma_start3A_1066] : memref<2x800x32xf32, #tpu.memory_space<vmem>> -> memref<1x50x32xf32, #tpu.memory_space<vmem>>
      %dma_start3A_1068 = tpu.memref_squeeze %dma_start3A_1067 : memref<1x50x32xf32, #tpu.memory_space<vmem>> -> memref<50x32xf32, #tpu.memory_space<vmem>>
      %dma_start3A_1069 = arith.constant 0 : i32
      %dma_start3A_1070 = arith.constant 0 : i32
      %dma_start3A_1071 = tpu.memref_slice %arg4[%add3A_1063, %dma_start3A_1069, %dma_start3A_1070] : memref<16384x50x32xf32, #tpu.memory_space<hbm>> -> memref<1x50x32xf32, #tpu.memory_space<hbm>>
      %dma_start3A_1072 = tpu.memref_squeeze %dma_start3A_1071 : memref<1x50x32xf32, #tpu.memory_space<hbm>> -> memref<50x32xf32, #tpu.memory_space<hbm>>
      %dma_start3A_1073 = arith.constant 0 : i32
      %dma_start3A_1074 = arith.constant 0 : i32
      %dma_start3A_1075 = tpu.memref_slice %arg4[%add3A_1063, %dma_start3A_1073, %dma_start3A_1074] : memref<16384x50x32xf32, #tpu.memory_space<hbm>> -> memref<1x50x32xf32, #tpu.memory_space<hbm>>
      %dma_start3A_1076 = tpu.memref_squeeze %dma_start3A_1075 : memref<1x50x32xf32, #tpu.memory_space<hbm>> -> memref<50x32xf32, #tpu.memory_space<hbm>>
      %dma_start3A_1077 = arith.constant 350 : i32
      %dma_start3A_1078 = arith.constant 0 : i32
      %dma_start3A_1079 = tpu.memref_slice %arg6[%dma_start3A_1064, %dma_start3A_1077, %dma_start3A_1078] : memref<2x800x32xf32, #tpu.memory_space<vmem>> -> memref<1x50x32xf32, #tpu.memory_space<vmem>>
      %dma_start3A_1080 = tpu.memref_squeeze %dma_start3A_1079 : memref<1x50x32xf32, #tpu.memory_space<vmem>> -> memref<50x32xf32, #tpu.memory_space<vmem>>
      tpu.enqueue_dma source(%dma_start3A_1080 : memref<50x32xf32, #tpu.memory_space<vmem>>) target(%dma_start3A_1076 : memref<50x32xf32, #tpu.memory_space<hbm>>) target_semaphore(%arg9 : memref<!tpu.dma_semaphore, #tpu.memory_space<semaphore_mem>>)
      %mul3A_1081 = arith.constant 16 : i32
      %mul3A_1082 = arith.muli %add3A_780, %mul3A_1081 : i32
      %add3A_1083 = arith.addi %mul3A_2, %mul3A_1082 : i32
      %add3A_1084 = arith.constant 8 : i32
      %add3A_1085 = arith.addi %add3A_1083, %add3A_1084 : i32
      %dma_start3A_1086 = arith.constant 0 : i32
      %dma_start3A_1087 = arith.constant 400 : i32
      %dma_start3A_1088 = arith.constant 0 : i32
      %dma_start3A_1089 = tpu.memref_slice %arg6[%dma_start3A_1086, %dma_start3A_1087, %dma_start3A_1088] : memref<2x800x32xf32, #tpu.memory_space<vmem>> -> memref<1x50x32xf32, #tpu.memory_space<vmem>>
      %dma_start3A_1090 = tpu.memref_squeeze %dma_start3A_1089 : memref<1x50x32xf32, #tpu.memory_space<vmem>> -> memref<50x32xf32, #tpu.memory_space<vmem>>
      %dma_start3A_1091 = arith.constant 0 : i32
      %dma_start3A_1092 = arith.constant 0 : i32
      %dma_start3A_1093 = tpu.memref_slice %arg4[%add3A_1085, %dma_start3A_1091, %dma_start3A_1092] : memref<16384x50x32xf32, #tpu.memory_space<hbm>> -> memref<1x50x32xf32, #tpu.memory_space<hbm>>
      %dma_start3A_1094 = tpu.memref_squeeze %dma_start3A_1093 : memref<1x50x32xf32, #tpu.memory_space<hbm>> -> memref<50x32xf32, #tpu.memory_space<hbm>>
      %dma_start3A_1095 = arith.constant 0 : i32
      %dma_start3A_1096 = arith.constant 0 : i32
      %dma_start3A_1097 = tpu.memref_slice %arg4[%add3A_1085, %dma_start3A_1095, %dma_start3A_1096] : memref<16384x50x32xf32, #tpu.memory_space<hbm>> -> memref<1x50x32xf32, #tpu.memory_space<hbm>>
      %dma_start3A_1098 = tpu.memref_squeeze %dma_start3A_1097 : memref<1x50x32xf32, #tpu.memory_space<hbm>> -> memref<50x32xf32, #tpu.memory_space<hbm>>
      %dma_start3A_1099 = arith.constant 400 : i32
      %dma_start3A_1100 = arith.constant 0 : i32
      %dma_start3A_1101 = tpu.memref_slice %arg6[%dma_start3A_1086, %dma_start3A_1099, %dma_start3A_1100] : memref<2x800x32xf32, #tpu.memory_space<vmem>> -> memref<1x50x32xf32, #tpu.memory_space<vmem>>
      %dma_start3A_1102 = tpu.memref_squeeze %dma_start3A_1101 : memref<1x50x32xf32, #tpu.memory_space<vmem>> -> memref<50x32xf32, #tpu.memory_space<vmem>>
      tpu.enqueue_dma source(%dma_start3A_1102 : memref<50x32xf32, #tpu.memory_space<vmem>>) target(%dma_start3A_1098 : memref<50x32xf32, #tpu.memory_space<hbm>>) target_semaphore(%arg9 : memref<!tpu.dma_semaphore, #tpu.memory_space<semaphore_mem>>)
      %mul3A_1103 = arith.constant 16 : i32
      %mul3A_1104 = arith.muli %add3A_780, %mul3A_1103 : i32
      %add3A_1105 = arith.addi %mul3A_2, %mul3A_1104 : i32
      %add3A_1106 = arith.constant 9 : i32
      %add3A_1107 = arith.addi %add3A_1105, %add3A_1106 : i32
      %dma_start3A_1108 = arith.constant 0 : i32
      %dma_start3A_1109 = arith.constant 450 : i32
      %dma_start3A_1110 = arith.constant 0 : i32
      %dma_start3A_1111 = tpu.memref_slice %arg6[%dma_start3A_1108, %dma_start3A_1109, %dma_start3A_1110] : memref<2x800x32xf32, #tpu.memory_space<vmem>> -> memref<1x50x32xf32, #tpu.memory_space<vmem>>
      %dma_start3A_1112 = tpu.memref_squeeze %dma_start3A_1111 : memref<1x50x32xf32, #tpu.memory_space<vmem>> -> memref<50x32xf32, #tpu.memory_space<vmem>>
      %dma_start3A_1113 = arith.constant 0 : i32
      %dma_start3A_1114 = arith.constant 0 : i32
      %dma_start3A_1115 = tpu.memref_slice %arg4[%add3A_1107, %dma_start3A_1113, %dma_start3A_1114] : memref<16384x50x32xf32, #tpu.memory_space<hbm>> -> memref<1x50x32xf32, #tpu.memory_space<hbm>>
      %dma_start3A_1116 = tpu.memref_squeeze %dma_start3A_1115 : memref<1x50x32xf32, #tpu.memory_space<hbm>> -> memref<50x32xf32, #tpu.memory_space<hbm>>
      %dma_start3A_1117 = arith.constant 0 : i32
      %dma_start3A_1118 = arith.constant 0 : i32
      %dma_start3A_1119 = tpu.memref_slice %arg4[%add3A_1107, %dma_start3A_1117, %dma_start3A_1118] : memref<16384x50x32xf32, #tpu.memory_space<hbm>> -> memref<1x50x32xf32, #tpu.memory_space<hbm>>
      %dma_start3A_1120 = tpu.memref_squeeze %dma_start3A_1119 : memref<1x50x32xf32, #tpu.memory_space<hbm>> -> memref<50x32xf32, #tpu.memory_space<hbm>>
      %dma_start3A_1121 = arith.constant 450 : i32
      %dma_start3A_1122 = arith.constant 0 : i32
      %dma_start3A_1123 = tpu.memref_slice %arg6[%dma_start3A_1108, %dma_start3A_1121, %dma_start3A_1122] : memref<2x800x32xf32, #tpu.memory_space<vmem>> -> memref<1x50x32xf32, #tpu.memory_space<vmem>>
      %dma_start3A_1124 = tpu.memref_squeeze %dma_start3A_1123 : memref<1x50x32xf32, #tpu.memory_space<vmem>> -> memref<50x32xf32, #tpu.memory_space<vmem>>
      tpu.enqueue_dma source(%dma_start3A_1124 : memref<50x32xf32, #tpu.memory_space<vmem>>) target(%dma_start3A_1120 : memref<50x32xf32, #tpu.memory_space<hbm>>) target_semaphore(%arg9 : memref<!tpu.dma_semaphore, #tpu.memory_space<semaphore_mem>>)
      %mul3A_1125 = arith.constant 16 : i32
      %mul3A_1126 = arith.muli %add3A_780, %mul3A_1125 : i32
      %add3A_1127 = arith.addi %mul3A_2, %mul3A_1126 : i32
      %add3A_1128 = arith.constant 10 : i32
      %add3A_1129 = arith.addi %add3A_1127, %add3A_1128 : i32
      %dma_start3A_1130 = arith.constant 0 : i32
      %dma_start3A_1131 = arith.constant 500 : i32
      %dma_start3A_1132 = arith.constant 0 : i32
      %dma_start3A_1133 = tpu.memref_slice %arg6[%dma_start3A_1130, %dma_start3A_1131, %dma_start3A_1132] : memref<2x800x32xf32, #tpu.memory_space<vmem>> -> memref<1x50x32xf32, #tpu.memory_space<vmem>>
      %dma_start3A_1134 = tpu.memref_squeeze %dma_start3A_1133 : memref<1x50x32xf32, #tpu.memory_space<vmem>> -> memref<50x32xf32, #tpu.memory_space<vmem>>
      %dma_start3A_1135 = arith.constant 0 : i32
      %dma_start3A_1136 = arith.constant 0 : i32
      %dma_start3A_1137 = tpu.memref_slice %arg4[%add3A_1129, %dma_start3A_1135, %dma_start3A_1136] : memref<16384x50x32xf32, #tpu.memory_space<hbm>> -> memref<1x50x32xf32, #tpu.memory_space<hbm>>
      %dma_start3A_1138 = tpu.memref_squeeze %dma_start3A_1137 : memref<1x50x32xf32, #tpu.memory_space<hbm>> -> memref<50x32xf32, #tpu.memory_space<hbm>>
      %dma_start3A_1139 = arith.constant 0 : i32
      %dma_start3A_1140 = arith.constant 0 : i32
      %dma_start3A_1141 = tpu.memref_slice %arg4[%add3A_1129, %dma_start3A_1139, %dma_start3A_1140] : memref<16384x50x32xf32, #tpu.memory_space<hbm>> -> memref<1x50x32xf32, #tpu.memory_space<hbm>>
      %dma_start3A_1142 = tpu.memref_squeeze %dma_start3A_1141 : memref<1x50x32xf32, #tpu.memory_space<hbm>> -> memref<50x32xf32, #tpu.memory_space<hbm>>
      %dma_start3A_1143 = arith.constant 500 : i32
      %dma_start3A_1144 = arith.constant 0 : i32
      %dma_start3A_1145 = tpu.memref_slice %arg6[%dma_start3A_1130, %dma_start3A_1143, %dma_start3A_1144] : memref<2x800x32xf32, #tpu.memory_space<vmem>> -> memref<1x50x32xf32, #tpu.memory_space<vmem>>
      %dma_start3A_1146 = tpu.memref_squeeze %dma_start3A_1145 : memref<1x50x32xf32, #tpu.memory_space<vmem>> -> memref<50x32xf32, #tpu.memory_space<vmem>>
      tpu.enqueue_dma source(%dma_start3A_1146 : memref<50x32xf32, #tpu.memory_space<vmem>>) target(%dma_start3A_1142 : memref<50x32xf32, #tpu.memory_space<hbm>>) target_semaphore(%arg9 : memref<!tpu.dma_semaphore, #tpu.memory_space<semaphore_mem>>)
      %mul3A_1147 = arith.constant 16 : i32
      %mul3A_1148 = arith.muli %add3A_780, %mul3A_1147 : i32
      %add3A_1149 = arith.addi %mul3A_2, %mul3A_1148 : i32
      %add3A_1150 = arith.constant 11 : i32
      %add3A_1151 = arith.addi %add3A_1149, %add3A_1150 : i32
      %dma_start3A_1152 = arith.constant 0 : i32
      %dma_start3A_1153 = arith.constant 550 : i32
      %dma_start3A_1154 = arith.constant 0 : i32
      %dma_start3A_1155 = tpu.memref_slice %arg6[%dma_start3A_1152, %dma_start3A_1153, %dma_start3A_1154] : memref<2x800x32xf32, #tpu.memory_space<vmem>> -> memref<1x50x32xf32, #tpu.memory_space<vmem>>
      %dma_start3A_1156 = tpu.memref_squeeze %dma_start3A_1155 : memref<1x50x32xf32, #tpu.memory_space<vmem>> -> memref<50x32xf32, #tpu.memory_space<vmem>>
      %dma_start3A_1157 = arith.constant 0 : i32
      %dma_start3A_1158 = arith.constant 0 : i32
      %dma_start3A_1159 = tpu.memref_slice %arg4[%add3A_1151, %dma_start3A_1157, %dma_start3A_1158] : memref<16384x50x32xf32, #tpu.memory_space<hbm>> -> memref<1x50x32xf32, #tpu.memory_space<hbm>>
      %dma_start3A_1160 = tpu.memref_squeeze %dma_start3A_1159 : memref<1x50x32xf32, #tpu.memory_space<hbm>> -> memref<50x32xf32, #tpu.memory_space<hbm>>
      %dma_start3A_1161 = arith.constant 0 : i32
      %dma_start3A_1162 = arith.constant 0 : i32
      %dma_start3A_1163 = tpu.memref_slice %arg4[%add3A_1151, %dma_start3A_1161, %dma_start3A_1162] : memref<16384x50x32xf32, #tpu.memory_space<hbm>> -> memref<1x50x32xf32, #tpu.memory_space<hbm>>
      %dma_start3A_1164 = tpu.memref_squeeze %dma_start3A_1163 : memref<1x50x32xf32, #tpu.memory_space<hbm>> -> memref<50x32xf32, #tpu.memory_space<hbm>>
      %dma_start3A_1165 = arith.constant 550 : i32
      %dma_start3A_1166 = arith.constant 0 : i32
      %dma_start3A_1167 = tpu.memref_slice %arg6[%dma_start3A_1152, %dma_start3A_1165, %dma_start3A_1166] : memref<2x800x32xf32, #tpu.memory_space<vmem>> -> memref<1x50x32xf32, #tpu.memory_space<vmem>>
      %dma_start3A_1168 = tpu.memref_squeeze %dma_start3A_1167 : memref<1x50x32xf32, #tpu.memory_space<vmem>> -> memref<50x32xf32, #tpu.memory_space<vmem>>
      tpu.enqueue_dma source(%dma_start3A_1168 : memref<50x32xf32, #tpu.memory_space<vmem>>) target(%dma_start3A_1164 : memref<50x32xf32, #tpu.memory_space<hbm>>) target_semaphore(%arg9 : memref<!tpu.dma_semaphore, #tpu.memory_space<semaphore_mem>>)
      %mul3A_1169 = arith.constant 16 : i32
      %mul3A_1170 = arith.muli %add3A_780, %mul3A_1169 : i32
      %add3A_1171 = arith.addi %mul3A_2, %mul3A_1170 : i32
      %add3A_1172 = arith.constant 12 : i32
      %add3A_1173 = arith.addi %add3A_1171, %add3A_1172 : i32
      %dma_start3A_1174 = arith.constant 0 : i32
      %dma_start3A_1175 = arith.constant 600 : i32
      %dma_start3A_1176 = arith.constant 0 : i32
      %dma_start3A_1177 = tpu.memref_slice %arg6[%dma_start3A_1174, %dma_start3A_1175, %dma_start3A_1176] : memref<2x800x32xf32, #tpu.memory_space<vmem>> -> memref<1x50x32xf32, #tpu.memory_space<vmem>>
      %dma_start3A_1178 = tpu.memref_squeeze %dma_start3A_1177 : memref<1x50x32xf32, #tpu.memory_space<vmem>> -> memref<50x32xf32, #tpu.memory_space<vmem>>
      %dma_start3A_1179 = arith.constant 0 : i32
      %dma_start3A_1180 = arith.constant 0 : i32
      %dma_start3A_1181 = tpu.memref_slice %arg4[%add3A_1173, %dma_start3A_1179, %dma_start3A_1180] : memref<16384x50x32xf32, #tpu.memory_space<hbm>> -> memref<1x50x32xf32, #tpu.memory_space<hbm>>
      %dma_start3A_1182 = tpu.memref_squeeze %dma_start3A_1181 : memref<1x50x32xf32, #tpu.memory_space<hbm>> -> memref<50x32xf32, #tpu.memory_space<hbm>>
      %dma_start3A_1183 = arith.constant 0 : i32
      %dma_start3A_1184 = arith.constant 0 : i32
      %dma_start3A_1185 = tpu.memref_slice %arg4[%add3A_1173, %dma_start3A_1183, %dma_start3A_1184] : memref<16384x50x32xf32, #tpu.memory_space<hbm>> -> memref<1x50x32xf32, #tpu.memory_space<hbm>>
      %dma_start3A_1186 = tpu.memref_squeeze %dma_start3A_1185 : memref<1x50x32xf32, #tpu.memory_space<hbm>> -> memref<50x32xf32, #tpu.memory_space<hbm>>
      %dma_start3A_1187 = arith.constant 600 : i32
      %dma_start3A_1188 = arith.constant 0 : i32
      %dma_start3A_1189 = tpu.memref_slice %arg6[%dma_start3A_1174, %dma_start3A_1187, %dma_start3A_1188] : memref<2x800x32xf32, #tpu.memory_space<vmem>> -> memref<1x50x32xf32, #tpu.memory_space<vmem>>
      %dma_start3A_1190 = tpu.memref_squeeze %dma_start3A_1189 : memref<1x50x32xf32, #tpu.memory_space<vmem>> -> memref<50x32xf32, #tpu.memory_space<vmem>>
      tpu.enqueue_dma source(%dma_start3A_1190 : memref<50x32xf32, #tpu.memory_space<vmem>>) target(%dma_start3A_1186 : memref<50x32xf32, #tpu.memory_space<hbm>>) target_semaphore(%arg9 : memref<!tpu.dma_semaphore, #tpu.memory_space<semaphore_mem>>)
      %mul3A_1191 = arith.constant 16 : i32
      %mul3A_1192 = arith.muli %add3A_780, %mul3A_1191 : i32
      %add3A_1193 = arith.addi %mul3A_2, %mul3A_1192 : i32
      %add3A_1194 = arith.constant 13 : i32
      %add3A_1195 = arith.addi %add3A_1193, %add3A_1194 : i32
      %dma_start3A_1196 = arith.constant 0 : i32
      %dma_start3A_1197 = arith.constant 650 : i32
      %dma_start3A_1198 = arith.constant 0 : i32
      %dma_start3A_1199 = tpu.memref_slice %arg6[%dma_start3A_1196, %dma_start3A_1197, %dma_start3A_1198] : memref<2x800x32xf32, #tpu.memory_space<vmem>> -> memref<1x50x32xf32, #tpu.memory_space<vmem>>
      %dma_start3A_1200 = tpu.memref_squeeze %dma_start3A_1199 : memref<1x50x32xf32, #tpu.memory_space<vmem>> -> memref<50x32xf32, #tpu.memory_space<vmem>>
      %dma_start3A_1201 = arith.constant 0 : i32
      %dma_start3A_1202 = arith.constant 0 : i32
      %dma_start3A_1203 = tpu.memref_slice %arg4[%add3A_1195, %dma_start3A_1201, %dma_start3A_1202] : memref<16384x50x32xf32, #tpu.memory_space<hbm>> -> memref<1x50x32xf32, #tpu.memory_space<hbm>>
      %dma_start3A_1204 = tpu.memref_squeeze %dma_start3A_1203 : memref<1x50x32xf32, #tpu.memory_space<hbm>> -> memref<50x32xf32, #tpu.memory_space<hbm>>
      %dma_start3A_1205 = arith.constant 0 : i32
      %dma_start3A_1206 = arith.constant 0 : i32
      %dma_start3A_1207 = tpu.memref_slice %arg4[%add3A_1195, %dma_start3A_1205, %dma_start3A_1206] : memref<16384x50x32xf32, #tpu.memory_space<hbm>> -> memref<1x50x32xf32, #tpu.memory_space<hbm>>
      %dma_start3A_1208 = tpu.memref_squeeze %dma_start3A_1207 : memref<1x50x32xf32, #tpu.memory_space<hbm>> -> memref<50x32xf32, #tpu.memory_space<hbm>>
      %dma_start3A_1209 = arith.constant 650 : i32
      %dma_start3A_1210 = arith.constant 0 : i32
      %dma_start3A_1211 = tpu.memref_slice %arg6[%dma_start3A_1196, %dma_start3A_1209, %dma_start3A_1210] : memref<2x800x32xf32, #tpu.memory_space<vmem>> -> memref<1x50x32xf32, #tpu.memory_space<vmem>>
      %dma_start3A_1212 = tpu.memref_squeeze %dma_start3A_1211 : memref<1x50x32xf32, #tpu.memory_space<vmem>> -> memref<50x32xf32, #tpu.memory_space<vmem>>
      tpu.enqueue_dma source(%dma_start3A_1212 : memref<50x32xf32, #tpu.memory_space<vmem>>) target(%dma_start3A_1208 : memref<50x32xf32, #tpu.memory_space<hbm>>) target_semaphore(%arg9 : memref<!tpu.dma_semaphore, #tpu.memory_space<semaphore_mem>>)
      %mul3A_1213 = arith.constant 16 : i32
      %mul3A_1214 = arith.muli %add3A_780, %mul3A_1213 : i32
      %add3A_1215 = arith.addi %mul3A_2, %mul3A_1214 : i32
      %add3A_1216 = arith.constant 14 : i32
      %add3A_1217 = arith.addi %add3A_1215, %add3A_1216 : i32
      %dma_start3A_1218 = arith.constant 0 : i32
      %dma_start3A_1219 = arith.constant 700 : i32
      %dma_start3A_1220 = arith.constant 0 : i32
      %dma_start3A_1221 = tpu.memref_slice %arg6[%dma_start3A_1218, %dma_start3A_1219, %dma_start3A_1220] : memref<2x800x32xf32, #tpu.memory_space<vmem>> -> memref<1x50x32xf32, #tpu.memory_space<vmem>>
      %dma_start3A_1222 = tpu.memref_squeeze %dma_start3A_1221 : memref<1x50x32xf32, #tpu.memory_space<vmem>> -> memref<50x32xf32, #tpu.memory_space<vmem>>
      %dma_start3A_1223 = arith.constant 0 : i32
      %dma_start3A_1224 = arith.constant 0 : i32
      %dma_start3A_1225 = tpu.memref_slice %arg4[%add3A_1217, %dma_start3A_1223, %dma_start3A_1224] : memref<16384x50x32xf32, #tpu.memory_space<hbm>> -> memref<1x50x32xf32, #tpu.memory_space<hbm>>
      %dma_start3A_1226 = tpu.memref_squeeze %dma_start3A_1225 : memref<1x50x32xf32, #tpu.memory_space<hbm>> -> memref<50x32xf32, #tpu.memory_space<hbm>>
      %dma_start3A_1227 = arith.constant 0 : i32
      %dma_start3A_1228 = arith.constant 0 : i32
      %dma_start3A_1229 = tpu.memref_slice %arg4[%add3A_1217, %dma_start3A_1227, %dma_start3A_1228] : memref<16384x50x32xf32, #tpu.memory_space<hbm>> -> memref<1x50x32xf32, #tpu.memory_space<hbm>>
      %dma_start3A_1230 = tpu.memref_squeeze %dma_start3A_1229 : memref<1x50x32xf32, #tpu.memory_space<hbm>> -> memref<50x32xf32, #tpu.memory_space<hbm>>
      %dma_start3A_1231 = arith.constant 700 : i32
      %dma_start3A_1232 = arith.constant 0 : i32
      %dma_start3A_1233 = tpu.memref_slice %arg6[%dma_start3A_1218, %dma_start3A_1231, %dma_start3A_1232] : memref<2x800x32xf32, #tpu.memory_space<vmem>> -> memref<1x50x32xf32, #tpu.memory_space<vmem>>
      %dma_start3A_1234 = tpu.memref_squeeze %dma_start3A_1233 : memref<1x50x32xf32, #tpu.memory_space<vmem>> -> memref<50x32xf32, #tpu.memory_space<vmem>>
      tpu.enqueue_dma source(%dma_start3A_1234 : memref<50x32xf32, #tpu.memory_space<vmem>>) target(%dma_start3A_1230 : memref<50x32xf32, #tpu.memory_space<hbm>>) target_semaphore(%arg9 : memref<!tpu.dma_semaphore, #tpu.memory_space<semaphore_mem>>)
      %mul3A_1235 = arith.constant 16 : i32
      %mul3A_1236 = arith.muli %add3A_780, %mul3A_1235 : i32
      %add3A_1237 = arith.addi %mul3A_2, %mul3A_1236 : i32
      %add3A_1238 = arith.constant 15 : i32
      %add3A_1239 = arith.addi %add3A_1237, %add3A_1238 : i32
      %dma_start3A_1240 = arith.constant 0 : i32
      %dma_start3A_1241 = arith.constant 750 : i32
      %dma_start3A_1242 = arith.constant 0 : i32
      %dma_start3A_1243 = tpu.memref_slice %arg6[%dma_start3A_1240, %dma_start3A_1241, %dma_start3A_1242] : memref<2x800x32xf32, #tpu.memory_space<vmem>> -> memref<1x50x32xf32, #tpu.memory_space<vmem>>
      %dma_start3A_1244 = tpu.memref_squeeze %dma_start3A_1243 : memref<1x50x32xf32, #tpu.memory_space<vmem>> -> memref<50x32xf32, #tpu.memory_space<vmem>>
      %dma_start3A_1245 = arith.constant 0 : i32
      %dma_start3A_1246 = arith.constant 0 : i32
      %dma_start3A_1247 = tpu.memref_slice %arg4[%add3A_1239, %dma_start3A_1245, %dma_start3A_1246] : memref<16384x50x32xf32, #tpu.memory_space<hbm>> -> memref<1x50x32xf32, #tpu.memory_space<hbm>>
      %dma_start3A_1248 = tpu.memref_squeeze %dma_start3A_1247 : memref<1x50x32xf32, #tpu.memory_space<hbm>> -> memref<50x32xf32, #tpu.memory_space<hbm>>
      %dma_start3A_1249 = arith.constant 0 : i32
      %dma_start3A_1250 = arith.constant 0 : i32
      %dma_start3A_1251 = tpu.memref_slice %arg4[%add3A_1239, %dma_start3A_1249, %dma_start3A_1250] : memref<16384x50x32xf32, #tpu.memory_space<hbm>> -> memref<1x50x32xf32, #tpu.memory_space<hbm>>
      %dma_start3A_1252 = tpu.memref_squeeze %dma_start3A_1251 : memref<1x50x32xf32, #tpu.memory_space<hbm>> -> memref<50x32xf32, #tpu.memory_space<hbm>>
      %dma_start3A_1253 = arith.constant 750 : i32
      %dma_start3A_1254 = arith.constant 0 : i32
      %dma_start3A_1255 = tpu.memref_slice %arg6[%dma_start3A_1240, %dma_start3A_1253, %dma_start3A_1254] : memref<2x800x32xf32, #tpu.memory_space<vmem>> -> memref<1x50x32xf32, #tpu.memory_space<vmem>>
      %dma_start3A_1256 = tpu.memref_squeeze %dma_start3A_1255 : memref<1x50x32xf32, #tpu.memory_space<vmem>> -> memref<50x32xf32, #tpu.memory_space<vmem>>
      tpu.enqueue_dma source(%dma_start3A_1256 : memref<50x32xf32, #tpu.memory_space<vmem>>) target(%dma_start3A_1252 : memref<50x32xf32, #tpu.memory_space<hbm>>) target_semaphore(%arg9 : memref<!tpu.dma_semaphore, #tpu.memory_space<semaphore_mem>>)
      %mul3A_1257 = arith.constant 2 : i32
      %mul3A_1258 = arith.muli %mul3A_1257, %scan3A_775 : i32
      %add3A_1259 = arith.constant 1 : i32
      %add3A_1260 = arith.addi %mul3A_1258, %add3A_1259 : i32
      %add3A_1261 = arith.constant 1 : i32
      %add3A_1262 = arith.addi %add3A_1260, %add3A_1261 : i32
      %lt3A_1263 = arith.constant 32 : i32
      %lt3A_1264 = arith.cmpi slt, %add3A_1262, %lt3A_1263 : i32
      %convert_element_type3A_1265 = arith.extui %lt3A_1264 : i1 to i32
      %cond3A_1266 = arith.constant 0 : i32
      %cond3A_1267 = arith.cmpi ne, %convert_element_type3A_1265, %cond3A_1266 : i32
      scf.if %cond3A_1267 {
        %ge3A = arith.constant 1 : i32
        %ge3A_1741 = arith.cmpi sge, %add3A_1260, %ge3A : i32
        %convert_element_type3A_1742 = arith.extui %ge3A_1741 : i1 to i32
        %cond3A_1743 = arith.constant 0 : i32
        %cond3A_1744 = arith.cmpi ne, %convert_element_type3A_1742, %cond3A_1743 : i32
        scf.if %cond3A_1744 {
          %sub3A = arith.constant 1 : i32
          %sub3A_1867 = arith.subi %add3A_1260, %sub3A : i32
          %mul3A_1868 = arith.constant 16 : i32
          %mul3A_1869 = arith.muli %sub3A_1867, %mul3A_1868 : i32
          %add3A_1870 = arith.addi %mul3A_2, %mul3A_1869 : i32
          %add3A_1871 = arith.constant 0 : i32
          %add3A_1872 = arith.addi %add3A_1870, %add3A_1871 : i32
          %dma_wait3A_1873 = arith.constant 0 : i32
          %dma_wait3A_1874 = arith.constant 0 : i32
          %dma_wait3A_1875 = arith.constant 0 : i32
          %dma_wait3A_1876 = tpu.memref_slice %arg6[%dma_wait3A_1873, %dma_wait3A_1874, %dma_wait3A_1875] : memref<2x800x32xf32, #tpu.memory_space<vmem>> -> memref<1x50x32xf32, #tpu.memory_space<vmem>>
          %dma_wait3A_1877 = tpu.memref_squeeze %dma_wait3A_1876 : memref<1x50x32xf32, #tpu.memory_space<vmem>> -> memref<50x32xf32, #tpu.memory_space<vmem>>
          %dma_wait3A_1878 = arith.constant 0 : i32
          %dma_wait3A_1879 = arith.constant 0 : i32
          %dma_wait3A_1880 = tpu.memref_slice %arg4[%add3A_1872, %dma_wait3A_1878, %dma_wait3A_1879] : memref<16384x50x32xf32, #tpu.memory_space<hbm>> -> memref<1x50x32xf32, #tpu.memory_space<hbm>>
          %dma_wait3A_1881 = tpu.memref_squeeze %dma_wait3A_1880 : memref<1x50x32xf32, #tpu.memory_space<hbm>> -> memref<50x32xf32, #tpu.memory_space<hbm>>
          %dma_wait3A_1882 = arith.constant 0 : i32
          %dma_wait3A_1883 = arith.constant 0 : i32
          %dma_wait3A_1884 = tpu.memref_slice %arg4[%add3A_1872, %dma_wait3A_1882, %dma_wait3A_1883] : memref<16384x50x32xf32, #tpu.memory_space<hbm>> -> memref<1x50x32xf32, #tpu.memory_space<hbm>>
          %dma_wait3A_1885 = tpu.memref_squeeze %dma_wait3A_1884 : memref<1x50x32xf32, #tpu.memory_space<hbm>> -> memref<50x32xf32, #tpu.memory_space<hbm>>
          %dma_wait3A_1886 = arith.constant 0 : i32
          %dma_wait3A_1887 = arith.constant 0 : i32
          %dma_wait3A_1888 = tpu.memref_slice %arg6[%dma_wait3A_1873, %dma_wait3A_1886, %dma_wait3A_1887] : memref<2x800x32xf32, #tpu.memory_space<vmem>> -> memref<1x50x32xf32, #tpu.memory_space<vmem>>
          %dma_wait3A_1889 = tpu.memref_squeeze %dma_wait3A_1888 : memref<1x50x32xf32, #tpu.memory_space<vmem>> -> memref<50x32xf32, #tpu.memory_space<vmem>>
          tpu.wait_dma2 semaphore(%arg9 : memref<!tpu.dma_semaphore, #tpu.memory_space<semaphore_mem>>) src(%dma_wait3A_1889 : memref<50x32xf32, #tpu.memory_space<vmem>>) dst(%dma_wait3A_1885 : memref<50x32xf32, #tpu.memory_space<hbm>>)
          %mul3A_1890 = arith.constant 16 : i32
          %mul3A_1891 = arith.muli %sub3A_1867, %mul3A_1890 : i32
          %add3A_1892 = arith.addi %mul3A_2, %mul3A_1891 : i32
          %add3A_1893 = arith.constant 1 : i32
          %add3A_1894 = arith.addi %add3A_1892, %add3A_1893 : i32
          %dma_wait3A_1895 = arith.constant 0 : i32
          %dma_wait3A_1896 = arith.constant 50 : i32
          %dma_wait3A_1897 = arith.constant 0 : i32
          %dma_wait3A_1898 = tpu.memref_slice %arg6[%dma_wait3A_1895, %dma_wait3A_1896, %dma_wait3A_1897] : memref<2x800x32xf32, #tpu.memory_space<vmem>> -> memref<1x50x32xf32, #tpu.memory_space<vmem>>
          %dma_wait3A_1899 = tpu.memref_squeeze %dma_wait3A_1898 : memref<1x50x32xf32, #tpu.memory_space<vmem>> -> memref<50x32xf32, #tpu.memory_space<vmem>>
          %dma_wait3A_1900 = arith.constant 0 : i32
          %dma_wait3A_1901 = arith.constant 0 : i32
          %dma_wait3A_1902 = tpu.memref_slice %arg4[%add3A_1894, %dma_wait3A_1900, %dma_wait3A_1901] : memref<16384x50x32xf32, #tpu.memory_space<hbm>> -> memref<1x50x32xf32, #tpu.memory_space<hbm>>
          %dma_wait3A_1903 = tpu.memref_squeeze %dma_wait3A_1902 : memref<1x50x32xf32, #tpu.memory_space<hbm>> -> memref<50x32xf32, #tpu.memory_space<hbm>>
          %dma_wait3A_1904 = arith.constant 0 : i32
          %dma_wait3A_1905 = arith.constant 0 : i32
          %dma_wait3A_1906 = tpu.memref_slice %arg4[%add3A_1894, %dma_wait3A_1904, %dma_wait3A_1905] : memref<16384x50x32xf32, #tpu.memory_space<hbm>> -> memref<1x50x32xf32, #tpu.memory_space<hbm>>
          %dma_wait3A_1907 = tpu.memref_squeeze %dma_wait3A_1906 : memref<1x50x32xf32, #tpu.memory_space<hbm>> -> memref<50x32xf32, #tpu.memory_space<hbm>>
          %dma_wait3A_1908 = arith.constant 50 : i32
          %dma_wait3A_1909 = arith.constant 0 : i32
          %dma_wait3A_1910 = tpu.memref_slice %arg6[%dma_wait3A_1895, %dma_wait3A_1908, %dma_wait3A_1909] : memref<2x800x32xf32, #tpu.memory_space<vmem>> -> memref<1x50x32xf32, #tpu.memory_space<vmem>>
          %dma_wait3A_1911 = tpu.memref_squeeze %dma_wait3A_1910 : memref<1x50x32xf32, #tpu.memory_space<vmem>> -> memref<50x32xf32, #tpu.memory_space<vmem>>
          tpu.wait_dma2 semaphore(%arg9 : memref<!tpu.dma_semaphore, #tpu.memory_space<semaphore_mem>>) src(%dma_wait3A_1911 : memref<50x32xf32, #tpu.memory_space<vmem>>) dst(%dma_wait3A_1907 : memref<50x32xf32, #tpu.memory_space<hbm>>)
          %mul3A_1912 = arith.constant 16 : i32
          %mul3A_1913 = arith.muli %sub3A_1867, %mul3A_1912 : i32
          %add3A_1914 = arith.addi %mul3A_2, %mul3A_1913 : i32
          %add3A_1915 = arith.constant 2 : i32
          %add3A_1916 = arith.addi %add3A_1914, %add3A_1915 : i32
          %dma_wait3A_1917 = arith.constant 0 : i32
          %dma_wait3A_1918 = arith.constant 100 : i32
          %dma_wait3A_1919 = arith.constant 0 : i32
          %dma_wait3A_1920 = tpu.memref_slice %arg6[%dma_wait3A_1917, %dma_wait3A_1918, %dma_wait3A_1919] : memref<2x800x32xf32, #tpu.memory_space<vmem>> -> memref<1x50x32xf32, #tpu.memory_space<vmem>>
          %dma_wait3A_1921 = tpu.memref_squeeze %dma_wait3A_1920 : memref<1x50x32xf32, #tpu.memory_space<vmem>> -> memref<50x32xf32, #tpu.memory_space<vmem>>
          %dma_wait3A_1922 = arith.constant 0 : i32
          %dma_wait3A_1923 = arith.constant 0 : i32
          %dma_wait3A_1924 = tpu.memref_slice %arg4[%add3A_1916, %dma_wait3A_1922, %dma_wait3A_1923] : memref<16384x50x32xf32, #tpu.memory_space<hbm>> -> memref<1x50x32xf32, #tpu.memory_space<hbm>>
          %dma_wait3A_1925 = tpu.memref_squeeze %dma_wait3A_1924 : memref<1x50x32xf32, #tpu.memory_space<hbm>> -> memref<50x32xf32, #tpu.memory_space<hbm>>
          %dma_wait3A_1926 = arith.constant 0 : i32
          %dma_wait3A_1927 = arith.constant 0 : i32
          %dma_wait3A_1928 = tpu.memref_slice %arg4[%add3A_1916, %dma_wait3A_1926, %dma_wait3A_1927] : memref<16384x50x32xf32, #tpu.memory_space<hbm>> -> memref<1x50x32xf32, #tpu.memory_space<hbm>>
          %dma_wait3A_1929 = tpu.memref_squeeze %dma_wait3A_1928 : memref<1x50x32xf32, #tpu.memory_space<hbm>> -> memref<50x32xf32, #tpu.memory_space<hbm>>
          %dma_wait3A_1930 = arith.constant 100 : i32
          %dma_wait3A_1931 = arith.constant 0 : i32
          %dma_wait3A_1932 = tpu.memref_slice %arg6[%dma_wait3A_1917, %dma_wait3A_1930, %dma_wait3A_1931] : memref<2x800x32xf32, #tpu.memory_space<vmem>> -> memref<1x50x32xf32, #tpu.memory_space<vmem>>
          %dma_wait3A_1933 = tpu.memref_squeeze %dma_wait3A_1932 : memref<1x50x32xf32, #tpu.memory_space<vmem>> -> memref<50x32xf32, #tpu.memory_space<vmem>>
          tpu.wait_dma2 semaphore(%arg9 : memref<!tpu.dma_semaphore, #tpu.memory_space<semaphore_mem>>) src(%dma_wait3A_1933 : memref<50x32xf32, #tpu.memory_space<vmem>>) dst(%dma_wait3A_1929 : memref<50x32xf32, #tpu.memory_space<hbm>>)
          %mul3A_1934 = arith.constant 16 : i32
          %mul3A_1935 = arith.muli %sub3A_1867, %mul3A_1934 : i32
          %add3A_1936 = arith.addi %mul3A_2, %mul3A_1935 : i32
          %add3A_1937 = arith.constant 3 : i32
          %add3A_1938 = arith.addi %add3A_1936, %add3A_1937 : i32
          %dma_wait3A_1939 = arith.constant 0 : i32
          %dma_wait3A_1940 = arith.constant 150 : i32
          %dma_wait3A_1941 = arith.constant 0 : i32
          %dma_wait3A_1942 = tpu.memref_slice %arg6[%dma_wait3A_1939, %dma_wait3A_1940, %dma_wait3A_1941] : memref<2x800x32xf32, #tpu.memory_space<vmem>> -> memref<1x50x32xf32, #tpu.memory_space<vmem>>
          %dma_wait3A_1943 = tpu.memref_squeeze %dma_wait3A_1942 : memref<1x50x32xf32, #tpu.memory_space<vmem>> -> memref<50x32xf32, #tpu.memory_space<vmem>>
          %dma_wait3A_1944 = arith.constant 0 : i32
          %dma_wait3A_1945 = arith.constant 0 : i32
          %dma_wait3A_1946 = tpu.memref_slice %arg4[%add3A_1938, %dma_wait3A_1944, %dma_wait3A_1945] : memref<16384x50x32xf32, #tpu.memory_space<hbm>> -> memref<1x50x32xf32, #tpu.memory_space<hbm>>
          %dma_wait3A_1947 = tpu.memref_squeeze %dma_wait3A_1946 : memref<1x50x32xf32, #tpu.memory_space<hbm>> -> memref<50x32xf32, #tpu.memory_space<hbm>>
          %dma_wait3A_1948 = arith.constant 0 : i32
          %dma_wait3A_1949 = arith.constant 0 : i32
          %dma_wait3A_1950 = tpu.memref_slice %arg4[%add3A_1938, %dma_wait3A_1948, %dma_wait3A_1949] : memref<16384x50x32xf32, #tpu.memory_space<hbm>> -> memref<1x50x32xf32, #tpu.memory_space<hbm>>
          %dma_wait3A_1951 = tpu.memref_squeeze %dma_wait3A_1950 : memref<1x50x32xf32, #tpu.memory_space<hbm>> -> memref<50x32xf32, #tpu.memory_space<hbm>>
          %dma_wait3A_1952 = arith.constant 150 : i32
          %dma_wait3A_1953 = arith.constant 0 : i32
          %dma_wait3A_1954 = tpu.memref_slice %arg6[%dma_wait3A_1939, %dma_wait3A_1952, %dma_wait3A_1953] : memref<2x800x32xf32, #tpu.memory_space<vmem>> -> memref<1x50x32xf32, #tpu.memory_space<vmem>>
          %dma_wait3A_1955 = tpu.memref_squeeze %dma_wait3A_1954 : memref<1x50x32xf32, #tpu.memory_space<vmem>> -> memref<50x32xf32, #tpu.memory_space<vmem>>
          tpu.wait_dma2 semaphore(%arg9 : memref<!tpu.dma_semaphore, #tpu.memory_space<semaphore_mem>>) src(%dma_wait3A_1955 : memref<50x32xf32, #tpu.memory_space<vmem>>) dst(%dma_wait3A_1951 : memref<50x32xf32, #tpu.memory_space<hbm>>)
          %mul3A_1956 = arith.constant 16 : i32
          %mul3A_1957 = arith.muli %sub3A_1867, %mul3A_1956 : i32
          %add3A_1958 = arith.addi %mul3A_2, %mul3A_1957 : i32
          %add3A_1959 = arith.constant 4 : i32
          %add3A_1960 = arith.addi %add3A_1958, %add3A_1959 : i32
          %dma_wait3A_1961 = arith.constant 0 : i32
          %dma_wait3A_1962 = arith.constant 200 : i32
          %dma_wait3A_1963 = arith.constant 0 : i32
          %dma_wait3A_1964 = tpu.memref_slice %arg6[%dma_wait3A_1961, %dma_wait3A_1962, %dma_wait3A_1963] : memref<2x800x32xf32, #tpu.memory_space<vmem>> -> memref<1x50x32xf32, #tpu.memory_space<vmem>>
          %dma_wait3A_1965 = tpu.memref_squeeze %dma_wait3A_1964 : memref<1x50x32xf32, #tpu.memory_space<vmem>> -> memref<50x32xf32, #tpu.memory_space<vmem>>
          %dma_wait3A_1966 = arith.constant 0 : i32
          %dma_wait3A_1967 = arith.constant 0 : i32
          %dma_wait3A_1968 = tpu.memref_slice %arg4[%add3A_1960, %dma_wait3A_1966, %dma_wait3A_1967] : memref<16384x50x32xf32, #tpu.memory_space<hbm>> -> memref<1x50x32xf32, #tpu.memory_space<hbm>>
          %dma_wait3A_1969 = tpu.memref_squeeze %dma_wait3A_1968 : memref<1x50x32xf32, #tpu.memory_space<hbm>> -> memref<50x32xf32, #tpu.memory_space<hbm>>
          %dma_wait3A_1970 = arith.constant 0 : i32
          %dma_wait3A_1971 = arith.constant 0 : i32
          %dma_wait3A_1972 = tpu.memref_slice %arg4[%add3A_1960, %dma_wait3A_1970, %dma_wait3A_1971] : memref<16384x50x32xf32, #tpu.memory_space<hbm>> -> memref<1x50x32xf32, #tpu.memory_space<hbm>>
          %dma_wait3A_1973 = tpu.memref_squeeze %dma_wait3A_1972 : memref<1x50x32xf32, #tpu.memory_space<hbm>> -> memref<50x32xf32, #tpu.memory_space<hbm>>
          %dma_wait3A_1974 = arith.constant 200 : i32
          %dma_wait3A_1975 = arith.constant 0 : i32
          %dma_wait3A_1976 = tpu.memref_slice %arg6[%dma_wait3A_1961, %dma_wait3A_1974, %dma_wait3A_1975] : memref<2x800x32xf32, #tpu.memory_space<vmem>> -> memref<1x50x32xf32, #tpu.memory_space<vmem>>
          %dma_wait3A_1977 = tpu.memref_squeeze %dma_wait3A_1976 : memref<1x50x32xf32, #tpu.memory_space<vmem>> -> memref<50x32xf32, #tpu.memory_space<vmem>>
          tpu.wait_dma2 semaphore(%arg9 : memref<!tpu.dma_semaphore, #tpu.memory_space<semaphore_mem>>) src(%dma_wait3A_1977 : memref<50x32xf32, #tpu.memory_space<vmem>>) dst(%dma_wait3A_1973 : memref<50x32xf32, #tpu.memory_space<hbm>>)
          %mul3A_1978 = arith.constant 16 : i32
          %mul3A_1979 = arith.muli %sub3A_1867, %mul3A_1978 : i32
          %add3A_1980 = arith.addi %mul3A_2, %mul3A_1979 : i32
          %add3A_1981 = arith.constant 5 : i32
          %add3A_1982 = arith.addi %add3A_1980, %add3A_1981 : i32
          %dma_wait3A_1983 = arith.constant 0 : i32
          %dma_wait3A_1984 = arith.constant 250 : i32
          %dma_wait3A_1985 = arith.constant 0 : i32
          %dma_wait3A_1986 = tpu.memref_slice %arg6[%dma_wait3A_1983, %dma_wait3A_1984, %dma_wait3A_1985] : memref<2x800x32xf32, #tpu.memory_space<vmem>> -> memref<1x50x32xf32, #tpu.memory_space<vmem>>
          %dma_wait3A_1987 = tpu.memref_squeeze %dma_wait3A_1986 : memref<1x50x32xf32, #tpu.memory_space<vmem>> -> memref<50x32xf32, #tpu.memory_space<vmem>>
          %dma_wait3A_1988 = arith.constant 0 : i32
          %dma_wait3A_1989 = arith.constant 0 : i32
          %dma_wait3A_1990 = tpu.memref_slice %arg4[%add3A_1982, %dma_wait3A_1988, %dma_wait3A_1989] : memref<16384x50x32xf32, #tpu.memory_space<hbm>> -> memref<1x50x32xf32, #tpu.memory_space<hbm>>
          %dma_wait3A_1991 = tpu.memref_squeeze %dma_wait3A_1990 : memref<1x50x32xf32, #tpu.memory_space<hbm>> -> memref<50x32xf32, #tpu.memory_space<hbm>>
          %dma_wait3A_1992 = arith.constant 0 : i32
          %dma_wait3A_1993 = arith.constant 0 : i32
          %dma_wait3A_1994 = tpu.memref_slice %arg4[%add3A_1982, %dma_wait3A_1992, %dma_wait3A_1993] : memref<16384x50x32xf32, #tpu.memory_space<hbm>> -> memref<1x50x32xf32, #tpu.memory_space<hbm>>
          %dma_wait3A_1995 = tpu.memref_squeeze %dma_wait3A_1994 : memref<1x50x32xf32, #tpu.memory_space<hbm>> -> memref<50x32xf32, #tpu.memory_space<hbm>>
          %dma_wait3A_1996 = arith.constant 250 : i32
          %dma_wait3A_1997 = arith.constant 0 : i32
          %dma_wait3A_1998 = tpu.memref_slice %arg6[%dma_wait3A_1983, %dma_wait3A_1996, %dma_wait3A_1997] : memref<2x800x32xf32, #tpu.memory_space<vmem>> -> memref<1x50x32xf32, #tpu.memory_space<vmem>>
          %dma_wait3A_1999 = tpu.memref_squeeze %dma_wait3A_1998 : memref<1x50x32xf32, #tpu.memory_space<vmem>> -> memref<50x32xf32, #tpu.memory_space<vmem>>
          tpu.wait_dma2 semaphore(%arg9 : memref<!tpu.dma_semaphore, #tpu.memory_space<semaphore_mem>>) src(%dma_wait3A_1999 : memref<50x32xf32, #tpu.memory_space<vmem>>) dst(%dma_wait3A_1995 : memref<50x32xf32, #tpu.memory_space<hbm>>)
          %mul3A_2000 = arith.constant 16 : i32
          %mul3A_2001 = arith.muli %sub3A_1867, %mul3A_2000 : i32
          %add3A_2002 = arith.addi %mul3A_2, %mul3A_2001 : i32
          %add3A_2003 = arith.constant 6 : i32
          %add3A_2004 = arith.addi %add3A_2002, %add3A_2003 : i32
          %dma_wait3A_2005 = arith.constant 0 : i32
          %dma_wait3A_2006 = arith.constant 300 : i32
          %dma_wait3A_2007 = arith.constant 0 : i32
          %dma_wait3A_2008 = tpu.memref_slice %arg6[%dma_wait3A_2005, %dma_wait3A_2006, %dma_wait3A_2007] : memref<2x800x32xf32, #tpu.memory_space<vmem>> -> memref<1x50x32xf32, #tpu.memory_space<vmem>>
          %dma_wait3A_2009 = tpu.memref_squeeze %dma_wait3A_2008 : memref<1x50x32xf32, #tpu.memory_space<vmem>> -> memref<50x32xf32, #tpu.memory_space<vmem>>
          %dma_wait3A_2010 = arith.constant 0 : i32
          %dma_wait3A_2011 = arith.constant 0 : i32
          %dma_wait3A_2012 = tpu.memref_slice %arg4[%add3A_2004, %dma_wait3A_2010, %dma_wait3A_2011] : memref<16384x50x32xf32, #tpu.memory_space<hbm>> -> memref<1x50x32xf32, #tpu.memory_space<hbm>>
          %dma_wait3A_2013 = tpu.memref_squeeze %dma_wait3A_2012 : memref<1x50x32xf32, #tpu.memory_space<hbm>> -> memref<50x32xf32, #tpu.memory_space<hbm>>
          %dma_wait3A_2014 = arith.constant 0 : i32
          %dma_wait3A_2015 = arith.constant 0 : i32
          %dma_wait3A_2016 = tpu.memref_slice %arg4[%add3A_2004, %dma_wait3A_2014, %dma_wait3A_2015] : memref<16384x50x32xf32, #tpu.memory_space<hbm>> -> memref<1x50x32xf32, #tpu.memory_space<hbm>>
          %dma_wait3A_2017 = tpu.memref_squeeze %dma_wait3A_2016 : memref<1x50x32xf32, #tpu.memory_space<hbm>> -> memref<50x32xf32, #tpu.memory_space<hbm>>
          %dma_wait3A_2018 = arith.constant 300 : i32
          %dma_wait3A_2019 = arith.constant 0 : i32
          %dma_wait3A_2020 = tpu.memref_slice %arg6[%dma_wait3A_2005, %dma_wait3A_2018, %dma_wait3A_2019] : memref<2x800x32xf32, #tpu.memory_space<vmem>> -> memref<1x50x32xf32, #tpu.memory_space<vmem>>
          %dma_wait3A_2021 = tpu.memref_squeeze %dma_wait3A_2020 : memref<1x50x32xf32, #tpu.memory_space<vmem>> -> memref<50x32xf32, #tpu.memory_space<vmem>>
          tpu.wait_dma2 semaphore(%arg9 : memref<!tpu.dma_semaphore, #tpu.memory_space<semaphore_mem>>) src(%dma_wait3A_2021 : memref<50x32xf32, #tpu.memory_space<vmem>>) dst(%dma_wait3A_2017 : memref<50x32xf32, #tpu.memory_space<hbm>>)
          %mul3A_2022 = arith.constant 16 : i32
          %mul3A_2023 = arith.muli %sub3A_1867, %mul3A_2022 : i32
          %add3A_2024 = arith.addi %mul3A_2, %mul3A_2023 : i32
          %add3A_2025 = arith.constant 7 : i32
          %add3A_2026 = arith.addi %add3A_2024, %add3A_2025 : i32
          %dma_wait3A_2027 = arith.constant 0 : i32
          %dma_wait3A_2028 = arith.constant 350 : i32
          %dma_wait3A_2029 = arith.constant 0 : i32
          %dma_wait3A_2030 = tpu.memref_slice %arg6[%dma_wait3A_2027, %dma_wait3A_2028, %dma_wait3A_2029] : memref<2x800x32xf32, #tpu.memory_space<vmem>> -> memref<1x50x32xf32, #tpu.memory_space<vmem>>
          %dma_wait3A_2031 = tpu.memref_squeeze %dma_wait3A_2030 : memref<1x50x32xf32, #tpu.memory_space<vmem>> -> memref<50x32xf32, #tpu.memory_space<vmem>>
          %dma_wait3A_2032 = arith.constant 0 : i32
          %dma_wait3A_2033 = arith.constant 0 : i32
          %dma_wait3A_2034 = tpu.memref_slice %arg4[%add3A_2026, %dma_wait3A_2032, %dma_wait3A_2033] : memref<16384x50x32xf32, #tpu.memory_space<hbm>> -> memref<1x50x32xf32, #tpu.memory_space<hbm>>
          %dma_wait3A_2035 = tpu.memref_squeeze %dma_wait3A_2034 : memref<1x50x32xf32, #tpu.memory_space<hbm>> -> memref<50x32xf32, #tpu.memory_space<hbm>>
          %dma_wait3A_2036 = arith.constant 0 : i32
          %dma_wait3A_2037 = arith.constant 0 : i32
          %dma_wait3A_2038 = tpu.memref_slice %arg4[%add3A_2026, %dma_wait3A_2036, %dma_wait3A_2037] : memref<16384x50x32xf32, #tpu.memory_space<hbm>> -> memref<1x50x32xf32, #tpu.memory_space<hbm>>
          %dma_wait3A_2039 = tpu.memref_squeeze %dma_wait3A_2038 : memref<1x50x32xf32, #tpu.memory_space<hbm>> -> memref<50x32xf32, #tpu.memory_space<hbm>>
          %dma_wait3A_2040 = arith.constant 350 : i32
          %dma_wait3A_2041 = arith.constant 0 : i32
          %dma_wait3A_2042 = tpu.memref_slice %arg6[%dma_wait3A_2027, %dma_wait3A_2040, %dma_wait3A_2041] : memref<2x800x32xf32, #tpu.memory_space<vmem>> -> memref<1x50x32xf32, #tpu.memory_space<vmem>>
          %dma_wait3A_2043 = tpu.memref_squeeze %dma_wait3A_2042 : memref<1x50x32xf32, #tpu.memory_space<vmem>> -> memref<50x32xf32, #tpu.memory_space<vmem>>
          tpu.wait_dma2 semaphore(%arg9 : memref<!tpu.dma_semaphore, #tpu.memory_space<semaphore_mem>>) src(%dma_wait3A_2043 : memref<50x32xf32, #tpu.memory_space<vmem>>) dst(%dma_wait3A_2039 : memref<50x32xf32, #tpu.memory_space<hbm>>)
          %mul3A_2044 = arith.constant 16 : i32
          %mul3A_2045 = arith.muli %sub3A_1867, %mul3A_2044 : i32
          %add3A_2046 = arith.addi %mul3A_2, %mul3A_2045 : i32
          %add3A_2047 = arith.constant 8 : i32
          %add3A_2048 = arith.addi %add3A_2046, %add3A_2047 : i32
          %dma_wait3A_2049 = arith.constant 0 : i32
          %dma_wait3A_2050 = arith.constant 400 : i32
          %dma_wait3A_2051 = arith.constant 0 : i32
          %dma_wait3A_2052 = tpu.memref_slice %arg6[%dma_wait3A_2049, %dma_wait3A_2050, %dma_wait3A_2051] : memref<2x800x32xf32, #tpu.memory_space<vmem>> -> memref<1x50x32xf32, #tpu.memory_space<vmem>>
          %dma_wait3A_2053 = tpu.memref_squeeze %dma_wait3A_2052 : memref<1x50x32xf32, #tpu.memory_space<vmem>> -> memref<50x32xf32, #tpu.memory_space<vmem>>
          %dma_wait3A_2054 = arith.constant 0 : i32
          %dma_wait3A_2055 = arith.constant 0 : i32
          %dma_wait3A_2056 = tpu.memref_slice %arg4[%add3A_2048, %dma_wait3A_2054, %dma_wait3A_2055] : memref<16384x50x32xf32, #tpu.memory_space<hbm>> -> memref<1x50x32xf32, #tpu.memory_space<hbm>>
          %dma_wait3A_2057 = tpu.memref_squeeze %dma_wait3A_2056 : memref<1x50x32xf32, #tpu.memory_space<hbm>> -> memref<50x32xf32, #tpu.memory_space<hbm>>
          %dma_wait3A_2058 = arith.constant 0 : i32
          %dma_wait3A_2059 = arith.constant 0 : i32
          %dma_wait3A_2060 = tpu.memref_slice %arg4[%add3A_2048, %dma_wait3A_2058, %dma_wait3A_2059] : memref<16384x50x32xf32, #tpu.memory_space<hbm>> -> memref<1x50x32xf32, #tpu.memory_space<hbm>>
          %dma_wait3A_2061 = tpu.memref_squeeze %dma_wait3A_2060 : memref<1x50x32xf32, #tpu.memory_space<hbm>> -> memref<50x32xf32, #tpu.memory_space<hbm>>
          %dma_wait3A_2062 = arith.constant 400 : i32
          %dma_wait3A_2063 = arith.constant 0 : i32
          %dma_wait3A_2064 = tpu.memref_slice %arg6[%dma_wait3A_2049, %dma_wait3A_2062, %dma_wait3A_2063] : memref<2x800x32xf32, #tpu.memory_space<vmem>> -> memref<1x50x32xf32, #tpu.memory_space<vmem>>
          %dma_wait3A_2065 = tpu.memref_squeeze %dma_wait3A_2064 : memref<1x50x32xf32, #tpu.memory_space<vmem>> -> memref<50x32xf32, #tpu.memory_space<vmem>>
          tpu.wait_dma2 semaphore(%arg9 : memref<!tpu.dma_semaphore, #tpu.memory_space<semaphore_mem>>) src(%dma_wait3A_2065 : memref<50x32xf32, #tpu.memory_space<vmem>>) dst(%dma_wait3A_2061 : memref<50x32xf32, #tpu.memory_space<hbm>>)
          %mul3A_2066 = arith.constant 16 : i32
          %mul3A_2067 = arith.muli %sub3A_1867, %mul3A_2066 : i32
          %add3A_2068 = arith.addi %mul3A_2, %mul3A_2067 : i32
          %add3A_2069 = arith.constant 9 : i32
          %add3A_2070 = arith.addi %add3A_2068, %add3A_2069 : i32
          %dma_wait3A_2071 = arith.constant 0 : i32
          %dma_wait3A_2072 = arith.constant 450 : i32
          %dma_wait3A_2073 = arith.constant 0 : i32
          %dma_wait3A_2074 = tpu.memref_slice %arg6[%dma_wait3A_2071, %dma_wait3A_2072, %dma_wait3A_2073] : memref<2x800x32xf32, #tpu.memory_space<vmem>> -> memref<1x50x32xf32, #tpu.memory_space<vmem>>
          %dma_wait3A_2075 = tpu.memref_squeeze %dma_wait3A_2074 : memref<1x50x32xf32, #tpu.memory_space<vmem>> -> memref<50x32xf32, #tpu.memory_space<vmem>>
          %dma_wait3A_2076 = arith.constant 0 : i32
          %dma_wait3A_2077 = arith.constant 0 : i32
          %dma_wait3A_2078 = tpu.memref_slice %arg4[%add3A_2070, %dma_wait3A_2076, %dma_wait3A_2077] : memref<16384x50x32xf32, #tpu.memory_space<hbm>> -> memref<1x50x32xf32, #tpu.memory_space<hbm>>
          %dma_wait3A_2079 = tpu.memref_squeeze %dma_wait3A_2078 : memref<1x50x32xf32, #tpu.memory_space<hbm>> -> memref<50x32xf32, #tpu.memory_space<hbm>>
          %dma_wait3A_2080 = arith.constant 0 : i32
          %dma_wait3A_2081 = arith.constant 0 : i32
          %dma_wait3A_2082 = tpu.memref_slice %arg4[%add3A_2070, %dma_wait3A_2080, %dma_wait3A_2081] : memref<16384x50x32xf32, #tpu.memory_space<hbm>> -> memref<1x50x32xf32, #tpu.memory_space<hbm>>
          %dma_wait3A_2083 = tpu.memref_squeeze %dma_wait3A_2082 : memref<1x50x32xf32, #tpu.memory_space<hbm>> -> memref<50x32xf32, #tpu.memory_space<hbm>>
          %dma_wait3A_2084 = arith.constant 450 : i32
          %dma_wait3A_2085 = arith.constant 0 : i32
          %dma_wait3A_2086 = tpu.memref_slice %arg6[%dma_wait3A_2071, %dma_wait3A_2084, %dma_wait3A_2085] : memref<2x800x32xf32, #tpu.memory_space<vmem>> -> memref<1x50x32xf32, #tpu.memory_space<vmem>>
          %dma_wait3A_2087 = tpu.memref_squeeze %dma_wait3A_2086 : memref<1x50x32xf32, #tpu.memory_space<vmem>> -> memref<50x32xf32, #tpu.memory_space<vmem>>
          tpu.wait_dma2 semaphore(%arg9 : memref<!tpu.dma_semaphore, #tpu.memory_space<semaphore_mem>>) src(%dma_wait3A_2087 : memref<50x32xf32, #tpu.memory_space<vmem>>) dst(%dma_wait3A_2083 : memref<50x32xf32, #tpu.memory_space<hbm>>)
          %mul3A_2088 = arith.constant 16 : i32
          %mul3A_2089 = arith.muli %sub3A_1867, %mul3A_2088 : i32
          %add3A_2090 = arith.addi %mul3A_2, %mul3A_2089 : i32
          %add3A_2091 = arith.constant 10 : i32
          %add3A_2092 = arith.addi %add3A_2090, %add3A_2091 : i32
          %dma_wait3A_2093 = arith.constant 0 : i32
          %dma_wait3A_2094 = arith.constant 500 : i32
          %dma_wait3A_2095 = arith.constant 0 : i32
          %dma_wait3A_2096 = tpu.memref_slice %arg6[%dma_wait3A_2093, %dma_wait3A_2094, %dma_wait3A_2095] : memref<2x800x32xf32, #tpu.memory_space<vmem>> -> memref<1x50x32xf32, #tpu.memory_space<vmem>>
          %dma_wait3A_2097 = tpu.memref_squeeze %dma_wait3A_2096 : memref<1x50x32xf32, #tpu.memory_space<vmem>> -> memref<50x32xf32, #tpu.memory_space<vmem>>
          %dma_wait3A_2098 = arith.constant 0 : i32
          %dma_wait3A_2099 = arith.constant 0 : i32
          %dma_wait3A_2100 = tpu.memref_slice %arg4[%add3A_2092, %dma_wait3A_2098, %dma_wait3A_2099] : memref<16384x50x32xf32, #tpu.memory_space<hbm>> -> memref<1x50x32xf32, #tpu.memory_space<hbm>>
          %dma_wait3A_2101 = tpu.memref_squeeze %dma_wait3A_2100 : memref<1x50x32xf32, #tpu.memory_space<hbm>> -> memref<50x32xf32, #tpu.memory_space<hbm>>
          %dma_wait3A_2102 = arith.constant 0 : i32
          %dma_wait3A_2103 = arith.constant 0 : i32
          %dma_wait3A_2104 = tpu.memref_slice %arg4[%add3A_2092, %dma_wait3A_2102, %dma_wait3A_2103] : memref<16384x50x32xf32, #tpu.memory_space<hbm>> -> memref<1x50x32xf32, #tpu.memory_space<hbm>>
          %dma_wait3A_2105 = tpu.memref_squeeze %dma_wait3A_2104 : memref<1x50x32xf32, #tpu.memory_space<hbm>> -> memref<50x32xf32, #tpu.memory_space<hbm>>
          %dma_wait3A_2106 = arith.constant 500 : i32
          %dma_wait3A_2107 = arith.constant 0 : i32
          %dma_wait3A_2108 = tpu.memref_slice %arg6[%dma_wait3A_2093, %dma_wait3A_2106, %dma_wait3A_2107] : memref<2x800x32xf32, #tpu.memory_space<vmem>> -> memref<1x50x32xf32, #tpu.memory_space<vmem>>
          %dma_wait3A_2109 = tpu.memref_squeeze %dma_wait3A_2108 : memref<1x50x32xf32, #tpu.memory_space<vmem>> -> memref<50x32xf32, #tpu.memory_space<vmem>>
          tpu.wait_dma2 semaphore(%arg9 : memref<!tpu.dma_semaphore, #tpu.memory_space<semaphore_mem>>) src(%dma_wait3A_2109 : memref<50x32xf32, #tpu.memory_space<vmem>>) dst(%dma_wait3A_2105 : memref<50x32xf32, #tpu.memory_space<hbm>>)
          %mul3A_2110 = arith.constant 16 : i32
          %mul3A_2111 = arith.muli %sub3A_1867, %mul3A_2110 : i32
          %add3A_2112 = arith.addi %mul3A_2, %mul3A_2111 : i32
          %add3A_2113 = arith.constant 11 : i32
          %add3A_2114 = arith.addi %add3A_2112, %add3A_2113 : i32
          %dma_wait3A_2115 = arith.constant 0 : i32
          %dma_wait3A_2116 = arith.constant 550 : i32
          %dma_wait3A_2117 = arith.constant 0 : i32
          %dma_wait3A_2118 = tpu.memref_slice %arg6[%dma_wait3A_2115, %dma_wait3A_2116, %dma_wait3A_2117] : memref<2x800x32xf32, #tpu.memory_space<vmem>> -> memref<1x50x32xf32, #tpu.memory_space<vmem>>
          %dma_wait3A_2119 = tpu.memref_squeeze %dma_wait3A_2118 : memref<1x50x32xf32, #tpu.memory_space<vmem>> -> memref<50x32xf32, #tpu.memory_space<vmem>>
          %dma_wait3A_2120 = arith.constant 0 : i32
          %dma_wait3A_2121 = arith.constant 0 : i32
          %dma_wait3A_2122 = tpu.memref_slice %arg4[%add3A_2114, %dma_wait3A_2120, %dma_wait3A_2121] : memref<16384x50x32xf32, #tpu.memory_space<hbm>> -> memref<1x50x32xf32, #tpu.memory_space<hbm>>
          %dma_wait3A_2123 = tpu.memref_squeeze %dma_wait3A_2122 : memref<1x50x32xf32, #tpu.memory_space<hbm>> -> memref<50x32xf32, #tpu.memory_space<hbm>>
          %dma_wait3A_2124 = arith.constant 0 : i32
          %dma_wait3A_2125 = arith.constant 0 : i32
          %dma_wait3A_2126 = tpu.memref_slice %arg4[%add3A_2114, %dma_wait3A_2124, %dma_wait3A_2125] : memref<16384x50x32xf32, #tpu.memory_space<hbm>> -> memref<1x50x32xf32, #tpu.memory_space<hbm>>
          %dma_wait3A_2127 = tpu.memref_squeeze %dma_wait3A_2126 : memref<1x50x32xf32, #tpu.memory_space<hbm>> -> memref<50x32xf32, #tpu.memory_space<hbm>>
          %dma_wait3A_2128 = arith.constant 550 : i32
          %dma_wait3A_2129 = arith.constant 0 : i32
          %dma_wait3A_2130 = tpu.memref_slice %arg6[%dma_wait3A_2115, %dma_wait3A_2128, %dma_wait3A_2129] : memref<2x800x32xf32, #tpu.memory_space<vmem>> -> memref<1x50x32xf32, #tpu.memory_space<vmem>>
          %dma_wait3A_2131 = tpu.memref_squeeze %dma_wait3A_2130 : memref<1x50x32xf32, #tpu.memory_space<vmem>> -> memref<50x32xf32, #tpu.memory_space<vmem>>
          tpu.wait_dma2 semaphore(%arg9 : memref<!tpu.dma_semaphore, #tpu.memory_space<semaphore_mem>>) src(%dma_wait3A_2131 : memref<50x32xf32, #tpu.memory_space<vmem>>) dst(%dma_wait3A_2127 : memref<50x32xf32, #tpu.memory_space<hbm>>)
          %mul3A_2132 = arith.constant 16 : i32
          %mul3A_2133 = arith.muli %sub3A_1867, %mul3A_2132 : i32
          %add3A_2134 = arith.addi %mul3A_2, %mul3A_2133 : i32
          %add3A_2135 = arith.constant 12 : i32
          %add3A_2136 = arith.addi %add3A_2134, %add3A_2135 : i32
          %dma_wait3A_2137 = arith.constant 0 : i32
          %dma_wait3A_2138 = arith.constant 600 : i32
          %dma_wait3A_2139 = arith.constant 0 : i32
          %dma_wait3A_2140 = tpu.memref_slice %arg6[%dma_wait3A_2137, %dma_wait3A_2138, %dma_wait3A_2139] : memref<2x800x32xf32, #tpu.memory_space<vmem>> -> memref<1x50x32xf32, #tpu.memory_space<vmem>>
          %dma_wait3A_2141 = tpu.memref_squeeze %dma_wait3A_2140 : memref<1x50x32xf32, #tpu.memory_space<vmem>> -> memref<50x32xf32, #tpu.memory_space<vmem>>
          %dma_wait3A_2142 = arith.constant 0 : i32
          %dma_wait3A_2143 = arith.constant 0 : i32
          %dma_wait3A_2144 = tpu.memref_slice %arg4[%add3A_2136, %dma_wait3A_2142, %dma_wait3A_2143] : memref<16384x50x32xf32, #tpu.memory_space<hbm>> -> memref<1x50x32xf32, #tpu.memory_space<hbm>>
          %dma_wait3A_2145 = tpu.memref_squeeze %dma_wait3A_2144 : memref<1x50x32xf32, #tpu.memory_space<hbm>> -> memref<50x32xf32, #tpu.memory_space<hbm>>
          %dma_wait3A_2146 = arith.constant 0 : i32
          %dma_wait3A_2147 = arith.constant 0 : i32
          %dma_wait3A_2148 = tpu.memref_slice %arg4[%add3A_2136, %dma_wait3A_2146, %dma_wait3A_2147] : memref<16384x50x32xf32, #tpu.memory_space<hbm>> -> memref<1x50x32xf32, #tpu.memory_space<hbm>>
          %dma_wait3A_2149 = tpu.memref_squeeze %dma_wait3A_2148 : memref<1x50x32xf32, #tpu.memory_space<hbm>> -> memref<50x32xf32, #tpu.memory_space<hbm>>
          %dma_wait3A_2150 = arith.constant 600 : i32
          %dma_wait3A_2151 = arith.constant 0 : i32
          %dma_wait3A_2152 = tpu.memref_slice %arg6[%dma_wait3A_2137, %dma_wait3A_2150, %dma_wait3A_2151] : memref<2x800x32xf32, #tpu.memory_space<vmem>> -> memref<1x50x32xf32, #tpu.memory_space<vmem>>
          %dma_wait3A_2153 = tpu.memref_squeeze %dma_wait3A_2152 : memref<1x50x32xf32, #tpu.memory_space<vmem>> -> memref<50x32xf32, #tpu.memory_space<vmem>>
          tpu.wait_dma2 semaphore(%arg9 : memref<!tpu.dma_semaphore, #tpu.memory_space<semaphore_mem>>) src(%dma_wait3A_2153 : memref<50x32xf32, #tpu.memory_space<vmem>>) dst(%dma_wait3A_2149 : memref<50x32xf32, #tpu.memory_space<hbm>>)
          %mul3A_2154 = arith.constant 16 : i32
          %mul3A_2155 = arith.muli %sub3A_1867, %mul3A_2154 : i32
          %add3A_2156 = arith.addi %mul3A_2, %mul3A_2155 : i32
          %add3A_2157 = arith.constant 13 : i32
          %add3A_2158 = arith.addi %add3A_2156, %add3A_2157 : i32
          %dma_wait3A_2159 = arith.constant 0 : i32
          %dma_wait3A_2160 = arith.constant 650 : i32
          %dma_wait3A_2161 = arith.constant 0 : i32
          %dma_wait3A_2162 = tpu.memref_slice %arg6[%dma_wait3A_2159, %dma_wait3A_2160, %dma_wait3A_2161] : memref<2x800x32xf32, #tpu.memory_space<vmem>> -> memref<1x50x32xf32, #tpu.memory_space<vmem>>
          %dma_wait3A_2163 = tpu.memref_squeeze %dma_wait3A_2162 : memref<1x50x32xf32, #tpu.memory_space<vmem>> -> memref<50x32xf32, #tpu.memory_space<vmem>>
          %dma_wait3A_2164 = arith.constant 0 : i32
          %dma_wait3A_2165 = arith.constant 0 : i32
          %dma_wait3A_2166 = tpu.memref_slice %arg4[%add3A_2158, %dma_wait3A_2164, %dma_wait3A_2165] : memref<16384x50x32xf32, #tpu.memory_space<hbm>> -> memref<1x50x32xf32, #tpu.memory_space<hbm>>
          %dma_wait3A_2167 = tpu.memref_squeeze %dma_wait3A_2166 : memref<1x50x32xf32, #tpu.memory_space<hbm>> -> memref<50x32xf32, #tpu.memory_space<hbm>>
          %dma_wait3A_2168 = arith.constant 0 : i32
          %dma_wait3A_2169 = arith.constant 0 : i32
          %dma_wait3A_2170 = tpu.memref_slice %arg4[%add3A_2158, %dma_wait3A_2168, %dma_wait3A_2169] : memref<16384x50x32xf32, #tpu.memory_space<hbm>> -> memref<1x50x32xf32, #tpu.memory_space<hbm>>
          %dma_wait3A_2171 = tpu.memref_squeeze %dma_wait3A_2170 : memref<1x50x32xf32, #tpu.memory_space<hbm>> -> memref<50x32xf32, #tpu.memory_space<hbm>>
          %dma_wait3A_2172 = arith.constant 650 : i32
          %dma_wait3A_2173 = arith.constant 0 : i32
          %dma_wait3A_2174 = tpu.memref_slice %arg6[%dma_wait3A_2159, %dma_wait3A_2172, %dma_wait3A_2173] : memref<2x800x32xf32, #tpu.memory_space<vmem>> -> memref<1x50x32xf32, #tpu.memory_space<vmem>>
          %dma_wait3A_2175 = tpu.memref_squeeze %dma_wait3A_2174 : memref<1x50x32xf32, #tpu.memory_space<vmem>> -> memref<50x32xf32, #tpu.memory_space<vmem>>
          tpu.wait_dma2 semaphore(%arg9 : memref<!tpu.dma_semaphore, #tpu.memory_space<semaphore_mem>>) src(%dma_wait3A_2175 : memref<50x32xf32, #tpu.memory_space<vmem>>) dst(%dma_wait3A_2171 : memref<50x32xf32, #tpu.memory_space<hbm>>)
          %mul3A_2176 = arith.constant 16 : i32
          %mul3A_2177 = arith.muli %sub3A_1867, %mul3A_2176 : i32
          %add3A_2178 = arith.addi %mul3A_2, %mul3A_2177 : i32
          %add3A_2179 = arith.constant 14 : i32
          %add3A_2180 = arith.addi %add3A_2178, %add3A_2179 : i32
          %dma_wait3A_2181 = arith.constant 0 : i32
          %dma_wait3A_2182 = arith.constant 700 : i32
          %dma_wait3A_2183 = arith.constant 0 : i32
          %dma_wait3A_2184 = tpu.memref_slice %arg6[%dma_wait3A_2181, %dma_wait3A_2182, %dma_wait3A_2183] : memref<2x800x32xf32, #tpu.memory_space<vmem>> -> memref<1x50x32xf32, #tpu.memory_space<vmem>>
          %dma_wait3A_2185 = tpu.memref_squeeze %dma_wait3A_2184 : memref<1x50x32xf32, #tpu.memory_space<vmem>> -> memref<50x32xf32, #tpu.memory_space<vmem>>
          %dma_wait3A_2186 = arith.constant 0 : i32
          %dma_wait3A_2187 = arith.constant 0 : i32
          %dma_wait3A_2188 = tpu.memref_slice %arg4[%add3A_2180, %dma_wait3A_2186, %dma_wait3A_2187] : memref<16384x50x32xf32, #tpu.memory_space<hbm>> -> memref<1x50x32xf32, #tpu.memory_space<hbm>>
          %dma_wait3A_2189 = tpu.memref_squeeze %dma_wait3A_2188 : memref<1x50x32xf32, #tpu.memory_space<hbm>> -> memref<50x32xf32, #tpu.memory_space<hbm>>
          %dma_wait3A_2190 = arith.constant 0 : i32
          %dma_wait3A_2191 = arith.constant 0 : i32
          %dma_wait3A_2192 = tpu.memref_slice %arg4[%add3A_2180, %dma_wait3A_2190, %dma_wait3A_2191] : memref<16384x50x32xf32, #tpu.memory_space<hbm>> -> memref<1x50x32xf32, #tpu.memory_space<hbm>>
          %dma_wait3A_2193 = tpu.memref_squeeze %dma_wait3A_2192 : memref<1x50x32xf32, #tpu.memory_space<hbm>> -> memref<50x32xf32, #tpu.memory_space<hbm>>
          %dma_wait3A_2194 = arith.constant 700 : i32
          %dma_wait3A_2195 = arith.constant 0 : i32
          %dma_wait3A_2196 = tpu.memref_slice %arg6[%dma_wait3A_2181, %dma_wait3A_2194, %dma_wait3A_2195] : memref<2x800x32xf32, #tpu.memory_space<vmem>> -> memref<1x50x32xf32, #tpu.memory_space<vmem>>
          %dma_wait3A_2197 = tpu.memref_squeeze %dma_wait3A_2196 : memref<1x50x32xf32, #tpu.memory_space<vmem>> -> memref<50x32xf32, #tpu.memory_space<vmem>>
          tpu.wait_dma2 semaphore(%arg9 : memref<!tpu.dma_semaphore, #tpu.memory_space<semaphore_mem>>) src(%dma_wait3A_2197 : memref<50x32xf32, #tpu.memory_space<vmem>>) dst(%dma_wait3A_2193 : memref<50x32xf32, #tpu.memory_space<hbm>>)
          %mul3A_2198 = arith.constant 16 : i32
          %mul3A_2199 = arith.muli %sub3A_1867, %mul3A_2198 : i32
          %add3A_2200 = arith.addi %mul3A_2, %mul3A_2199 : i32
          %add3A_2201 = arith.constant 15 : i32
          %add3A_2202 = arith.addi %add3A_2200, %add3A_2201 : i32
          %dma_wait3A_2203 = arith.constant 0 : i32
          %dma_wait3A_2204 = arith.constant 750 : i32
          %dma_wait3A_2205 = arith.constant 0 : i32
          %dma_wait3A_2206 = tpu.memref_slice %arg6[%dma_wait3A_2203, %dma_wait3A_2204, %dma_wait3A_2205] : memref<2x800x32xf32, #tpu.memory_space<vmem>> -> memref<1x50x32xf32, #tpu.memory_space<vmem>>
          %dma_wait3A_2207 = tpu.memref_squeeze %dma_wait3A_2206 : memref<1x50x32xf32, #tpu.memory_space<vmem>> -> memref<50x32xf32, #tpu.memory_space<vmem>>
          %dma_wait3A_2208 = arith.constant 0 : i32
          %dma_wait3A_2209 = arith.constant 0 : i32
          %dma_wait3A_2210 = tpu.memref_slice %arg4[%add3A_2202, %dma_wait3A_2208, %dma_wait3A_2209] : memref<16384x50x32xf32, #tpu.memory_space<hbm>> -> memref<1x50x32xf32, #tpu.memory_space<hbm>>
          %dma_wait3A_2211 = tpu.memref_squeeze %dma_wait3A_2210 : memref<1x50x32xf32, #tpu.memory_space<hbm>> -> memref<50x32xf32, #tpu.memory_space<hbm>>
          %dma_wait3A_2212 = arith.constant 0 : i32
          %dma_wait3A_2213 = arith.constant 0 : i32
          %dma_wait3A_2214 = tpu.memref_slice %arg4[%add3A_2202, %dma_wait3A_2212, %dma_wait3A_2213] : memref<16384x50x32xf32, #tpu.memory_space<hbm>> -> memref<1x50x32xf32, #tpu.memory_space<hbm>>
          %dma_wait3A_2215 = tpu.memref_squeeze %dma_wait3A_2214 : memref<1x50x32xf32, #tpu.memory_space<hbm>> -> memref<50x32xf32, #tpu.memory_space<hbm>>
          %dma_wait3A_2216 = arith.constant 750 : i32
          %dma_wait3A_2217 = arith.constant 0 : i32
          %dma_wait3A_2218 = tpu.memref_slice %arg6[%dma_wait3A_2203, %dma_wait3A_2216, %dma_wait3A_2217] : memref<2x800x32xf32, #tpu.memory_space<vmem>> -> memref<1x50x32xf32, #tpu.memory_space<vmem>>
          %dma_wait3A_2219 = tpu.memref_squeeze %dma_wait3A_2218 : memref<1x50x32xf32, #tpu.memory_space<vmem>> -> memref<50x32xf32, #tpu.memory_space<vmem>>
          tpu.wait_dma2 semaphore(%arg9 : memref<!tpu.dma_semaphore, #tpu.memory_space<semaphore_mem>>) src(%dma_wait3A_2219 : memref<50x32xf32, #tpu.memory_space<vmem>>) dst(%dma_wait3A_2215 : memref<50x32xf32, #tpu.memory_space<hbm>>)
        } else {
        }
        %add3A_1745 = arith.constant 1 : i32
        %add3A_1746 = arith.addi %add3A_1260, %add3A_1745 : i32
        %mul3A_1747 = arith.constant 8 : i32
        %mul3A_1748 = arith.muli %add3A_1746, %mul3A_1747 : i32
        %add3A_1749 = arith.constant 0 : i32
        %add3A_1750 = arith.addi %mul3A_1748, %add3A_1749 : i32
        %dma_start3A_1751 = arith.constant 0 : i32
        %dma_start3A_1752 = arith.constant 0 : i32
        %dma_start3A_1753 = arith.constant 0 : i32
        %dma_start3A_1754 = tpu.memref_slice %arg6[%dma_start3A_1751, %dma_start3A_1752, %dma_start3A_1753] : memref<2x800x32xf32, #tpu.memory_space<vmem>> -> memref<1x100x32xf32, #tpu.memory_space<vmem>>
        %dma_start3A_1755 = tpu.memref_squeeze %dma_start3A_1754 : memref<1x100x32xf32, #tpu.memory_space<vmem>> -> memref<100x32xf32, #tpu.memory_space<vmem>>
        %dma_start3A_1756 = arith.constant 0 : i32
        %dma_start3A_1757 = tpu.memref_slice %arg5[%add3A_1750, %dma_start3A_1756] : memref<256x100xi32, #tpu.memory_space<vmem>> -> memref<1x100xi32, #tpu.memory_space<vmem>>
        %dma_start3A_1758 = tpu.memref_squeeze %dma_start3A_1757 : memref<1x100xi32, #tpu.memory_space<vmem>> -> memref<100xi32, #tpu.memory_space<vmem>>
        %dma_start3A_1759 = arith.constant 0 : i32
        %dma_start3A_1760 = arith.constant 0 : i32
        %dma_start3A_1761 = tpu.memref_slice %arg3[%dma_start3A_1759, %dma_start3A_1760] : memref<1000000x32xf32, #tpu.memory_space<hbm>> -> memref<1000000x32xf32, #tpu.memory_space<hbm>>
        tpu.enqueue_indirect_dma source(%dma_start3A_1761 : memref<1000000x32xf32, #tpu.memory_space<hbm>>) target(%dma_start3A_1755 : memref<100x32xf32, #tpu.memory_space<vmem>>) offsets(%dma_start3A_1758 : memref<100xi32, #tpu.memory_space<vmem>>) semaphore(%arg7 : memref<!tpu.dma_semaphore, #tpu.memory_space<semaphore_mem>>)
        %mul3A_1762 = arith.constant 8 : i32
        %mul3A_1763 = arith.muli %add3A_1746, %mul3A_1762 : i32
        %add3A_1764 = arith.constant 1 : i32
        %add3A_1765 = arith.addi %mul3A_1763, %add3A_1764 : i32
        %dma_start3A_1766 = arith.constant 0 : i32
        %dma_start3A_1767 = arith.constant 100 : i32
        %dma_start3A_1768 = arith.constant 0 : i32
        %dma_start3A_1769 = tpu.memref_slice %arg6[%dma_start3A_1766, %dma_start3A_1767, %dma_start3A_1768] : memref<2x800x32xf32, #tpu.memory_space<vmem>> -> memref<1x100x32xf32, #tpu.memory_space<vmem>>
        %dma_start3A_1770 = tpu.memref_squeeze %dma_start3A_1769 : memref<1x100x32xf32, #tpu.memory_space<vmem>> -> memref<100x32xf32, #tpu.memory_space<vmem>>
        %dma_start3A_1771 = arith.constant 0 : i32
        %dma_start3A_1772 = tpu.memref_slice %arg5[%add3A_1765, %dma_start3A_1771] : memref<256x100xi32, #tpu.memory_space<vmem>> -> memref<1x100xi32, #tpu.memory_space<vmem>>
        %dma_start3A_1773 = tpu.memref_squeeze %dma_start3A_1772 : memref<1x100xi32, #tpu.memory_space<vmem>> -> memref<100xi32, #tpu.memory_space<vmem>>
        %dma_start3A_1774 = arith.constant 0 : i32
        %dma_start3A_1775 = arith.constant 0 : i32
        %dma_start3A_1776 = tpu.memref_slice %arg3[%dma_start3A_1774, %dma_start3A_1775] : memref<1000000x32xf32, #tpu.memory_space<hbm>> -> memref<1000000x32xf32, #tpu.memory_space<hbm>>
        tpu.enqueue_indirect_dma source(%dma_start3A_1776 : memref<1000000x32xf32, #tpu.memory_space<hbm>>) target(%dma_start3A_1770 : memref<100x32xf32, #tpu.memory_space<vmem>>) offsets(%dma_start3A_1773 : memref<100xi32, #tpu.memory_space<vmem>>) semaphore(%arg7 : memref<!tpu.dma_semaphore, #tpu.memory_space<semaphore_mem>>)
        %mul3A_1777 = arith.constant 8 : i32
        %mul3A_1778 = arith.muli %add3A_1746, %mul3A_1777 : i32
        %add3A_1779 = arith.constant 2 : i32
        %add3A_1780 = arith.addi %mul3A_1778, %add3A_1779 : i32
        %dma_start3A_1781 = arith.constant 0 : i32
        %dma_start3A_1782 = arith.constant 200 : i32
        %dma_start3A_1783 = arith.constant 0 : i32
        %dma_start3A_1784 = tpu.memref_slice %arg6[%dma_start3A_1781, %dma_start3A_1782, %dma_start3A_1783] : memref<2x800x32xf32, #tpu.memory_space<vmem>> -> memref<1x100x32xf32, #tpu.memory_space<vmem>>
        %dma_start3A_1785 = tpu.memref_squeeze %dma_start3A_1784 : memref<1x100x32xf32, #tpu.memory_space<vmem>> -> memref<100x32xf32, #tpu.memory_space<vmem>>
        %dma_start3A_1786 = arith.constant 0 : i32
        %dma_start3A_1787 = tpu.memref_slice %arg5[%add3A_1780, %dma_start3A_1786] : memref<256x100xi32, #tpu.memory_space<vmem>> -> memref<1x100xi32, #tpu.memory_space<vmem>>
        %dma_start3A_1788 = tpu.memref_squeeze %dma_start3A_1787 : memref<1x100xi32, #tpu.memory_space<vmem>> -> memref<100xi32, #tpu.memory_space<vmem>>
        %dma_start3A_1789 = arith.constant 0 : i32
        %dma_start3A_1790 = arith.constant 0 : i32
        %dma_start3A_1791 = tpu.memref_slice %arg3[%dma_start3A_1789, %dma_start3A_1790] : memref<1000000x32xf32, #tpu.memory_space<hbm>> -> memref<1000000x32xf32, #tpu.memory_space<hbm>>
        tpu.enqueue_indirect_dma source(%dma_start3A_1791 : memref<1000000x32xf32, #tpu.memory_space<hbm>>) target(%dma_start3A_1785 : memref<100x32xf32, #tpu.memory_space<vmem>>) offsets(%dma_start3A_1788 : memref<100xi32, #tpu.memory_space<vmem>>) semaphore(%arg7 : memref<!tpu.dma_semaphore, #tpu.memory_space<semaphore_mem>>)
        %mul3A_1792 = arith.constant 8 : i32
        %mul3A_1793 = arith.muli %add3A_1746, %mul3A_1792 : i32
        %add3A_1794 = arith.constant 3 : i32
        %add3A_1795 = arith.addi %mul3A_1793, %add3A_1794 : i32
        %dma_start3A_1796 = arith.constant 0 : i32
        %dma_start3A_1797 = arith.constant 300 : i32
        %dma_start3A_1798 = arith.constant 0 : i32
        %dma_start3A_1799 = tpu.memref_slice %arg6[%dma_start3A_1796, %dma_start3A_1797, %dma_start3A_1798] : memref<2x800x32xf32, #tpu.memory_space<vmem>> -> memref<1x100x32xf32, #tpu.memory_space<vmem>>
        %dma_start3A_1800 = tpu.memref_squeeze %dma_start3A_1799 : memref<1x100x32xf32, #tpu.memory_space<vmem>> -> memref<100x32xf32, #tpu.memory_space<vmem>>
        %dma_start3A_1801 = arith.constant 0 : i32
        %dma_start3A_1802 = tpu.memref_slice %arg5[%add3A_1795, %dma_start3A_1801] : memref<256x100xi32, #tpu.memory_space<vmem>> -> memref<1x100xi32, #tpu.memory_space<vmem>>
        %dma_start3A_1803 = tpu.memref_squeeze %dma_start3A_1802 : memref<1x100xi32, #tpu.memory_space<vmem>> -> memref<100xi32, #tpu.memory_space<vmem>>
        %dma_start3A_1804 = arith.constant 0 : i32
        %dma_start3A_1805 = arith.constant 0 : i32
        %dma_start3A_1806 = tpu.memref_slice %arg3[%dma_start3A_1804, %dma_start3A_1805] : memref<1000000x32xf32, #tpu.memory_space<hbm>> -> memref<1000000x32xf32, #tpu.memory_space<hbm>>
        tpu.enqueue_indirect_dma source(%dma_start3A_1806 : memref<1000000x32xf32, #tpu.memory_space<hbm>>) target(%dma_start3A_1800 : memref<100x32xf32, #tpu.memory_space<vmem>>) offsets(%dma_start3A_1803 : memref<100xi32, #tpu.memory_space<vmem>>) semaphore(%arg7 : memref<!tpu.dma_semaphore, #tpu.memory_space<semaphore_mem>>)
        %mul3A_1807 = arith.constant 8 : i32
        %mul3A_1808 = arith.muli %add3A_1746, %mul3A_1807 : i32
        %add3A_1809 = arith.constant 4 : i32
        %add3A_1810 = arith.addi %mul3A_1808, %add3A_1809 : i32
        %dma_start3A_1811 = arith.constant 0 : i32
        %dma_start3A_1812 = arith.constant 400 : i32
        %dma_start3A_1813 = arith.constant 0 : i32
        %dma_start3A_1814 = tpu.memref_slice %arg6[%dma_start3A_1811, %dma_start3A_1812, %dma_start3A_1813] : memref<2x800x32xf32, #tpu.memory_space<vmem>> -> memref<1x100x32xf32, #tpu.memory_space<vmem>>
        %dma_start3A_1815 = tpu.memref_squeeze %dma_start3A_1814 : memref<1x100x32xf32, #tpu.memory_space<vmem>> -> memref<100x32xf32, #tpu.memory_space<vmem>>
        %dma_start3A_1816 = arith.constant 0 : i32
        %dma_start3A_1817 = tpu.memref_slice %arg5[%add3A_1810, %dma_start3A_1816] : memref<256x100xi32, #tpu.memory_space<vmem>> -> memref<1x100xi32, #tpu.memory_space<vmem>>
        %dma_start3A_1818 = tpu.memref_squeeze %dma_start3A_1817 : memref<1x100xi32, #tpu.memory_space<vmem>> -> memref<100xi32, #tpu.memory_space<vmem>>
        %dma_start3A_1819 = arith.constant 0 : i32
        %dma_start3A_1820 = arith.constant 0 : i32
        %dma_start3A_1821 = tpu.memref_slice %arg3[%dma_start3A_1819, %dma_start3A_1820] : memref<1000000x32xf32, #tpu.memory_space<hbm>> -> memref<1000000x32xf32, #tpu.memory_space<hbm>>
        tpu.enqueue_indirect_dma source(%dma_start3A_1821 : memref<1000000x32xf32, #tpu.memory_space<hbm>>) target(%dma_start3A_1815 : memref<100x32xf32, #tpu.memory_space<vmem>>) offsets(%dma_start3A_1818 : memref<100xi32, #tpu.memory_space<vmem>>) semaphore(%arg7 : memref<!tpu.dma_semaphore, #tpu.memory_space<semaphore_mem>>)
        %mul3A_1822 = arith.constant 8 : i32
        %mul3A_1823 = arith.muli %add3A_1746, %mul3A_1822 : i32
        %add3A_1824 = arith.constant 5 : i32
        %add3A_1825 = arith.addi %mul3A_1823, %add3A_1824 : i32
        %dma_start3A_1826 = arith.constant 0 : i32
        %dma_start3A_1827 = arith.constant 500 : i32
        %dma_start3A_1828 = arith.constant 0 : i32
        %dma_start3A_1829 = tpu.memref_slice %arg6[%dma_start3A_1826, %dma_start3A_1827, %dma_start3A_1828] : memref<2x800x32xf32, #tpu.memory_space<vmem>> -> memref<1x100x32xf32, #tpu.memory_space<vmem>>
        %dma_start3A_1830 = tpu.memref_squeeze %dma_start3A_1829 : memref<1x100x32xf32, #tpu.memory_space<vmem>> -> memref<100x32xf32, #tpu.memory_space<vmem>>
        %dma_start3A_1831 = arith.constant 0 : i32
        %dma_start3A_1832 = tpu.memref_slice %arg5[%add3A_1825, %dma_start3A_1831] : memref<256x100xi32, #tpu.memory_space<vmem>> -> memref<1x100xi32, #tpu.memory_space<vmem>>
        %dma_start3A_1833 = tpu.memref_squeeze %dma_start3A_1832 : memref<1x100xi32, #tpu.memory_space<vmem>> -> memref<100xi32, #tpu.memory_space<vmem>>
        %dma_start3A_1834 = arith.constant 0 : i32
        %dma_start3A_1835 = arith.constant 0 : i32
        %dma_start3A_1836 = tpu.memref_slice %arg3[%dma_start3A_1834, %dma_start3A_1835] : memref<1000000x32xf32, #tpu.memory_space<hbm>> -> memref<1000000x32xf32, #tpu.memory_space<hbm>>
        tpu.enqueue_indirect_dma source(%dma_start3A_1836 : memref<1000000x32xf32, #tpu.memory_space<hbm>>) target(%dma_start3A_1830 : memref<100x32xf32, #tpu.memory_space<vmem>>) offsets(%dma_start3A_1833 : memref<100xi32, #tpu.memory_space<vmem>>) semaphore(%arg7 : memref<!tpu.dma_semaphore, #tpu.memory_space<semaphore_mem>>)
        %mul3A_1837 = arith.constant 8 : i32
        %mul3A_1838 = arith.muli %add3A_1746, %mul3A_1837 : i32
        %add3A_1839 = arith.constant 6 : i32
        %add3A_1840 = arith.addi %mul3A_1838, %add3A_1839 : i32
        %dma_start3A_1841 = arith.constant 0 : i32
        %dma_start3A_1842 = arith.constant 600 : i32
        %dma_start3A_1843 = arith.constant 0 : i32
        %dma_start3A_1844 = tpu.memref_slice %arg6[%dma_start3A_1841, %dma_start3A_1842, %dma_start3A_1843] : memref<2x800x32xf32, #tpu.memory_space<vmem>> -> memref<1x100x32xf32, #tpu.memory_space<vmem>>
        %dma_start3A_1845 = tpu.memref_squeeze %dma_start3A_1844 : memref<1x100x32xf32, #tpu.memory_space<vmem>> -> memref<100x32xf32, #tpu.memory_space<vmem>>
        %dma_start3A_1846 = arith.constant 0 : i32
        %dma_start3A_1847 = tpu.memref_slice %arg5[%add3A_1840, %dma_start3A_1846] : memref<256x100xi32, #tpu.memory_space<vmem>> -> memref<1x100xi32, #tpu.memory_space<vmem>>
        %dma_start3A_1848 = tpu.memref_squeeze %dma_start3A_1847 : memref<1x100xi32, #tpu.memory_space<vmem>> -> memref<100xi32, #tpu.memory_space<vmem>>
        %dma_start3A_1849 = arith.constant 0 : i32
        %dma_start3A_1850 = arith.constant 0 : i32
        %dma_start3A_1851 = tpu.memref_slice %arg3[%dma_start3A_1849, %dma_start3A_1850] : memref<1000000x32xf32, #tpu.memory_space<hbm>> -> memref<1000000x32xf32, #tpu.memory_space<hbm>>
        tpu.enqueue_indirect_dma source(%dma_start3A_1851 : memref<1000000x32xf32, #tpu.memory_space<hbm>>) target(%dma_start3A_1845 : memref<100x32xf32, #tpu.memory_space<vmem>>) offsets(%dma_start3A_1848 : memref<100xi32, #tpu.memory_space<vmem>>) semaphore(%arg7 : memref<!tpu.dma_semaphore, #tpu.memory_space<semaphore_mem>>)
        %mul3A_1852 = arith.constant 8 : i32
        %mul3A_1853 = arith.muli %add3A_1746, %mul3A_1852 : i32
        %add3A_1854 = arith.constant 7 : i32
        %add3A_1855 = arith.addi %mul3A_1853, %add3A_1854 : i32
        %dma_start3A_1856 = arith.constant 0 : i32
        %dma_start3A_1857 = arith.constant 700 : i32
        %dma_start3A_1858 = arith.constant 0 : i32
        %dma_start3A_1859 = tpu.memref_slice %arg6[%dma_start3A_1856, %dma_start3A_1857, %dma_start3A_1858] : memref<2x800x32xf32, #tpu.memory_space<vmem>> -> memref<1x100x32xf32, #tpu.memory_space<vmem>>
        %dma_start3A_1860 = tpu.memref_squeeze %dma_start3A_1859 : memref<1x100x32xf32, #tpu.memory_space<vmem>> -> memref<100x32xf32, #tpu.memory_space<vmem>>
        %dma_start3A_1861 = arith.constant 0 : i32
        %dma_start3A_1862 = tpu.memref_slice %arg5[%add3A_1855, %dma_start3A_1861] : memref<256x100xi32, #tpu.memory_space<vmem>> -> memref<1x100xi32, #tpu.memory_space<vmem>>
        %dma_start3A_1863 = tpu.memref_squeeze %dma_start3A_1862 : memref<1x100xi32, #tpu.memory_space<vmem>> -> memref<100xi32, #tpu.memory_space<vmem>>
        %dma_start3A_1864 = arith.constant 0 : i32
        %dma_start3A_1865 = arith.constant 0 : i32
        %dma_start3A_1866 = tpu.memref_slice %arg3[%dma_start3A_1864, %dma_start3A_1865] : memref<1000000x32xf32, #tpu.memory_space<hbm>> -> memref<1000000x32xf32, #tpu.memory_space<hbm>>
        tpu.enqueue_indirect_dma source(%dma_start3A_1866 : memref<1000000x32xf32, #tpu.memory_space<hbm>>) target(%dma_start3A_1860 : memref<100x32xf32, #tpu.memory_space<vmem>>) offsets(%dma_start3A_1863 : memref<100xi32, #tpu.memory_space<vmem>>) semaphore(%arg7 : memref<!tpu.dma_semaphore, #tpu.memory_space<semaphore_mem>>)
      } else {
      }
      %mul3A_1268 = arith.constant 8 : i32
      %mul3A_1269 = arith.muli %add3A_1260, %mul3A_1268 : i32
      %add3A_1270 = arith.constant 0 : i32
      %add3A_1271 = arith.addi %mul3A_1269, %add3A_1270 : i32
      %dma_wait3A_1272 = arith.constant 1 : i32
      %dma_wait3A_1273 = arith.constant 0 : i32
      %dma_wait3A_1274 = arith.constant 0 : i32
      %dma_wait3A_1275 = tpu.memref_slice %arg6[%dma_wait3A_1272, %dma_wait3A_1273, %dma_wait3A_1274] : memref<2x800x32xf32, #tpu.memory_space<vmem>> -> memref<1x100x32xf32, #tpu.memory_space<vmem>>
      %dma_wait3A_1276 = tpu.memref_squeeze %dma_wait3A_1275 : memref<1x100x32xf32, #tpu.memory_space<vmem>> -> memref<100x32xf32, #tpu.memory_space<vmem>>
      %dma_wait3A_1277 = arith.constant 0 : i32
      %dma_wait3A_1278 = tpu.memref_slice %arg5[%add3A_1271, %dma_wait3A_1277] : memref<256x100xi32, #tpu.memory_space<vmem>> -> memref<1x100xi32, #tpu.memory_space<vmem>>
      %dma_wait3A_1279 = tpu.memref_squeeze %dma_wait3A_1278 : memref<1x100xi32, #tpu.memory_space<vmem>> -> memref<100xi32, #tpu.memory_space<vmem>>
      %dma_wait3A_1280 = arith.constant 0 : i32
      %dma_wait3A_1281 = arith.constant 0 : i32
      %dma_wait3A_1282 = tpu.memref_slice %arg3[%dma_wait3A_1280, %dma_wait3A_1281] : memref<1000000x32xf32, #tpu.memory_space<hbm>> -> memref<1000000x32xf32, #tpu.memory_space<hbm>>
      tpu.wait_indirect_dma semaphore(%arg8 : memref<!tpu.dma_semaphore, #tpu.memory_space<semaphore_mem>>) src(%dma_wait3A_1282 : memref<1000000x32xf32, #tpu.memory_space<hbm>>) dst(%dma_wait3A_1276 : memref<100x32xf32, #tpu.memory_space<vmem>>)
      %mul3A_1283 = arith.constant 8 : i32
      %mul3A_1284 = arith.muli %add3A_1260, %mul3A_1283 : i32
      %add3A_1285 = arith.constant 1 : i32
      %add3A_1286 = arith.addi %mul3A_1284, %add3A_1285 : i32
      %dma_wait3A_1287 = arith.constant 1 : i32
      %dma_wait3A_1288 = arith.constant 100 : i32
      %dma_wait3A_1289 = arith.constant 0 : i32
      %dma_wait3A_1290 = tpu.memref_slice %arg6[%dma_wait3A_1287, %dma_wait3A_1288, %dma_wait3A_1289] : memref<2x800x32xf32, #tpu.memory_space<vmem>> -> memref<1x100x32xf32, #tpu.memory_space<vmem>>
      %dma_wait3A_1291 = tpu.memref_squeeze %dma_wait3A_1290 : memref<1x100x32xf32, #tpu.memory_space<vmem>> -> memref<100x32xf32, #tpu.memory_space<vmem>>
      %dma_wait3A_1292 = arith.constant 0 : i32
      %dma_wait3A_1293 = tpu.memref_slice %arg5[%add3A_1286, %dma_wait3A_1292] : memref<256x100xi32, #tpu.memory_space<vmem>> -> memref<1x100xi32, #tpu.memory_space<vmem>>
      %dma_wait3A_1294 = tpu.memref_squeeze %dma_wait3A_1293 : memref<1x100xi32, #tpu.memory_space<vmem>> -> memref<100xi32, #tpu.memory_space<vmem>>
      %dma_wait3A_1295 = arith.constant 0 : i32
      %dma_wait3A_1296 = arith.constant 0 : i32
      %dma_wait3A_1297 = tpu.memref_slice %arg3[%dma_wait3A_1295, %dma_wait3A_1296] : memref<1000000x32xf32, #tpu.memory_space<hbm>> -> memref<1000000x32xf32, #tpu.memory_space<hbm>>
      tpu.wait_indirect_dma semaphore(%arg8 : memref<!tpu.dma_semaphore, #tpu.memory_space<semaphore_mem>>) src(%dma_wait3A_1297 : memref<1000000x32xf32, #tpu.memory_space<hbm>>) dst(%dma_wait3A_1291 : memref<100x32xf32, #tpu.memory_space<vmem>>)
      %mul3A_1298 = arith.constant 8 : i32
      %mul3A_1299 = arith.muli %add3A_1260, %mul3A_1298 : i32
      %add3A_1300 = arith.constant 2 : i32
      %add3A_1301 = arith.addi %mul3A_1299, %add3A_1300 : i32
      %dma_wait3A_1302 = arith.constant 1 : i32
      %dma_wait3A_1303 = arith.constant 200 : i32
      %dma_wait3A_1304 = arith.constant 0 : i32
      %dma_wait3A_1305 = tpu.memref_slice %arg6[%dma_wait3A_1302, %dma_wait3A_1303, %dma_wait3A_1304] : memref<2x800x32xf32, #tpu.memory_space<vmem>> -> memref<1x100x32xf32, #tpu.memory_space<vmem>>
      %dma_wait3A_1306 = tpu.memref_squeeze %dma_wait3A_1305 : memref<1x100x32xf32, #tpu.memory_space<vmem>> -> memref<100x32xf32, #tpu.memory_space<vmem>>
      %dma_wait3A_1307 = arith.constant 0 : i32
      %dma_wait3A_1308 = tpu.memref_slice %arg5[%add3A_1301, %dma_wait3A_1307] : memref<256x100xi32, #tpu.memory_space<vmem>> -> memref<1x100xi32, #tpu.memory_space<vmem>>
      %dma_wait3A_1309 = tpu.memref_squeeze %dma_wait3A_1308 : memref<1x100xi32, #tpu.memory_space<vmem>> -> memref<100xi32, #tpu.memory_space<vmem>>
      %dma_wait3A_1310 = arith.constant 0 : i32
      %dma_wait3A_1311 = arith.constant 0 : i32
      %dma_wait3A_1312 = tpu.memref_slice %arg3[%dma_wait3A_1310, %dma_wait3A_1311] : memref<1000000x32xf32, #tpu.memory_space<hbm>> -> memref<1000000x32xf32, #tpu.memory_space<hbm>>
      tpu.wait_indirect_dma semaphore(%arg8 : memref<!tpu.dma_semaphore, #tpu.memory_space<semaphore_mem>>) src(%dma_wait3A_1312 : memref<1000000x32xf32, #tpu.memory_space<hbm>>) dst(%dma_wait3A_1306 : memref<100x32xf32, #tpu.memory_space<vmem>>)
      %mul3A_1313 = arith.constant 8 : i32
      %mul3A_1314 = arith.muli %add3A_1260, %mul3A_1313 : i32
      %add3A_1315 = arith.constant 3 : i32
      %add3A_1316 = arith.addi %mul3A_1314, %add3A_1315 : i32
      %dma_wait3A_1317 = arith.constant 1 : i32
      %dma_wait3A_1318 = arith.constant 300 : i32
      %dma_wait3A_1319 = arith.constant 0 : i32
      %dma_wait3A_1320 = tpu.memref_slice %arg6[%dma_wait3A_1317, %dma_wait3A_1318, %dma_wait3A_1319] : memref<2x800x32xf32, #tpu.memory_space<vmem>> -> memref<1x100x32xf32, #tpu.memory_space<vmem>>
      %dma_wait3A_1321 = tpu.memref_squeeze %dma_wait3A_1320 : memref<1x100x32xf32, #tpu.memory_space<vmem>> -> memref<100x32xf32, #tpu.memory_space<vmem>>
      %dma_wait3A_1322 = arith.constant 0 : i32
      %dma_wait3A_1323 = tpu.memref_slice %arg5[%add3A_1316, %dma_wait3A_1322] : memref<256x100xi32, #tpu.memory_space<vmem>> -> memref<1x100xi32, #tpu.memory_space<vmem>>
      %dma_wait3A_1324 = tpu.memref_squeeze %dma_wait3A_1323 : memref<1x100xi32, #tpu.memory_space<vmem>> -> memref<100xi32, #tpu.memory_space<vmem>>
      %dma_wait3A_1325 = arith.constant 0 : i32
      %dma_wait3A_1326 = arith.constant 0 : i32
      %dma_wait3A_1327 = tpu.memref_slice %arg3[%dma_wait3A_1325, %dma_wait3A_1326] : memref<1000000x32xf32, #tpu.memory_space<hbm>> -> memref<1000000x32xf32, #tpu.memory_space<hbm>>
      tpu.wait_indirect_dma semaphore(%arg8 : memref<!tpu.dma_semaphore, #tpu.memory_space<semaphore_mem>>) src(%dma_wait3A_1327 : memref<1000000x32xf32, #tpu.memory_space<hbm>>) dst(%dma_wait3A_1321 : memref<100x32xf32, #tpu.memory_space<vmem>>)
      %mul3A_1328 = arith.constant 8 : i32
      %mul3A_1329 = arith.muli %add3A_1260, %mul3A_1328 : i32
      %add3A_1330 = arith.constant 4 : i32
      %add3A_1331 = arith.addi %mul3A_1329, %add3A_1330 : i32
      %dma_wait3A_1332 = arith.constant 1 : i32
      %dma_wait3A_1333 = arith.constant 400 : i32
      %dma_wait3A_1334 = arith.constant 0 : i32
      %dma_wait3A_1335 = tpu.memref_slice %arg6[%dma_wait3A_1332, %dma_wait3A_1333, %dma_wait3A_1334] : memref<2x800x32xf32, #tpu.memory_space<vmem>> -> memref<1x100x32xf32, #tpu.memory_space<vmem>>
      %dma_wait3A_1336 = tpu.memref_squeeze %dma_wait3A_1335 : memref<1x100x32xf32, #tpu.memory_space<vmem>> -> memref<100x32xf32, #tpu.memory_space<vmem>>
      %dma_wait3A_1337 = arith.constant 0 : i32
      %dma_wait3A_1338 = tpu.memref_slice %arg5[%add3A_1331, %dma_wait3A_1337] : memref<256x100xi32, #tpu.memory_space<vmem>> -> memref<1x100xi32, #tpu.memory_space<vmem>>
      %dma_wait3A_1339 = tpu.memref_squeeze %dma_wait3A_1338 : memref<1x100xi32, #tpu.memory_space<vmem>> -> memref<100xi32, #tpu.memory_space<vmem>>
      %dma_wait3A_1340 = arith.constant 0 : i32
      %dma_wait3A_1341 = arith.constant 0 : i32
      %dma_wait3A_1342 = tpu.memref_slice %arg3[%dma_wait3A_1340, %dma_wait3A_1341] : memref<1000000x32xf32, #tpu.memory_space<hbm>> -> memref<1000000x32xf32, #tpu.memory_space<hbm>>
      tpu.wait_indirect_dma semaphore(%arg8 : memref<!tpu.dma_semaphore, #tpu.memory_space<semaphore_mem>>) src(%dma_wait3A_1342 : memref<1000000x32xf32, #tpu.memory_space<hbm>>) dst(%dma_wait3A_1336 : memref<100x32xf32, #tpu.memory_space<vmem>>)
      %mul3A_1343 = arith.constant 8 : i32
      %mul3A_1344 = arith.muli %add3A_1260, %mul3A_1343 : i32
      %add3A_1345 = arith.constant 5 : i32
      %add3A_1346 = arith.addi %mul3A_1344, %add3A_1345 : i32
      %dma_wait3A_1347 = arith.constant 1 : i32
      %dma_wait3A_1348 = arith.constant 500 : i32
      %dma_wait3A_1349 = arith.constant 0 : i32
      %dma_wait3A_1350 = tpu.memref_slice %arg6[%dma_wait3A_1347, %dma_wait3A_1348, %dma_wait3A_1349] : memref<2x800x32xf32, #tpu.memory_space<vmem>> -> memref<1x100x32xf32, #tpu.memory_space<vmem>>
      %dma_wait3A_1351 = tpu.memref_squeeze %dma_wait3A_1350 : memref<1x100x32xf32, #tpu.memory_space<vmem>> -> memref<100x32xf32, #tpu.memory_space<vmem>>
      %dma_wait3A_1352 = arith.constant 0 : i32
      %dma_wait3A_1353 = tpu.memref_slice %arg5[%add3A_1346, %dma_wait3A_1352] : memref<256x100xi32, #tpu.memory_space<vmem>> -> memref<1x100xi32, #tpu.memory_space<vmem>>
      %dma_wait3A_1354 = tpu.memref_squeeze %dma_wait3A_1353 : memref<1x100xi32, #tpu.memory_space<vmem>> -> memref<100xi32, #tpu.memory_space<vmem>>
      %dma_wait3A_1355 = arith.constant 0 : i32
      %dma_wait3A_1356 = arith.constant 0 : i32
      %dma_wait3A_1357 = tpu.memref_slice %arg3[%dma_wait3A_1355, %dma_wait3A_1356] : memref<1000000x32xf32, #tpu.memory_space<hbm>> -> memref<1000000x32xf32, #tpu.memory_space<hbm>>
      tpu.wait_indirect_dma semaphore(%arg8 : memref<!tpu.dma_semaphore, #tpu.memory_space<semaphore_mem>>) src(%dma_wait3A_1357 : memref<1000000x32xf32, #tpu.memory_space<hbm>>) dst(%dma_wait3A_1351 : memref<100x32xf32, #tpu.memory_space<vmem>>)
      %mul3A_1358 = arith.constant 8 : i32
      %mul3A_1359 = arith.muli %add3A_1260, %mul3A_1358 : i32
      %add3A_1360 = arith.constant 6 : i32
      %add3A_1361 = arith.addi %mul3A_1359, %add3A_1360 : i32
      %dma_wait3A_1362 = arith.constant 1 : i32
      %dma_wait3A_1363 = arith.constant 600 : i32
      %dma_wait3A_1364 = arith.constant 0 : i32
      %dma_wait3A_1365 = tpu.memref_slice %arg6[%dma_wait3A_1362, %dma_wait3A_1363, %dma_wait3A_1364] : memref<2x800x32xf32, #tpu.memory_space<vmem>> -> memref<1x100x32xf32, #tpu.memory_space<vmem>>
      %dma_wait3A_1366 = tpu.memref_squeeze %dma_wait3A_1365 : memref<1x100x32xf32, #tpu.memory_space<vmem>> -> memref<100x32xf32, #tpu.memory_space<vmem>>
      %dma_wait3A_1367 = arith.constant 0 : i32
      %dma_wait3A_1368 = tpu.memref_slice %arg5[%add3A_1361, %dma_wait3A_1367] : memref<256x100xi32, #tpu.memory_space<vmem>> -> memref<1x100xi32, #tpu.memory_space<vmem>>
      %dma_wait3A_1369 = tpu.memref_squeeze %dma_wait3A_1368 : memref<1x100xi32, #tpu.memory_space<vmem>> -> memref<100xi32, #tpu.memory_space<vmem>>
      %dma_wait3A_1370 = arith.constant 0 : i32
      %dma_wait3A_1371 = arith.constant 0 : i32
      %dma_wait3A_1372 = tpu.memref_slice %arg3[%dma_wait3A_1370, %dma_wait3A_1371] : memref<1000000x32xf32, #tpu.memory_space<hbm>> -> memref<1000000x32xf32, #tpu.memory_space<hbm>>
      tpu.wait_indirect_dma semaphore(%arg8 : memref<!tpu.dma_semaphore, #tpu.memory_space<semaphore_mem>>) src(%dma_wait3A_1372 : memref<1000000x32xf32, #tpu.memory_space<hbm>>) dst(%dma_wait3A_1366 : memref<100x32xf32, #tpu.memory_space<vmem>>)
      %mul3A_1373 = arith.constant 8 : i32
      %mul3A_1374 = arith.muli %add3A_1260, %mul3A_1373 : i32
      %add3A_1375 = arith.constant 7 : i32
      %add3A_1376 = arith.addi %mul3A_1374, %add3A_1375 : i32
      %dma_wait3A_1377 = arith.constant 1 : i32
      %dma_wait3A_1378 = arith.constant 700 : i32
      %dma_wait3A_1379 = arith.constant 0 : i32
      %dma_wait3A_1380 = tpu.memref_slice %arg6[%dma_wait3A_1377, %dma_wait3A_1378, %dma_wait3A_1379] : memref<2x800x32xf32, #tpu.memory_space<vmem>> -> memref<1x100x32xf32, #tpu.memory_space<vmem>>
      %dma_wait3A_1381 = tpu.memref_squeeze %dma_wait3A_1380 : memref<1x100x32xf32, #tpu.memory_space<vmem>> -> memref<100x32xf32, #tpu.memory_space<vmem>>
      %dma_wait3A_1382 = arith.constant 0 : i32
      %dma_wait3A_1383 = tpu.memref_slice %arg5[%add3A_1376, %dma_wait3A_1382] : memref<256x100xi32, #tpu.memory_space<vmem>> -> memref<1x100xi32, #tpu.memory_space<vmem>>
      %dma_wait3A_1384 = tpu.memref_squeeze %dma_wait3A_1383 : memref<1x100xi32, #tpu.memory_space<vmem>> -> memref<100xi32, #tpu.memory_space<vmem>>
      %dma_wait3A_1385 = arith.constant 0 : i32
      %dma_wait3A_1386 = arith.constant 0 : i32
      %dma_wait3A_1387 = tpu.memref_slice %arg3[%dma_wait3A_1385, %dma_wait3A_1386] : memref<1000000x32xf32, #tpu.memory_space<hbm>> -> memref<1000000x32xf32, #tpu.memory_space<hbm>>
      tpu.wait_indirect_dma semaphore(%arg8 : memref<!tpu.dma_semaphore, #tpu.memory_space<semaphore_mem>>) src(%dma_wait3A_1387 : memref<1000000x32xf32, #tpu.memory_space<hbm>>) dst(%dma_wait3A_1381 : memref<100x32xf32, #tpu.memory_space<vmem>>)
      %mul3A_1388 = arith.constant 16 : i32
      %mul3A_1389 = arith.muli %add3A_1260, %mul3A_1388 : i32
      %add3A_1390 = arith.addi %mul3A_2, %mul3A_1389 : i32
      %add3A_1391 = arith.constant 0 : i32
      %add3A_1392 = arith.addi %add3A_1390, %add3A_1391 : i32
      %dma_start3A_1393 = arith.constant 1 : i32
      %dma_start3A_1394 = arith.constant 0 : i32
      %dma_start3A_1395 = arith.constant 0 : i32
      %dma_start3A_1396 = tpu.memref_slice %arg6[%dma_start3A_1393, %dma_start3A_1394, %dma_start3A_1395] : memref<2x800x32xf32, #tpu.memory_space<vmem>> -> memref<1x50x32xf32, #tpu.memory_space<vmem>>
      %dma_start3A_1397 = tpu.memref_squeeze %dma_start3A_1396 : memref<1x50x32xf32, #tpu.memory_space<vmem>> -> memref<50x32xf32, #tpu.memory_space<vmem>>
      %dma_start3A_1398 = arith.constant 0 : i32
      %dma_start3A_1399 = arith.constant 0 : i32
      %dma_start3A_1400 = tpu.memref_slice %arg4[%add3A_1392, %dma_start3A_1398, %dma_start3A_1399] : memref<16384x50x32xf32, #tpu.memory_space<hbm>> -> memref<1x50x32xf32, #tpu.memory_space<hbm>>
      %dma_start3A_1401 = tpu.memref_squeeze %dma_start3A_1400 : memref<1x50x32xf32, #tpu.memory_space<hbm>> -> memref<50x32xf32, #tpu.memory_space<hbm>>
      %dma_start3A_1402 = arith.constant 0 : i32
      %dma_start3A_1403 = arith.constant 0 : i32
      %dma_start3A_1404 = tpu.memref_slice %arg4[%add3A_1392, %dma_start3A_1402, %dma_start3A_1403] : memref<16384x50x32xf32, #tpu.memory_space<hbm>> -> memref<1x50x32xf32, #tpu.memory_space<hbm>>
      %dma_start3A_1405 = tpu.memref_squeeze %dma_start3A_1404 : memref<1x50x32xf32, #tpu.memory_space<hbm>> -> memref<50x32xf32, #tpu.memory_space<hbm>>
      %dma_start3A_1406 = arith.constant 0 : i32
      %dma_start3A_1407 = arith.constant 0 : i32
      %dma_start3A_1408 = tpu.memref_slice %arg6[%dma_start3A_1393, %dma_start3A_1406, %dma_start3A_1407] : memref<2x800x32xf32, #tpu.memory_space<vmem>> -> memref<1x50x32xf32, #tpu.memory_space<vmem>>
      %dma_start3A_1409 = tpu.memref_squeeze %dma_start3A_1408 : memref<1x50x32xf32, #tpu.memory_space<vmem>> -> memref<50x32xf32, #tpu.memory_space<vmem>>
      tpu.enqueue_dma source(%dma_start3A_1409 : memref<50x32xf32, #tpu.memory_space<vmem>>) target(%dma_start3A_1405 : memref<50x32xf32, #tpu.memory_space<hbm>>) target_semaphore(%arg10 : memref<!tpu.dma_semaphore, #tpu.memory_space<semaphore_mem>>)
      %mul3A_1410 = arith.constant 16 : i32
      %mul3A_1411 = arith.muli %add3A_1260, %mul3A_1410 : i32
      %add3A_1412 = arith.addi %mul3A_2, %mul3A_1411 : i32
      %add3A_1413 = arith.constant 1 : i32
      %add3A_1414 = arith.addi %add3A_1412, %add3A_1413 : i32
      %dma_start3A_1415 = arith.constant 1 : i32
      %dma_start3A_1416 = arith.constant 50 : i32
      %dma_start3A_1417 = arith.constant 0 : i32
      %dma_start3A_1418 = tpu.memref_slice %arg6[%dma_start3A_1415, %dma_start3A_1416, %dma_start3A_1417] : memref<2x800x32xf32, #tpu.memory_space<vmem>> -> memref<1x50x32xf32, #tpu.memory_space<vmem>>
      %dma_start3A_1419 = tpu.memref_squeeze %dma_start3A_1418 : memref<1x50x32xf32, #tpu.memory_space<vmem>> -> memref<50x32xf32, #tpu.memory_space<vmem>>
      %dma_start3A_1420 = arith.constant 0 : i32
      %dma_start3A_1421 = arith.constant 0 : i32
      %dma_start3A_1422 = tpu.memref_slice %arg4[%add3A_1414, %dma_start3A_1420, %dma_start3A_1421] : memref<16384x50x32xf32, #tpu.memory_space<hbm>> -> memref<1x50x32xf32, #tpu.memory_space<hbm>>
      %dma_start3A_1423 = tpu.memref_squeeze %dma_start3A_1422 : memref<1x50x32xf32, #tpu.memory_space<hbm>> -> memref<50x32xf32, #tpu.memory_space<hbm>>
      %dma_start3A_1424 = arith.constant 0 : i32
      %dma_start3A_1425 = arith.constant 0 : i32
      %dma_start3A_1426 = tpu.memref_slice %arg4[%add3A_1414, %dma_start3A_1424, %dma_start3A_1425] : memref<16384x50x32xf32, #tpu.memory_space<hbm>> -> memref<1x50x32xf32, #tpu.memory_space<hbm>>
      %dma_start3A_1427 = tpu.memref_squeeze %dma_start3A_1426 : memref<1x50x32xf32, #tpu.memory_space<hbm>> -> memref<50x32xf32, #tpu.memory_space<hbm>>
      %dma_start3A_1428 = arith.constant 50 : i32
      %dma_start3A_1429 = arith.constant 0 : i32
      %dma_start3A_1430 = tpu.memref_slice %arg6[%dma_start3A_1415, %dma_start3A_1428, %dma_start3A_1429] : memref<2x800x32xf32, #tpu.memory_space<vmem>> -> memref<1x50x32xf32, #tpu.memory_space<vmem>>
      %dma_start3A_1431 = tpu.memref_squeeze %dma_start3A_1430 : memref<1x50x32xf32, #tpu.memory_space<vmem>> -> memref<50x32xf32, #tpu.memory_space<vmem>>
      tpu.enqueue_dma source(%dma_start3A_1431 : memref<50x32xf32, #tpu.memory_space<vmem>>) target(%dma_start3A_1427 : memref<50x32xf32, #tpu.memory_space<hbm>>) target_semaphore(%arg10 : memref<!tpu.dma_semaphore, #tpu.memory_space<semaphore_mem>>)
      %mul3A_1432 = arith.constant 16 : i32
      %mul3A_1433 = arith.muli %add3A_1260, %mul3A_1432 : i32
      %add3A_1434 = arith.addi %mul3A_2, %mul3A_1433 : i32
      %add3A_1435 = arith.constant 2 : i32
      %add3A_1436 = arith.addi %add3A_1434, %add3A_1435 : i32
      %dma_start3A_1437 = arith.constant 1 : i32
      %dma_start3A_1438 = arith.constant 100 : i32
      %dma_start3A_1439 = arith.constant 0 : i32
      %dma_start3A_1440 = tpu.memref_slice %arg6[%dma_start3A_1437, %dma_start3A_1438, %dma_start3A_1439] : memref<2x800x32xf32, #tpu.memory_space<vmem>> -> memref<1x50x32xf32, #tpu.memory_space<vmem>>
      %dma_start3A_1441 = tpu.memref_squeeze %dma_start3A_1440 : memref<1x50x32xf32, #tpu.memory_space<vmem>> -> memref<50x32xf32, #tpu.memory_space<vmem>>
      %dma_start3A_1442 = arith.constant 0 : i32
      %dma_start3A_1443 = arith.constant 0 : i32
      %dma_start3A_1444 = tpu.memref_slice %arg4[%add3A_1436, %dma_start3A_1442, %dma_start3A_1443] : memref<16384x50x32xf32, #tpu.memory_space<hbm>> -> memref<1x50x32xf32, #tpu.memory_space<hbm>>
      %dma_start3A_1445 = tpu.memref_squeeze %dma_start3A_1444 : memref<1x50x32xf32, #tpu.memory_space<hbm>> -> memref<50x32xf32, #tpu.memory_space<hbm>>
      %dma_start3A_1446 = arith.constant 0 : i32
      %dma_start3A_1447 = arith.constant 0 : i32
      %dma_start3A_1448 = tpu.memref_slice %arg4[%add3A_1436, %dma_start3A_1446, %dma_start3A_1447] : memref<16384x50x32xf32, #tpu.memory_space<hbm>> -> memref<1x50x32xf32, #tpu.memory_space<hbm>>
      %dma_start3A_1449 = tpu.memref_squeeze %dma_start3A_1448 : memref<1x50x32xf32, #tpu.memory_space<hbm>> -> memref<50x32xf32, #tpu.memory_space<hbm>>
      %dma_start3A_1450 = arith.constant 100 : i32
      %dma_start3A_1451 = arith.constant 0 : i32
      %dma_start3A_1452 = tpu.memref_slice %arg6[%dma_start3A_1437, %dma_start3A_1450, %dma_start3A_1451] : memref<2x800x32xf32, #tpu.memory_space<vmem>> -> memref<1x50x32xf32, #tpu.memory_space<vmem>>
      %dma_start3A_1453 = tpu.memref_squeeze %dma_start3A_1452 : memref<1x50x32xf32, #tpu.memory_space<vmem>> -> memref<50x32xf32, #tpu.memory_space<vmem>>
      tpu.enqueue_dma source(%dma_start3A_1453 : memref<50x32xf32, #tpu.memory_space<vmem>>) target(%dma_start3A_1449 : memref<50x32xf32, #tpu.memory_space<hbm>>) target_semaphore(%arg10 : memref<!tpu.dma_semaphore, #tpu.memory_space<semaphore_mem>>)
      %mul3A_1454 = arith.constant 16 : i32
      %mul3A_1455 = arith.muli %add3A_1260, %mul3A_1454 : i32
      %add3A_1456 = arith.addi %mul3A_2, %mul3A_1455 : i32
      %add3A_1457 = arith.constant 3 : i32
      %add3A_1458 = arith.addi %add3A_1456, %add3A_1457 : i32
      %dma_start3A_1459 = arith.constant 1 : i32
      %dma_start3A_1460 = arith.constant 150 : i32
      %dma_start3A_1461 = arith.constant 0 : i32
      %dma_start3A_1462 = tpu.memref_slice %arg6[%dma_start3A_1459, %dma_start3A_1460, %dma_start3A_1461] : memref<2x800x32xf32, #tpu.memory_space<vmem>> -> memref<1x50x32xf32, #tpu.memory_space<vmem>>
      %dma_start3A_1463 = tpu.memref_squeeze %dma_start3A_1462 : memref<1x50x32xf32, #tpu.memory_space<vmem>> -> memref<50x32xf32, #tpu.memory_space<vmem>>
      %dma_start3A_1464 = arith.constant 0 : i32
      %dma_start3A_1465 = arith.constant 0 : i32
      %dma_start3A_1466 = tpu.memref_slice %arg4[%add3A_1458, %dma_start3A_1464, %dma_start3A_1465] : memref<16384x50x32xf32, #tpu.memory_space<hbm>> -> memref<1x50x32xf32, #tpu.memory_space<hbm>>
      %dma_start3A_1467 = tpu.memref_squeeze %dma_start3A_1466 : memref<1x50x32xf32, #tpu.memory_space<hbm>> -> memref<50x32xf32, #tpu.memory_space<hbm>>
      %dma_start3A_1468 = arith.constant 0 : i32
      %dma_start3A_1469 = arith.constant 0 : i32
      %dma_start3A_1470 = tpu.memref_slice %arg4[%add3A_1458, %dma_start3A_1468, %dma_start3A_1469] : memref<16384x50x32xf32, #tpu.memory_space<hbm>> -> memref<1x50x32xf32, #tpu.memory_space<hbm>>
      %dma_start3A_1471 = tpu.memref_squeeze %dma_start3A_1470 : memref<1x50x32xf32, #tpu.memory_space<hbm>> -> memref<50x32xf32, #tpu.memory_space<hbm>>
      %dma_start3A_1472 = arith.constant 150 : i32
      %dma_start3A_1473 = arith.constant 0 : i32
      %dma_start3A_1474 = tpu.memref_slice %arg6[%dma_start3A_1459, %dma_start3A_1472, %dma_start3A_1473] : memref<2x800x32xf32, #tpu.memory_space<vmem>> -> memref<1x50x32xf32, #tpu.memory_space<vmem>>
      %dma_start3A_1475 = tpu.memref_squeeze %dma_start3A_1474 : memref<1x50x32xf32, #tpu.memory_space<vmem>> -> memref<50x32xf32, #tpu.memory_space<vmem>>
      tpu.enqueue_dma source(%dma_start3A_1475 : memref<50x32xf32, #tpu.memory_space<vmem>>) target(%dma_start3A_1471 : memref<50x32xf32, #tpu.memory_space<hbm>>) target_semaphore(%arg10 : memref<!tpu.dma_semaphore, #tpu.memory_space<semaphore_mem>>)
      %mul3A_1476 = arith.constant 16 : i32
      %mul3A_1477 = arith.muli %add3A_1260, %mul3A_1476 : i32
      %add3A_1478 = arith.addi %mul3A_2, %mul3A_1477 : i32
      %add3A_1479 = arith.constant 4 : i32
      %add3A_1480 = arith.addi %add3A_1478, %add3A_1479 : i32
      %dma_start3A_1481 = arith.constant 1 : i32
      %dma_start3A_1482 = arith.constant 200 : i32
      %dma_start3A_1483 = arith.constant 0 : i32
      %dma_start3A_1484 = tpu.memref_slice %arg6[%dma_start3A_1481, %dma_start3A_1482, %dma_start3A_1483] : memref<2x800x32xf32, #tpu.memory_space<vmem>> -> memref<1x50x32xf32, #tpu.memory_space<vmem>>
      %dma_start3A_1485 = tpu.memref_squeeze %dma_start3A_1484 : memref<1x50x32xf32, #tpu.memory_space<vmem>> -> memref<50x32xf32, #tpu.memory_space<vmem>>
      %dma_start3A_1486 = arith.constant 0 : i32
      %dma_start3A_1487 = arith.constant 0 : i32
      %dma_start3A_1488 = tpu.memref_slice %arg4[%add3A_1480, %dma_start3A_1486, %dma_start3A_1487] : memref<16384x50x32xf32, #tpu.memory_space<hbm>> -> memref<1x50x32xf32, #tpu.memory_space<hbm>>
      %dma_start3A_1489 = tpu.memref_squeeze %dma_start3A_1488 : memref<1x50x32xf32, #tpu.memory_space<hbm>> -> memref<50x32xf32, #tpu.memory_space<hbm>>
      %dma_start3A_1490 = arith.constant 0 : i32
      %dma_start3A_1491 = arith.constant 0 : i32
      %dma_start3A_1492 = tpu.memref_slice %arg4[%add3A_1480, %dma_start3A_1490, %dma_start3A_1491] : memref<16384x50x32xf32, #tpu.memory_space<hbm>> -> memref<1x50x32xf32, #tpu.memory_space<hbm>>
      %dma_start3A_1493 = tpu.memref_squeeze %dma_start3A_1492 : memref<1x50x32xf32, #tpu.memory_space<hbm>> -> memref<50x32xf32, #tpu.memory_space<hbm>>
      %dma_start3A_1494 = arith.constant 200 : i32
      %dma_start3A_1495 = arith.constant 0 : i32
      %dma_start3A_1496 = tpu.memref_slice %arg6[%dma_start3A_1481, %dma_start3A_1494, %dma_start3A_1495] : memref<2x800x32xf32, #tpu.memory_space<vmem>> -> memref<1x50x32xf32, #tpu.memory_space<vmem>>
      %dma_start3A_1497 = tpu.memref_squeeze %dma_start3A_1496 : memref<1x50x32xf32, #tpu.memory_space<vmem>> -> memref<50x32xf32, #tpu.memory_space<vmem>>
      tpu.enqueue_dma source(%dma_start3A_1497 : memref<50x32xf32, #tpu.memory_space<vmem>>) target(%dma_start3A_1493 : memref<50x32xf32, #tpu.memory_space<hbm>>) target_semaphore(%arg10 : memref<!tpu.dma_semaphore, #tpu.memory_space<semaphore_mem>>)
      %mul3A_1498 = arith.constant 16 : i32
      %mul3A_1499 = arith.muli %add3A_1260, %mul3A_1498 : i32
      %add3A_1500 = arith.addi %mul3A_2, %mul3A_1499 : i32
      %add3A_1501 = arith.constant 5 : i32
      %add3A_1502 = arith.addi %add3A_1500, %add3A_1501 : i32
      %dma_start3A_1503 = arith.constant 1 : i32
      %dma_start3A_1504 = arith.constant 250 : i32
      %dma_start3A_1505 = arith.constant 0 : i32
      %dma_start3A_1506 = tpu.memref_slice %arg6[%dma_start3A_1503, %dma_start3A_1504, %dma_start3A_1505] : memref<2x800x32xf32, #tpu.memory_space<vmem>> -> memref<1x50x32xf32, #tpu.memory_space<vmem>>
      %dma_start3A_1507 = tpu.memref_squeeze %dma_start3A_1506 : memref<1x50x32xf32, #tpu.memory_space<vmem>> -> memref<50x32xf32, #tpu.memory_space<vmem>>
      %dma_start3A_1508 = arith.constant 0 : i32
      %dma_start3A_1509 = arith.constant 0 : i32
      %dma_start3A_1510 = tpu.memref_slice %arg4[%add3A_1502, %dma_start3A_1508, %dma_start3A_1509] : memref<16384x50x32xf32, #tpu.memory_space<hbm>> -> memref<1x50x32xf32, #tpu.memory_space<hbm>>
      %dma_start3A_1511 = tpu.memref_squeeze %dma_start3A_1510 : memref<1x50x32xf32, #tpu.memory_space<hbm>> -> memref<50x32xf32, #tpu.memory_space<hbm>>
      %dma_start3A_1512 = arith.constant 0 : i32
      %dma_start3A_1513 = arith.constant 0 : i32
      %dma_start3A_1514 = tpu.memref_slice %arg4[%add3A_1502, %dma_start3A_1512, %dma_start3A_1513] : memref<16384x50x32xf32, #tpu.memory_space<hbm>> -> memref<1x50x32xf32, #tpu.memory_space<hbm>>
      %dma_start3A_1515 = tpu.memref_squeeze %dma_start3A_1514 : memref<1x50x32xf32, #tpu.memory_space<hbm>> -> memref<50x32xf32, #tpu.memory_space<hbm>>
      %dma_start3A_1516 = arith.constant 250 : i32
      %dma_start3A_1517 = arith.constant 0 : i32
      %dma_start3A_1518 = tpu.memref_slice %arg6[%dma_start3A_1503, %dma_start3A_1516, %dma_start3A_1517] : memref<2x800x32xf32, #tpu.memory_space<vmem>> -> memref<1x50x32xf32, #tpu.memory_space<vmem>>
      %dma_start3A_1519 = tpu.memref_squeeze %dma_start3A_1518 : memref<1x50x32xf32, #tpu.memory_space<vmem>> -> memref<50x32xf32, #tpu.memory_space<vmem>>
      tpu.enqueue_dma source(%dma_start3A_1519 : memref<50x32xf32, #tpu.memory_space<vmem>>) target(%dma_start3A_1515 : memref<50x32xf32, #tpu.memory_space<hbm>>) target_semaphore(%arg10 : memref<!tpu.dma_semaphore, #tpu.memory_space<semaphore_mem>>)
      %mul3A_1520 = arith.constant 16 : i32
      %mul3A_1521 = arith.muli %add3A_1260, %mul3A_1520 : i32
      %add3A_1522 = arith.addi %mul3A_2, %mul3A_1521 : i32
      %add3A_1523 = arith.constant 6 : i32
      %add3A_1524 = arith.addi %add3A_1522, %add3A_1523 : i32
      %dma_start3A_1525 = arith.constant 1 : i32
      %dma_start3A_1526 = arith.constant 300 : i32
      %dma_start3A_1527 = arith.constant 0 : i32
      %dma_start3A_1528 = tpu.memref_slice %arg6[%dma_start3A_1525, %dma_start3A_1526, %dma_start3A_1527] : memref<2x800x32xf32, #tpu.memory_space<vmem>> -> memref<1x50x32xf32, #tpu.memory_space<vmem>>
      %dma_start3A_1529 = tpu.memref_squeeze %dma_start3A_1528 : memref<1x50x32xf32, #tpu.memory_space<vmem>> -> memref<50x32xf32, #tpu.memory_space<vmem>>
      %dma_start3A_1530 = arith.constant 0 : i32
      %dma_start3A_1531 = arith.constant 0 : i32
      %dma_start3A_1532 = tpu.memref_slice %arg4[%add3A_1524, %dma_start3A_1530, %dma_start3A_1531] : memref<16384x50x32xf32, #tpu.memory_space<hbm>> -> memref<1x50x32xf32, #tpu.memory_space<hbm>>
      %dma_start3A_1533 = tpu.memref_squeeze %dma_start3A_1532 : memref<1x50x32xf32, #tpu.memory_space<hbm>> -> memref<50x32xf32, #tpu.memory_space<hbm>>
      %dma_start3A_1534 = arith.constant 0 : i32
      %dma_start3A_1535 = arith.constant 0 : i32
      %dma_start3A_1536 = tpu.memref_slice %arg4[%add3A_1524, %dma_start3A_1534, %dma_start3A_1535] : memref<16384x50x32xf32, #tpu.memory_space<hbm>> -> memref<1x50x32xf32, #tpu.memory_space<hbm>>
      %dma_start3A_1537 = tpu.memref_squeeze %dma_start3A_1536 : memref<1x50x32xf32, #tpu.memory_space<hbm>> -> memref<50x32xf32, #tpu.memory_space<hbm>>
      %dma_start3A_1538 = arith.constant 300 : i32
      %dma_start3A_1539 = arith.constant 0 : i32
      %dma_start3A_1540 = tpu.memref_slice %arg6[%dma_start3A_1525, %dma_start3A_1538, %dma_start3A_1539] : memref<2x800x32xf32, #tpu.memory_space<vmem>> -> memref<1x50x32xf32, #tpu.memory_space<vmem>>
      %dma_start3A_1541 = tpu.memref_squeeze %dma_start3A_1540 : memref<1x50x32xf32, #tpu.memory_space<vmem>> -> memref<50x32xf32, #tpu.memory_space<vmem>>
      tpu.enqueue_dma source(%dma_start3A_1541 : memref<50x32xf32, #tpu.memory_space<vmem>>) target(%dma_start3A_1537 : memref<50x32xf32, #tpu.memory_space<hbm>>) target_semaphore(%arg10 : memref<!tpu.dma_semaphore, #tpu.memory_space<semaphore_mem>>)
      %mul3A_1542 = arith.constant 16 : i32
      %mul3A_1543 = arith.muli %add3A_1260, %mul3A_1542 : i32
      %add3A_1544 = arith.addi %mul3A_2, %mul3A_1543 : i32
      %add3A_1545 = arith.constant 7 : i32
      %add3A_1546 = arith.addi %add3A_1544, %add3A_1545 : i32
      %dma_start3A_1547 = arith.constant 1 : i32
      %dma_start3A_1548 = arith.constant 350 : i32
      %dma_start3A_1549 = arith.constant 0 : i32
      %dma_start3A_1550 = tpu.memref_slice %arg6[%dma_start3A_1547, %dma_start3A_1548, %dma_start3A_1549] : memref<2x800x32xf32, #tpu.memory_space<vmem>> -> memref<1x50x32xf32, #tpu.memory_space<vmem>>
      %dma_start3A_1551 = tpu.memref_squeeze %dma_start3A_1550 : memref<1x50x32xf32, #tpu.memory_space<vmem>> -> memref<50x32xf32, #tpu.memory_space<vmem>>
      %dma_start3A_1552 = arith.constant 0 : i32
      %dma_start3A_1553 = arith.constant 0 : i32
      %dma_start3A_1554 = tpu.memref_slice %arg4[%add3A_1546, %dma_start3A_1552, %dma_start3A_1553] : memref<16384x50x32xf32, #tpu.memory_space<hbm>> -> memref<1x50x32xf32, #tpu.memory_space<hbm>>
      %dma_start3A_1555 = tpu.memref_squeeze %dma_start3A_1554 : memref<1x50x32xf32, #tpu.memory_space<hbm>> -> memref<50x32xf32, #tpu.memory_space<hbm>>
      %dma_start3A_1556 = arith.constant 0 : i32
      %dma_start3A_1557 = arith.constant 0 : i32
      %dma_start3A_1558 = tpu.memref_slice %arg4[%add3A_1546, %dma_start3A_1556, %dma_start3A_1557] : memref<16384x50x32xf32, #tpu.memory_space<hbm>> -> memref<1x50x32xf32, #tpu.memory_space<hbm>>
      %dma_start3A_1559 = tpu.memref_squeeze %dma_start3A_1558 : memref<1x50x32xf32, #tpu.memory_space<hbm>> -> memref<50x32xf32, #tpu.memory_space<hbm>>
      %dma_start3A_1560 = arith.constant 350 : i32
      %dma_start3A_1561 = arith.constant 0 : i32
      %dma_start3A_1562 = tpu.memref_slice %arg6[%dma_start3A_1547, %dma_start3A_1560, %dma_start3A_1561] : memref<2x800x32xf32, #tpu.memory_space<vmem>> -> memref<1x50x32xf32, #tpu.memory_space<vmem>>
      %dma_start3A_1563 = tpu.memref_squeeze %dma_start3A_1562 : memref<1x50x32xf32, #tpu.memory_space<vmem>> -> memref<50x32xf32, #tpu.memory_space<vmem>>
      tpu.enqueue_dma source(%dma_start3A_1563 : memref<50x32xf32, #tpu.memory_space<vmem>>) target(%dma_start3A_1559 : memref<50x32xf32, #tpu.memory_space<hbm>>) target_semaphore(%arg10 : memref<!tpu.dma_semaphore, #tpu.memory_space<semaphore_mem>>)
      %mul3A_1564 = arith.constant 16 : i32
      %mul3A_1565 = arith.muli %add3A_1260, %mul3A_1564 : i32
      %add3A_1566 = arith.addi %mul3A_2, %mul3A_1565 : i32
      %add3A_1567 = arith.constant 8 : i32
      %add3A_1568 = arith.addi %add3A_1566, %add3A_1567 : i32
      %dma_start3A_1569 = arith.constant 1 : i32
      %dma_start3A_1570 = arith.constant 400 : i32
      %dma_start3A_1571 = arith.constant 0 : i32
      %dma_start3A_1572 = tpu.memref_slice %arg6[%dma_start3A_1569, %dma_start3A_1570, %dma_start3A_1571] : memref<2x800x32xf32, #tpu.memory_space<vmem>> -> memref<1x50x32xf32, #tpu.memory_space<vmem>>
      %dma_start3A_1573 = tpu.memref_squeeze %dma_start3A_1572 : memref<1x50x32xf32, #tpu.memory_space<vmem>> -> memref<50x32xf32, #tpu.memory_space<vmem>>
      %dma_start3A_1574 = arith.constant 0 : i32
      %dma_start3A_1575 = arith.constant 0 : i32
      %dma_start3A_1576 = tpu.memref_slice %arg4[%add3A_1568, %dma_start3A_1574, %dma_start3A_1575] : memref<16384x50x32xf32, #tpu.memory_space<hbm>> -> memref<1x50x32xf32, #tpu.memory_space<hbm>>
      %dma_start3A_1577 = tpu.memref_squeeze %dma_start3A_1576 : memref<1x50x32xf32, #tpu.memory_space<hbm>> -> memref<50x32xf32, #tpu.memory_space<hbm>>
      %dma_start3A_1578 = arith.constant 0 : i32
      %dma_start3A_1579 = arith.constant 0 : i32
      %dma_start3A_1580 = tpu.memref_slice %arg4[%add3A_1568, %dma_start3A_1578, %dma_start3A_1579] : memref<16384x50x32xf32, #tpu.memory_space<hbm>> -> memref<1x50x32xf32, #tpu.memory_space<hbm>>
      %dma_start3A_1581 = tpu.memref_squeeze %dma_start3A_1580 : memref<1x50x32xf32, #tpu.memory_space<hbm>> -> memref<50x32xf32, #tpu.memory_space<hbm>>
      %dma_start3A_1582 = arith.constant 400 : i32
      %dma_start3A_1583 = arith.constant 0 : i32
      %dma_start3A_1584 = tpu.memref_slice %arg6[%dma_start3A_1569, %dma_start3A_1582, %dma_start3A_1583] : memref<2x800x32xf32, #tpu.memory_space<vmem>> -> memref<1x50x32xf32, #tpu.memory_space<vmem>>
      %dma_start3A_1585 = tpu.memref_squeeze %dma_start3A_1584 : memref<1x50x32xf32, #tpu.memory_space<vmem>> -> memref<50x32xf32, #tpu.memory_space<vmem>>
      tpu.enqueue_dma source(%dma_start3A_1585 : memref<50x32xf32, #tpu.memory_space<vmem>>) target(%dma_start3A_1581 : memref<50x32xf32, #tpu.memory_space<hbm>>) target_semaphore(%arg10 : memref<!tpu.dma_semaphore, #tpu.memory_space<semaphore_mem>>)
      %mul3A_1586 = arith.constant 16 : i32
      %mul3A_1587 = arith.muli %add3A_1260, %mul3A_1586 : i32
      %add3A_1588 = arith.addi %mul3A_2, %mul3A_1587 : i32
      %add3A_1589 = arith.constant 9 : i32
      %add3A_1590 = arith.addi %add3A_1588, %add3A_1589 : i32
      %dma_start3A_1591 = arith.constant 1 : i32
      %dma_start3A_1592 = arith.constant 450 : i32
      %dma_start3A_1593 = arith.constant 0 : i32
      %dma_start3A_1594 = tpu.memref_slice %arg6[%dma_start3A_1591, %dma_start3A_1592, %dma_start3A_1593] : memref<2x800x32xf32, #tpu.memory_space<vmem>> -> memref<1x50x32xf32, #tpu.memory_space<vmem>>
      %dma_start3A_1595 = tpu.memref_squeeze %dma_start3A_1594 : memref<1x50x32xf32, #tpu.memory_space<vmem>> -> memref<50x32xf32, #tpu.memory_space<vmem>>
      %dma_start3A_1596 = arith.constant 0 : i32
      %dma_start3A_1597 = arith.constant 0 : i32
      %dma_start3A_1598 = tpu.memref_slice %arg4[%add3A_1590, %dma_start3A_1596, %dma_start3A_1597] : memref<16384x50x32xf32, #tpu.memory_space<hbm>> -> memref<1x50x32xf32, #tpu.memory_space<hbm>>
      %dma_start3A_1599 = tpu.memref_squeeze %dma_start3A_1598 : memref<1x50x32xf32, #tpu.memory_space<hbm>> -> memref<50x32xf32, #tpu.memory_space<hbm>>
      %dma_start3A_1600 = arith.constant 0 : i32
      %dma_start3A_1601 = arith.constant 0 : i32
      %dma_start3A_1602 = tpu.memref_slice %arg4[%add3A_1590, %dma_start3A_1600, %dma_start3A_1601] : memref<16384x50x32xf32, #tpu.memory_space<hbm>> -> memref<1x50x32xf32, #tpu.memory_space<hbm>>
      %dma_start3A_1603 = tpu.memref_squeeze %dma_start3A_1602 : memref<1x50x32xf32, #tpu.memory_space<hbm>> -> memref<50x32xf32, #tpu.memory_space<hbm>>
      %dma_start3A_1604 = arith.constant 450 : i32
      %dma_start3A_1605 = arith.constant 0 : i32
      %dma_start3A_1606 = tpu.memref_slice %arg6[%dma_start3A_1591, %dma_start3A_1604, %dma_start3A_1605] : memref<2x800x32xf32, #tpu.memory_space<vmem>> -> memref<1x50x32xf32, #tpu.memory_space<vmem>>
      %dma_start3A_1607 = tpu.memref_squeeze %dma_start3A_1606 : memref<1x50x32xf32, #tpu.memory_space<vmem>> -> memref<50x32xf32, #tpu.memory_space<vmem>>
      tpu.enqueue_dma source(%dma_start3A_1607 : memref<50x32xf32, #tpu.memory_space<vmem>>) target(%dma_start3A_1603 : memref<50x32xf32, #tpu.memory_space<hbm>>) target_semaphore(%arg10 : memref<!tpu.dma_semaphore, #tpu.memory_space<semaphore_mem>>)
      %mul3A_1608 = arith.constant 16 : i32
      %mul3A_1609 = arith.muli %add3A_1260, %mul3A_1608 : i32
      %add3A_1610 = arith.addi %mul3A_2, %mul3A_1609 : i32
      %add3A_1611 = arith.constant 10 : i32
      %add3A_1612 = arith.addi %add3A_1610, %add3A_1611 : i32
      %dma_start3A_1613 = arith.constant 1 : i32
      %dma_start3A_1614 = arith.constant 500 : i32
      %dma_start3A_1615 = arith.constant 0 : i32
      %dma_start3A_1616 = tpu.memref_slice %arg6[%dma_start3A_1613, %dma_start3A_1614, %dma_start3A_1615] : memref<2x800x32xf32, #tpu.memory_space<vmem>> -> memref<1x50x32xf32, #tpu.memory_space<vmem>>
      %dma_start3A_1617 = tpu.memref_squeeze %dma_start3A_1616 : memref<1x50x32xf32, #tpu.memory_space<vmem>> -> memref<50x32xf32, #tpu.memory_space<vmem>>
      %dma_start3A_1618 = arith.constant 0 : i32
      %dma_start3A_1619 = arith.constant 0 : i32
      %dma_start3A_1620 = tpu.memref_slice %arg4[%add3A_1612, %dma_start3A_1618, %dma_start3A_1619] : memref<16384x50x32xf32, #tpu.memory_space<hbm>> -> memref<1x50x32xf32, #tpu.memory_space<hbm>>
      %dma_start3A_1621 = tpu.memref_squeeze %dma_start3A_1620 : memref<1x50x32xf32, #tpu.memory_space<hbm>> -> memref<50x32xf32, #tpu.memory_space<hbm>>
      %dma_start3A_1622 = arith.constant 0 : i32
      %dma_start3A_1623 = arith.constant 0 : i32
      %dma_start3A_1624 = tpu.memref_slice %arg4[%add3A_1612, %dma_start3A_1622, %dma_start3A_1623] : memref<16384x50x32xf32, #tpu.memory_space<hbm>> -> memref<1x50x32xf32, #tpu.memory_space<hbm>>
      %dma_start3A_1625 = tpu.memref_squeeze %dma_start3A_1624 : memref<1x50x32xf32, #tpu.memory_space<hbm>> -> memref<50x32xf32, #tpu.memory_space<hbm>>
      %dma_start3A_1626 = arith.constant 500 : i32
      %dma_start3A_1627 = arith.constant 0 : i32
      %dma_start3A_1628 = tpu.memref_slice %arg6[%dma_start3A_1613, %dma_start3A_1626, %dma_start3A_1627] : memref<2x800x32xf32, #tpu.memory_space<vmem>> -> memref<1x50x32xf32, #tpu.memory_space<vmem>>
      %dma_start3A_1629 = tpu.memref_squeeze %dma_start3A_1628 : memref<1x50x32xf32, #tpu.memory_space<vmem>> -> memref<50x32xf32, #tpu.memory_space<vmem>>
      tpu.enqueue_dma source(%dma_start3A_1629 : memref<50x32xf32, #tpu.memory_space<vmem>>) target(%dma_start3A_1625 : memref<50x32xf32, #tpu.memory_space<hbm>>) target_semaphore(%arg10 : memref<!tpu.dma_semaphore, #tpu.memory_space<semaphore_mem>>)
      %mul3A_1630 = arith.constant 16 : i32
      %mul3A_1631 = arith.muli %add3A_1260, %mul3A_1630 : i32
      %add3A_1632 = arith.addi %mul3A_2, %mul3A_1631 : i32
      %add3A_1633 = arith.constant 11 : i32
      %add3A_1634 = arith.addi %add3A_1632, %add3A_1633 : i32
      %dma_start3A_1635 = arith.constant 1 : i32
      %dma_start3A_1636 = arith.constant 550 : i32
      %dma_start3A_1637 = arith.constant 0 : i32
      %dma_start3A_1638 = tpu.memref_slice %arg6[%dma_start3A_1635, %dma_start3A_1636, %dma_start3A_1637] : memref<2x800x32xf32, #tpu.memory_space<vmem>> -> memref<1x50x32xf32, #tpu.memory_space<vmem>>
      %dma_start3A_1639 = tpu.memref_squeeze %dma_start3A_1638 : memref<1x50x32xf32, #tpu.memory_space<vmem>> -> memref<50x32xf32, #tpu.memory_space<vmem>>
      %dma_start3A_1640 = arith.constant 0 : i32
      %dma_start3A_1641 = arith.constant 0 : i32
      %dma_start3A_1642 = tpu.memref_slice %arg4[%add3A_1634, %dma_start3A_1640, %dma_start3A_1641] : memref<16384x50x32xf32, #tpu.memory_space<hbm>> -> memref<1x50x32xf32, #tpu.memory_space<hbm>>
      %dma_start3A_1643 = tpu.memref_squeeze %dma_start3A_1642 : memref<1x50x32xf32, #tpu.memory_space<hbm>> -> memref<50x32xf32, #tpu.memory_space<hbm>>
      %dma_start3A_1644 = arith.constant 0 : i32
      %dma_start3A_1645 = arith.constant 0 : i32
      %dma_start3A_1646 = tpu.memref_slice %arg4[%add3A_1634, %dma_start3A_1644, %dma_start3A_1645] : memref<16384x50x32xf32, #tpu.memory_space<hbm>> -> memref<1x50x32xf32, #tpu.memory_space<hbm>>
      %dma_start3A_1647 = tpu.memref_squeeze %dma_start3A_1646 : memref<1x50x32xf32, #tpu.memory_space<hbm>> -> memref<50x32xf32, #tpu.memory_space<hbm>>
      %dma_start3A_1648 = arith.constant 550 : i32
      %dma_start3A_1649 = arith.constant 0 : i32
      %dma_start3A_1650 = tpu.memref_slice %arg6[%dma_start3A_1635, %dma_start3A_1648, %dma_start3A_1649] : memref<2x800x32xf32, #tpu.memory_space<vmem>> -> memref<1x50x32xf32, #tpu.memory_space<vmem>>
      %dma_start3A_1651 = tpu.memref_squeeze %dma_start3A_1650 : memref<1x50x32xf32, #tpu.memory_space<vmem>> -> memref<50x32xf32, #tpu.memory_space<vmem>>
      tpu.enqueue_dma source(%dma_start3A_1651 : memref<50x32xf32, #tpu.memory_space<vmem>>) target(%dma_start3A_1647 : memref<50x32xf32, #tpu.memory_space<hbm>>) target_semaphore(%arg10 : memref<!tpu.dma_semaphore, #tpu.memory_space<semaphore_mem>>)
      %mul3A_1652 = arith.constant 16 : i32
      %mul3A_1653 = arith.muli %add3A_1260, %mul3A_1652 : i32
      %add3A_1654 = arith.addi %mul3A_2, %mul3A_1653 : i32
      %add3A_1655 = arith.constant 12 : i32
      %add3A_1656 = arith.addi %add3A_1654, %add3A_1655 : i32
      %dma_start3A_1657 = arith.constant 1 : i32
      %dma_start3A_1658 = arith.constant 600 : i32
      %dma_start3A_1659 = arith.constant 0 : i32
      %dma_start3A_1660 = tpu.memref_slice %arg6[%dma_start3A_1657, %dma_start3A_1658, %dma_start3A_1659] : memref<2x800x32xf32, #tpu.memory_space<vmem>> -> memref<1x50x32xf32, #tpu.memory_space<vmem>>
      %dma_start3A_1661 = tpu.memref_squeeze %dma_start3A_1660 : memref<1x50x32xf32, #tpu.memory_space<vmem>> -> memref<50x32xf32, #tpu.memory_space<vmem>>
      %dma_start3A_1662 = arith.constant 0 : i32
      %dma_start3A_1663 = arith.constant 0 : i32
      %dma_start3A_1664 = tpu.memref_slice %arg4[%add3A_1656, %dma_start3A_1662, %dma_start3A_1663] : memref<16384x50x32xf32, #tpu.memory_space<hbm>> -> memref<1x50x32xf32, #tpu.memory_space<hbm>>
      %dma_start3A_1665 = tpu.memref_squeeze %dma_start3A_1664 : memref<1x50x32xf32, #tpu.memory_space<hbm>> -> memref<50x32xf32, #tpu.memory_space<hbm>>
      %dma_start3A_1666 = arith.constant 0 : i32
      %dma_start3A_1667 = arith.constant 0 : i32
      %dma_start3A_1668 = tpu.memref_slice %arg4[%add3A_1656, %dma_start3A_1666, %dma_start3A_1667] : memref<16384x50x32xf32, #tpu.memory_space<hbm>> -> memref<1x50x32xf32, #tpu.memory_space<hbm>>
      %dma_start3A_1669 = tpu.memref_squeeze %dma_start3A_1668 : memref<1x50x32xf32, #tpu.memory_space<hbm>> -> memref<50x32xf32, #tpu.memory_space<hbm>>
      %dma_start3A_1670 = arith.constant 600 : i32
      %dma_start3A_1671 = arith.constant 0 : i32
      %dma_start3A_1672 = tpu.memref_slice %arg6[%dma_start3A_1657, %dma_start3A_1670, %dma_start3A_1671] : memref<2x800x32xf32, #tpu.memory_space<vmem>> -> memref<1x50x32xf32, #tpu.memory_space<vmem>>
      %dma_start3A_1673 = tpu.memref_squeeze %dma_start3A_1672 : memref<1x50x32xf32, #tpu.memory_space<vmem>> -> memref<50x32xf32, #tpu.memory_space<vmem>>
      tpu.enqueue_dma source(%dma_start3A_1673 : memref<50x32xf32, #tpu.memory_space<vmem>>) target(%dma_start3A_1669 : memref<50x32xf32, #tpu.memory_space<hbm>>) target_semaphore(%arg10 : memref<!tpu.dma_semaphore, #tpu.memory_space<semaphore_mem>>)
      %mul3A_1674 = arith.constant 16 : i32
      %mul3A_1675 = arith.muli %add3A_1260, %mul3A_1674 : i32
      %add3A_1676 = arith.addi %mul3A_2, %mul3A_1675 : i32
      %add3A_1677 = arith.constant 13 : i32
      %add3A_1678 = arith.addi %add3A_1676, %add3A_1677 : i32
      %dma_start3A_1679 = arith.constant 1 : i32
      %dma_start3A_1680 = arith.constant 650 : i32
      %dma_start3A_1681 = arith.constant 0 : i32
      %dma_start3A_1682 = tpu.memref_slice %arg6[%dma_start3A_1679, %dma_start3A_1680, %dma_start3A_1681] : memref<2x800x32xf32, #tpu.memory_space<vmem>> -> memref<1x50x32xf32, #tpu.memory_space<vmem>>
      %dma_start3A_1683 = tpu.memref_squeeze %dma_start3A_1682 : memref<1x50x32xf32, #tpu.memory_space<vmem>> -> memref<50x32xf32, #tpu.memory_space<vmem>>
      %dma_start3A_1684 = arith.constant 0 : i32
      %dma_start3A_1685 = arith.constant 0 : i32
      %dma_start3A_1686 = tpu.memref_slice %arg4[%add3A_1678, %dma_start3A_1684, %dma_start3A_1685] : memref<16384x50x32xf32, #tpu.memory_space<hbm>> -> memref<1x50x32xf32, #tpu.memory_space<hbm>>
      %dma_start3A_1687 = tpu.memref_squeeze %dma_start3A_1686 : memref<1x50x32xf32, #tpu.memory_space<hbm>> -> memref<50x32xf32, #tpu.memory_space<hbm>>
      %dma_start3A_1688 = arith.constant 0 : i32
      %dma_start3A_1689 = arith.constant 0 : i32
      %dma_start3A_1690 = tpu.memref_slice %arg4[%add3A_1678, %dma_start3A_1688, %dma_start3A_1689] : memref<16384x50x32xf32, #tpu.memory_space<hbm>> -> memref<1x50x32xf32, #tpu.memory_space<hbm>>
      %dma_start3A_1691 = tpu.memref_squeeze %dma_start3A_1690 : memref<1x50x32xf32, #tpu.memory_space<hbm>> -> memref<50x32xf32, #tpu.memory_space<hbm>>
      %dma_start3A_1692 = arith.constant 650 : i32
      %dma_start3A_1693 = arith.constant 0 : i32
      %dma_start3A_1694 = tpu.memref_slice %arg6[%dma_start3A_1679, %dma_start3A_1692, %dma_start3A_1693] : memref<2x800x32xf32, #tpu.memory_space<vmem>> -> memref<1x50x32xf32, #tpu.memory_space<vmem>>
      %dma_start3A_1695 = tpu.memref_squeeze %dma_start3A_1694 : memref<1x50x32xf32, #tpu.memory_space<vmem>> -> memref<50x32xf32, #tpu.memory_space<vmem>>
      tpu.enqueue_dma source(%dma_start3A_1695 : memref<50x32xf32, #tpu.memory_space<vmem>>) target(%dma_start3A_1691 : memref<50x32xf32, #tpu.memory_space<hbm>>) target_semaphore(%arg10 : memref<!tpu.dma_semaphore, #tpu.memory_space<semaphore_mem>>)
      %mul3A_1696 = arith.constant 16 : i32
      %mul3A_1697 = arith.muli %add3A_1260, %mul3A_1696 : i32
      %add3A_1698 = arith.addi %mul3A_2, %mul3A_1697 : i32
      %add3A_1699 = arith.constant 14 : i32
      %add3A_1700 = arith.addi %add3A_1698, %add3A_1699 : i32
      %dma_start3A_1701 = arith.constant 1 : i32
      %dma_start3A_1702 = arith.constant 700 : i32
      %dma_start3A_1703 = arith.constant 0 : i32
      %dma_start3A_1704 = tpu.memref_slice %arg6[%dma_start3A_1701, %dma_start3A_1702, %dma_start3A_1703] : memref<2x800x32xf32, #tpu.memory_space<vmem>> -> memref<1x50x32xf32, #tpu.memory_space<vmem>>
      %dma_start3A_1705 = tpu.memref_squeeze %dma_start3A_1704 : memref<1x50x32xf32, #tpu.memory_space<vmem>> -> memref<50x32xf32, #tpu.memory_space<vmem>>
      %dma_start3A_1706 = arith.constant 0 : i32
      %dma_start3A_1707 = arith.constant 0 : i32
      %dma_start3A_1708 = tpu.memref_slice %arg4[%add3A_1700, %dma_start3A_1706, %dma_start3A_1707] : memref<16384x50x32xf32, #tpu.memory_space<hbm>> -> memref<1x50x32xf32, #tpu.memory_space<hbm>>
      %dma_start3A_1709 = tpu.memref_squeeze %dma_start3A_1708 : memref<1x50x32xf32, #tpu.memory_space<hbm>> -> memref<50x32xf32, #tpu.memory_space<hbm>>
      %dma_start3A_1710 = arith.constant 0 : i32
      %dma_start3A_1711 = arith.constant 0 : i32
      %dma_start3A_1712 = tpu.memref_slice %arg4[%add3A_1700, %dma_start3A_1710, %dma_start3A_1711] : memref<16384x50x32xf32, #tpu.memory_space<hbm>> -> memref<1x50x32xf32, #tpu.memory_space<hbm>>
      %dma_start3A_1713 = tpu.memref_squeeze %dma_start3A_1712 : memref<1x50x32xf32, #tpu.memory_space<hbm>> -> memref<50x32xf32, #tpu.memory_space<hbm>>
      %dma_start3A_1714 = arith.constant 700 : i32
      %dma_start3A_1715 = arith.constant 0 : i32
      %dma_start3A_1716 = tpu.memref_slice %arg6[%dma_start3A_1701, %dma_start3A_1714, %dma_start3A_1715] : memref<2x800x32xf32, #tpu.memory_space<vmem>> -> memref<1x50x32xf32, #tpu.memory_space<vmem>>
      %dma_start3A_1717 = tpu.memref_squeeze %dma_start3A_1716 : memref<1x50x32xf32, #tpu.memory_space<vmem>> -> memref<50x32xf32, #tpu.memory_space<vmem>>
      tpu.enqueue_dma source(%dma_start3A_1717 : memref<50x32xf32, #tpu.memory_space<vmem>>) target(%dma_start3A_1713 : memref<50x32xf32, #tpu.memory_space<hbm>>) target_semaphore(%arg10 : memref<!tpu.dma_semaphore, #tpu.memory_space<semaphore_mem>>)
      %mul3A_1718 = arith.constant 16 : i32
      %mul3A_1719 = arith.muli %add3A_1260, %mul3A_1718 : i32
      %add3A_1720 = arith.addi %mul3A_2, %mul3A_1719 : i32
      %add3A_1721 = arith.constant 15 : i32
      %add3A_1722 = arith.addi %add3A_1720, %add3A_1721 : i32
      %dma_start3A_1723 = arith.constant 1 : i32
      %dma_start3A_1724 = arith.constant 750 : i32
      %dma_start3A_1725 = arith.constant 0 : i32
      %dma_start3A_1726 = tpu.memref_slice %arg6[%dma_start3A_1723, %dma_start3A_1724, %dma_start3A_1725] : memref<2x800x32xf32, #tpu.memory_space<vmem>> -> memref<1x50x32xf32, #tpu.memory_space<vmem>>
      %dma_start3A_1727 = tpu.memref_squeeze %dma_start3A_1726 : memref<1x50x32xf32, #tpu.memory_space<vmem>> -> memref<50x32xf32, #tpu.memory_space<vmem>>
      %dma_start3A_1728 = arith.constant 0 : i32
      %dma_start3A_1729 = arith.constant 0 : i32
      %dma_start3A_1730 = tpu.memref_slice %arg4[%add3A_1722, %dma_start3A_1728, %dma_start3A_1729] : memref<16384x50x32xf32, #tpu.memory_space<hbm>> -> memref<1x50x32xf32, #tpu.memory_space<hbm>>
      %dma_start3A_1731 = tpu.memref_squeeze %dma_start3A_1730 : memref<1x50x32xf32, #tpu.memory_space<hbm>> -> memref<50x32xf32, #tpu.memory_space<hbm>>
      %dma_start3A_1732 = arith.constant 0 : i32
      %dma_start3A_1733 = arith.constant 0 : i32
      %dma_start3A_1734 = tpu.memref_slice %arg4[%add3A_1722, %dma_start3A_1732, %dma_start3A_1733] : memref<16384x50x32xf32, #tpu.memory_space<hbm>> -> memref<1x50x32xf32, #tpu.memory_space<hbm>>
      %dma_start3A_1735 = tpu.memref_squeeze %dma_start3A_1734 : memref<1x50x32xf32, #tpu.memory_space<hbm>> -> memref<50x32xf32, #tpu.memory_space<hbm>>
      %dma_start3A_1736 = arith.constant 750 : i32
      %dma_start3A_1737 = arith.constant 0 : i32
      %dma_start3A_1738 = tpu.memref_slice %arg6[%dma_start3A_1723, %dma_start3A_1736, %dma_start3A_1737] : memref<2x800x32xf32, #tpu.memory_space<vmem>> -> memref<1x50x32xf32, #tpu.memory_space<vmem>>
      %dma_start3A_1739 = tpu.memref_squeeze %dma_start3A_1738 : memref<1x50x32xf32, #tpu.memory_space<vmem>> -> memref<50x32xf32, #tpu.memory_space<vmem>>
      tpu.enqueue_dma source(%dma_start3A_1739 : memref<50x32xf32, #tpu.memory_space<vmem>>) target(%dma_start3A_1735 : memref<50x32xf32, #tpu.memory_space<hbm>>) target_semaphore(%arg10 : memref<!tpu.dma_semaphore, #tpu.memory_space<semaphore_mem>>)
      %scan3A_1740 = arith.constant 0 : i32
      scf.yield %scan3A_1740 : i32
    }
    %scan3A_103 = arith.constant 16 : i32
    %add3A_104 = arith.constant 480 : i32
    %add3A_105 = arith.addi %mul3A_2, %add3A_104 : i32
    %add3A_106 = arith.constant 0 : i32
    %add3A_107 = arith.addi %add3A_105, %add3A_106 : i32
    %dma_wait3A = arith.constant 0 : i32
    %dma_wait3A_108 = arith.constant 0 : i32
    %dma_wait3A_109 = arith.constant 0 : i32
    %dma_wait3A_110 = tpu.memref_slice %arg6[%dma_wait3A, %dma_wait3A_108, %dma_wait3A_109] : memref<2x800x32xf32, #tpu.memory_space<vmem>> -> memref<1x50x32xf32, #tpu.memory_space<vmem>>
    %dma_wait3A_111 = tpu.memref_squeeze %dma_wait3A_110 : memref<1x50x32xf32, #tpu.memory_space<vmem>> -> memref<50x32xf32, #tpu.memory_space<vmem>>
    %dma_wait3A_112 = arith.constant 0 : i32
    %dma_wait3A_113 = arith.constant 0 : i32
    %dma_wait3A_114 = tpu.memref_slice %arg4[%add3A_107, %dma_wait3A_112, %dma_wait3A_113] : memref<16384x50x32xf32, #tpu.memory_space<hbm>> -> memref<1x50x32xf32, #tpu.memory_space<hbm>>
    %dma_wait3A_115 = tpu.memref_squeeze %dma_wait3A_114 : memref<1x50x32xf32, #tpu.memory_space<hbm>> -> memref<50x32xf32, #tpu.memory_space<hbm>>
    %dma_wait3A_116 = arith.constant 0 : i32
    %dma_wait3A_117 = arith.constant 0 : i32
    %dma_wait3A_118 = tpu.memref_slice %arg4[%add3A_107, %dma_wait3A_116, %dma_wait3A_117] : memref<16384x50x32xf32, #tpu.memory_space<hbm>> -> memref<1x50x32xf32, #tpu.memory_space<hbm>>
    %dma_wait3A_119 = tpu.memref_squeeze %dma_wait3A_118 : memref<1x50x32xf32, #tpu.memory_space<hbm>> -> memref<50x32xf32, #tpu.memory_space<hbm>>
    %dma_wait3A_120 = arith.constant 0 : i32
    %dma_wait3A_121 = arith.constant 0 : i32
    %dma_wait3A_122 = tpu.memref_slice %arg6[%dma_wait3A, %dma_wait3A_120, %dma_wait3A_121] : memref<2x800x32xf32, #tpu.memory_space<vmem>> -> memref<1x50x32xf32, #tpu.memory_space<vmem>>
    %dma_wait3A_123 = tpu.memref_squeeze %dma_wait3A_122 : memref<1x50x32xf32, #tpu.memory_space<vmem>> -> memref<50x32xf32, #tpu.memory_space<vmem>>
    tpu.wait_dma2 semaphore(%arg9 : memref<!tpu.dma_semaphore, #tpu.memory_space<semaphore_mem>>) src(%dma_wait3A_123 : memref<50x32xf32, #tpu.memory_space<vmem>>) dst(%dma_wait3A_119 : memref<50x32xf32, #tpu.memory_space<hbm>>)
    %add3A_124 = arith.constant 480 : i32
    %add3A_125 = arith.addi %mul3A_2, %add3A_124 : i32
    %add3A_126 = arith.constant 1 : i32
    %add3A_127 = arith.addi %add3A_125, %add3A_126 : i32
    %dma_wait3A_128 = arith.constant 0 : i32
    %dma_wait3A_129 = arith.constant 50 : i32
    %dma_wait3A_130 = arith.constant 0 : i32
    %dma_wait3A_131 = tpu.memref_slice %arg6[%dma_wait3A_128, %dma_wait3A_129, %dma_wait3A_130] : memref<2x800x32xf32, #tpu.memory_space<vmem>> -> memref<1x50x32xf32, #tpu.memory_space<vmem>>
    %dma_wait3A_132 = tpu.memref_squeeze %dma_wait3A_131 : memref<1x50x32xf32, #tpu.memory_space<vmem>> -> memref<50x32xf32, #tpu.memory_space<vmem>>
    %dma_wait3A_133 = arith.constant 0 : i32
    %dma_wait3A_134 = arith.constant 0 : i32
    %dma_wait3A_135 = tpu.memref_slice %arg4[%add3A_127, %dma_wait3A_133, %dma_wait3A_134] : memref<16384x50x32xf32, #tpu.memory_space<hbm>> -> memref<1x50x32xf32, #tpu.memory_space<hbm>>
    %dma_wait3A_136 = tpu.memref_squeeze %dma_wait3A_135 : memref<1x50x32xf32, #tpu.memory_space<hbm>> -> memref<50x32xf32, #tpu.memory_space<hbm>>
    %dma_wait3A_137 = arith.constant 0 : i32
    %dma_wait3A_138 = arith.constant 0 : i32
    %dma_wait3A_139 = tpu.memref_slice %arg4[%add3A_127, %dma_wait3A_137, %dma_wait3A_138] : memref<16384x50x32xf32, #tpu.memory_space<hbm>> -> memref<1x50x32xf32, #tpu.memory_space<hbm>>
    %dma_wait3A_140 = tpu.memref_squeeze %dma_wait3A_139 : memref<1x50x32xf32, #tpu.memory_space<hbm>> -> memref<50x32xf32, #tpu.memory_space<hbm>>
    %dma_wait3A_141 = arith.constant 50 : i32
    %dma_wait3A_142 = arith.constant 0 : i32
    %dma_wait3A_143 = tpu.memref_slice %arg6[%dma_wait3A_128, %dma_wait3A_141, %dma_wait3A_142] : memref<2x800x32xf32, #tpu.memory_space<vmem>> -> memref<1x50x32xf32, #tpu.memory_space<vmem>>
    %dma_wait3A_144 = tpu.memref_squeeze %dma_wait3A_143 : memref<1x50x32xf32, #tpu.memory_space<vmem>> -> memref<50x32xf32, #tpu.memory_space<vmem>>
    tpu.wait_dma2 semaphore(%arg9 : memref<!tpu.dma_semaphore, #tpu.memory_space<semaphore_mem>>) src(%dma_wait3A_144 : memref<50x32xf32, #tpu.memory_space<vmem>>) dst(%dma_wait3A_140 : memref<50x32xf32, #tpu.memory_space<hbm>>)
    %add3A_145 = arith.constant 480 : i32
    %add3A_146 = arith.addi %mul3A_2, %add3A_145 : i32
    %add3A_147 = arith.constant 2 : i32
    %add3A_148 = arith.addi %add3A_146, %add3A_147 : i32
    %dma_wait3A_149 = arith.constant 0 : i32
    %dma_wait3A_150 = arith.constant 100 : i32
    %dma_wait3A_151 = arith.constant 0 : i32
    %dma_wait3A_152 = tpu.memref_slice %arg6[%dma_wait3A_149, %dma_wait3A_150, %dma_wait3A_151] : memref<2x800x32xf32, #tpu.memory_space<vmem>> -> memref<1x50x32xf32, #tpu.memory_space<vmem>>
    %dma_wait3A_153 = tpu.memref_squeeze %dma_wait3A_152 : memref<1x50x32xf32, #tpu.memory_space<vmem>> -> memref<50x32xf32, #tpu.memory_space<vmem>>
    %dma_wait3A_154 = arith.constant 0 : i32
    %dma_wait3A_155 = arith.constant 0 : i32
    %dma_wait3A_156 = tpu.memref_slice %arg4[%add3A_148, %dma_wait3A_154, %dma_wait3A_155] : memref<16384x50x32xf32, #tpu.memory_space<hbm>> -> memref<1x50x32xf32, #tpu.memory_space<hbm>>
    %dma_wait3A_157 = tpu.memref_squeeze %dma_wait3A_156 : memref<1x50x32xf32, #tpu.memory_space<hbm>> -> memref<50x32xf32, #tpu.memory_space<hbm>>
    %dma_wait3A_158 = arith.constant 0 : i32
    %dma_wait3A_159 = arith.constant 0 : i32
    %dma_wait3A_160 = tpu.memref_slice %arg4[%add3A_148, %dma_wait3A_158, %dma_wait3A_159] : memref<16384x50x32xf32, #tpu.memory_space<hbm>> -> memref<1x50x32xf32, #tpu.memory_space<hbm>>
    %dma_wait3A_161 = tpu.memref_squeeze %dma_wait3A_160 : memref<1x50x32xf32, #tpu.memory_space<hbm>> -> memref<50x32xf32, #tpu.memory_space<hbm>>
    %dma_wait3A_162 = arith.constant 100 : i32
    %dma_wait3A_163 = arith.constant 0 : i32
    %dma_wait3A_164 = tpu.memref_slice %arg6[%dma_wait3A_149, %dma_wait3A_162, %dma_wait3A_163] : memref<2x800x32xf32, #tpu.memory_space<vmem>> -> memref<1x50x32xf32, #tpu.memory_space<vmem>>
    %dma_wait3A_165 = tpu.memref_squeeze %dma_wait3A_164 : memref<1x50x32xf32, #tpu.memory_space<vmem>> -> memref<50x32xf32, #tpu.memory_space<vmem>>
    tpu.wait_dma2 semaphore(%arg9 : memref<!tpu.dma_semaphore, #tpu.memory_space<semaphore_mem>>) src(%dma_wait3A_165 : memref<50x32xf32, #tpu.memory_space<vmem>>) dst(%dma_wait3A_161 : memref<50x32xf32, #tpu.memory_space<hbm>>)
    %add3A_166 = arith.constant 480 : i32
    %add3A_167 = arith.addi %mul3A_2, %add3A_166 : i32
    %add3A_168 = arith.constant 3 : i32
    %add3A_169 = arith.addi %add3A_167, %add3A_168 : i32
    %dma_wait3A_170 = arith.constant 0 : i32
    %dma_wait3A_171 = arith.constant 150 : i32
    %dma_wait3A_172 = arith.constant 0 : i32
    %dma_wait3A_173 = tpu.memref_slice %arg6[%dma_wait3A_170, %dma_wait3A_171, %dma_wait3A_172] : memref<2x800x32xf32, #tpu.memory_space<vmem>> -> memref<1x50x32xf32, #tpu.memory_space<vmem>>
    %dma_wait3A_174 = tpu.memref_squeeze %dma_wait3A_173 : memref<1x50x32xf32, #tpu.memory_space<vmem>> -> memref<50x32xf32, #tpu.memory_space<vmem>>
    %dma_wait3A_175 = arith.constant 0 : i32
    %dma_wait3A_176 = arith.constant 0 : i32
    %dma_wait3A_177 = tpu.memref_slice %arg4[%add3A_169, %dma_wait3A_175, %dma_wait3A_176] : memref<16384x50x32xf32, #tpu.memory_space<hbm>> -> memref<1x50x32xf32, #tpu.memory_space<hbm>>
    %dma_wait3A_178 = tpu.memref_squeeze %dma_wait3A_177 : memref<1x50x32xf32, #tpu.memory_space<hbm>> -> memref<50x32xf32, #tpu.memory_space<hbm>>
    %dma_wait3A_179 = arith.constant 0 : i32
    %dma_wait3A_180 = arith.constant 0 : i32
    %dma_wait3A_181 = tpu.memref_slice %arg4[%add3A_169, %dma_wait3A_179, %dma_wait3A_180] : memref<16384x50x32xf32, #tpu.memory_space<hbm>> -> memref<1x50x32xf32, #tpu.memory_space<hbm>>
    %dma_wait3A_182 = tpu.memref_squeeze %dma_wait3A_181 : memref<1x50x32xf32, #tpu.memory_space<hbm>> -> memref<50x32xf32, #tpu.memory_space<hbm>>
    %dma_wait3A_183 = arith.constant 150 : i32
    %dma_wait3A_184 = arith.constant 0 : i32
    %dma_wait3A_185 = tpu.memref_slice %arg6[%dma_wait3A_170, %dma_wait3A_183, %dma_wait3A_184] : memref<2x800x32xf32, #tpu.memory_space<vmem>> -> memref<1x50x32xf32, #tpu.memory_space<vmem>>
    %dma_wait3A_186 = tpu.memref_squeeze %dma_wait3A_185 : memref<1x50x32xf32, #tpu.memory_space<vmem>> -> memref<50x32xf32, #tpu.memory_space<vmem>>
    tpu.wait_dma2 semaphore(%arg9 : memref<!tpu.dma_semaphore, #tpu.memory_space<semaphore_mem>>) src(%dma_wait3A_186 : memref<50x32xf32, #tpu.memory_space<vmem>>) dst(%dma_wait3A_182 : memref<50x32xf32, #tpu.memory_space<hbm>>)
    %add3A_187 = arith.constant 480 : i32
    %add3A_188 = arith.addi %mul3A_2, %add3A_187 : i32
    %add3A_189 = arith.constant 4 : i32
    %add3A_190 = arith.addi %add3A_188, %add3A_189 : i32
    %dma_wait3A_191 = arith.constant 0 : i32
    %dma_wait3A_192 = arith.constant 200 : i32
    %dma_wait3A_193 = arith.constant 0 : i32
    %dma_wait3A_194 = tpu.memref_slice %arg6[%dma_wait3A_191, %dma_wait3A_192, %dma_wait3A_193] : memref<2x800x32xf32, #tpu.memory_space<vmem>> -> memref<1x50x32xf32, #tpu.memory_space<vmem>>
    %dma_wait3A_195 = tpu.memref_squeeze %dma_wait3A_194 : memref<1x50x32xf32, #tpu.memory_space<vmem>> -> memref<50x32xf32, #tpu.memory_space<vmem>>
    %dma_wait3A_196 = arith.constant 0 : i32
    %dma_wait3A_197 = arith.constant 0 : i32
    %dma_wait3A_198 = tpu.memref_slice %arg4[%add3A_190, %dma_wait3A_196, %dma_wait3A_197] : memref<16384x50x32xf32, #tpu.memory_space<hbm>> -> memref<1x50x32xf32, #tpu.memory_space<hbm>>
    %dma_wait3A_199 = tpu.memref_squeeze %dma_wait3A_198 : memref<1x50x32xf32, #tpu.memory_space<hbm>> -> memref<50x32xf32, #tpu.memory_space<hbm>>
    %dma_wait3A_200 = arith.constant 0 : i32
    %dma_wait3A_201 = arith.constant 0 : i32
    %dma_wait3A_202 = tpu.memref_slice %arg4[%add3A_190, %dma_wait3A_200, %dma_wait3A_201] : memref<16384x50x32xf32, #tpu.memory_space<hbm>> -> memref<1x50x32xf32, #tpu.memory_space<hbm>>
    %dma_wait3A_203 = tpu.memref_squeeze %dma_wait3A_202 : memref<1x50x32xf32, #tpu.memory_space<hbm>> -> memref<50x32xf32, #tpu.memory_space<hbm>>
    %dma_wait3A_204 = arith.constant 200 : i32
    %dma_wait3A_205 = arith.constant 0 : i32
    %dma_wait3A_206 = tpu.memref_slice %arg6[%dma_wait3A_191, %dma_wait3A_204, %dma_wait3A_205] : memref<2x800x32xf32, #tpu.memory_space<vmem>> -> memref<1x50x32xf32, #tpu.memory_space<vmem>>
    %dma_wait3A_207 = tpu.memref_squeeze %dma_wait3A_206 : memref<1x50x32xf32, #tpu.memory_space<vmem>> -> memref<50x32xf32, #tpu.memory_space<vmem>>
    tpu.wait_dma2 semaphore(%arg9 : memref<!tpu.dma_semaphore, #tpu.memory_space<semaphore_mem>>) src(%dma_wait3A_207 : memref<50x32xf32, #tpu.memory_space<vmem>>) dst(%dma_wait3A_203 : memref<50x32xf32, #tpu.memory_space<hbm>>)
    %add3A_208 = arith.constant 480 : i32
    %add3A_209 = arith.addi %mul3A_2, %add3A_208 : i32
    %add3A_210 = arith.constant 5 : i32
    %add3A_211 = arith.addi %add3A_209, %add3A_210 : i32
    %dma_wait3A_212 = arith.constant 0 : i32
    %dma_wait3A_213 = arith.constant 250 : i32
    %dma_wait3A_214 = arith.constant 0 : i32
    %dma_wait3A_215 = tpu.memref_slice %arg6[%dma_wait3A_212, %dma_wait3A_213, %dma_wait3A_214] : memref<2x800x32xf32, #tpu.memory_space<vmem>> -> memref<1x50x32xf32, #tpu.memory_space<vmem>>
    %dma_wait3A_216 = tpu.memref_squeeze %dma_wait3A_215 : memref<1x50x32xf32, #tpu.memory_space<vmem>> -> memref<50x32xf32, #tpu.memory_space<vmem>>
    %dma_wait3A_217 = arith.constant 0 : i32
    %dma_wait3A_218 = arith.constant 0 : i32
    %dma_wait3A_219 = tpu.memref_slice %arg4[%add3A_211, %dma_wait3A_217, %dma_wait3A_218] : memref<16384x50x32xf32, #tpu.memory_space<hbm>> -> memref<1x50x32xf32, #tpu.memory_space<hbm>>
    %dma_wait3A_220 = tpu.memref_squeeze %dma_wait3A_219 : memref<1x50x32xf32, #tpu.memory_space<hbm>> -> memref<50x32xf32, #tpu.memory_space<hbm>>
    %dma_wait3A_221 = arith.constant 0 : i32
    %dma_wait3A_222 = arith.constant 0 : i32
    %dma_wait3A_223 = tpu.memref_slice %arg4[%add3A_211, %dma_wait3A_221, %dma_wait3A_222] : memref<16384x50x32xf32, #tpu.memory_space<hbm>> -> memref<1x50x32xf32, #tpu.memory_space<hbm>>
    %dma_wait3A_224 = tpu.memref_squeeze %dma_wait3A_223 : memref<1x50x32xf32, #tpu.memory_space<hbm>> -> memref<50x32xf32, #tpu.memory_space<hbm>>
    %dma_wait3A_225 = arith.constant 250 : i32
    %dma_wait3A_226 = arith.constant 0 : i32
    %dma_wait3A_227 = tpu.memref_slice %arg6[%dma_wait3A_212, %dma_wait3A_225, %dma_wait3A_226] : memref<2x800x32xf32, #tpu.memory_space<vmem>> -> memref<1x50x32xf32, #tpu.memory_space<vmem>>
    %dma_wait3A_228 = tpu.memref_squeeze %dma_wait3A_227 : memref<1x50x32xf32, #tpu.memory_space<vmem>> -> memref<50x32xf32, #tpu.memory_space<vmem>>
    tpu.wait_dma2 semaphore(%arg9 : memref<!tpu.dma_semaphore, #tpu.memory_space<semaphore_mem>>) src(%dma_wait3A_228 : memref<50x32xf32, #tpu.memory_space<vmem>>) dst(%dma_wait3A_224 : memref<50x32xf32, #tpu.memory_space<hbm>>)
    %add3A_229 = arith.constant 480 : i32
    %add3A_230 = arith.addi %mul3A_2, %add3A_229 : i32
    %add3A_231 = arith.constant 6 : i32
    %add3A_232 = arith.addi %add3A_230, %add3A_231 : i32
    %dma_wait3A_233 = arith.constant 0 : i32
    %dma_wait3A_234 = arith.constant 300 : i32
    %dma_wait3A_235 = arith.constant 0 : i32
    %dma_wait3A_236 = tpu.memref_slice %arg6[%dma_wait3A_233, %dma_wait3A_234, %dma_wait3A_235] : memref<2x800x32xf32, #tpu.memory_space<vmem>> -> memref<1x50x32xf32, #tpu.memory_space<vmem>>
    %dma_wait3A_237 = tpu.memref_squeeze %dma_wait3A_236 : memref<1x50x32xf32, #tpu.memory_space<vmem>> -> memref<50x32xf32, #tpu.memory_space<vmem>>
    %dma_wait3A_238 = arith.constant 0 : i32
    %dma_wait3A_239 = arith.constant 0 : i32
    %dma_wait3A_240 = tpu.memref_slice %arg4[%add3A_232, %dma_wait3A_238, %dma_wait3A_239] : memref<16384x50x32xf32, #tpu.memory_space<hbm>> -> memref<1x50x32xf32, #tpu.memory_space<hbm>>
    %dma_wait3A_241 = tpu.memref_squeeze %dma_wait3A_240 : memref<1x50x32xf32, #tpu.memory_space<hbm>> -> memref<50x32xf32, #tpu.memory_space<hbm>>
    %dma_wait3A_242 = arith.constant 0 : i32
    %dma_wait3A_243 = arith.constant 0 : i32
    %dma_wait3A_244 = tpu.memref_slice %arg4[%add3A_232, %dma_wait3A_242, %dma_wait3A_243] : memref<16384x50x32xf32, #tpu.memory_space<hbm>> -> memref<1x50x32xf32, #tpu.memory_space<hbm>>
    %dma_wait3A_245 = tpu.memref_squeeze %dma_wait3A_244 : memref<1x50x32xf32, #tpu.memory_space<hbm>> -> memref<50x32xf32, #tpu.memory_space<hbm>>
    %dma_wait3A_246 = arith.constant 300 : i32
    %dma_wait3A_247 = arith.constant 0 : i32
    %dma_wait3A_248 = tpu.memref_slice %arg6[%dma_wait3A_233, %dma_wait3A_246, %dma_wait3A_247] : memref<2x800x32xf32, #tpu.memory_space<vmem>> -> memref<1x50x32xf32, #tpu.memory_space<vmem>>
    %dma_wait3A_249 = tpu.memref_squeeze %dma_wait3A_248 : memref<1x50x32xf32, #tpu.memory_space<vmem>> -> memref<50x32xf32, #tpu.memory_space<vmem>>
    tpu.wait_dma2 semaphore(%arg9 : memref<!tpu.dma_semaphore, #tpu.memory_space<semaphore_mem>>) src(%dma_wait3A_249 : memref<50x32xf32, #tpu.memory_space<vmem>>) dst(%dma_wait3A_245 : memref<50x32xf32, #tpu.memory_space<hbm>>)
    %add3A_250 = arith.constant 480 : i32
    %add3A_251 = arith.addi %mul3A_2, %add3A_250 : i32
    %add3A_252 = arith.constant 7 : i32
    %add3A_253 = arith.addi %add3A_251, %add3A_252 : i32
    %dma_wait3A_254 = arith.constant 0 : i32
    %dma_wait3A_255 = arith.constant 350 : i32
    %dma_wait3A_256 = arith.constant 0 : i32
    %dma_wait3A_257 = tpu.memref_slice %arg6[%dma_wait3A_254, %dma_wait3A_255, %dma_wait3A_256] : memref<2x800x32xf32, #tpu.memory_space<vmem>> -> memref<1x50x32xf32, #tpu.memory_space<vmem>>
    %dma_wait3A_258 = tpu.memref_squeeze %dma_wait3A_257 : memref<1x50x32xf32, #tpu.memory_space<vmem>> -> memref<50x32xf32, #tpu.memory_space<vmem>>
    %dma_wait3A_259 = arith.constant 0 : i32
    %dma_wait3A_260 = arith.constant 0 : i32
    %dma_wait3A_261 = tpu.memref_slice %arg4[%add3A_253, %dma_wait3A_259, %dma_wait3A_260] : memref<16384x50x32xf32, #tpu.memory_space<hbm>> -> memref<1x50x32xf32, #tpu.memory_space<hbm>>
    %dma_wait3A_262 = tpu.memref_squeeze %dma_wait3A_261 : memref<1x50x32xf32, #tpu.memory_space<hbm>> -> memref<50x32xf32, #tpu.memory_space<hbm>>
    %dma_wait3A_263 = arith.constant 0 : i32
    %dma_wait3A_264 = arith.constant 0 : i32
    %dma_wait3A_265 = tpu.memref_slice %arg4[%add3A_253, %dma_wait3A_263, %dma_wait3A_264] : memref<16384x50x32xf32, #tpu.memory_space<hbm>> -> memref<1x50x32xf32, #tpu.memory_space<hbm>>
    %dma_wait3A_266 = tpu.memref_squeeze %dma_wait3A_265 : memref<1x50x32xf32, #tpu.memory_space<hbm>> -> memref<50x32xf32, #tpu.memory_space<hbm>>
    %dma_wait3A_267 = arith.constant 350 : i32
    %dma_wait3A_268 = arith.constant 0 : i32
    %dma_wait3A_269 = tpu.memref_slice %arg6[%dma_wait3A_254, %dma_wait3A_267, %dma_wait3A_268] : memref<2x800x32xf32, #tpu.memory_space<vmem>> -> memref<1x50x32xf32, #tpu.memory_space<vmem>>
    %dma_wait3A_270 = tpu.memref_squeeze %dma_wait3A_269 : memref<1x50x32xf32, #tpu.memory_space<vmem>> -> memref<50x32xf32, #tpu.memory_space<vmem>>
    tpu.wait_dma2 semaphore(%arg9 : memref<!tpu.dma_semaphore, #tpu.memory_space<semaphore_mem>>) src(%dma_wait3A_270 : memref<50x32xf32, #tpu.memory_space<vmem>>) dst(%dma_wait3A_266 : memref<50x32xf32, #tpu.memory_space<hbm>>)
    %add3A_271 = arith.constant 480 : i32
    %add3A_272 = arith.addi %mul3A_2, %add3A_271 : i32
    %add3A_273 = arith.constant 8 : i32
    %add3A_274 = arith.addi %add3A_272, %add3A_273 : i32
    %dma_wait3A_275 = arith.constant 0 : i32
    %dma_wait3A_276 = arith.constant 400 : i32
    %dma_wait3A_277 = arith.constant 0 : i32
    %dma_wait3A_278 = tpu.memref_slice %arg6[%dma_wait3A_275, %dma_wait3A_276, %dma_wait3A_277] : memref<2x800x32xf32, #tpu.memory_space<vmem>> -> memref<1x50x32xf32, #tpu.memory_space<vmem>>
    %dma_wait3A_279 = tpu.memref_squeeze %dma_wait3A_278 : memref<1x50x32xf32, #tpu.memory_space<vmem>> -> memref<50x32xf32, #tpu.memory_space<vmem>>
    %dma_wait3A_280 = arith.constant 0 : i32
    %dma_wait3A_281 = arith.constant 0 : i32
    %dma_wait3A_282 = tpu.memref_slice %arg4[%add3A_274, %dma_wait3A_280, %dma_wait3A_281] : memref<16384x50x32xf32, #tpu.memory_space<hbm>> -> memref<1x50x32xf32, #tpu.memory_space<hbm>>
    %dma_wait3A_283 = tpu.memref_squeeze %dma_wait3A_282 : memref<1x50x32xf32, #tpu.memory_space<hbm>> -> memref<50x32xf32, #tpu.memory_space<hbm>>
    %dma_wait3A_284 = arith.constant 0 : i32
    %dma_wait3A_285 = arith.constant 0 : i32
    %dma_wait3A_286 = tpu.memref_slice %arg4[%add3A_274, %dma_wait3A_284, %dma_wait3A_285] : memref<16384x50x32xf32, #tpu.memory_space<hbm>> -> memref<1x50x32xf32, #tpu.memory_space<hbm>>
    %dma_wait3A_287 = tpu.memref_squeeze %dma_wait3A_286 : memref<1x50x32xf32, #tpu.memory_space<hbm>> -> memref<50x32xf32, #tpu.memory_space<hbm>>
    %dma_wait3A_288 = arith.constant 400 : i32
    %dma_wait3A_289 = arith.constant 0 : i32
    %dma_wait3A_290 = tpu.memref_slice %arg6[%dma_wait3A_275, %dma_wait3A_288, %dma_wait3A_289] : memref<2x800x32xf32, #tpu.memory_space<vmem>> -> memref<1x50x32xf32, #tpu.memory_space<vmem>>
    %dma_wait3A_291 = tpu.memref_squeeze %dma_wait3A_290 : memref<1x50x32xf32, #tpu.memory_space<vmem>> -> memref<50x32xf32, #tpu.memory_space<vmem>>
    tpu.wait_dma2 semaphore(%arg9 : memref<!tpu.dma_semaphore, #tpu.memory_space<semaphore_mem>>) src(%dma_wait3A_291 : memref<50x32xf32, #tpu.memory_space<vmem>>) dst(%dma_wait3A_287 : memref<50x32xf32, #tpu.memory_space<hbm>>)
    %add3A_292 = arith.constant 480 : i32
    %add3A_293 = arith.addi %mul3A_2, %add3A_292 : i32
    %add3A_294 = arith.constant 9 : i32
    %add3A_295 = arith.addi %add3A_293, %add3A_294 : i32
    %dma_wait3A_296 = arith.constant 0 : i32
    %dma_wait3A_297 = arith.constant 450 : i32
    %dma_wait3A_298 = arith.constant 0 : i32
    %dma_wait3A_299 = tpu.memref_slice %arg6[%dma_wait3A_296, %dma_wait3A_297, %dma_wait3A_298] : memref<2x800x32xf32, #tpu.memory_space<vmem>> -> memref<1x50x32xf32, #tpu.memory_space<vmem>>
    %dma_wait3A_300 = tpu.memref_squeeze %dma_wait3A_299 : memref<1x50x32xf32, #tpu.memory_space<vmem>> -> memref<50x32xf32, #tpu.memory_space<vmem>>
    %dma_wait3A_301 = arith.constant 0 : i32
    %dma_wait3A_302 = arith.constant 0 : i32
    %dma_wait3A_303 = tpu.memref_slice %arg4[%add3A_295, %dma_wait3A_301, %dma_wait3A_302] : memref<16384x50x32xf32, #tpu.memory_space<hbm>> -> memref<1x50x32xf32, #tpu.memory_space<hbm>>
    %dma_wait3A_304 = tpu.memref_squeeze %dma_wait3A_303 : memref<1x50x32xf32, #tpu.memory_space<hbm>> -> memref<50x32xf32, #tpu.memory_space<hbm>>
    %dma_wait3A_305 = arith.constant 0 : i32
    %dma_wait3A_306 = arith.constant 0 : i32
    %dma_wait3A_307 = tpu.memref_slice %arg4[%add3A_295, %dma_wait3A_305, %dma_wait3A_306] : memref<16384x50x32xf32, #tpu.memory_space<hbm>> -> memref<1x50x32xf32, #tpu.memory_space<hbm>>
    %dma_wait3A_308 = tpu.memref_squeeze %dma_wait3A_307 : memref<1x50x32xf32, #tpu.memory_space<hbm>> -> memref<50x32xf32, #tpu.memory_space<hbm>>
    %dma_wait3A_309 = arith.constant 450 : i32
    %dma_wait3A_310 = arith.constant 0 : i32
    %dma_wait3A_311 = tpu.memref_slice %arg6[%dma_wait3A_296, %dma_wait3A_309, %dma_wait3A_310] : memref<2x800x32xf32, #tpu.memory_space<vmem>> -> memref<1x50x32xf32, #tpu.memory_space<vmem>>
    %dma_wait3A_312 = tpu.memref_squeeze %dma_wait3A_311 : memref<1x50x32xf32, #tpu.memory_space<vmem>> -> memref<50x32xf32, #tpu.memory_space<vmem>>
    tpu.wait_dma2 semaphore(%arg9 : memref<!tpu.dma_semaphore, #tpu.memory_space<semaphore_mem>>) src(%dma_wait3A_312 : memref<50x32xf32, #tpu.memory_space<vmem>>) dst(%dma_wait3A_308 : memref<50x32xf32, #tpu.memory_space<hbm>>)
    %add3A_313 = arith.constant 480 : i32
    %add3A_314 = arith.addi %mul3A_2, %add3A_313 : i32
    %add3A_315 = arith.constant 10 : i32
    %add3A_316 = arith.addi %add3A_314, %add3A_315 : i32
    %dma_wait3A_317 = arith.constant 0 : i32
    %dma_wait3A_318 = arith.constant 500 : i32
    %dma_wait3A_319 = arith.constant 0 : i32
    %dma_wait3A_320 = tpu.memref_slice %arg6[%dma_wait3A_317, %dma_wait3A_318, %dma_wait3A_319] : memref<2x800x32xf32, #tpu.memory_space<vmem>> -> memref<1x50x32xf32, #tpu.memory_space<vmem>>
    %dma_wait3A_321 = tpu.memref_squeeze %dma_wait3A_320 : memref<1x50x32xf32, #tpu.memory_space<vmem>> -> memref<50x32xf32, #tpu.memory_space<vmem>>
    %dma_wait3A_322 = arith.constant 0 : i32
    %dma_wait3A_323 = arith.constant 0 : i32
    %dma_wait3A_324 = tpu.memref_slice %arg4[%add3A_316, %dma_wait3A_322, %dma_wait3A_323] : memref<16384x50x32xf32, #tpu.memory_space<hbm>> -> memref<1x50x32xf32, #tpu.memory_space<hbm>>
    %dma_wait3A_325 = tpu.memref_squeeze %dma_wait3A_324 : memref<1x50x32xf32, #tpu.memory_space<hbm>> -> memref<50x32xf32, #tpu.memory_space<hbm>>
    %dma_wait3A_326 = arith.constant 0 : i32
    %dma_wait3A_327 = arith.constant 0 : i32
    %dma_wait3A_328 = tpu.memref_slice %arg4[%add3A_316, %dma_wait3A_326, %dma_wait3A_327] : memref<16384x50x32xf32, #tpu.memory_space<hbm>> -> memref<1x50x32xf32, #tpu.memory_space<hbm>>
    %dma_wait3A_329 = tpu.memref_squeeze %dma_wait3A_328 : memref<1x50x32xf32, #tpu.memory_space<hbm>> -> memref<50x32xf32, #tpu.memory_space<hbm>>
    %dma_wait3A_330 = arith.constant 500 : i32
    %dma_wait3A_331 = arith.constant 0 : i32
    %dma_wait3A_332 = tpu.memref_slice %arg6[%dma_wait3A_317, %dma_wait3A_330, %dma_wait3A_331] : memref<2x800x32xf32, #tpu.memory_space<vmem>> -> memref<1x50x32xf32, #tpu.memory_space<vmem>>
    %dma_wait3A_333 = tpu.memref_squeeze %dma_wait3A_332 : memref<1x50x32xf32, #tpu.memory_space<vmem>> -> memref<50x32xf32, #tpu.memory_space<vmem>>
    tpu.wait_dma2 semaphore(%arg9 : memref<!tpu.dma_semaphore, #tpu.memory_space<semaphore_mem>>) src(%dma_wait3A_333 : memref<50x32xf32, #tpu.memory_space<vmem>>) dst(%dma_wait3A_329 : memref<50x32xf32, #tpu.memory_space<hbm>>)
    %add3A_334 = arith.constant 480 : i32
    %add3A_335 = arith.addi %mul3A_2, %add3A_334 : i32
    %add3A_336 = arith.constant 11 : i32
    %add3A_337 = arith.addi %add3A_335, %add3A_336 : i32
    %dma_wait3A_338 = arith.constant 0 : i32
    %dma_wait3A_339 = arith.constant 550 : i32
    %dma_wait3A_340 = arith.constant 0 : i32
    %dma_wait3A_341 = tpu.memref_slice %arg6[%dma_wait3A_338, %dma_wait3A_339, %dma_wait3A_340] : memref<2x800x32xf32, #tpu.memory_space<vmem>> -> memref<1x50x32xf32, #tpu.memory_space<vmem>>
    %dma_wait3A_342 = tpu.memref_squeeze %dma_wait3A_341 : memref<1x50x32xf32, #tpu.memory_space<vmem>> -> memref<50x32xf32, #tpu.memory_space<vmem>>
    %dma_wait3A_343 = arith.constant 0 : i32
    %dma_wait3A_344 = arith.constant 0 : i32
    %dma_wait3A_345 = tpu.memref_slice %arg4[%add3A_337, %dma_wait3A_343, %dma_wait3A_344] : memref<16384x50x32xf32, #tpu.memory_space<hbm>> -> memref<1x50x32xf32, #tpu.memory_space<hbm>>
    %dma_wait3A_346 = tpu.memref_squeeze %dma_wait3A_345 : memref<1x50x32xf32, #tpu.memory_space<hbm>> -> memref<50x32xf32, #tpu.memory_space<hbm>>
    %dma_wait3A_347 = arith.constant 0 : i32
    %dma_wait3A_348 = arith.constant 0 : i32
    %dma_wait3A_349 = tpu.memref_slice %arg4[%add3A_337, %dma_wait3A_347, %dma_wait3A_348] : memref<16384x50x32xf32, #tpu.memory_space<hbm>> -> memref<1x50x32xf32, #tpu.memory_space<hbm>>
    %dma_wait3A_350 = tpu.memref_squeeze %dma_wait3A_349 : memref<1x50x32xf32, #tpu.memory_space<hbm>> -> memref<50x32xf32, #tpu.memory_space<hbm>>
    %dma_wait3A_351 = arith.constant 550 : i32
    %dma_wait3A_352 = arith.constant 0 : i32
    %dma_wait3A_353 = tpu.memref_slice %arg6[%dma_wait3A_338, %dma_wait3A_351, %dma_wait3A_352] : memref<2x800x32xf32, #tpu.memory_space<vmem>> -> memref<1x50x32xf32, #tpu.memory_space<vmem>>
    %dma_wait3A_354 = tpu.memref_squeeze %dma_wait3A_353 : memref<1x50x32xf32, #tpu.memory_space<vmem>> -> memref<50x32xf32, #tpu.memory_space<vmem>>
    tpu.wait_dma2 semaphore(%arg9 : memref<!tpu.dma_semaphore, #tpu.memory_space<semaphore_mem>>) src(%dma_wait3A_354 : memref<50x32xf32, #tpu.memory_space<vmem>>) dst(%dma_wait3A_350 : memref<50x32xf32, #tpu.memory_space<hbm>>)
    %add3A_355 = arith.constant 480 : i32
    %add3A_356 = arith.addi %mul3A_2, %add3A_355 : i32
    %add3A_357 = arith.constant 12 : i32
    %add3A_358 = arith.addi %add3A_356, %add3A_357 : i32
    %dma_wait3A_359 = arith.constant 0 : i32
    %dma_wait3A_360 = arith.constant 600 : i32
    %dma_wait3A_361 = arith.constant 0 : i32
    %dma_wait3A_362 = tpu.memref_slice %arg6[%dma_wait3A_359, %dma_wait3A_360, %dma_wait3A_361] : memref<2x800x32xf32, #tpu.memory_space<vmem>> -> memref<1x50x32xf32, #tpu.memory_space<vmem>>
    %dma_wait3A_363 = tpu.memref_squeeze %dma_wait3A_362 : memref<1x50x32xf32, #tpu.memory_space<vmem>> -> memref<50x32xf32, #tpu.memory_space<vmem>>
    %dma_wait3A_364 = arith.constant 0 : i32
    %dma_wait3A_365 = arith.constant 0 : i32
    %dma_wait3A_366 = tpu.memref_slice %arg4[%add3A_358, %dma_wait3A_364, %dma_wait3A_365] : memref<16384x50x32xf32, #tpu.memory_space<hbm>> -> memref<1x50x32xf32, #tpu.memory_space<hbm>>
    %dma_wait3A_367 = tpu.memref_squeeze %dma_wait3A_366 : memref<1x50x32xf32, #tpu.memory_space<hbm>> -> memref<50x32xf32, #tpu.memory_space<hbm>>
    %dma_wait3A_368 = arith.constant 0 : i32
    %dma_wait3A_369 = arith.constant 0 : i32
    %dma_wait3A_370 = tpu.memref_slice %arg4[%add3A_358, %dma_wait3A_368, %dma_wait3A_369] : memref<16384x50x32xf32, #tpu.memory_space<hbm>> -> memref<1x50x32xf32, #tpu.memory_space<hbm>>
    %dma_wait3A_371 = tpu.memref_squeeze %dma_wait3A_370 : memref<1x50x32xf32, #tpu.memory_space<hbm>> -> memref<50x32xf32, #tpu.memory_space<hbm>>
    %dma_wait3A_372 = arith.constant 600 : i32
    %dma_wait3A_373 = arith.constant 0 : i32
    %dma_wait3A_374 = tpu.memref_slice %arg6[%dma_wait3A_359, %dma_wait3A_372, %dma_wait3A_373] : memref<2x800x32xf32, #tpu.memory_space<vmem>> -> memref<1x50x32xf32, #tpu.memory_space<vmem>>
    %dma_wait3A_375 = tpu.memref_squeeze %dma_wait3A_374 : memref<1x50x32xf32, #tpu.memory_space<vmem>> -> memref<50x32xf32, #tpu.memory_space<vmem>>
    tpu.wait_dma2 semaphore(%arg9 : memref<!tpu.dma_semaphore, #tpu.memory_space<semaphore_mem>>) src(%dma_wait3A_375 : memref<50x32xf32, #tpu.memory_space<vmem>>) dst(%dma_wait3A_371 : memref<50x32xf32, #tpu.memory_space<hbm>>)
    %add3A_376 = arith.constant 480 : i32
    %add3A_377 = arith.addi %mul3A_2, %add3A_376 : i32
    %add3A_378 = arith.constant 13 : i32
    %add3A_379 = arith.addi %add3A_377, %add3A_378 : i32
    %dma_wait3A_380 = arith.constant 0 : i32
    %dma_wait3A_381 = arith.constant 650 : i32
    %dma_wait3A_382 = arith.constant 0 : i32
    %dma_wait3A_383 = tpu.memref_slice %arg6[%dma_wait3A_380, %dma_wait3A_381, %dma_wait3A_382] : memref<2x800x32xf32, #tpu.memory_space<vmem>> -> memref<1x50x32xf32, #tpu.memory_space<vmem>>
    %dma_wait3A_384 = tpu.memref_squeeze %dma_wait3A_383 : memref<1x50x32xf32, #tpu.memory_space<vmem>> -> memref<50x32xf32, #tpu.memory_space<vmem>>
    %dma_wait3A_385 = arith.constant 0 : i32
    %dma_wait3A_386 = arith.constant 0 : i32
    %dma_wait3A_387 = tpu.memref_slice %arg4[%add3A_379, %dma_wait3A_385, %dma_wait3A_386] : memref<16384x50x32xf32, #tpu.memory_space<hbm>> -> memref<1x50x32xf32, #tpu.memory_space<hbm>>
    %dma_wait3A_388 = tpu.memref_squeeze %dma_wait3A_387 : memref<1x50x32xf32, #tpu.memory_space<hbm>> -> memref<50x32xf32, #tpu.memory_space<hbm>>
    %dma_wait3A_389 = arith.constant 0 : i32
    %dma_wait3A_390 = arith.constant 0 : i32
    %dma_wait3A_391 = tpu.memref_slice %arg4[%add3A_379, %dma_wait3A_389, %dma_wait3A_390] : memref<16384x50x32xf32, #tpu.memory_space<hbm>> -> memref<1x50x32xf32, #tpu.memory_space<hbm>>
    %dma_wait3A_392 = tpu.memref_squeeze %dma_wait3A_391 : memref<1x50x32xf32, #tpu.memory_space<hbm>> -> memref<50x32xf32, #tpu.memory_space<hbm>>
    %dma_wait3A_393 = arith.constant 650 : i32
    %dma_wait3A_394 = arith.constant 0 : i32
    %dma_wait3A_395 = tpu.memref_slice %arg6[%dma_wait3A_380, %dma_wait3A_393, %dma_wait3A_394] : memref<2x800x32xf32, #tpu.memory_space<vmem>> -> memref<1x50x32xf32, #tpu.memory_space<vmem>>
    %dma_wait3A_396 = tpu.memref_squeeze %dma_wait3A_395 : memref<1x50x32xf32, #tpu.memory_space<vmem>> -> memref<50x32xf32, #tpu.memory_space<vmem>>
    tpu.wait_dma2 semaphore(%arg9 : memref<!tpu.dma_semaphore, #tpu.memory_space<semaphore_mem>>) src(%dma_wait3A_396 : memref<50x32xf32, #tpu.memory_space<vmem>>) dst(%dma_wait3A_392 : memref<50x32xf32, #tpu.memory_space<hbm>>)
    %add3A_397 = arith.constant 480 : i32
    %add3A_398 = arith.addi %mul3A_2, %add3A_397 : i32
    %add3A_399 = arith.constant 14 : i32
    %add3A_400 = arith.addi %add3A_398, %add3A_399 : i32
    %dma_wait3A_401 = arith.constant 0 : i32
    %dma_wait3A_402 = arith.constant 700 : i32
    %dma_wait3A_403 = arith.constant 0 : i32
    %dma_wait3A_404 = tpu.memref_slice %arg6[%dma_wait3A_401, %dma_wait3A_402, %dma_wait3A_403] : memref<2x800x32xf32, #tpu.memory_space<vmem>> -> memref<1x50x32xf32, #tpu.memory_space<vmem>>
    %dma_wait3A_405 = tpu.memref_squeeze %dma_wait3A_404 : memref<1x50x32xf32, #tpu.memory_space<vmem>> -> memref<50x32xf32, #tpu.memory_space<vmem>>
    %dma_wait3A_406 = arith.constant 0 : i32
    %dma_wait3A_407 = arith.constant 0 : i32
    %dma_wait3A_408 = tpu.memref_slice %arg4[%add3A_400, %dma_wait3A_406, %dma_wait3A_407] : memref<16384x50x32xf32, #tpu.memory_space<hbm>> -> memref<1x50x32xf32, #tpu.memory_space<hbm>>
    %dma_wait3A_409 = tpu.memref_squeeze %dma_wait3A_408 : memref<1x50x32xf32, #tpu.memory_space<hbm>> -> memref<50x32xf32, #tpu.memory_space<hbm>>
    %dma_wait3A_410 = arith.constant 0 : i32
    %dma_wait3A_411 = arith.constant 0 : i32
    %dma_wait3A_412 = tpu.memref_slice %arg4[%add3A_400, %dma_wait3A_410, %dma_wait3A_411] : memref<16384x50x32xf32, #tpu.memory_space<hbm>> -> memref<1x50x32xf32, #tpu.memory_space<hbm>>
    %dma_wait3A_413 = tpu.memref_squeeze %dma_wait3A_412 : memref<1x50x32xf32, #tpu.memory_space<hbm>> -> memref<50x32xf32, #tpu.memory_space<hbm>>
    %dma_wait3A_414 = arith.constant 700 : i32
    %dma_wait3A_415 = arith.constant 0 : i32
    %dma_wait3A_416 = tpu.memref_slice %arg6[%dma_wait3A_401, %dma_wait3A_414, %dma_wait3A_415] : memref<2x800x32xf32, #tpu.memory_space<vmem>> -> memref<1x50x32xf32, #tpu.memory_space<vmem>>
    %dma_wait3A_417 = tpu.memref_squeeze %dma_wait3A_416 : memref<1x50x32xf32, #tpu.memory_space<vmem>> -> memref<50x32xf32, #tpu.memory_space<vmem>>
    tpu.wait_dma2 semaphore(%arg9 : memref<!tpu.dma_semaphore, #tpu.memory_space<semaphore_mem>>) src(%dma_wait3A_417 : memref<50x32xf32, #tpu.memory_space<vmem>>) dst(%dma_wait3A_413 : memref<50x32xf32, #tpu.memory_space<hbm>>)
    %add3A_418 = arith.constant 480 : i32
    %add3A_419 = arith.addi %mul3A_2, %add3A_418 : i32
    %add3A_420 = arith.constant 15 : i32
    %add3A_421 = arith.addi %add3A_419, %add3A_420 : i32
    %dma_wait3A_422 = arith.constant 0 : i32
    %dma_wait3A_423 = arith.constant 750 : i32
    %dma_wait3A_424 = arith.constant 0 : i32
    %dma_wait3A_425 = tpu.memref_slice %arg6[%dma_wait3A_422, %dma_wait3A_423, %dma_wait3A_424] : memref<2x800x32xf32, #tpu.memory_space<vmem>> -> memref<1x50x32xf32, #tpu.memory_space<vmem>>
    %dma_wait3A_426 = tpu.memref_squeeze %dma_wait3A_425 : memref<1x50x32xf32, #tpu.memory_space<vmem>> -> memref<50x32xf32, #tpu.memory_space<vmem>>
    %dma_wait3A_427 = arith.constant 0 : i32
    %dma_wait3A_428 = arith.constant 0 : i32
    %dma_wait3A_429 = tpu.memref_slice %arg4[%add3A_421, %dma_wait3A_427, %dma_wait3A_428] : memref<16384x50x32xf32, #tpu.memory_space<hbm>> -> memref<1x50x32xf32, #tpu.memory_space<hbm>>
    %dma_wait3A_430 = tpu.memref_squeeze %dma_wait3A_429 : memref<1x50x32xf32, #tpu.memory_space<hbm>> -> memref<50x32xf32, #tpu.memory_space<hbm>>
    %dma_wait3A_431 = arith.constant 0 : i32
    %dma_wait3A_432 = arith.constant 0 : i32
    %dma_wait3A_433 = tpu.memref_slice %arg4[%add3A_421, %dma_wait3A_431, %dma_wait3A_432] : memref<16384x50x32xf32, #tpu.memory_space<hbm>> -> memref<1x50x32xf32, #tpu.memory_space<hbm>>
    %dma_wait3A_434 = tpu.memref_squeeze %dma_wait3A_433 : memref<1x50x32xf32, #tpu.memory_space<hbm>> -> memref<50x32xf32, #tpu.memory_space<hbm>>
    %dma_wait3A_435 = arith.constant 750 : i32
    %dma_wait3A_436 = arith.constant 0 : i32
    %dma_wait3A_437 = tpu.memref_slice %arg6[%dma_wait3A_422, %dma_wait3A_435, %dma_wait3A_436] : memref<2x800x32xf32, #tpu.memory_space<vmem>> -> memref<1x50x32xf32, #tpu.memory_space<vmem>>
    %dma_wait3A_438 = tpu.memref_squeeze %dma_wait3A_437 : memref<1x50x32xf32, #tpu.memory_space<vmem>> -> memref<50x32xf32, #tpu.memory_space<vmem>>
    tpu.wait_dma2 semaphore(%arg9 : memref<!tpu.dma_semaphore, #tpu.memory_space<semaphore_mem>>) src(%dma_wait3A_438 : memref<50x32xf32, #tpu.memory_space<vmem>>) dst(%dma_wait3A_434 : memref<50x32xf32, #tpu.memory_space<hbm>>)
    %add3A_439 = arith.constant 496 : i32
    %add3A_440 = arith.addi %mul3A_2, %add3A_439 : i32
    %add3A_441 = arith.constant 0 : i32
    %add3A_442 = arith.addi %add3A_440, %add3A_441 : i32
    %dma_wait3A_443 = arith.constant 1 : i32
    %dma_wait3A_444 = arith.constant 0 : i32
    %dma_wait3A_445 = arith.constant 0 : i32
    %dma_wait3A_446 = tpu.memref_slice %arg6[%dma_wait3A_443, %dma_wait3A_444, %dma_wait3A_445] : memref<2x800x32xf32, #tpu.memory_space<vmem>> -> memref<1x50x32xf32, #tpu.memory_space<vmem>>
    %dma_wait3A_447 = tpu.memref_squeeze %dma_wait3A_446 : memref<1x50x32xf32, #tpu.memory_space<vmem>> -> memref<50x32xf32, #tpu.memory_space<vmem>>
    %dma_wait3A_448 = arith.constant 0 : i32
    %dma_wait3A_449 = arith.constant 0 : i32
    %dma_wait3A_450 = tpu.memref_slice %arg4[%add3A_442, %dma_wait3A_448, %dma_wait3A_449] : memref<16384x50x32xf32, #tpu.memory_space<hbm>> -> memref<1x50x32xf32, #tpu.memory_space<hbm>>
    %dma_wait3A_451 = tpu.memref_squeeze %dma_wait3A_450 : memref<1x50x32xf32, #tpu.memory_space<hbm>> -> memref<50x32xf32, #tpu.memory_space<hbm>>
    %dma_wait3A_452 = arith.constant 0 : i32
    %dma_wait3A_453 = arith.constant 0 : i32
    %dma_wait3A_454 = tpu.memref_slice %arg4[%add3A_442, %dma_wait3A_452, %dma_wait3A_453] : memref<16384x50x32xf32, #tpu.memory_space<hbm>> -> memref<1x50x32xf32, #tpu.memory_space<hbm>>
    %dma_wait3A_455 = tpu.memref_squeeze %dma_wait3A_454 : memref<1x50x32xf32, #tpu.memory_space<hbm>> -> memref<50x32xf32, #tpu.memory_space<hbm>>
    %dma_wait3A_456 = arith.constant 0 : i32
    %dma_wait3A_457 = arith.constant 0 : i32
    %dma_wait3A_458 = tpu.memref_slice %arg6[%dma_wait3A_443, %dma_wait3A_456, %dma_wait3A_457] : memref<2x800x32xf32, #tpu.memory_space<vmem>> -> memref<1x50x32xf32, #tpu.memory_space<vmem>>
    %dma_wait3A_459 = tpu.memref_squeeze %dma_wait3A_458 : memref<1x50x32xf32, #tpu.memory_space<vmem>> -> memref<50x32xf32, #tpu.memory_space<vmem>>
    tpu.wait_dma2 semaphore(%arg10 : memref<!tpu.dma_semaphore, #tpu.memory_space<semaphore_mem>>) src(%dma_wait3A_459 : memref<50x32xf32, #tpu.memory_space<vmem>>) dst(%dma_wait3A_455 : memref<50x32xf32, #tpu.memory_space<hbm>>)
    %add3A_460 = arith.constant 496 : i32
    %add3A_461 = arith.addi %mul3A_2, %add3A_460 : i32
    %add3A_462 = arith.constant 1 : i32
    %add3A_463 = arith.addi %add3A_461, %add3A_462 : i32
    %dma_wait3A_464 = arith.constant 1 : i32
    %dma_wait3A_465 = arith.constant 50 : i32
    %dma_wait3A_466 = arith.constant 0 : i32
    %dma_wait3A_467 = tpu.memref_slice %arg6[%dma_wait3A_464, %dma_wait3A_465, %dma_wait3A_466] : memref<2x800x32xf32, #tpu.memory_space<vmem>> -> memref<1x50x32xf32, #tpu.memory_space<vmem>>
    %dma_wait3A_468 = tpu.memref_squeeze %dma_wait3A_467 : memref<1x50x32xf32, #tpu.memory_space<vmem>> -> memref<50x32xf32, #tpu.memory_space<vmem>>
    %dma_wait3A_469 = arith.constant 0 : i32
    %dma_wait3A_470 = arith.constant 0 : i32
    %dma_wait3A_471 = tpu.memref_slice %arg4[%add3A_463, %dma_wait3A_469, %dma_wait3A_470] : memref<16384x50x32xf32, #tpu.memory_space<hbm>> -> memref<1x50x32xf32, #tpu.memory_space<hbm>>
    %dma_wait3A_472 = tpu.memref_squeeze %dma_wait3A_471 : memref<1x50x32xf32, #tpu.memory_space<hbm>> -> memref<50x32xf32, #tpu.memory_space<hbm>>
    %dma_wait3A_473 = arith.constant 0 : i32
    %dma_wait3A_474 = arith.constant 0 : i32
    %dma_wait3A_475 = tpu.memref_slice %arg4[%add3A_463, %dma_wait3A_473, %dma_wait3A_474] : memref<16384x50x32xf32, #tpu.memory_space<hbm>> -> memref<1x50x32xf32, #tpu.memory_space<hbm>>
    %dma_wait3A_476 = tpu.memref_squeeze %dma_wait3A_475 : memref<1x50x32xf32, #tpu.memory_space<hbm>> -> memref<50x32xf32, #tpu.memory_space<hbm>>
    %dma_wait3A_477 = arith.constant 50 : i32
    %dma_wait3A_478 = arith.constant 0 : i32
    %dma_wait3A_479 = tpu.memref_slice %arg6[%dma_wait3A_464, %dma_wait3A_477, %dma_wait3A_478] : memref<2x800x32xf32, #tpu.memory_space<vmem>> -> memref<1x50x32xf32, #tpu.memory_space<vmem>>
    %dma_wait3A_480 = tpu.memref_squeeze %dma_wait3A_479 : memref<1x50x32xf32, #tpu.memory_space<vmem>> -> memref<50x32xf32, #tpu.memory_space<vmem>>
    tpu.wait_dma2 semaphore(%arg10 : memref<!tpu.dma_semaphore, #tpu.memory_space<semaphore_mem>>) src(%dma_wait3A_480 : memref<50x32xf32, #tpu.memory_space<vmem>>) dst(%dma_wait3A_476 : memref<50x32xf32, #tpu.memory_space<hbm>>)
    %add3A_481 = arith.constant 496 : i32
    %add3A_482 = arith.addi %mul3A_2, %add3A_481 : i32
    %add3A_483 = arith.constant 2 : i32
    %add3A_484 = arith.addi %add3A_482, %add3A_483 : i32
    %dma_wait3A_485 = arith.constant 1 : i32
    %dma_wait3A_486 = arith.constant 100 : i32
    %dma_wait3A_487 = arith.constant 0 : i32
    %dma_wait3A_488 = tpu.memref_slice %arg6[%dma_wait3A_485, %dma_wait3A_486, %dma_wait3A_487] : memref<2x800x32xf32, #tpu.memory_space<vmem>> -> memref<1x50x32xf32, #tpu.memory_space<vmem>>
    %dma_wait3A_489 = tpu.memref_squeeze %dma_wait3A_488 : memref<1x50x32xf32, #tpu.memory_space<vmem>> -> memref<50x32xf32, #tpu.memory_space<vmem>>
    %dma_wait3A_490 = arith.constant 0 : i32
    %dma_wait3A_491 = arith.constant 0 : i32
    %dma_wait3A_492 = tpu.memref_slice %arg4[%add3A_484, %dma_wait3A_490, %dma_wait3A_491] : memref<16384x50x32xf32, #tpu.memory_space<hbm>> -> memref<1x50x32xf32, #tpu.memory_space<hbm>>
    %dma_wait3A_493 = tpu.memref_squeeze %dma_wait3A_492 : memref<1x50x32xf32, #tpu.memory_space<hbm>> -> memref<50x32xf32, #tpu.memory_space<hbm>>
    %dma_wait3A_494 = arith.constant 0 : i32
    %dma_wait3A_495 = arith.constant 0 : i32
    %dma_wait3A_496 = tpu.memref_slice %arg4[%add3A_484, %dma_wait3A_494, %dma_wait3A_495] : memref<16384x50x32xf32, #tpu.memory_space<hbm>> -> memref<1x50x32xf32, #tpu.memory_space<hbm>>
    %dma_wait3A_497 = tpu.memref_squeeze %dma_wait3A_496 : memref<1x50x32xf32, #tpu.memory_space<hbm>> -> memref<50x32xf32, #tpu.memory_space<hbm>>
    %dma_wait3A_498 = arith.constant 100 : i32
    %dma_wait3A_499 = arith.constant 0 : i32
    %dma_wait3A_500 = tpu.memref_slice %arg6[%dma_wait3A_485, %dma_wait3A_498, %dma_wait3A_499] : memref<2x800x32xf32, #tpu.memory_space<vmem>> -> memref<1x50x32xf32, #tpu.memory_space<vmem>>
    %dma_wait3A_501 = tpu.memref_squeeze %dma_wait3A_500 : memref<1x50x32xf32, #tpu.memory_space<vmem>> -> memref<50x32xf32, #tpu.memory_space<vmem>>
    tpu.wait_dma2 semaphore(%arg10 : memref<!tpu.dma_semaphore, #tpu.memory_space<semaphore_mem>>) src(%dma_wait3A_501 : memref<50x32xf32, #tpu.memory_space<vmem>>) dst(%dma_wait3A_497 : memref<50x32xf32, #tpu.memory_space<hbm>>)
    %add3A_502 = arith.constant 496 : i32
    %add3A_503 = arith.addi %mul3A_2, %add3A_502 : i32
    %add3A_504 = arith.constant 3 : i32
    %add3A_505 = arith.addi %add3A_503, %add3A_504 : i32
    %dma_wait3A_506 = arith.constant 1 : i32
    %dma_wait3A_507 = arith.constant 150 : i32
    %dma_wait3A_508 = arith.constant 0 : i32
    %dma_wait3A_509 = tpu.memref_slice %arg6[%dma_wait3A_506, %dma_wait3A_507, %dma_wait3A_508] : memref<2x800x32xf32, #tpu.memory_space<vmem>> -> memref<1x50x32xf32, #tpu.memory_space<vmem>>
    %dma_wait3A_510 = tpu.memref_squeeze %dma_wait3A_509 : memref<1x50x32xf32, #tpu.memory_space<vmem>> -> memref<50x32xf32, #tpu.memory_space<vmem>>
    %dma_wait3A_511 = arith.constant 0 : i32
    %dma_wait3A_512 = arith.constant 0 : i32
    %dma_wait3A_513 = tpu.memref_slice %arg4[%add3A_505, %dma_wait3A_511, %dma_wait3A_512] : memref<16384x50x32xf32, #tpu.memory_space<hbm>> -> memref<1x50x32xf32, #tpu.memory_space<hbm>>
    %dma_wait3A_514 = tpu.memref_squeeze %dma_wait3A_513 : memref<1x50x32xf32, #tpu.memory_space<hbm>> -> memref<50x32xf32, #tpu.memory_space<hbm>>
    %dma_wait3A_515 = arith.constant 0 : i32
    %dma_wait3A_516 = arith.constant 0 : i32
    %dma_wait3A_517 = tpu.memref_slice %arg4[%add3A_505, %dma_wait3A_515, %dma_wait3A_516] : memref<16384x50x32xf32, #tpu.memory_space<hbm>> -> memref<1x50x32xf32, #tpu.memory_space<hbm>>
    %dma_wait3A_518 = tpu.memref_squeeze %dma_wait3A_517 : memref<1x50x32xf32, #tpu.memory_space<hbm>> -> memref<50x32xf32, #tpu.memory_space<hbm>>
    %dma_wait3A_519 = arith.constant 150 : i32
    %dma_wait3A_520 = arith.constant 0 : i32
    %dma_wait3A_521 = tpu.memref_slice %arg6[%dma_wait3A_506, %dma_wait3A_519, %dma_wait3A_520] : memref<2x800x32xf32, #tpu.memory_space<vmem>> -> memref<1x50x32xf32, #tpu.memory_space<vmem>>
    %dma_wait3A_522 = tpu.memref_squeeze %dma_wait3A_521 : memref<1x50x32xf32, #tpu.memory_space<vmem>> -> memref<50x32xf32, #tpu.memory_space<vmem>>
    tpu.wait_dma2 semaphore(%arg10 : memref<!tpu.dma_semaphore, #tpu.memory_space<semaphore_mem>>) src(%dma_wait3A_522 : memref<50x32xf32, #tpu.memory_space<vmem>>) dst(%dma_wait3A_518 : memref<50x32xf32, #tpu.memory_space<hbm>>)
    %add3A_523 = arith.constant 496 : i32
    %add3A_524 = arith.addi %mul3A_2, %add3A_523 : i32
    %add3A_525 = arith.constant 4 : i32
    %add3A_526 = arith.addi %add3A_524, %add3A_525 : i32
    %dma_wait3A_527 = arith.constant 1 : i32
    %dma_wait3A_528 = arith.constant 200 : i32
    %dma_wait3A_529 = arith.constant 0 : i32
    %dma_wait3A_530 = tpu.memref_slice %arg6[%dma_wait3A_527, %dma_wait3A_528, %dma_wait3A_529] : memref<2x800x32xf32, #tpu.memory_space<vmem>> -> memref<1x50x32xf32, #tpu.memory_space<vmem>>
    %dma_wait3A_531 = tpu.memref_squeeze %dma_wait3A_530 : memref<1x50x32xf32, #tpu.memory_space<vmem>> -> memref<50x32xf32, #tpu.memory_space<vmem>>
    %dma_wait3A_532 = arith.constant 0 : i32
    %dma_wait3A_533 = arith.constant 0 : i32
    %dma_wait3A_534 = tpu.memref_slice %arg4[%add3A_526, %dma_wait3A_532, %dma_wait3A_533] : memref<16384x50x32xf32, #tpu.memory_space<hbm>> -> memref<1x50x32xf32, #tpu.memory_space<hbm>>
    %dma_wait3A_535 = tpu.memref_squeeze %dma_wait3A_534 : memref<1x50x32xf32, #tpu.memory_space<hbm>> -> memref<50x32xf32, #tpu.memory_space<hbm>>
    %dma_wait3A_536 = arith.constant 0 : i32
    %dma_wait3A_537 = arith.constant 0 : i32
    %dma_wait3A_538 = tpu.memref_slice %arg4[%add3A_526, %dma_wait3A_536, %dma_wait3A_537] : memref<16384x50x32xf32, #tpu.memory_space<hbm>> -> memref<1x50x32xf32, #tpu.memory_space<hbm>>
    %dma_wait3A_539 = tpu.memref_squeeze %dma_wait3A_538 : memref<1x50x32xf32, #tpu.memory_space<hbm>> -> memref<50x32xf32, #tpu.memory_space<hbm>>
    %dma_wait3A_540 = arith.constant 200 : i32
    %dma_wait3A_541 = arith.constant 0 : i32
    %dma_wait3A_542 = tpu.memref_slice %arg6[%dma_wait3A_527, %dma_wait3A_540, %dma_wait3A_541] : memref<2x800x32xf32, #tpu.memory_space<vmem>> -> memref<1x50x32xf32, #tpu.memory_space<vmem>>
    %dma_wait3A_543 = tpu.memref_squeeze %dma_wait3A_542 : memref<1x50x32xf32, #tpu.memory_space<vmem>> -> memref<50x32xf32, #tpu.memory_space<vmem>>
    tpu.wait_dma2 semaphore(%arg10 : memref<!tpu.dma_semaphore, #tpu.memory_space<semaphore_mem>>) src(%dma_wait3A_543 : memref<50x32xf32, #tpu.memory_space<vmem>>) dst(%dma_wait3A_539 : memref<50x32xf32, #tpu.memory_space<hbm>>)
    %add3A_544 = arith.constant 496 : i32
    %add3A_545 = arith.addi %mul3A_2, %add3A_544 : i32
    %add3A_546 = arith.constant 5 : i32
    %add3A_547 = arith.addi %add3A_545, %add3A_546 : i32
    %dma_wait3A_548 = arith.constant 1 : i32
    %dma_wait3A_549 = arith.constant 250 : i32
    %dma_wait3A_550 = arith.constant 0 : i32
    %dma_wait3A_551 = tpu.memref_slice %arg6[%dma_wait3A_548, %dma_wait3A_549, %dma_wait3A_550] : memref<2x800x32xf32, #tpu.memory_space<vmem>> -> memref<1x50x32xf32, #tpu.memory_space<vmem>>
    %dma_wait3A_552 = tpu.memref_squeeze %dma_wait3A_551 : memref<1x50x32xf32, #tpu.memory_space<vmem>> -> memref<50x32xf32, #tpu.memory_space<vmem>>
    %dma_wait3A_553 = arith.constant 0 : i32
    %dma_wait3A_554 = arith.constant 0 : i32
    %dma_wait3A_555 = tpu.memref_slice %arg4[%add3A_547, %dma_wait3A_553, %dma_wait3A_554] : memref<16384x50x32xf32, #tpu.memory_space<hbm>> -> memref<1x50x32xf32, #tpu.memory_space<hbm>>
    %dma_wait3A_556 = tpu.memref_squeeze %dma_wait3A_555 : memref<1x50x32xf32, #tpu.memory_space<hbm>> -> memref<50x32xf32, #tpu.memory_space<hbm>>
    %dma_wait3A_557 = arith.constant 0 : i32
    %dma_wait3A_558 = arith.constant 0 : i32
    %dma_wait3A_559 = tpu.memref_slice %arg4[%add3A_547, %dma_wait3A_557, %dma_wait3A_558] : memref<16384x50x32xf32, #tpu.memory_space<hbm>> -> memref<1x50x32xf32, #tpu.memory_space<hbm>>
    %dma_wait3A_560 = tpu.memref_squeeze %dma_wait3A_559 : memref<1x50x32xf32, #tpu.memory_space<hbm>> -> memref<50x32xf32, #tpu.memory_space<hbm>>
    %dma_wait3A_561 = arith.constant 250 : i32
    %dma_wait3A_562 = arith.constant 0 : i32
    %dma_wait3A_563 = tpu.memref_slice %arg6[%dma_wait3A_548, %dma_wait3A_561, %dma_wait3A_562] : memref<2x800x32xf32, #tpu.memory_space<vmem>> -> memref<1x50x32xf32, #tpu.memory_space<vmem>>
    %dma_wait3A_564 = tpu.memref_squeeze %dma_wait3A_563 : memref<1x50x32xf32, #tpu.memory_space<vmem>> -> memref<50x32xf32, #tpu.memory_space<vmem>>
    tpu.wait_dma2 semaphore(%arg10 : memref<!tpu.dma_semaphore, #tpu.memory_space<semaphore_mem>>) src(%dma_wait3A_564 : memref<50x32xf32, #tpu.memory_space<vmem>>) dst(%dma_wait3A_560 : memref<50x32xf32, #tpu.memory_space<hbm>>)
    %add3A_565 = arith.constant 496 : i32
    %add3A_566 = arith.addi %mul3A_2, %add3A_565 : i32
    %add3A_567 = arith.constant 6 : i32
    %add3A_568 = arith.addi %add3A_566, %add3A_567 : i32
    %dma_wait3A_569 = arith.constant 1 : i32
    %dma_wait3A_570 = arith.constant 300 : i32
    %dma_wait3A_571 = arith.constant 0 : i32
    %dma_wait3A_572 = tpu.memref_slice %arg6[%dma_wait3A_569, %dma_wait3A_570, %dma_wait3A_571] : memref<2x800x32xf32, #tpu.memory_space<vmem>> -> memref<1x50x32xf32, #tpu.memory_space<vmem>>
    %dma_wait3A_573 = tpu.memref_squeeze %dma_wait3A_572 : memref<1x50x32xf32, #tpu.memory_space<vmem>> -> memref<50x32xf32, #tpu.memory_space<vmem>>
    %dma_wait3A_574 = arith.constant 0 : i32
    %dma_wait3A_575 = arith.constant 0 : i32
    %dma_wait3A_576 = tpu.memref_slice %arg4[%add3A_568, %dma_wait3A_574, %dma_wait3A_575] : memref<16384x50x32xf32, #tpu.memory_space<hbm>> -> memref<1x50x32xf32, #tpu.memory_space<hbm>>
    %dma_wait3A_577 = tpu.memref_squeeze %dma_wait3A_576 : memref<1x50x32xf32, #tpu.memory_space<hbm>> -> memref<50x32xf32, #tpu.memory_space<hbm>>
    %dma_wait3A_578 = arith.constant 0 : i32
    %dma_wait3A_579 = arith.constant 0 : i32
    %dma_wait3A_580 = tpu.memref_slice %arg4[%add3A_568, %dma_wait3A_578, %dma_wait3A_579] : memref<16384x50x32xf32, #tpu.memory_space<hbm>> -> memref<1x50x32xf32, #tpu.memory_space<hbm>>
    %dma_wait3A_581 = tpu.memref_squeeze %dma_wait3A_580 : memref<1x50x32xf32, #tpu.memory_space<hbm>> -> memref<50x32xf32, #tpu.memory_space<hbm>>
    %dma_wait3A_582 = arith.constant 300 : i32
    %dma_wait3A_583 = arith.constant 0 : i32
    %dma_wait3A_584 = tpu.memref_slice %arg6[%dma_wait3A_569, %dma_wait3A_582, %dma_wait3A_583] : memref<2x800x32xf32, #tpu.memory_space<vmem>> -> memref<1x50x32xf32, #tpu.memory_space<vmem>>
    %dma_wait3A_585 = tpu.memref_squeeze %dma_wait3A_584 : memref<1x50x32xf32, #tpu.memory_space<vmem>> -> memref<50x32xf32, #tpu.memory_space<vmem>>
    tpu.wait_dma2 semaphore(%arg10 : memref<!tpu.dma_semaphore, #tpu.memory_space<semaphore_mem>>) src(%dma_wait3A_585 : memref<50x32xf32, #tpu.memory_space<vmem>>) dst(%dma_wait3A_581 : memref<50x32xf32, #tpu.memory_space<hbm>>)
    %add3A_586 = arith.constant 496 : i32
    %add3A_587 = arith.addi %mul3A_2, %add3A_586 : i32
    %add3A_588 = arith.constant 7 : i32
    %add3A_589 = arith.addi %add3A_587, %add3A_588 : i32
    %dma_wait3A_590 = arith.constant 1 : i32
    %dma_wait3A_591 = arith.constant 350 : i32
    %dma_wait3A_592 = arith.constant 0 : i32
    %dma_wait3A_593 = tpu.memref_slice %arg6[%dma_wait3A_590, %dma_wait3A_591, %dma_wait3A_592] : memref<2x800x32xf32, #tpu.memory_space<vmem>> -> memref<1x50x32xf32, #tpu.memory_space<vmem>>
    %dma_wait3A_594 = tpu.memref_squeeze %dma_wait3A_593 : memref<1x50x32xf32, #tpu.memory_space<vmem>> -> memref<50x32xf32, #tpu.memory_space<vmem>>
    %dma_wait3A_595 = arith.constant 0 : i32
    %dma_wait3A_596 = arith.constant 0 : i32
    %dma_wait3A_597 = tpu.memref_slice %arg4[%add3A_589, %dma_wait3A_595, %dma_wait3A_596] : memref<16384x50x32xf32, #tpu.memory_space<hbm>> -> memref<1x50x32xf32, #tpu.memory_space<hbm>>
    %dma_wait3A_598 = tpu.memref_squeeze %dma_wait3A_597 : memref<1x50x32xf32, #tpu.memory_space<hbm>> -> memref<50x32xf32, #tpu.memory_space<hbm>>
    %dma_wait3A_599 = arith.constant 0 : i32
    %dma_wait3A_600 = arith.constant 0 : i32
    %dma_wait3A_601 = tpu.memref_slice %arg4[%add3A_589, %dma_wait3A_599, %dma_wait3A_600] : memref<16384x50x32xf32, #tpu.memory_space<hbm>> -> memref<1x50x32xf32, #tpu.memory_space<hbm>>
    %dma_wait3A_602 = tpu.memref_squeeze %dma_wait3A_601 : memref<1x50x32xf32, #tpu.memory_space<hbm>> -> memref<50x32xf32, #tpu.memory_space<hbm>>
    %dma_wait3A_603 = arith.constant 350 : i32
    %dma_wait3A_604 = arith.constant 0 : i32
    %dma_wait3A_605 = tpu.memref_slice %arg6[%dma_wait3A_590, %dma_wait3A_603, %dma_wait3A_604] : memref<2x800x32xf32, #tpu.memory_space<vmem>> -> memref<1x50x32xf32, #tpu.memory_space<vmem>>
    %dma_wait3A_606 = tpu.memref_squeeze %dma_wait3A_605 : memref<1x50x32xf32, #tpu.memory_space<vmem>> -> memref<50x32xf32, #tpu.memory_space<vmem>>
    tpu.wait_dma2 semaphore(%arg10 : memref<!tpu.dma_semaphore, #tpu.memory_space<semaphore_mem>>) src(%dma_wait3A_606 : memref<50x32xf32, #tpu.memory_space<vmem>>) dst(%dma_wait3A_602 : memref<50x32xf32, #tpu.memory_space<hbm>>)
    %add3A_607 = arith.constant 496 : i32
    %add3A_608 = arith.addi %mul3A_2, %add3A_607 : i32
    %add3A_609 = arith.constant 8 : i32
    %add3A_610 = arith.addi %add3A_608, %add3A_609 : i32
    %dma_wait3A_611 = arith.constant 1 : i32
    %dma_wait3A_612 = arith.constant 400 : i32
    %dma_wait3A_613 = arith.constant 0 : i32
    %dma_wait3A_614 = tpu.memref_slice %arg6[%dma_wait3A_611, %dma_wait3A_612, %dma_wait3A_613] : memref<2x800x32xf32, #tpu.memory_space<vmem>> -> memref<1x50x32xf32, #tpu.memory_space<vmem>>
    %dma_wait3A_615 = tpu.memref_squeeze %dma_wait3A_614 : memref<1x50x32xf32, #tpu.memory_space<vmem>> -> memref<50x32xf32, #tpu.memory_space<vmem>>
    %dma_wait3A_616 = arith.constant 0 : i32
    %dma_wait3A_617 = arith.constant 0 : i32
    %dma_wait3A_618 = tpu.memref_slice %arg4[%add3A_610, %dma_wait3A_616, %dma_wait3A_617] : memref<16384x50x32xf32, #tpu.memory_space<hbm>> -> memref<1x50x32xf32, #tpu.memory_space<hbm>>
    %dma_wait3A_619 = tpu.memref_squeeze %dma_wait3A_618 : memref<1x50x32xf32, #tpu.memory_space<hbm>> -> memref<50x32xf32, #tpu.memory_space<hbm>>
    %dma_wait3A_620 = arith.constant 0 : i32
    %dma_wait3A_621 = arith.constant 0 : i32
    %dma_wait3A_622 = tpu.memref_slice %arg4[%add3A_610, %dma_wait3A_620, %dma_wait3A_621] : memref<16384x50x32xf32, #tpu.memory_space<hbm>> -> memref<1x50x32xf32, #tpu.memory_space<hbm>>
    %dma_wait3A_623 = tpu.memref_squeeze %dma_wait3A_622 : memref<1x50x32xf32, #tpu.memory_space<hbm>> -> memref<50x32xf32, #tpu.memory_space<hbm>>
    %dma_wait3A_624 = arith.constant 400 : i32
    %dma_wait3A_625 = arith.constant 0 : i32
    %dma_wait3A_626 = tpu.memref_slice %arg6[%dma_wait3A_611, %dma_wait3A_624, %dma_wait3A_625] : memref<2x800x32xf32, #tpu.memory_space<vmem>> -> memref<1x50x32xf32, #tpu.memory_space<vmem>>
    %dma_wait3A_627 = tpu.memref_squeeze %dma_wait3A_626 : memref<1x50x32xf32, #tpu.memory_space<vmem>> -> memref<50x32xf32, #tpu.memory_space<vmem>>
    tpu.wait_dma2 semaphore(%arg10 : memref<!tpu.dma_semaphore, #tpu.memory_space<semaphore_mem>>) src(%dma_wait3A_627 : memref<50x32xf32, #tpu.memory_space<vmem>>) dst(%dma_wait3A_623 : memref<50x32xf32, #tpu.memory_space<hbm>>)
    %add3A_628 = arith.constant 496 : i32
    %add3A_629 = arith.addi %mul3A_2, %add3A_628 : i32
    %add3A_630 = arith.constant 9 : i32
    %add3A_631 = arith.addi %add3A_629, %add3A_630 : i32
    %dma_wait3A_632 = arith.constant 1 : i32
    %dma_wait3A_633 = arith.constant 450 : i32
    %dma_wait3A_634 = arith.constant 0 : i32
    %dma_wait3A_635 = tpu.memref_slice %arg6[%dma_wait3A_632, %dma_wait3A_633, %dma_wait3A_634] : memref<2x800x32xf32, #tpu.memory_space<vmem>> -> memref<1x50x32xf32, #tpu.memory_space<vmem>>
    %dma_wait3A_636 = tpu.memref_squeeze %dma_wait3A_635 : memref<1x50x32xf32, #tpu.memory_space<vmem>> -> memref<50x32xf32, #tpu.memory_space<vmem>>
    %dma_wait3A_637 = arith.constant 0 : i32
    %dma_wait3A_638 = arith.constant 0 : i32
    %dma_wait3A_639 = tpu.memref_slice %arg4[%add3A_631, %dma_wait3A_637, %dma_wait3A_638] : memref<16384x50x32xf32, #tpu.memory_space<hbm>> -> memref<1x50x32xf32, #tpu.memory_space<hbm>>
    %dma_wait3A_640 = tpu.memref_squeeze %dma_wait3A_639 : memref<1x50x32xf32, #tpu.memory_space<hbm>> -> memref<50x32xf32, #tpu.memory_space<hbm>>
    %dma_wait3A_641 = arith.constant 0 : i32
    %dma_wait3A_642 = arith.constant 0 : i32
    %dma_wait3A_643 = tpu.memref_slice %arg4[%add3A_631, %dma_wait3A_641, %dma_wait3A_642] : memref<16384x50x32xf32, #tpu.memory_space<hbm>> -> memref<1x50x32xf32, #tpu.memory_space<hbm>>
    %dma_wait3A_644 = tpu.memref_squeeze %dma_wait3A_643 : memref<1x50x32xf32, #tpu.memory_space<hbm>> -> memref<50x32xf32, #tpu.memory_space<hbm>>
    %dma_wait3A_645 = arith.constant 450 : i32
    %dma_wait3A_646 = arith.constant 0 : i32
    %dma_wait3A_647 = tpu.memref_slice %arg6[%dma_wait3A_632, %dma_wait3A_645, %dma_wait3A_646] : memref<2x800x32xf32, #tpu.memory_space<vmem>> -> memref<1x50x32xf32, #tpu.memory_space<vmem>>
    %dma_wait3A_648 = tpu.memref_squeeze %dma_wait3A_647 : memref<1x50x32xf32, #tpu.memory_space<vmem>> -> memref<50x32xf32, #tpu.memory_space<vmem>>
    tpu.wait_dma2 semaphore(%arg10 : memref<!tpu.dma_semaphore, #tpu.memory_space<semaphore_mem>>) src(%dma_wait3A_648 : memref<50x32xf32, #tpu.memory_space<vmem>>) dst(%dma_wait3A_644 : memref<50x32xf32, #tpu.memory_space<hbm>>)
    %add3A_649 = arith.constant 496 : i32
    %add3A_650 = arith.addi %mul3A_2, %add3A_649 : i32
    %add3A_651 = arith.constant 10 : i32
    %add3A_652 = arith.addi %add3A_650, %add3A_651 : i32
    %dma_wait3A_653 = arith.constant 1 : i32
    %dma_wait3A_654 = arith.constant 500 : i32
    %dma_wait3A_655 = arith.constant 0 : i32
    %dma_wait3A_656 = tpu.memref_slice %arg6[%dma_wait3A_653, %dma_wait3A_654, %dma_wait3A_655] : memref<2x800x32xf32, #tpu.memory_space<vmem>> -> memref<1x50x32xf32, #tpu.memory_space<vmem>>
    %dma_wait3A_657 = tpu.memref_squeeze %dma_wait3A_656 : memref<1x50x32xf32, #tpu.memory_space<vmem>> -> memref<50x32xf32, #tpu.memory_space<vmem>>
    %dma_wait3A_658 = arith.constant 0 : i32
    %dma_wait3A_659 = arith.constant 0 : i32
    %dma_wait3A_660 = tpu.memref_slice %arg4[%add3A_652, %dma_wait3A_658, %dma_wait3A_659] : memref<16384x50x32xf32, #tpu.memory_space<hbm>> -> memref<1x50x32xf32, #tpu.memory_space<hbm>>
    %dma_wait3A_661 = tpu.memref_squeeze %dma_wait3A_660 : memref<1x50x32xf32, #tpu.memory_space<hbm>> -> memref<50x32xf32, #tpu.memory_space<hbm>>
    %dma_wait3A_662 = arith.constant 0 : i32
    %dma_wait3A_663 = arith.constant 0 : i32
    %dma_wait3A_664 = tpu.memref_slice %arg4[%add3A_652, %dma_wait3A_662, %dma_wait3A_663] : memref<16384x50x32xf32, #tpu.memory_space<hbm>> -> memref<1x50x32xf32, #tpu.memory_space<hbm>>
    %dma_wait3A_665 = tpu.memref_squeeze %dma_wait3A_664 : memref<1x50x32xf32, #tpu.memory_space<hbm>> -> memref<50x32xf32, #tpu.memory_space<hbm>>
    %dma_wait3A_666 = arith.constant 500 : i32
    %dma_wait3A_667 = arith.constant 0 : i32
    %dma_wait3A_668 = tpu.memref_slice %arg6[%dma_wait3A_653, %dma_wait3A_666, %dma_wait3A_667] : memref<2x800x32xf32, #tpu.memory_space<vmem>> -> memref<1x50x32xf32, #tpu.memory_space<vmem>>
    %dma_wait3A_669 = tpu.memref_squeeze %dma_wait3A_668 : memref<1x50x32xf32, #tpu.memory_space<vmem>> -> memref<50x32xf32, #tpu.memory_space<vmem>>
    tpu.wait_dma2 semaphore(%arg10 : memref<!tpu.dma_semaphore, #tpu.memory_space<semaphore_mem>>) src(%dma_wait3A_669 : memref<50x32xf32, #tpu.memory_space<vmem>>) dst(%dma_wait3A_665 : memref<50x32xf32, #tpu.memory_space<hbm>>)
    %add3A_670 = arith.constant 496 : i32
    %add3A_671 = arith.addi %mul3A_2, %add3A_670 : i32
    %add3A_672 = arith.constant 11 : i32
    %add3A_673 = arith.addi %add3A_671, %add3A_672 : i32
    %dma_wait3A_674 = arith.constant 1 : i32
    %dma_wait3A_675 = arith.constant 550 : i32
    %dma_wait3A_676 = arith.constant 0 : i32
    %dma_wait3A_677 = tpu.memref_slice %arg6[%dma_wait3A_674, %dma_wait3A_675, %dma_wait3A_676] : memref<2x800x32xf32, #tpu.memory_space<vmem>> -> memref<1x50x32xf32, #tpu.memory_space<vmem>>
    %dma_wait3A_678 = tpu.memref_squeeze %dma_wait3A_677 : memref<1x50x32xf32, #tpu.memory_space<vmem>> -> memref<50x32xf32, #tpu.memory_space<vmem>>
    %dma_wait3A_679 = arith.constant 0 : i32
    %dma_wait3A_680 = arith.constant 0 : i32
    %dma_wait3A_681 = tpu.memref_slice %arg4[%add3A_673, %dma_wait3A_679, %dma_wait3A_680] : memref<16384x50x32xf32, #tpu.memory_space<hbm>> -> memref<1x50x32xf32, #tpu.memory_space<hbm>>
    %dma_wait3A_682 = tpu.memref_squeeze %dma_wait3A_681 : memref<1x50x32xf32, #tpu.memory_space<hbm>> -> memref<50x32xf32, #tpu.memory_space<hbm>>
    %dma_wait3A_683 = arith.constant 0 : i32
    %dma_wait3A_684 = arith.constant 0 : i32
    %dma_wait3A_685 = tpu.memref_slice %arg4[%add3A_673, %dma_wait3A_683, %dma_wait3A_684] : memref<16384x50x32xf32, #tpu.memory_space<hbm>> -> memref<1x50x32xf32, #tpu.memory_space<hbm>>
    %dma_wait3A_686 = tpu.memref_squeeze %dma_wait3A_685 : memref<1x50x32xf32, #tpu.memory_space<hbm>> -> memref<50x32xf32, #tpu.memory_space<hbm>>
    %dma_wait3A_687 = arith.constant 550 : i32
    %dma_wait3A_688 = arith.constant 0 : i32
    %dma_wait3A_689 = tpu.memref_slice %arg6[%dma_wait3A_674, %dma_wait3A_687, %dma_wait3A_688] : memref<2x800x32xf32, #tpu.memory_space<vmem>> -> memref<1x50x32xf32, #tpu.memory_space<vmem>>
    %dma_wait3A_690 = tpu.memref_squeeze %dma_wait3A_689 : memref<1x50x32xf32, #tpu.memory_space<vmem>> -> memref<50x32xf32, #tpu.memory_space<vmem>>
    tpu.wait_dma2 semaphore(%arg10 : memref<!tpu.dma_semaphore, #tpu.memory_space<semaphore_mem>>) src(%dma_wait3A_690 : memref<50x32xf32, #tpu.memory_space<vmem>>) dst(%dma_wait3A_686 : memref<50x32xf32, #tpu.memory_space<hbm>>)
    %add3A_691 = arith.constant 496 : i32
    %add3A_692 = arith.addi %mul3A_2, %add3A_691 : i32
    %add3A_693 = arith.constant 12 : i32
    %add3A_694 = arith.addi %add3A_692, %add3A_693 : i32
    %dma_wait3A_695 = arith.constant 1 : i32
    %dma_wait3A_696 = arith.constant 600 : i32
    %dma_wait3A_697 = arith.constant 0 : i32
    %dma_wait3A_698 = tpu.memref_slice %arg6[%dma_wait3A_695, %dma_wait3A_696, %dma_wait3A_697] : memref<2x800x32xf32, #tpu.memory_space<vmem>> -> memref<1x50x32xf32, #tpu.memory_space<vmem>>
    %dma_wait3A_699 = tpu.memref_squeeze %dma_wait3A_698 : memref<1x50x32xf32, #tpu.memory_space<vmem>> -> memref<50x32xf32, #tpu.memory_space<vmem>>
    %dma_wait3A_700 = arith.constant 0 : i32
    %dma_wait3A_701 = arith.constant 0 : i32
    %dma_wait3A_702 = tpu.memref_slice %arg4[%add3A_694, %dma_wait3A_700, %dma_wait3A_701] : memref<16384x50x32xf32, #tpu.memory_space<hbm>> -> memref<1x50x32xf32, #tpu.memory_space<hbm>>
    %dma_wait3A_703 = tpu.memref_squeeze %dma_wait3A_702 : memref<1x50x32xf32, #tpu.memory_space<hbm>> -> memref<50x32xf32, #tpu.memory_space<hbm>>
    %dma_wait3A_704 = arith.constant 0 : i32
    %dma_wait3A_705 = arith.constant 0 : i32
    %dma_wait3A_706 = tpu.memref_slice %arg4[%add3A_694, %dma_wait3A_704, %dma_wait3A_705] : memref<16384x50x32xf32, #tpu.memory_space<hbm>> -> memref<1x50x32xf32, #tpu.memory_space<hbm>>
    %dma_wait3A_707 = tpu.memref_squeeze %dma_wait3A_706 : memref<1x50x32xf32, #tpu.memory_space<hbm>> -> memref<50x32xf32, #tpu.memory_space<hbm>>
    %dma_wait3A_708 = arith.constant 600 : i32
    %dma_wait3A_709 = arith.constant 0 : i32
    %dma_wait3A_710 = tpu.memref_slice %arg6[%dma_wait3A_695, %dma_wait3A_708, %dma_wait3A_709] : memref<2x800x32xf32, #tpu.memory_space<vmem>> -> memref<1x50x32xf32, #tpu.memory_space<vmem>>
    %dma_wait3A_711 = tpu.memref_squeeze %dma_wait3A_710 : memref<1x50x32xf32, #tpu.memory_space<vmem>> -> memref<50x32xf32, #tpu.memory_space<vmem>>
    tpu.wait_dma2 semaphore(%arg10 : memref<!tpu.dma_semaphore, #tpu.memory_space<semaphore_mem>>) src(%dma_wait3A_711 : memref<50x32xf32, #tpu.memory_space<vmem>>) dst(%dma_wait3A_707 : memref<50x32xf32, #tpu.memory_space<hbm>>)
    %add3A_712 = arith.constant 496 : i32
    %add3A_713 = arith.addi %mul3A_2, %add3A_712 : i32
    %add3A_714 = arith.constant 13 : i32
    %add3A_715 = arith.addi %add3A_713, %add3A_714 : i32
    %dma_wait3A_716 = arith.constant 1 : i32
    %dma_wait3A_717 = arith.constant 650 : i32
    %dma_wait3A_718 = arith.constant 0 : i32
    %dma_wait3A_719 = tpu.memref_slice %arg6[%dma_wait3A_716, %dma_wait3A_717, %dma_wait3A_718] : memref<2x800x32xf32, #tpu.memory_space<vmem>> -> memref<1x50x32xf32, #tpu.memory_space<vmem>>
    %dma_wait3A_720 = tpu.memref_squeeze %dma_wait3A_719 : memref<1x50x32xf32, #tpu.memory_space<vmem>> -> memref<50x32xf32, #tpu.memory_space<vmem>>
    %dma_wait3A_721 = arith.constant 0 : i32
    %dma_wait3A_722 = arith.constant 0 : i32
    %dma_wait3A_723 = tpu.memref_slice %arg4[%add3A_715, %dma_wait3A_721, %dma_wait3A_722] : memref<16384x50x32xf32, #tpu.memory_space<hbm>> -> memref<1x50x32xf32, #tpu.memory_space<hbm>>
    %dma_wait3A_724 = tpu.memref_squeeze %dma_wait3A_723 : memref<1x50x32xf32, #tpu.memory_space<hbm>> -> memref<50x32xf32, #tpu.memory_space<hbm>>
    %dma_wait3A_725 = arith.constant 0 : i32
    %dma_wait3A_726 = arith.constant 0 : i32
    %dma_wait3A_727 = tpu.memref_slice %arg4[%add3A_715, %dma_wait3A_725, %dma_wait3A_726] : memref<16384x50x32xf32, #tpu.memory_space<hbm>> -> memref<1x50x32xf32, #tpu.memory_space<hbm>>
    %dma_wait3A_728 = tpu.memref_squeeze %dma_wait3A_727 : memref<1x50x32xf32, #tpu.memory_space<hbm>> -> memref<50x32xf32, #tpu.memory_space<hbm>>
    %dma_wait3A_729 = arith.constant 650 : i32
    %dma_wait3A_730 = arith.constant 0 : i32
    %dma_wait3A_731 = tpu.memref_slice %arg6[%dma_wait3A_716, %dma_wait3A_729, %dma_wait3A_730] : memref<2x800x32xf32, #tpu.memory_space<vmem>> -> memref<1x50x32xf32, #tpu.memory_space<vmem>>
    %dma_wait3A_732 = tpu.memref_squeeze %dma_wait3A_731 : memref<1x50x32xf32, #tpu.memory_space<vmem>> -> memref<50x32xf32, #tpu.memory_space<vmem>>
    tpu.wait_dma2 semaphore(%arg10 : memref<!tpu.dma_semaphore, #tpu.memory_space<semaphore_mem>>) src(%dma_wait3A_732 : memref<50x32xf32, #tpu.memory_space<vmem>>) dst(%dma_wait3A_728 : memref<50x32xf32, #tpu.memory_space<hbm>>)
    %add3A_733 = arith.constant 496 : i32
    %add3A_734 = arith.addi %mul3A_2, %add3A_733 : i32
    %add3A_735 = arith.constant 14 : i32
    %add3A_736 = arith.addi %add3A_734, %add3A_735 : i32
    %dma_wait3A_737 = arith.constant 1 : i32
    %dma_wait3A_738 = arith.constant 700 : i32
    %dma_wait3A_739 = arith.constant 0 : i32
    %dma_wait3A_740 = tpu.memref_slice %arg6[%dma_wait3A_737, %dma_wait3A_738, %dma_wait3A_739] : memref<2x800x32xf32, #tpu.memory_space<vmem>> -> memref<1x50x32xf32, #tpu.memory_space<vmem>>
    %dma_wait3A_741 = tpu.memref_squeeze %dma_wait3A_740 : memref<1x50x32xf32, #tpu.memory_space<vmem>> -> memref<50x32xf32, #tpu.memory_space<vmem>>
    %dma_wait3A_742 = arith.constant 0 : i32
    %dma_wait3A_743 = arith.constant 0 : i32
    %dma_wait3A_744 = tpu.memref_slice %arg4[%add3A_736, %dma_wait3A_742, %dma_wait3A_743] : memref<16384x50x32xf32, #tpu.memory_space<hbm>> -> memref<1x50x32xf32, #tpu.memory_space<hbm>>
    %dma_wait3A_745 = tpu.memref_squeeze %dma_wait3A_744 : memref<1x50x32xf32, #tpu.memory_space<hbm>> -> memref<50x32xf32, #tpu.memory_space<hbm>>
    %dma_wait3A_746 = arith.constant 0 : i32
    %dma_wait3A_747 = arith.constant 0 : i32
    %dma_wait3A_748 = tpu.memref_slice %arg4[%add3A_736, %dma_wait3A_746, %dma_wait3A_747] : memref<16384x50x32xf32, #tpu.memory_space<hbm>> -> memref<1x50x32xf32, #tpu.memory_space<hbm>>
    %dma_wait3A_749 = tpu.memref_squeeze %dma_wait3A_748 : memref<1x50x32xf32, #tpu.memory_space<hbm>> -> memref<50x32xf32, #tpu.memory_space<hbm>>
    %dma_wait3A_750 = arith.constant 700 : i32
    %dma_wait3A_751 = arith.constant 0 : i32
    %dma_wait3A_752 = tpu.memref_slice %arg6[%dma_wait3A_737, %dma_wait3A_750, %dma_wait3A_751] : memref<2x800x32xf32, #tpu.memory_space<vmem>> -> memref<1x50x32xf32, #tpu.memory_space<vmem>>
    %dma_wait3A_753 = tpu.memref_squeeze %dma_wait3A_752 : memref<1x50x32xf32, #tpu.memory_space<vmem>> -> memref<50x32xf32, #tpu.memory_space<vmem>>
    tpu.wait_dma2 semaphore(%arg10 : memref<!tpu.dma_semaphore, #tpu.memory_space<semaphore_mem>>) src(%dma_wait3A_753 : memref<50x32xf32, #tpu.memory_space<vmem>>) dst(%dma_wait3A_749 : memref<50x32xf32, #tpu.memory_space<hbm>>)
    %add3A_754 = arith.constant 496 : i32
    %add3A_755 = arith.addi %mul3A_2, %add3A_754 : i32
    %add3A_756 = arith.constant 15 : i32
    %add3A_757 = arith.addi %add3A_755, %add3A_756 : i32
    %dma_wait3A_758 = arith.constant 1 : i32
    %dma_wait3A_759 = arith.constant 750 : i32
    %dma_wait3A_760 = arith.constant 0 : i32
    %dma_wait3A_761 = tpu.memref_slice %arg6[%dma_wait3A_758, %dma_wait3A_759, %dma_wait3A_760] : memref<2x800x32xf32, #tpu.memory_space<vmem>> -> memref<1x50x32xf32, #tpu.memory_space<vmem>>
    %dma_wait3A_762 = tpu.memref_squeeze %dma_wait3A_761 : memref<1x50x32xf32, #tpu.memory_space<vmem>> -> memref<50x32xf32, #tpu.memory_space<vmem>>
    %dma_wait3A_763 = arith.constant 0 : i32
    %dma_wait3A_764 = arith.constant 0 : i32
    %dma_wait3A_765 = tpu.memref_slice %arg4[%add3A_757, %dma_wait3A_763, %dma_wait3A_764] : memref<16384x50x32xf32, #tpu.memory_space<hbm>> -> memref<1x50x32xf32, #tpu.memory_space<hbm>>
    %dma_wait3A_766 = tpu.memref_squeeze %dma_wait3A_765 : memref<1x50x32xf32, #tpu.memory_space<hbm>> -> memref<50x32xf32, #tpu.memory_space<hbm>>
    %dma_wait3A_767 = arith.constant 0 : i32
    %dma_wait3A_768 = arith.constant 0 : i32
    %dma_wait3A_769 = tpu.memref_slice %arg4[%add3A_757, %dma_wait3A_767, %dma_wait3A_768] : memref<16384x50x32xf32, #tpu.memory_space<hbm>> -> memref<1x50x32xf32, #tpu.memory_space<hbm>>
    %dma_wait3A_770 = tpu.memref_squeeze %dma_wait3A_769 : memref<1x50x32xf32, #tpu.memory_space<hbm>> -> memref<50x32xf32, #tpu.memory_space<hbm>>
    %dma_wait3A_771 = arith.constant 750 : i32
    %dma_wait3A_772 = arith.constant 0 : i32
    %dma_wait3A_773 = tpu.memref_slice %arg6[%dma_wait3A_758, %dma_wait3A_771, %dma_wait3A_772] : memref<2x800x32xf32, #tpu.memory_space<vmem>> -> memref<1x50x32xf32, #tpu.memory_space<vmem>>
    %dma_wait3A_774 = tpu.memref_squeeze %dma_wait3A_773 : memref<1x50x32xf32, #tpu.memory_space<vmem>> -> memref<50x32xf32, #tpu.memory_space<vmem>>
    tpu.wait_dma2 semaphore(%arg10 : memref<!tpu.dma_semaphore, #tpu.memory_space<semaphore_mem>>) src(%dma_wait3A_774 : memref<50x32xf32, #tpu.memory_space<vmem>>) dst(%dma_wait3A_770 : memref<50x32xf32, #tpu.memory_space<hbm>>)
    return
  }
}

</mosaic_0001>

<sc_bundles>
// kernel: kernel.3.cloned.1.call-start
scs
__scs_entry_jumppad:
0x0: {  	(pc) =	sbr.rel $0x88, $3  }
0x1: {  	(tag) =	ssettag $0x0;
	lr =	simm.s32 $0x1  }
0x2: {  	[smem:$0x3F9F] =	sst lr;
	_ =	strace $0xD0000000  }
0x3: {  	_ = 	snop  }
0x4: {  	_ = 	snop  }
0x5: {  	_ = 	snop  }
0x6: {  	_ = 	snop  }
0x7: {  	_ = 	snop  }
__scs_overlays_trampoline_lowered:
0x8: {  	[smem:$0x3FAE] =	sst s0  }
0x9: {  	[smem:$0x3FAF] =	sst s1  }
0xa: {  	[smem:$0x3FB0] =	sst s2  }
0xb: {  	[smem:$0x3FB1] =	sst s3  }
0xc: {  	[smem:$0x3FB2] =	sst s4  }
0xd: {  	[smem:$0x3FB3] =	sst s5  }
0xe: {  	[smem:$0x3FB4] =	sst s6  }
0xf: {  	[smem:$0x3FB5] =	sst s7  }
0x10: {  	[smem:$0x3FB6] =	sst s8  }
0x11: {  	[smem:$0x3FB7] =	sst s9;
	s0 =	simm.s32 @!p0 $0x0  }
0x12: {  	s1 =	sld [smem:$0x3F9D];
	s0 =	simm.s32 @p0 $0x1  }
0x13: {  	[smem:$0x3FB8] =	sst s0;
	s0 =	simm.s32 @!p1 $0x0  }
0x14: {  	s2 =	sld [smem:$0x3F9C];
	s0 =	simm.s32 @p1 $0x1  }
0x15: {  	[smem:$0x3FB9] =	sst s0;
	s0 =	simm.s32 @!p2 $0x0  }
0x16: {  	s3 =	sld [smem:$0x3FDB];
	s0 =	simm.s32 @p2 $0x1  }
0x17: {  	s4 =	simm.s32 $0x1BF5;
	[smem:$0x3FBB] =	sst s0  }
0x18: {  	s0 =	sld [smem:$0x3F9E];
	_ =	swait.ge [sflag:s4], $0x0  }
0x19: {  	s7 =	sld [smem:$0x3F9F]  }
0x1a: {  	s8 =	sadd.s32 $0xFFFFE003, lr  }
0x1b: {  	s9 =	sadd.s32 $0xFFFFFEF7, lr;
	s5 =	simm.s32 $0xFFFFFFFF;
	p2 =	slt.u32 s8, $0xFFFFF086  }
0x1c: {  	p1 =	slt.u32 s9, $0xF7A;
	s5 =	simm.s32 @!p2 $0x0  }
0x1d: {  	s5 =	simm.s32 @p1 $0x1;
	p0 =	seq.s32 s7, s2  }
0x1e: {  	s7 =	smul.u32 @!p0 $0xF7A, s2;
	p2 =	seq.s32 @!p0 s5, $0x0  }
0x1f: {  	s9 =	smul.u32 $0xF7A, s1;
	s8 =	simm.s32 @!p0 $0x1BF5;
	p2 =	por !p2, p0  }
0x20: {  	[sflag:s8] =	ssyncset.s32 @!p0 $0xFFFFF086;
	s6 =	sadd.s32 @!p0 s3, s7;
	s7 =	simm.s32 @!p0 $0x108  }
0x21: {  	s3 =	sadd.s32 s3, s9;
	s6 =	sadd.s32 @!p0 $0x88, s6;
	s7 =	simm.s32 @p2 $0x1082  }
0x22: {  	[simem:s7], [sflag:s8] =	dma.local @!p0 [hbm:s6], $0xF7A  }
0x23: {  	s9 =	sor.u32 $0xD0000000, s2;
	s6 =	simm.s32 $0x108;
	_ =	swait.ge @!p0 [sflag:s8], $0x0  }
0x24: {  	s3 =	sadd.s32 $0x88, s3;
	s6 =	simm.s32 @!p1 $0x1082;
	[sflag:s4] =	ssyncset.s32 $0xFFFFF086  }
0x25: {  	[simem:s6], [sflag:s4] =	dma.local [hbm:s3], $0xF7A  }
0x26: {  	[smem:$0x3F9F] =	sst s1;
	(tag) =	ssettag s2;
	_ =	strace s9  }
0x27: {  	s1 =	sld [smem:$0x3FAF]  }
0x28: {  	s2 =	sld [smem:$0x3FB0]  }
0x29: {  	s4 =	sld [smem:$0x3FB2]  }
0x2a: {  	p0 =	seq.s32 s5, $0x0;
	s5 =	sld [smem:$0x3FB3]  }
0x2b: {  	s6 =	sld [smem:$0x3FB4]  }
0x2c: {  	s7 =	sld [smem:$0x3FB5]  }
0x2d: {  	s3 =	simm.s32 $0x108;
	s8 =	sld [smem:$0x3FB6]  }
0x2e: {  	s3 =	simm.s32 @!p0 $0x1082;
	s9 =	sld [smem:$0x3FB7]  }
0x2f: {  	lr =	sadd.s32 s0, s3;
	s0 =	sld [smem:$0x3FAE]  }
0x30: {  	s3 =	sld [smem:$0x3FB1]  }
0x31: {  	[smem:$0x3FBA] =	sst s10  }
0x32: {  	s10 =	sld [smem:$0x3FB8];
	_ =	sdelay $0x3  }
0x33: {  	p0 =	seq.s32 s10, $0x1;
	s10 =	sld [smem:$0x3FBA];
	_ =	sdelay $0x3  }
0x34: {  	[smem:$0x3FBA] =	sst s10  }
0x35: {  	s10 =	sld [smem:$0x3FB9];
	_ =	sdelay $0x3  }
0x36: {  	p1 =	seq.s32 s10, $0x1;
	s10 =	sld [smem:$0x3FBA];
	_ =	sdelay $0x3  }
0x37: {  	[smem:$0x3FBA] =	sst s10  }
0x38: {  	s10 =	sld [smem:$0x3FBB]  }
0x39: {  	_ = 	snop;
	(pc) =	sbr.ind lr, $3  }
0x3a: {  	_ = 	snop  }
0x3b: {  	_ = 	snop  }
0x3c: {  	p2 =	seq.s32 s10, $0x1;
	s10 =	sld [smem:$0x3FBA]  }
0x3d: {  	_ =	shalt  }
0x3e: {  	_ =	shalt  }
0x3f: {  	_ =	shalt  }
0x40: {  	_ =	shalt  }
0x41: {  	_ =	shalt  }
0x42: {  	_ =	shalt  }
0x43: {  	_ =	shalt  }
0x44: {  	_ =	shalt  }
0x45: {  	_ =	shalt  }
0x46: {  	_ =	shalt  }
0x47: {  	_ =	shalt  }
0x48: {  	_ =	shalt  }
0x49: {  	_ =	shalt  }
0x4a: {  	_ =	shalt  }
0x4b: {  	_ =	shalt  }
0x4c: {  	_ =	shalt  }
0x4d: {  	_ =	shalt  }
0x4e: {  	_ =	shalt  }
0x4f: {  	_ =	shalt  }
0x50: {  	_ =	shalt  }
0x51: {  	_ =	shalt  }
0x52: {  	_ =	shalt  }
0x53: {  	_ =	shalt  }
0x54: {  	_ =	shalt  }
0x55: {  	_ =	shalt  }
0x56: {  	_ =	shalt  }
0x57: {  	_ =	shalt  }
0x58: {  	_ =	shalt  }
0x59: {  	_ =	shalt  }
0x5a: {  	_ =	shalt  }
0x5b: {  	_ =	shalt  }
0x5c: {  	_ =	shalt  }
0x5d: {  	_ =	shalt  }
0x5e: {  	_ =	shalt  }
0x5f: {  	_ =	shalt  }
0x60: {  	_ =	shalt  }
0x61: {  	_ =	shalt  }
0x62: {  	_ =	shalt  }
0x63: {  	_ =	shalt  }
0x64: {  	_ =	shalt  }
0x65: {  	_ =	shalt  }
0x66: {  	_ =	shalt  }
0x67: {  	_ =	shalt  }
0x68: {  	_ =	shalt  }
0x69: {  	_ =	shalt  }
0x6a: {  	_ =	shalt  }
0x6b: {  	_ =	shalt  }
0x6c: {  	_ =	shalt  }
0x6d: {  	_ =	shalt  }
0x6e: {  	_ =	shalt  }
0x6f: {  	_ =	shalt  }
0x70: {  	_ =	shalt  }
0x71: {  	_ =	shalt  }
0x72: {  	_ =	shalt  }
0x73: {  	_ =	shalt  }
0x74: {  	_ =	shalt  }
0x75: {  	_ =	shalt  }
0x76: {  	_ =	shalt  }
0x77: {  	_ =	shalt  }
0x78: {  	_ =	shalt  }
0x79: {  	_ =	shalt  }
0x7a: {  	_ =	shalt  }
0x7b: {  	_ =	shalt  }
0x7c: {  	_ =	shalt  }
0x7d: {  	_ =	shalt  }
0x7e: {  	_ =	shalt  }
0x7f: {  	_ =	shalt  }
0x80: {  	_ =	shalt  }
0x81: {  	_ =	shalt  }
0x82: {  	_ =	shalt  }
0x83: {  	_ =	shalt  }
0x84: {  	_ =	shalt  }
0x85: {  	_ =	shalt  }
0x86: {  	_ =	shalt  }
0x87: {  	_ =	shalt  }
.Lfunc_end0:
.L_simem_size_0:
called_computation.1_lowered:
.L_overlay_start_0:
0x88: {  	s2 =	sld [smem:$0x3FD9]  }
0x89: {  	s3 =	sld [smem:$0x3FFE];
	_ =	sdelay $0x1  }
0x8a: {  	s1 =	srdreg.scid  }
0x8b: {  	s0 =	sand.u32 $0x1, s1  }
0x8c: {  	s17 =	sshll.u32 s0, $0xA;
	s2 =	sadd.s32 s3, s2  }
0x8d: {  	s2 =	sadd.s32 s2, s17  }
0x8e: {  	[smem:$0x3FC6] =	sst s2  }
0x8f: {  	_ = 	snop  }
0x90: {  	s2 =	sld [smem:$0x3FD0];
	(tm) =	ssettm $0x1  }
0x91: {  	s18 =	sld [smem:$0x3FFB];
	_ =	sdelay $0x3  }
0x92: {  	_ =	strace s18  }
0x93: {  	s3 =	sld [smem:$0x3FFC];
	_ =	sdelay $0x3  }
0x94: {  	_ =	strace s3  }
0x95: {  	s3 =	sld [smem:$0x3FFD];
	_ =	sdelay $0x3  }
0x96: {  	_ =	strace s3  }
0x97: {  	_ =	strace $0x8FFFFFFF  }
0x98: {  	s19 =	sld [smem:$0x3FDB];
	_ =	sdelay $0x1  }
0x99: {  	s4 =	simm.s32 $_scs_section_size  }
0x9a: {  	s5 =	simm.s32 $_size__tile_overlayer_lowered;
	s6 =	simm.s32 $_tile_overlayer_lowered  }
0x9b: {  	s22 =	simm.s32 $0x1BFF;
	s21 =	sshll.u32 s6, $0x1;
	s3 =	sadd.s32 s4, s19  }
0x9c: {  	s7 =	simm.s32 $0x0;
	s20 =	sshll.u32 s5, $0x1;
	s5 =	sadd.s32 s21, s3  }
0x9d: {  	[timem:s7], [sflag:s22] =	dma.local [hbm:s5], s20  }
0x9e: {  	_ =	swait.ge [sflag:s22], s20  }
0x9f: {  	s4 =	ssub.s32 $0x0, s20;
	[sflag:s22] =	ssyncset.done $0x0  }
0xa0: {  	[sflag:s22] =	ssyncadd.s32 s4;
	_ =	sdelay $0x1  }
0xa1: {  	s23 =	simm.s32 $0x1B8B  }
0xa2: {  	_ =	swait.ge [sflag:s23], $0x1  }
0xa3: {  	[sflag:s23] =	ssyncset.done $0x0  }
0xa4: {  	s25 =	simm.s32 $0x1B8E;
	s24 =	sld [smem:$0x3FFE];
	[sflag:s23] =	ssyncadd.s32 $0xFFFFFFFF  }
0xa5: {  	s26 =	simm.s32 $execute0_lowered;
	[smem:$0x3FD2] =	sst s25  }
0xa6: {  	s5 =	sshll.u32 s26, $0x1;
	_ =	strace $0x80000046;
	[dreg:$0x1] =	wrdreg $0xFFFFFFFF  }
0xa7: {  	s28 =	simm.s32 $_size_execute0_lowered;
	s3 =	sadd.s32 s3, s5;
	[dreg:$0x0] =	wrdreg $0x0  }
0xa8: {  	s5 =	sshll.u32 s28, $0x1;
	[dreg:$0x2] =	wrdreg s3  }
0xa9: {  	[dreg:$0x3] =	wrdreg s5  }
0xaa: {  	[dreg:$0x4] =	wrdreg $0xC0  }
0xab: {  	_ =	task [dreg:s7], $0x5FFFF  }
0xac: {  	[dreg:$0x1] =	wrdreg $0xFFFFFFFF  }
0xad: {  	[dreg:$0x0] =	wrdreg $0x60  }
0xae: {  	[dreg:$0x2] =	wrdreg s24  }
0xaf: {  	[dreg:$0x3] =	wrdreg s2  }
0xb0: {  	[dreg:$0x4] =	wrdreg $0x9  }
0xb1: {  	_ =	task.clear_ibuf [dreg:s7], $0x5FFFF;
	_ =	strace $0x90000046  }
0xb2: {  	s29 =	simm.s32 $0x9;
	_ =	strace $0x80000048  }
0xb3: {  	_ =	swait.ge [sflag:s29], $0x1  }
0xb4: {  	[sflag:s29] =	ssyncadd.s32 $0xFFFFFFFF  }
0xb5: {  	_ =	strace $0x90000048  }
0xb6: {  	_ =	sfence  }
0xb7: {  	s30 =	sld [smem:$0x0];
	_ =	sdelay $0x2  }
0xb8: {  	s31 =	sshll.u32 s1, $0xD;
	s1 =	sshrl.u32 s1, $0x2  }
0xb9: {  	s3 =	sand.u32 $0x4000, s31;
	s1 =	sadd.s32 s1, s30  }
0xba: {  	s0 =	sor.u32 s3, s0;
	s1 =	sshll.u32 s1, $0x11  }
0xbb: {  	s0 =	sor.u32 s1, s0  }
0xbc: {  	s0 =	sadd.s32 $0x8F2B, s0  }
0xbd: {  	[sflag:s0] =	ssyncadd.remote.s32 $0x1  }
0xbe: {  	_ =	sfence.sel $0xFFFF  }
0xbf: {  	[dreg:$0x0] =	wrdreg $0xFFFFFFFF;
	(pc) =	sbr.abs _section_cstart, $3  }
0xc0: {  	[dreg:$0x1] =	wrdreg $0xFFFFFFFF  }
0xc1: {  	_ =	task.clear_ibuf [dreg:s7], $0x2FFFF;
	_ =	strace $0x9FFFFFFF  }
0xc2: {  	(tm) =	ssettm $0x7FFFFFFF  }
0xc3: {  	_ =	shalt  }
tec
execute0_lowered:
.L_overlay_start_1:
0x0: {  	(tag) =	ssettag $0x1  }
0x1: {  	s0 =	srdreg.scid;
	s8 =	stileid.u32  }
0x2: {  	s1 =	simm.s32 $0x0;
	s5 =	sand.u32 $0x1, s0;
	s2 =	smul.u32 $0x190000, s8  }
0x3: {  	s0 =	rddreg [dreg:$0x1];
	s4 =	sshll.u32 s8, $0x1;
	s3 =	smul.u32 $0xC8000, s5  }
0x4: {  	[smem:$0x7FF] =	sst s1;
	s6 =	sor.u32 s5, s4  }
0x5: {  	s7 =	ssub.s32 $0x2, s5;
	s5 =	smul.u32 $0x19000, s5;
	s4 =	sadd.s32 s3, s2  }
0x6: {  	s2 =	smul.u32 $0xD00, s6;
	s6 =	sshrl.u32 s7, $0x1;
	s9 =	sor.u32 $0x5DC0, s4  }
0x7: {  	s3 =	ssub.s32 s7, s6;
	s10 =	sor.u32 $0x5780, s4;
	s12 =	sor.u32 $0x5140, s4  }
0x8: {  	s14 =	sor.u32 $0x4B00, s4;
	s16 =	sor.u32 $0x44C0, s4;
	s18 =	sor.u32 $0x3E80, s4  }
0x9: {  	s20 =	sor.u32 $0x3840, s4;
	s22 =	sor.u32 $0x3200, s4;
	s24 =	sor.u32 $0x2BC0, s4  }
0xa: {  	s26 =	sor.u32 $0x2580, s4;
	s6 =	sshrl.u32 s9, $0x3;
	s11 =	sshrl.u32 s10, $0x3  }
0xb: {  	s13 =	sshrl.u32 s12, $0x3;
	s15 =	sshrl.u32 s14, $0x3;
	s17 =	sshrl.u32 s16, $0x3  }
0xc: {  	s19 =	sshrl.u32 s18, $0x3;
	s21 =	sshrl.u32 s20, $0x3;
	s23 =	sshrl.u32 s22, $0x3  }
0xd: {  	s25 =	sshrl.u32 s24, $0x3;
	s7 =	sshrl.u32 s26, $0x3;
	s9 =	sor.u32 $0x1F40, s4  }
0xe: {  	s16 =	sor.u32 $0xC80, s4;
	s20 =	sadd.s32 $0xB540, s4;
	s24 =	sadd.s32 $0xA8C0, s4  }
0xf: {  	s26 =	sadd.s32 $0x9C40, s4;
	s3 =	smax.u32 s3, $0x1;
	s6 =	sadd.s32 s6, s0  }
0x10: {  	s10 =	sshrl.u32 s9, $0x3;
	[dreg:$0x3] =	wrdreg s6;
	s6 =	sadd.s32 s11, s0  }
0x11: {  	s9 =	sadd.s32 $0x9600, s4;
	s11 =	sor.u32 $0x1900, s4;
	[dreg:$0x4] =	wrdreg s6  }
0x12: {  	s6 =	sadd.s32 s13, s0;
	s12 =	sshrl.u32 s11, $0x3;
	s13 =	sor.u32 $0x12C0, s4  }
0x13: {  	s11 =	sadd.s32 $0x8980, s4;
	[dreg:$0x5] =	wrdreg s6;
	s6 =	sadd.s32 s15, s0  }
0x14: {  	s14 =	sshrl.u32 s13, $0x3;
	s15 =	smul.u32 $0x32000, s8;
	s8 =	sshrl.u32 s26, $0x3  }
0x15: {  	s13 =	sadd.s32 $0x8340, s4;
	[dreg:$0x6] =	wrdreg s6;
	s6 =	sadd.s32 s17, s0  }
0x16: {  	s17 =	sadd.s32 $0xC1C0, s4;
	[dreg:$0x7] =	wrdreg s6;
	s6 =	sadd.s32 s19, s0  }
0x17: {  	s18 =	sshrl.u32 s17, $0x3;
	s19 =	sadd.s32 $0xBB80, s4;
	s17 =	sor.u32 $0x7080, s4  }
0x18: {  	[dreg:$0x8] =	wrdreg s6;
	s6 =	sadd.s32 s21, s0;
	s21 =	sadd.s32 $0xAF00, s4  }
0x19: {  	[dreg:$0x9] =	wrdreg s6;
	s6 =	sadd.s32 s23, s0;
	s23 =	sshrl.u32 s21, $0x3  }
0x1a: {  	[dreg:$0xa] =	wrdreg s6;
	s6 =	sadd.s32 s25, s0;
	s25 =	sadd.s32 $0xA280, s4  }
0x1b: {  	[dreg:$0xb] =	wrdreg s6;
	s6 =	sadd.s32 s7, s0;
	s7 =	sadd.s32 s15, s0  }
0x1c: {  	s15 =	sor.u32 $0x76C0, s4;
	[dreg:$0xc] =	wrdreg s6;
	s6 =	sadd.s32 s10, s0  }
0x1d: {  	s5 =	sadd.s32 s5, s7;
	s10 =	sadd.s32 $0x8FC0, s4;
	[dreg:$0xd] =	wrdreg s6  }
0x1e: {  	s7 =	simm.s32 $0xF180;
	s6 =	sadd.s32 s12, s0;
	[dreg:$0x11] =	wrdreg s5  }
0x1f: {  	s5 =	sadd.s32 s18, s0;
	s12 =	sshrl.u32 s11, $0x3;
	s18 =	rddreg [dreg:$0x0]  }
0x20: {  	s11 =	simm.s32 $0x12380;
	[dreg:$0xe] =	wrdreg s6;
	s6 =	sadd.s32 s14, s0  }
0x21: {  	[dreg:$0x12] =	wrdreg s5;
	s5 =	sshrl.u32 s19, $0x3;
	s26 =	sadd.s32 s12, s0  }
0x22: {  	s14 =	sor.u32 $0x7D00, s4;
	s4 =	sor.u32 $0x6A40, s4;
	s19 =	sadd.s32 s2, s18  }
0x23: {  	s2 =	sadd.s32 $0xF42E00, s18;
	s18 =	simm.s32 $0xCC00;
	s12 =	simm.s32 $0x1  }
0x24: {  	[dreg:$0xf] =	wrdreg s6;
	s6 =	sshrl.u32 s16, $0x3;
	s5 =	sadd.s32 s5, s0  }
0x25: {  	s16 =	sshrl.u32 s15, $0x3;
	s4 =	sshrl.u32 s4, $0x3;
	s6 =	sadd.s32 s6, s0  }
0x26: {  	[dreg:$0x13] =	wrdreg s5;
	s5 =	sshrl.u32 s24, $0x3;
	s30 =	sadd.s32 s16, s0  }
0x27: {  	[dreg:$0x10] =	wrdreg s6;
	s6 =	sshrl.u32 s20, $0x3;
	s20 =	sadd.s32 s23, s0  }
0x28: {  	s21 =	sadd.s32 s5, s0;
	s23 =	sadd.s32 s8, s0;
	s5 =	sshrl.u32 s9, $0x3  }
0x29: {  	s8 =	simm.s32 $0xFE00;
	s9 =	simm.s32 $0x10A80;
	s22 =	sadd.s32 s6, s0  }
0x2a: {  	s6 =	sshrl.u32 s25, $0x3;
	s24 =	sadd.s32 s5, s0;
	s5 =	sshrl.u32 s13, $0x3  }
0x2b: {  	s13 =	simm.s32 $0x2;
	[dreg:$0x16] =	wrdreg s22;
	s22 =	sadd.s32 s6, s0  }
0x2c: {  	s6 =	sshrl.u32 s10, $0x3;
	s28 =	sadd.s32 s5, s0;
	s5 =	sshrl.u32 s17, $0x3  }
.Ltmp0:
0x2d: {  	s10 =	simm.s32 $0x11700;
	s25 =	sadd.s32 s6, s0;
	(pc) =	sbr.rel .LBB2_1-.Ltmp0, $4  }
0x2e: {  	s6 =	sshrl.u32 s14, $0x3;
	s31 =	sadd.s32 s5, s0;
	_ =	strace $0x80000047  }
0x2f: {  	[dreg:$0x15] =	wrdreg s3;
	s3 =	simm.s32 $0x64;
	s14 =	simm.s32 $0x3  }
0x30: {  	s29 =	sadd.s32 s6, s0;
	s0 =	sadd.s32 s4, s0;
	s4 =	sadd.s32 $0xA00, s19  }
0x31: {  	s5 =	simm.s32 $0x0;
	s6 =	simm.s32 $0xE500;
	[dreg:$0x14] =	wrdreg s4  }
.LBB2_5:
0x32: {  	_ =	swait.ge [sflag:s14], $0x640  }
0x33: {  	[sflag:s14] =	ssyncset.done $0x0  }
0x34: {  	[sflag:s14] =	ssyncadd.s32 $0xFFFFF9C0  }
0x35: {  	_ =	swait.ge [sflag:s14], $0x640  }
0x36: {  	[sflag:s14] =	ssyncset.done $0x0  }
0x37: {  	[sflag:s14] =	ssyncadd.s32 $0xFFFFF9C0  }
0x38: {  	_ =	swait.ge [sflag:s14], $0x640  }
0x39: {  	[sflag:s14] =	ssyncset.done $0x0  }
0x3a: {  	[sflag:s14] =	ssyncadd.s32 $0xFFFFF9C0  }
0x3b: {  	_ =	swait.ge [sflag:s14], $0x640  }
0x3c: {  	[sflag:s14] =	ssyncset.done $0x0  }
0x3d: {  	[sflag:s14] =	ssyncadd.s32 $0xFFFFF9C0  }
0x3e: {  	_ =	swait.ge [sflag:s14], $0x640  }
0x3f: {  	[sflag:s14] =	ssyncset.done $0x0  }
0x40: {  	[sflag:s14] =	ssyncadd.s32 $0xFFFFF9C0  }
0x41: {  	_ =	swait.ge [sflag:s14], $0x640  }
0x42: {  	[sflag:s14] =	ssyncset.done $0x0  }
0x43: {  	[sflag:s14] =	ssyncadd.s32 $0xFFFFF9C0  }
0x44: {  	_ =	swait.ge [sflag:s14], $0x640  }
0x45: {  	[sflag:s14] =	ssyncset.done $0x0  }
0x46: {  	[sflag:s14] =	ssyncadd.s32 $0xFFFFF9C0  }
0x47: {  	_ =	swait.ge [sflag:s14], $0x640  }
0x48: {  	[sflag:s14] =	ssyncset.done $0x0  }
0x49: {  	[sflag:s14] =	ssyncadd.s32 $0xFFFFF9C0  }
0x4a: {  	_ =	swait.ge [sflag:s14], $0x640  }
0x4b: {  	[sflag:s14] =	ssyncset.done $0x0  }
0x4c: {  	[sflag:s14] =	ssyncadd.s32 $0xFFFFF9C0  }
0x4d: {  	_ =	swait.ge [sflag:s14], $0x640  }
0x4e: {  	[sflag:s14] =	ssyncset.done $0x0  }
0x4f: {  	[sflag:s14] =	ssyncadd.s32 $0xFFFFF9C0  }
0x50: {  	_ =	swait.ge [sflag:s14], $0x640  }
0x51: {  	[sflag:s14] =	ssyncset.done $0x0  }
0x52: {  	[sflag:s14] =	ssyncadd.s32 $0xFFFFF9C0  }
0x53: {  	_ =	swait.ge [sflag:s14], $0x640  }
0x54: {  	[sflag:s14] =	ssyncset.done $0x0  }
0x55: {  	[sflag:s14] =	ssyncadd.s32 $0xFFFFF9C0  }
0x56: {  	_ =	swait.ge [sflag:s14], $0x640  }
0x57: {  	[sflag:s14] =	ssyncset.done $0x0  }
0x58: {  	[sflag:s14] =	ssyncadd.s32 $0xFFFFF9C0  }
0x59: {  	_ =	swait.ge [sflag:s14], $0x640  }
0x5a: {  	[sflag:s14] =	ssyncset.done $0x0  }
0x5b: {  	[sflag:s14] =	ssyncadd.s32 $0xFFFFF9C0  }
0x5c: {  	_ =	swait.ge [sflag:s14], $0x640  }
0x5d: {  	[sflag:s14] =	ssyncset.done $0x0  }
0x5e: {  	[sflag:s14] =	ssyncadd.s32 $0xFFFFF9C0  }
0x5f: {  	_ =	swait.ge [sflag:s14], $0x640  }
0x60: {  	[sflag:s14] =	ssyncset.done $0x0  }
0x61: {  	s4 =	simm.s32 $0x4;
	[sflag:s14] =	ssyncadd.s32 $0xFFFFF9C0  }
0x62: {  	_ =	swait.ge [sflag:s4], $0x640  }
0x63: {  	[sflag:s4] =	ssyncset.done $0x0  }
0x64: {  	[sflag:s4] =	ssyncadd.s32 $0xFFFFF9C0  }
0x65: {  	_ =	swait.ge [sflag:s4], $0x640  }
0x66: {  	[sflag:s4] =	ssyncset.done $0x0  }
0x67: {  	[sflag:s4] =	ssyncadd.s32 $0xFFFFF9C0  }
0x68: {  	_ =	swait.ge [sflag:s4], $0x640  }
0x69: {  	[sflag:s4] =	ssyncset.done $0x0  }
0x6a: {  	[sflag:s4] =	ssyncadd.s32 $0xFFFFF9C0  }
0x6b: {  	_ =	swait.ge [sflag:s4], $0x640  }
0x6c: {  	[sflag:s4] =	ssyncset.done $0x0  }
0x6d: {  	[sflag:s4] =	ssyncadd.s32 $0xFFFFF9C0  }
0x6e: {  	_ =	swait.ge [sflag:s4], $0x640  }
0x6f: {  	[sflag:s4] =	ssyncset.done $0x0  }
0x70: {  	[sflag:s4] =	ssyncadd.s32 $0xFFFFF9C0  }
0x71: {  	_ =	swait.ge [sflag:s4], $0x640  }
0x72: {  	[sflag:s4] =	ssyncset.done $0x0  }
0x73: {  	[sflag:s4] =	ssyncadd.s32 $0xFFFFF9C0  }
0x74: {  	_ =	swait.ge [sflag:s4], $0x640  }
0x75: {  	[sflag:s4] =	ssyncset.done $0x0  }
0x76: {  	[sflag:s4] =	ssyncadd.s32 $0xFFFFF9C0  }
0x77: {  	_ =	swait.ge [sflag:s4], $0x640  }
0x78: {  	[sflag:s4] =	ssyncset.done $0x0  }
0x79: {  	[sflag:s4] =	ssyncadd.s32 $0xFFFFF9C0  }
0x7a: {  	_ =	swait.ge [sflag:s4], $0x640  }
0x7b: {  	[sflag:s4] =	ssyncset.done $0x0  }
0x7c: {  	[sflag:s4] =	ssyncadd.s32 $0xFFFFF9C0  }
0x7d: {  	_ =	swait.ge [sflag:s4], $0x640  }
0x7e: {  	[sflag:s4] =	ssyncset.done $0x0  }
0x7f: {  	[sflag:s4] =	ssyncadd.s32 $0xFFFFF9C0  }
0x80: {  	_ =	swait.ge [sflag:s4], $0x640  }
0x81: {  	[sflag:s4] =	ssyncset.done $0x0  }
0x82: {  	[sflag:s4] =	ssyncadd.s32 $0xFFFFF9C0  }
0x83: {  	_ =	swait.ge [sflag:s4], $0x640  }
0x84: {  	[sflag:s4] =	ssyncset.done $0x0  }
0x85: {  	[sflag:s4] =	ssyncadd.s32 $0xFFFFF9C0  }
0x86: {  	_ =	swait.ge [sflag:s4], $0x640  }
0x87: {  	[sflag:s4] =	ssyncset.done $0x0  }
0x88: {  	[sflag:s4] =	ssyncadd.s32 $0xFFFFF9C0  }
0x89: {  	_ =	swait.ge [sflag:s4], $0x640  }
0x8a: {  	[sflag:s4] =	ssyncset.done $0x0  }
0x8b: {  	[sflag:s4] =	ssyncadd.s32 $0xFFFFF9C0  }
0x8c: {  	_ =	swait.ge [sflag:s4], $0x640  }
0x8d: {  	[sflag:s4] =	ssyncset.done $0x0  }
0x8e: {  	[sflag:s4] =	ssyncadd.s32 $0xFFFFF9C0  }
0x8f: {  	_ =	swait.ge [sflag:s4], $0x640  }
0x90: {  	s5 =	rddreg [dreg:$0x17]  }
0x91: {  	s15 =	rddreg [dreg:$0x15];
	s5 =	sadd.s32 $0x1, s5  }
0x92: {  	p0 =	sne.s32 s5, s15  }
.Ltmp1:
0x93: {  	_ = 	snop;
	(pc) =	sbr.rel @!p0 .LBB2_6-.Ltmp1, $3  }
0x94: {  	_ =	sdelay $0x1  }
0x95: {  	[sflag:s4] =	ssyncset.done $0x0  }
0x96: {  	[sflag:s4] =	ssyncadd.s32 $0xFFFFF9C0  }
.LBB2_1:
0x97: {  	[dreg:$0x17] =	wrdreg s5  }
0x98: {  	s15 =	rddreg [dreg:$0x14];
	s16 =	simm.s32 $0x5  }
0x99: {  	[tilespmem:s1], [sflag:$0x5] =	stream.linear.gather [hbm4b:s15+s1], $0x6800, $0x38;
	[tilespmem:$0x13000] =	vst v63  }
0x9a: {  	_ =	swait.ge [sflag:s16], $0x6800  }
0x9b: {  	[sflag:s16] =	ssyncset.done $0x0  }
0x9c: {  	s17 =	simm.s32 $0x6800;
	[sflag:s16] =	ssyncadd.s32 $0xFFFF9800  }
0x9d: {  	[tilespmem:s17], [sflag:$0x1] =	stream.indirect.gather [hbm4b:s2+s3], $0x20, s1, s3, $0xb8;
	[tilespmem:$0x13000] =	vst v63  }
0x9e: {  	s19 =	simm.s32 $0x7480;
	s4 =	simm.s32 $0x68  }
0x9f: {  	[tilespmem:s19], [sflag:$0x1] =	stream.indirect.gather [hbm4b:s2+s3], $0x20, s4, s3, $0xb8;
	[tilespmem:$0x13000] =	vst v63  }
0xa0: {  	s5 =	simm.s32 $0xD0;
	s16 =	simm.s32 $0x8100  }
0xa1: {  	[tilespmem:s16], [sflag:$0x1] =	stream.indirect.gather [hbm4b:s2+s3], $0x20, s5, s3, $0xb8;
	[tilespmem:$0x13000] =	vst v63  }
0xa2: {  	s17 =	simm.s32 $0x138;
	s19 =	simm.s32 $0x8D80  }
0xa3: {  	[tilespmem:s19], [sflag:$0x1] =	stream.indirect.gather [hbm4b:s2+s3], $0x20, s17, s3, $0xb8;
	[tilespmem:$0x13000] =	vst v63  }
0xa4: {  	s15 =	simm.s32 $0x1A0;
	s16 =	simm.s32 $0x9A00  }
0xa5: {  	[tilespmem:s16], [sflag:$0x1] =	stream.indirect.gather [hbm4b:s2+s3], $0x20, s15, s3, $0xb8;
	[tilespmem:$0x13000] =	vst v63  }
0xa6: {  	s17 =	simm.s32 $0x208;
	s19 =	simm.s32 $0xA680  }
0xa7: {  	[tilespmem:s19], [sflag:$0x1] =	stream.indirect.gather [hbm4b:s2+s3], $0x20, s17, s3, $0xb8;
	[tilespmem:$0x13000] =	vst v63  }
.Ltmp2:
0xa8: {  	s4 =	simm.s32 $0x7480;
	s5 =	simm.s32 $0xD880;
	(pc) =	sbr.rel .LBB2_2-.Ltmp2, $4  }
0xa9: {  	s15 =	simm.s32 $0x270;
	s16 =	simm.s32 $0xB300;
	s17 =	simm.s32 $0x2D8  }
0xaa: {  	[tilespmem:s16], [sflag:$0x1] =	stream.indirect.gather [hbm4b:s2+s3], $0x20, s15, s3, $0xb8;
	[tilespmem:$0x13000] =	vst v63  }
0xab: {  	s19 =	simm.s32 $0xBF80;
	s15 =	simm.s32 $0x958;
	s16 =	simm.s32 $0x0  }
0xac: {  	[tilespmem:s19], [sflag:$0x1] =	stream.indirect.gather [hbm4b:s2+s3], $0x20, s17, s3, $0xb8;
	[tilespmem:$0x13000] =	vst v63  }
.LBB2_4:
0xad: {  	_ =	swait.ge [sflag:s13], $0xC80  }
0xae: {  	[sflag:s13] =	ssyncset.done $0x0  }
0xaf: {  	[sflag:s13] =	ssyncadd.s32 $0xFFFFF380  }
0xb0: {  	_ =	swait.ge [sflag:s13], $0xC80  }
0xb1: {  	[sflag:s13] =	ssyncset.done $0x0  }
0xb2: {  	[sflag:s13] =	ssyncadd.s32 $0xFFFFF380  }
0xb3: {  	_ =	swait.ge [sflag:s13], $0xC80  }
0xb4: {  	[sflag:s13] =	ssyncset.done $0x0  }
0xb5: {  	[sflag:s13] =	ssyncadd.s32 $0xFFFFF380  }
0xb6: {  	_ =	swait.ge [sflag:s13], $0xC80  }
0xb7: {  	[sflag:s13] =	ssyncset.done $0x0  }
0xb8: {  	[sflag:s13] =	ssyncadd.s32 $0xFFFFF380  }
0xb9: {  	_ =	swait.ge [sflag:s13], $0xC80  }
0xba: {  	[sflag:s13] =	ssyncset.done $0x0  }
0xbb: {  	[sflag:s13] =	ssyncadd.s32 $0xFFFFF380  }
0xbc: {  	_ =	swait.ge [sflag:s13], $0xC80  }
0xbd: {  	[sflag:s13] =	ssyncset.done $0x0  }
0xbe: {  	[sflag:s13] =	ssyncadd.s32 $0xFFFFF380  }
0xbf: {  	_ =	swait.ge [sflag:s13], $0xC80  }
0xc0: {  	[sflag:s13] =	ssyncset.done $0x0  }
0xc1: {  	[sflag:s13] =	ssyncadd.s32 $0xFFFFF380  }
0xc2: {  	_ =	swait.ge [sflag:s13], $0xC80  }
0xc3: {  	[sflag:s13] =	ssyncset.done $0x0  }
0xc4: {  	s17 =	sadd.s32 $0xC80, s17;
	s18 =	simm.s32 $0xCC00;
	[sflag:s13] =	ssyncadd.s32 $0xFFFFF380  }
0xc5: {  	[hbm4b:s17+s1] =	stream.linear.scatter [tilespmem:s18], [sflag:$0x4], $0x640, $0x38;
	[tilespmem:$0x13000] =	vst v63  }
0xc6: {  	s10 =	sadd.s32 s16, s0;
	s5 =	simm.s32 $0xD240  }
0xc7: {  	[hbm4b:s10+s1] =	stream.linear.scatter [tilespmem:s5], [sflag:$0x4], $0x640, $0x38;
	[tilespmem:$0x13000] =	vst v63  }
0xc8: {  	s11 =	sadd.s32 s16, s31;
	s5 =	simm.s32 $0xD880  }
0xc9: {  	[hbm4b:s11+s1] =	stream.linear.scatter [tilespmem:s5], [sflag:$0x4], $0x640, $0x38;
	[tilespmem:$0x13000] =	vst v63  }
0xca: {  	s19 =	sadd.s32 s16, s30;
	s6 =	simm.s32 $0xDEC0  }
0xcb: {  	[hbm4b:s19+s1] =	stream.linear.scatter [tilespmem:s6], [sflag:$0x4], $0x640, $0x38;
	[tilespmem:$0x13000] =	vst v63  }
0xcc: {  	s7 =	sadd.s32 s16, s29;
	s6 =	simm.s32 $0xE500  }
0xcd: {  	[hbm4b:s7+s1] =	stream.linear.scatter [tilespmem:s6], [sflag:$0x4], $0x640, $0x38;
	[tilespmem:$0x13000] =	vst v63  }
0xce: {  	s8 =	sadd.s32 s16, s28;
	s7 =	simm.s32 $0xEB40  }
0xcf: {  	[hbm4b:s8+s1] =	stream.linear.scatter [tilespmem:s7], [sflag:$0x4], $0x640, $0x38;
	[tilespmem:$0x13000] =	vst v63  }
0xd0: {  	s9 =	sadd.s32 s16, s26;
	s7 =	simm.s32 $0xF180  }
0xd1: {  	[hbm4b:s9+s1] =	stream.linear.scatter [tilespmem:s7], [sflag:$0x4], $0x640, $0x38;
	[tilespmem:$0x13000] =	vst v63  }
0xd2: {  	s10 =	sadd.s32 s16, s25;
	s8 =	simm.s32 $0xF7C0  }
0xd3: {  	[hbm4b:s10+s1] =	stream.linear.scatter [tilespmem:s8], [sflag:$0x4], $0x640, $0x38;
	[tilespmem:$0x13000] =	vst v63  }
0xd4: {  	s11 =	sadd.s32 s16, s24;
	s8 =	simm.s32 $0xFE00  }
0xd5: {  	[hbm4b:s11+s1] =	stream.linear.scatter [tilespmem:s8], [sflag:$0x4], $0x640, $0x38;
	[tilespmem:$0x13000] =	vst v63  }
0xd6: {  	s19 =	sadd.s32 s16, s23;
	s9 =	simm.s32 $0x10440  }
0xd7: {  	[hbm4b:s19+s1] =	stream.linear.scatter [tilespmem:s9], [sflag:$0x4], $0x640, $0x38;
	[tilespmem:$0x13000] =	vst v63  }
0xd8: {  	s10 =	sadd.s32 s16, s22;
	s9 =	simm.s32 $0x10A80  }
0xd9: {  	[hbm4b:s10+s1] =	stream.linear.scatter [tilespmem:s9], [sflag:$0x4], $0x640, $0x38;
	[tilespmem:$0x13000] =	vst v63  }
0xda: {  	s11 =	sadd.s32 s16, s21;
	s10 =	simm.s32 $0x110C0  }
0xdb: {  	[hbm4b:s11+s1] =	stream.linear.scatter [tilespmem:s10], [sflag:$0x4], $0x640, $0x38;
	[tilespmem:$0x13000] =	vst v63  }
0xdc: {  	s19 =	sadd.s32 s16, s20;
	s10 =	simm.s32 $0x11700;
	s11 =	rddreg [dreg:$0x16]  }
0xdd: {  	[hbm4b:s19+s1] =	stream.linear.scatter [tilespmem:s10], [sflag:$0x4], $0x640, $0x38;
	[tilespmem:$0x13000] =	vst v63  }
0xde: {  	s11 =	sadd.s32 s16, s11;
	s19 =	simm.s32 $0x11D40  }
0xdf: {  	[hbm4b:s11+s1] =	stream.linear.scatter [tilespmem:s19], [sflag:$0x4], $0x640, $0x38;
	[tilespmem:$0x13000] =	vst v63  }
0xe0: {  	s11 =	rddreg [dreg:$0x13]  }
0xe1: {  	s19 =	rddreg [dreg:$0x12];
	s17 =	sadd.s32 s16, s11;
	s11 =	simm.s32 $0x12380  }
0xe2: {  	[hbm4b:s17+s1] =	stream.linear.scatter [tilespmem:s11], [sflag:$0x4], $0x640, $0x38;
	[tilespmem:$0x13000] =	vst v63  }
0xe3: {  	s17 =	sadd.s32 s16, s19;
	s16 =	sadd.s32 $0x1900, s16  }
0xe4: {  	p0 =	sne.s32 s16, $0x19000  }
.Ltmp3:
0xe5: {  	_ = 	snop;
	(pc) =	sbr.rel @!p0 .LBB2_5-.Ltmp3, $3  }
0xe6: {  	_ =	sdelay $0x1  }
0xe7: {  	s15 =	sadd.s32 $0x680, s15;
	s19 =	simm.s32 $0x129C0  }
0xe8: {  	[hbm4b:s17+s1] =	stream.linear.scatter [tilespmem:s19], [sflag:$0x4], $0x640, $0x38;
	[tilespmem:$0x13000] =	vst v63  }
.LBB2_2:
0xe9: {  	p0 =	seq.s32 s16, $0x0  }
0xea: {  	s17 =	simm.s32 @!p0 $0x4  }
0xeb: {  	_ =	swait.ge @!p0 [sflag:s17], $0x640  }
0xec: {  	[sflag:s17] =	ssyncset.done @!p0 $0x0  }
0xed: {  	[sflag:s17] =	ssyncadd.s32 @!p0 $0xFFFFF9C0  }
0xee: {  	_ =	swait.ge @!p0 [sflag:s17], $0x640  }
0xef: {  	[sflag:s17] =	ssyncset.done @!p0 $0x0  }
0xf0: {  	[sflag:s17] =	ssyncadd.s32 @!p0 $0xFFFFF9C0  }
0xf1: {  	_ =	swait.ge @!p0 [sflag:s17], $0x640  }
0xf2: {  	[sflag:s17] =	ssyncset.done @!p0 $0x0  }
0xf3: {  	[sflag:s17] =	ssyncadd.s32 @!p0 $0xFFFFF9C0  }
0xf4: {  	_ =	swait.ge @!p0 [sflag:s17], $0x640  }
0xf5: {  	[sflag:s17] =	ssyncset.done @!p0 $0x0  }
0xf6: {  	[sflag:s17] =	ssyncadd.s32 @!p0 $0xFFFFF9C0  }
0xf7: {  	_ =	swait.ge @!p0 [sflag:s17], $0x640  }
0xf8: {  	[sflag:s17] =	ssyncset.done @!p0 $0x0  }
0xf9: {  	[sflag:s17] =	ssyncadd.s32 @!p0 $0xFFFFF9C0  }
0xfa: {  	_ =	swait.ge @!p0 [sflag:s17], $0x640  }
0xfb: {  	[sflag:s17] =	ssyncset.done @!p0 $0x0  }
0xfc: {  	[sflag:s17] =	ssyncadd.s32 @!p0 $0xFFFFF9C0  }
0xfd: {  	_ =	swait.ge @!p0 [sflag:s17], $0x640  }
0xfe: {  	[sflag:s17] =	ssyncset.done @!p0 $0x0  }
0xff: {  	[sflag:s17] =	ssyncadd.s32 @!p0 $0xFFFFF9C0  }
0x100: {  	_ =	swait.ge @!p0 [sflag:s17], $0x640  }
0x101: {  	[sflag:s17] =	ssyncset.done @!p0 $0x0  }
0x102: {  	[sflag:s17] =	ssyncadd.s32 @!p0 $0xFFFFF9C0  }
0x103: {  	_ =	swait.ge @!p0 [sflag:s17], $0x640  }
0x104: {  	[sflag:s17] =	ssyncset.done @!p0 $0x0  }
0x105: {  	[sflag:s17] =	ssyncadd.s32 @!p0 $0xFFFFF9C0  }
0x106: {  	_ =	swait.ge @!p0 [sflag:s17], $0x640  }
0x107: {  	[sflag:s17] =	ssyncset.done @!p0 $0x0  }
0x108: {  	[sflag:s17] =	ssyncadd.s32 @!p0 $0xFFFFF9C0  }
0x109: {  	_ =	swait.ge @!p0 [sflag:s17], $0x640  }
0x10a: {  	[sflag:s17] =	ssyncset.done @!p0 $0x0  }
0x10b: {  	[sflag:s17] =	ssyncadd.s32 @!p0 $0xFFFFF9C0  }
0x10c: {  	_ =	swait.ge @!p0 [sflag:s17], $0x640  }
0x10d: {  	[sflag:s17] =	ssyncset.done @!p0 $0x0  }
0x10e: {  	[sflag:s17] =	ssyncadd.s32 @!p0 $0xFFFFF9C0  }
0x10f: {  	_ =	swait.ge @!p0 [sflag:s17], $0x640  }
0x110: {  	[sflag:s17] =	ssyncset.done @!p0 $0x0  }
0x111: {  	[sflag:s17] =	ssyncadd.s32 @!p0 $0xFFFFF9C0  }
0x112: {  	_ =	swait.ge @!p0 [sflag:s17], $0x640  }
0x113: {  	[sflag:s17] =	ssyncset.done @!p0 $0x0  }
0x114: {  	[sflag:s17] =	ssyncadd.s32 @!p0 $0xFFFFF9C0  }
0x115: {  	_ =	swait.ge @!p0 [sflag:s17], $0x640  }
0x116: {  	[sflag:s17] =	ssyncset.done @!p0 $0x0  }
0x117: {  	[sflag:s17] =	ssyncadd.s32 @!p0 $0xFFFFF9C0  }
0x118: {  	_ =	swait.ge @!p0 [sflag:s17], $0x640  }
0x119: {  	[sflag:s17] =	ssyncset.done @!p0 $0x0  }
0x11a: {  	s19 =	sadd.s32 $0xFFFFF9E8, s15;
	[sflag:s17] =	ssyncadd.s32 @!p0 $0xFFFFF9C0  }
0x11b: {  	[tilespmem:s18], [sflag:$0x2] =	stream.indirect.gather [hbm4b:s2+s3], $0x20, s19, s3, $0xb8;
	[tilespmem:$0x13000] =	vst v63  }
0x11c: {  	s19 =	sadd.s32 $0xFFFFFA50, s15  }
0x11d: {  	[tilespmem:s5], [sflag:$0x2] =	stream.indirect.gather [hbm4b:s2+s3], $0x20, s19, s3, $0xb8;
	[tilespmem:$0x13000] =	vst v63  }
0x11e: {  	s5 =	sadd.s32 $0xFFFFFAB8, s15  }
0x11f: {  	[tilespmem:s6], [sflag:$0x2] =	stream.indirect.gather [hbm4b:s2+s3], $0x20, s5, s3, $0xb8;
	[tilespmem:$0x13000] =	vst v63  }
0x120: {  	s6 =	sadd.s32 $0xFFFFFB20, s15  }
0x121: {  	[tilespmem:s7], [sflag:$0x2] =	stream.indirect.gather [hbm4b:s2+s3], $0x20, s6, s3, $0xb8;
	[tilespmem:$0x13000] =	vst v63  }
0x122: {  	s7 =	sadd.s32 $0xFFFFFB88, s15  }
0x123: {  	[tilespmem:s8], [sflag:$0x2] =	stream.indirect.gather [hbm4b:s2+s3], $0x20, s7, s3, $0xb8;
	[tilespmem:$0x13000] =	vst v63  }
0x124: {  	s18 =	sadd.s32 $0xFFFFFBF0, s15  }
0x125: {  	[tilespmem:s9], [sflag:$0x2] =	stream.indirect.gather [hbm4b:s2+s3], $0x20, s18, s3, $0xb8;
	[tilespmem:$0x13000] =	vst v63  }
0x126: {  	s19 =	sadd.s32 $0xFFFFFC58, s15  }
0x127: {  	[tilespmem:s10], [sflag:$0x2] =	stream.indirect.gather [hbm4b:s2+s3], $0x20, s19, s3, $0xb8;
	[tilespmem:$0x13000] =	vst v63  }
0x128: {  	s5 =	sadd.s32 $0xFFFFFCC0, s15  }
0x129: {  	[tilespmem:s11], [sflag:$0x2] =	stream.indirect.gather [hbm4b:s2+s3], $0x20, s5, s3, $0xb8;
	[tilespmem:$0x13000] =	vst v63  }
0x12a: {  	_ =	swait.ge [sflag:s12], $0xC80  }
0x12b: {  	[sflag:s12] =	ssyncset.done $0x0  }
0x12c: {  	[sflag:s12] =	ssyncadd.s32 $0xFFFFF380  }
0x12d: {  	_ =	swait.ge [sflag:s12], $0xC80  }
0x12e: {  	[sflag:s12] =	ssyncset.done $0x0  }
0x12f: {  	[sflag:s12] =	ssyncadd.s32 $0xFFFFF380  }
0x130: {  	_ =	swait.ge [sflag:s12], $0xC80  }
0x131: {  	[sflag:s12] =	ssyncset.done $0x0  }
0x132: {  	[sflag:s12] =	ssyncadd.s32 $0xFFFFF380  }
0x133: {  	_ =	swait.ge [sflag:s12], $0xC80  }
0x134: {  	[sflag:s12] =	ssyncset.done $0x0  }
0x135: {  	[sflag:s12] =	ssyncadd.s32 $0xFFFFF380  }
0x136: {  	_ =	swait.ge [sflag:s12], $0xC80  }
0x137: {  	[sflag:s12] =	ssyncset.done $0x0  }
0x138: {  	[sflag:s12] =	ssyncadd.s32 $0xFFFFF380  }
0x139: {  	_ =	swait.ge [sflag:s12], $0xC80  }
0x13a: {  	[sflag:s12] =	ssyncset.done $0x0  }
0x13b: {  	[sflag:s12] =	ssyncadd.s32 $0xFFFFF380  }
0x13c: {  	_ =	swait.ge [sflag:s12], $0xC80  }
0x13d: {  	[sflag:s12] =	ssyncset.done $0x0  }
0x13e: {  	[sflag:s12] =	ssyncadd.s32 $0xFFFFF380  }
0x13f: {  	_ =	swait.ge [sflag:s12], $0xC80  }
0x140: {  	[sflag:s12] =	ssyncset.done $0x0;
	s6 =	rddreg [dreg:$0x11]  }
0x141: {  	s7 =	simm.s32 $0x6800;
	[sflag:s12] =	ssyncadd.s32 $0xFFFFF380;
	s17 =	sadd.s32 s16, s6  }
0x142: {  	[hbm4b:s17+s1] =	stream.linear.scatter [tilespmem:s7], [sflag:$0x3], $0x640, $0x38;
	[tilespmem:$0x13000] =	vst v63  }
0x143: {  	s9 =	simm.s32 $0x6E40;
	s10 =	rddreg [dreg:$0x10];
	s8 =	sadd.s32 $0xC8, s17  }
0x144: {  	[hbm4b:s8+s1] =	stream.linear.scatter [tilespmem:s9], [sflag:$0x3], $0x640, $0x38;
	[tilespmem:$0x13000] =	vst v63  }
0x145: {  	s11 =	rddreg [dreg:$0xf];
	s18 =	sadd.s32 s16, s10  }
0x146: {  	[hbm4b:s18+s1] =	stream.linear.scatter [tilespmem:s4], [sflag:$0x3], $0x640, $0x38;
	[tilespmem:$0x13000] =	vst v63  }
0x147: {  	s19 =	simm.s32 $0x7AC0;
	s5 =	rddreg [dreg:$0xe];
	s18 =	sadd.s32 s16, s11  }
0x148: {  	[hbm4b:s18+s1] =	stream.linear.scatter [tilespmem:s19], [sflag:$0x3], $0x640, $0x38;
	[tilespmem:$0x13000] =	vst v63  }
0x149: {  	s6 =	simm.s32 $0x8100;
	s7 =	rddreg [dreg:$0xd];
	s18 =	sadd.s32 s16, s5  }
0x14a: {  	[hbm4b:s18+s1] =	stream.linear.scatter [tilespmem:s6], [sflag:$0x3], $0x640, $0x38;
	[tilespmem:$0x13000] =	vst v63  }
0x14b: {  	s8 =	simm.s32 $0x8740;
	s9 =	rddreg [dreg:$0xc];
	s18 =	sadd.s32 s16, s7  }
0x14c: {  	[hbm4b:s18+s1] =	stream.linear.scatter [tilespmem:s8], [sflag:$0x3], $0x640, $0x38;
	[tilespmem:$0x13000] =	vst v63  }
0x14d: {  	s10 =	simm.s32 $0x8D80;
	s11 =	rddreg [dreg:$0xb];
	s18 =	sadd.s32 s16, s9  }
0x14e: {  	[hbm4b:s18+s1] =	stream.linear.scatter [tilespmem:s10], [sflag:$0x3], $0x640, $0x38;
	[tilespmem:$0x13000] =	vst v63  }
0x14f: {  	s19 =	simm.s32 $0x93C0;
	s5 =	rddreg [dreg:$0xa];
	s18 =	sadd.s32 s16, s11  }
0x150: {  	[hbm4b:s18+s1] =	stream.linear.scatter [tilespmem:s19], [sflag:$0x3], $0x640, $0x38;
	[tilespmem:$0x13000] =	vst v63  }
0x151: {  	s6 =	simm.s32 $0x9A00;
	s7 =	rddreg [dreg:$0x9];
	s18 =	sadd.s32 s16, s5  }
0x152: {  	[hbm4b:s18+s1] =	stream.linear.scatter [tilespmem:s6], [sflag:$0x3], $0x640, $0x38;
	[tilespmem:$0x13000] =	vst v63  }
0x153: {  	s8 =	simm.s32 $0xA040;
	s9 =	rddreg [dreg:$0x8];
	s18 =	sadd.s32 s16, s7  }
0x154: {  	[hbm4b:s18+s1] =	stream.linear.scatter [tilespmem:s8], [sflag:$0x3], $0x640, $0x38;
	[tilespmem:$0x13000] =	vst v63  }
0x155: {  	s10 =	simm.s32 $0xA680;
	s11 =	rddreg [dreg:$0x7];
	s18 =	sadd.s32 s16, s9  }
0x156: {  	[hbm4b:s18+s1] =	stream.linear.scatter [tilespmem:s10], [sflag:$0x3], $0x640, $0x38;
	[tilespmem:$0x13000] =	vst v63  }
0x157: {  	s19 =	simm.s32 $0xACC0;
	s5 =	rddreg [dreg:$0x6];
	s18 =	sadd.s32 s16, s11  }
0x158: {  	[hbm4b:s18+s1] =	stream.linear.scatter [tilespmem:s19], [sflag:$0x3], $0x640, $0x38;
	[tilespmem:$0x13000] =	vst v63  }
0x159: {  	s6 =	simm.s32 $0xB300;
	s7 =	rddreg [dreg:$0x5];
	s18 =	sadd.s32 s16, s5  }
0x15a: {  	[hbm4b:s18+s1] =	stream.linear.scatter [tilespmem:s6], [sflag:$0x3], $0x640, $0x38;
	[tilespmem:$0x13000] =	vst v63  }
0x15b: {  	p0 =	seq.s32 s16, $0x17700;
	s8 =	simm.s32 $0xB940;
	s18 =	sadd.s32 s16, s7  }
0x15c: {  	[hbm4b:s18+s1] =	stream.linear.scatter [tilespmem:s8], [sflag:$0x3], $0x640, $0x38;
	[tilespmem:$0x13000] =	vst v63  }
.Ltmp4:
0x15d: {  	s9 =	rddreg [dreg:$0x4];
	(pc) =	sbr.rel @p0 .LBB2_4-.Ltmp4, $4  }
0x15e: {  	s10 =	simm.s32 $0xBF80;
	s11 =	rddreg [dreg:$0x3];
	s18 =	sadd.s32 s16, s9  }
0x15f: {  	[hbm4b:s18+s1] =	stream.linear.scatter [tilespmem:s10], [sflag:$0x3], $0x640, $0x38;
	[tilespmem:$0x13000] =	vst v63  }
0x160: {  	s19 =	simm.s32 $0xC5C0;
	s18 =	sadd.s32 s16, s11  }
0x161: {  	[hbm4b:s18+s1] =	stream.linear.scatter [tilespmem:s19], [sflag:$0x3], $0x640, $0x38;
	[tilespmem:$0x13000] =	vst v63  }
0x162: {  	_ =	swait.ge [sflag:s14], $0x640  }
0x163: {  	[sflag:s14] =	ssyncset.done $0x0  }
0x164: {  	[sflag:s14] =	ssyncadd.s32 $0xFFFFF9C0  }
0x165: {  	_ =	swait.ge [sflag:s14], $0x640  }
0x166: {  	[sflag:s14] =	ssyncset.done $0x0  }
0x167: {  	[sflag:s14] =	ssyncadd.s32 $0xFFFFF9C0  }
0x168: {  	_ =	swait.ge [sflag:s14], $0x640  }
0x169: {  	[sflag:s14] =	ssyncset.done $0x0  }
0x16a: {  	[sflag:s14] =	ssyncadd.s32 $0xFFFFF9C0  }
0x16b: {  	_ =	swait.ge [sflag:s14], $0x640  }
0x16c: {  	[sflag:s14] =	ssyncset.done $0x0  }
0x16d: {  	[sflag:s14] =	ssyncadd.s32 $0xFFFFF9C0  }
0x16e: {  	_ =	swait.ge [sflag:s14], $0x640  }
0x16f: {  	[sflag:s14] =	ssyncset.done $0x0  }
0x170: {  	[sflag:s14] =	ssyncadd.s32 $0xFFFFF9C0  }
0x171: {  	_ =	swait.ge [sflag:s14], $0x640  }
0x172: {  	[sflag:s14] =	ssyncset.done $0x0  }
0x173: {  	[sflag:s14] =	ssyncadd.s32 $0xFFFFF9C0  }
0x174: {  	_ =	swait.ge [sflag:s14], $0x640  }
0x175: {  	[sflag:s14] =	ssyncset.done $0x0  }
0x176: {  	[sflag:s14] =	ssyncadd.s32 $0xFFFFF9C0  }
0x177: {  	_ =	swait.ge [sflag:s14], $0x640  }
0x178: {  	[sflag:s14] =	ssyncset.done $0x0  }
0x179: {  	[sflag:s14] =	ssyncadd.s32 $0xFFFFF9C0  }
0x17a: {  	_ =	swait.ge [sflag:s14], $0x640  }
0x17b: {  	[sflag:s14] =	ssyncset.done $0x0  }
0x17c: {  	[sflag:s14] =	ssyncadd.s32 $0xFFFFF9C0  }
0x17d: {  	_ =	swait.ge [sflag:s14], $0x640  }
0x17e: {  	[sflag:s14] =	ssyncset.done $0x0  }
0x17f: {  	[sflag:s14] =	ssyncadd.s32 $0xFFFFF9C0  }
0x180: {  	_ =	swait.ge [sflag:s14], $0x640  }
0x181: {  	[sflag:s14] =	ssyncset.done $0x0  }
0x182: {  	[sflag:s14] =	ssyncadd.s32 $0xFFFFF9C0  }
0x183: {  	_ =	swait.ge [sflag:s14], $0x640  }
0x184: {  	[sflag:s14] =	ssyncset.done $0x0  }
0x185: {  	[sflag:s14] =	ssyncadd.s32 $0xFFFFF9C0  }
0x186: {  	_ =	swait.ge [sflag:s14], $0x640  }
0x187: {  	[sflag:s14] =	ssyncset.done $0x0  }
0x188: {  	[sflag:s14] =	ssyncadd.s32 $0xFFFFF9C0  }
0x189: {  	s18 =	sadd.s32 $0xFFFFFD28, s15;
	_ =	swait.ge [sflag:s14], $0x640  }
0x18a: {  	s4 =	smov.u32 s0;
	s11 =	smov.u32 s31;
	[sflag:s14] =	ssyncset.done $0x0  }
0x18b: {  	s31 =	smov.u32 s30;
	s30 =	smov.u32 s29;
	[sflag:s14] =	ssyncadd.s32 $0xFFFFF9C0  }
0x18c: {  	s29 =	smov.u32 s28;
	s28 =	smov.u32 s26;
	_ =	swait.ge [sflag:s14], $0x640  }
0x18d: {  	s5 =	smov.u32 s25;
	s6 =	smov.u32 s24;
	[sflag:s14] =	ssyncset.done $0x0  }
0x18e: {  	s7 =	smov.u32 s23;
	s8 =	smov.u32 s22;
	[sflag:s14] =	ssyncadd.s32 $0xFFFFF9C0  }
0x18f: {  	s19 =	simm.s32 $0x6800;
	s9 =	sadd.s32 $0xFFFFFD90, s15;
	_ =	swait.ge [sflag:s14], $0x640  }
0x190: {  	s10 =	sadd.s32 $0xFFFFFDF8, s15;
	s23 =	smov.u32 s7;
	[sflag:s14] =	ssyncset.done $0x0  }
0x191: {  	s25 =	smov.u32 s5;
	s26 =	smov.u32 s28;
	[sflag:s14] =	ssyncadd.s32 $0xFFFFF9C0  }
0x192: {  	[tilespmem:s19], [sflag:$0x1] =	stream.indirect.gather [hbm4b:s2+s3], $0x20, s18, s3, $0xb8;
	[tilespmem:$0x13000] =	vst v63  }
0x193: {  	s28 =	smov.u32 s29;
	s0 =	smov.u32 s4;
	s4 =	simm.s32 $0x7480  }
0x194: {  	[tilespmem:s4], [sflag:$0x1] =	stream.indirect.gather [hbm4b:s2+s3], $0x20, s9, s3, $0xb8;
	[tilespmem:$0x13000] =	vst v63  }
0x195: {  	s29 =	smov.u32 s30;
	s30 =	smov.u32 s31;
	s5 =	simm.s32 $0x8100  }
0x196: {  	[tilespmem:s5], [sflag:$0x1] =	stream.indirect.gather [hbm4b:s2+s3], $0x20, s10, s3, $0xb8;
	[tilespmem:$0x13000] =	vst v63  }
0x197: {  	s31 =	smov.u32 s11;
	s11 =	sadd.s32 $0xFFFFFE60, s15;
	s19 =	simm.s32 $0x8D80  }
0x198: {  	[tilespmem:s19], [sflag:$0x1] =	stream.indirect.gather [hbm4b:s2+s3], $0x20, s11, s3, $0xb8;
	[tilespmem:$0x13000] =	vst v63  }
0x199: {  	s24 =	smov.u32 s6;
	s6 =	sadd.s32 $0xFFFFFEC8, s15;
	s7 =	simm.s32 $0x9A00  }
0x19a: {  	[tilespmem:s7], [sflag:$0x1] =	stream.indirect.gather [hbm4b:s2+s3], $0x20, s6, s3, $0xb8;
	[tilespmem:$0x13000] =	vst v63  }
0x19b: {  	s22 =	smov.u32 s8;
	s8 =	sadd.s32 $0xFFFFFF30, s15;
	s9 =	simm.s32 $0xA680  }
0x19c: {  	[tilespmem:s9], [sflag:$0x1] =	stream.indirect.gather [hbm4b:s2+s3], $0x20, s8, s3, $0xb8;
	[tilespmem:$0x13000] =	vst v63  }
.Ltmp5:
0x19d: {  	_ = 	snop;
	(pc) =	sbr.rel .LBB2_4-.Ltmp5, $4  }
0x19e: {  	s10 =	sadd.s32 $0xFFFFFF98, s15;
	s11 =	simm.s32 $0xB300  }
0x19f: {  	[tilespmem:s11], [sflag:$0x1] =	stream.indirect.gather [hbm4b:s2+s3], $0x20, s10, s3, $0xb8;
	[tilespmem:$0x13000] =	vst v63  }
0x1a0: {  	s19 =	simm.s32 $0xBF80  }
0x1a1: {  	[tilespmem:s19], [sflag:$0x1] =	stream.indirect.gather [hbm4b:s2+s3], $0x20, s15, s3, $0xb8;
	[tilespmem:$0x13000] =	vst v63  }
.LBB2_6:
0x1a2: {  	_ =	sfence.sel $0x180000  }
0x1a3: {  	[bflag:$0x0] =	sbarrier.arrive $0xFFFF  }
0x1a4: {  	_ =	strace $0x90000047  }
0x1a5: {  	s0 =	stileid.u32;
	[bflag:$0x2] =	sbarrier.arrive $0xFFFF  }
0x1a6: {  	p0 =	sne.s32 s0, $0x0;
	s0 =	rddreg [dreg:$0x2]  }
0x1a7: {  	s0 =	sadd.s32 @!p0 $0x100000, s0  }
0x1a8: {  	[sflag:s0] =	ssyncadd.tile.s32 @!p0 $0x1;
	_ =	shalt  }
.Lfunc_end2:
_tile_overlayer_lowered:
.L_overlay_start_2:
0x1a9: {  	(tag) =	ssettag $0x2  }
0x1aa: {  	s0 =	rddreg [dreg:$0x0];
	s2 =	stileid.u32  }
0x1ab: {  	s1 =	rddreg [dreg:$0x1];
	p0 =	sne.s32 s2, $0x0  }
0x1ac: {  	s3 =	rddreg [dreg:$0x2];
	[bflag:$0x3] =	sbarrier.arrive $0xFFFF;
	s2 =	simm.s32 @!p0 $0x1C05  }
0x1ad: {  	[timem:s3], [sflag:s2] =	dma.local @!p0 [hbm:s0], s1  }
0x1ae: {  	s0 =	simm.s32 @!p0 $0x5  }
0x1af: {  	_ =	swait.ge @!p0 [sflag:s0], s1  }
0x1b0: {  	s1 =	ssub.s32 @!p0 $0x0, s1;
	[sflag:s0] =	ssyncset.done @!p0 $0x0  }
0x1b1: {  	[sflag:s0] =	ssyncadd.s32 @!p0 s1  }
0x1b2: {  	[bflag:$0x3] =	sbarrier.arrive $0xFFFF  }
0x1b3: {  	_ =	shalt  }

// kernel: sparse-core-data-format-call.cloned.1.call-start
scs
called_computation_lowered:
.L_overlay_start_0:
0x0: {  	s2 =	sld [smem:$0x3FD9]  }
0x1: {  	s3 =	sld [smem:$0x3FFE];
	_ =	sdelay $0x1  }
0x2: {  	s1 =	srdreg.scid  }
0x3: {  	s0 =	sand.u32 $0x1, s1  }
0x4: {  	s18 =	sshll.u32 s0, $0xA;
	s2 =	sadd.s32 s3, s2  }
0x5: {  	s2 =	sadd.s32 s2, s18  }
0x6: {  	[smem:$0x3FC6] =	sst s2  }
0x7: {  	_ = 	snop  }
0x8: {  	s2 =	sld [smem:$0x3FD0];
	(tm) =	ssettm $0x1  }
0x9: {  	s19 =	sld [smem:$0x3FFB];
	_ =	sdelay $0x3  }
0xa: {  	_ =	strace s19  }
0xb: {  	s3 =	sld [smem:$0x3FFC];
	_ =	sdelay $0x3  }
0xc: {  	_ =	strace s3  }
0xd: {  	s3 =	sld [smem:$0x3FFD];
	_ =	sdelay $0x3  }
0xe: {  	_ =	strace s3  }
0xf: {  	_ =	strace $0x8FFFFFFF  }
0x10: {  	s20 =	sld [smem:$0x3FDB];
	_ =	sdelay $0x1  }
0x11: {  	s4 =	simm.s32 $_scs_section_size  }
0x12: {  	s5 =	simm.s32 $_size__tile_overlayer_lowered;
	s6 =	simm.s32 $_tile_overlayer_lowered  }
0x13: {  	s23 =	simm.s32 $0x1BFF;
	s22 =	sshll.u32 s6, $0x1;
	s3 =	sadd.s32 s4, s20  }
0x14: {  	s7 =	simm.s32 $0x0;
	s21 =	sshll.u32 s5, $0x1;
	s5 =	sadd.s32 s22, s3  }
0x15: {  	[timem:s7], [sflag:s23] =	dma.local [hbm:s5], s21  }
0x16: {  	_ =	swait.ge [sflag:s23], s21  }
0x17: {  	s4 =	ssub.s32 $0x0, s21;
	[sflag:s23] =	ssyncset.done $0x0  }
0x18: {  	[sflag:s23] =	ssyncadd.s32 s4;
	_ =	sdelay $0x1  }
0x19: {  	s24 =	simm.s32 $0x1B8B  }
0x1a: {  	_ =	swait.ge [sflag:s24], $0x1  }
0x1b: {  	[sflag:s24] =	ssyncset.done $0x0  }
0x1c: {  	s26 =	simm.s32 $0x1B8E;
	s25 =	sld [smem:$0x3FFE];
	[sflag:s24] =	ssyncadd.s32 $0xFFFFFFFF  }
0x1d: {  	s27 =	simm.s32 $execute0_lowered;
	[smem:$0x3FD2] =	sst s26  }
0x1e: {  	s5 =	sshll.u32 s27, $0x1;
	_ =	strace $0x80000049;
	[dreg:$0x1] =	wrdreg $0xFFFFFFFF  }
0x1f: {  	s28 =	simm.s32 $_size_execute0_lowered;
	s3 =	sadd.s32 s3, s5;
	[dreg:$0x0] =	wrdreg $0x0  }
0x20: {  	s5 =	sshll.u32 s28, $0x1;
	[dreg:$0x2] =	wrdreg s3  }
0x21: {  	[dreg:$0x3] =	wrdreg s5  }
0x22: {  	[dreg:$0x4] =	wrdreg $0xC0  }
0x23: {  	_ =	task [dreg:s7], $0x5FFFF  }
0x24: {  	[dreg:$0x1] =	wrdreg $0xFFFFFFFF  }
0x25: {  	[dreg:$0x0] =	wrdreg $0x60  }
0x26: {  	[dreg:$0x2] =	wrdreg s25  }
0x27: {  	[dreg:$0x3] =	wrdreg s2  }
0x28: {  	[dreg:$0x4] =	wrdreg $0x9  }
0x29: {  	_ =	task.clear_ibuf [dreg:s7], $0x5FFFF;
	_ =	strace $0x90000049  }
0x2a: {  	s29 =	simm.s32 $0x9;
	_ =	strace $0x8000004B  }
0x2b: {  	_ =	swait.ge [sflag:s29], $0x1  }
0x2c: {  	[sflag:s29] =	ssyncadd.s32 $0xFFFFFFFF  }
0x2d: {  	_ =	strace $0x9000004B  }
0x2e: {  	_ =	sfence  }
0x2f: {  	s30 =	sld [smem:$0x0];
	_ =	sdelay $0x2  }
0x30: {  	s31 =	sshll.u32 s1, $0xD;
	s1 =	sshrl.u32 s1, $0x2  }
0x31: {  	s3 =	sand.u32 $0x4000, s31;
	s1 =	sadd.s32 s1, s30  }
0x32: {  	s0 =	sor.u32 s3, s0;
	s1 =	sshll.u32 s1, $0x11  }
0x33: {  	s0 =	sor.u32 s1, s0  }
0x34: {  	s0 =	sadd.s32 $0x8F2B, s0  }
0x35: {  	[sflag:s0] =	ssyncadd.remote.s32 $0x1  }
0x36: {  	_ =	sfence.sel $0xFFFF  }
0x37: {  	[dreg:$0x0] =	wrdreg $0xFFFFFFFF;
	(pc) =	sbr.abs _section_cstart, $3  }
0x38: {  	[dreg:$0x1] =	wrdreg $0xFFFFFFFF  }
0x39: {  	_ =	task.clear_ibuf [dreg:s7], $0x2FFFF;
	_ =	strace $0x9FFFFFFF  }
0x3a: {  	(tm) =	ssettm $0x7FFFFFFF  }
0x3b: {  	_ =	shalt  }
tec
execute0_lowered:
.L_overlay_start_1:
0x0: {  	(tag) =	ssettag $0x1  }
0x1: {  	s0 =	srdreg.scid  }
0x2: {  	s1 =	sshll.u32 s0, $0x4  }
0x3: {  	s0 =	stileid.u32;
	s1 =	sand.u32 $0x10, s1  }
0x4: {  	s1 =	sor.u32 s0, s1  }
0x5: {  	s6 =	rddreg [dreg:$0x0];
	s4 =	simm.s32 $0x1;
	s2 =	sshll.u32 s1, $0x7  }
0x6: {  	s7 =	simm.s32 $0x2;
	s12 =	simm.s32 $0x0;
	s1 =	ssub.s32 $0x4000, s2  }
0x7: {  	s8 =	simm.s32 $0x20000;
	s13 =	simm.s32 $0x0;
	s3 =	sand.u32 $0xF80, s1  }
0x8: {  	s9 =	simm.s32 $0x0;
	s5 =	sshrl.u32 s1, $0xC;
	p0 =	sne.s32 s3, $0x0  }
.Ltmp0:
0x9: {  	s1 =	rddreg [dreg:$0x2];
	s4 =	simm.s32 @!p0 $0x0;
	(pc) =	sbr.rel .LBB1_1-.Ltmp0, $4  }
0xa: {  	s11 =	simm.s32 $0x0;
	s3 =	rddreg [dreg:$0x1];
	s5 =	sadd.s32 s4, s5  }
0xb: {  	_ =	strace $0x8000004A;
	s4 =	simm.s32 $0x1;
	s5 =	smul.u32 $0x32, s5  }
0xc: {  	s6 =	sadd.s32 $0xA00, s6;
	s10 =	smov.u32 s2;
	[sflag:s4] =	ssyncpa.u1 $0x0  }
0xd: {  	p0 =	por $0x0, $0x0;
	[sflag:s7] =	ssyncpa.u1 $0x0;
	s7 =	sor.u32 $0x1, s5  }
.LBB1_4:
0xe: {  	s16 =	sshll.u32 s13, $0x3;
	s17 =	sand.u32 $0x78, s13  }
0xf: {  	s30 =	sand.u32 $0xF800, s13;
	s12 =	sshll.u32 s12, $0x10;
	s16 =	sand.u32 $0x3C00, s16  }
0x10: {  	s31 =	sand.u32 $0x7, s13;
	s16 =	sor.u32 s17, s16;
	s17 =	sadd.s32 s3, s30  }
0x11: {  	s13 =	sshll.u32 s31, $0x12;
	s16 =	sshrl.u32 s16, $0x3;
	s12 =	sadd.s32 s12, s17  }
0x12: {  	[tilespmem:s15+$0x0 ss:$0x81] =	vst.msk $0xffff, v0;
	s13 =	sor.u32 $0x400, s13;
	s12 =	sadd.s32 s16, s12  }
0x13: {  	[hbm4b:s12+s13] =	stream.strided.scatter [tilespmem:s14], [sflag:$0x2], $0x1000, s8, s13, $0x20;
	[tilespmem:$0x4040] =	vst v63  }
.LBB1_5:
0x14: {  	s14 =	sadd.s32 $0x1, s9  }
0x15: {  	s12 =	sadd.s32 $0x1000, s10;
	s16 =	smov.u32 s10;
	p2 =	sgt.s32 s14, $0x31  }
0x16: {  	s16 =	smov.u32 @p2 s12  }
0x17: {  	s14 =	simm.s32 @p2 $0x0;
	p2 =	sgt.s32 s16, $0x3FFF  }
0x18: {  	s16 =	smov.u32 @p2 s2;
	p2 =	sne.s32 s11, s7  }
.Ltmp1:
0x19: {  	p1 =	slt.u32 s11, $0x2;
	(pc) =	sbr.rel @!p2 .LBB1_6-.Ltmp1, $4  }
0x1a: {  	s15 =	simm.s32 @!p1 $0x2  }
0x1b: {  	s13 =	smov.u32 s10;
	p0 =	por !p0, !p0;
	_ =	swait.ge @!p1 [sflag:s15], $0x1000  }
0x1c: {  	s12 =	smov.u32 s9;
	[sflag:s15] =	ssyncset.done @!p1 $0x0;
	s9 =	smov.u32 s14  }
0x1d: {  	s11 =	sadd.s32 $0x1, s11;
	[sflag:s15] =	ssyncadd.s32 @!p1 $0xFFFFF000;
	s10 =	smov.u32 s16  }
.LBB1_1:
0x1e: {  	p1 =	sge.u32 s11, s5  }
0x1f: {  	s14 =	sand.u32 @!p1 $0x1FFFFFF, s9  }
0x20: {  	s15 =	smulhi.u32 @!p1 $0x4924925, s14;
	_ =	sdelay $0x1  }
0x21: {  	s15 =	smul.u32 @!p1 $0x38, s15  }
0x22: {  	s16 =	sxor.u32 @!p1 $0xFFFFFFFF, s11;
	s17 =	smul.u32 @!p1 $0x380, s10  }
0x23: {  	s31 =	sadd.s32 $0xFFFFFFFF, s11;
	s16 =	sshll.u32 @!p1 s16, $0xC;
	s14 =	ssub.s32 @!p1 s14, s15  }
0x24: {  	s15 =	sand.u32 @!p1 $0x1000, s16;
	s16 =	sadd.s32 @!p1 s6, s17;
	s14 =	sshll.u32 @!p1 s14, $0x4  }
0x25: {  	s17 =	simm.s32 @!p1 $0x1C00;
	s14 =	sadd.s32 @!p1 s14, s16;
	s16 =	simm.s32 @!p1 $0x20  }
0x26: {  	[tilespmem:s15], [sflag:$0x1] =	stream.strided.gather @!p1 [hbm4b:s14+s16], $0x1000, s17, s16, $0x38;
	[tilespmem:$0x4040] =	vst v63  }
0x27: {  	p1 =	sge.u32 s31, s5  }
.Ltmp2:
0x28: {  	_ = 	snop;
	(pc) =	sbr.rel @p1 .LBB1_5-.Ltmp2, $1  }
0x29: {  	_ =	sdelay $0x3  }
0x2a: {  	s14 =	simm.s32 $0x1  }
0x2b: {  	_ =	swait.ge [sflag:s4], $0x1000;
	s14 =	simm.s32 @!p0 $0x0  }
0x2c: {  	[sflag:s4] =	ssyncset.done $0x0;
	s15 =	sshll.u32 s14, $0xC  }
0x2d: {  	[sflag:s4] =	ssyncadd.s32 $0xFFFFF000;
	s18 =	sor.u32 $0x10, s15  }
0x2e: {  	s14 =	smul.u32 $0x4080, s14;
	v1 =	vld [tilespmem:s18+$0x0]  }
0x2f: {  	s30 =	sand.u32 $0x1, s11;
	v0 =	vld [tilespmem:s18+$0xFFFFFFF0]  }
0x30: {  	s15 =	smul.u32 $0x4080, s30;
	s14 =	sshrl.u32 s14, $0x2  }
0x31: {  	s16 =	sor.u32 $0x2000, s14  }
0x32: {  	s31 =	sshrl.u32 s15, $0x2;
	s15 =	sadd.s32 $0x0, s16  }
0x33: {  	s17 =	simm.s32 $0x4;
	s18 =	sadd.s32 $0x20, s18;
	s14 =	sor.u32 $0x2000, s31;
	[tilespmem:s15+$0x810 ss:$0x81] =	vst.msk $0xffff, v1  }
.LBB1_3:
0x34: {  	v1 =	vld [tilespmem:s18+$0x0];
	p1 =	sne.s32 s17, $0x1FC;
	[tilespmem:s15+$0x0 ss:$0x81] =	vst.msk $0xffff, v0;
	s15 =	smov.u32 s17;
	s17 =	sadd.s32 $0x4, s17  }
.Ltmp3:
0x35: {  	v0 =	vld [tilespmem:s18+$0xFFFFFFF0];
	(pc) =	sbr.rel @p1 .LBB1_3-.Ltmp3, $4  }
0x36: {  	_ = 	snop  }
0x37: {  	s15 =	sshra.s32 s15, $0x2  }
0x38: {  	s15 =	sadd.s32 s15, s16  }
0x39: {  	s18 =	sadd.s32 $0x20, s18;
	[tilespmem:s15+$0x810 ss:$0x81] =	vst.msk $0xffff, v1  }
.Ltmp4:
0x3a: {  	_ = 	snop;
	(pc) =	sbr.rel .LBB1_4-.Ltmp4, $1  }
0x3b: {  	_ =	sdelay $0x3  }
.LBB1_6:
0x3c: {  	_ =	sfence.sel $0x180000  }
0x3d: {  	s2 =	simm.s32 $0x1;
	[bflag:$0x0] =	sbarrier.arrive $0xFFFF  }
0x3e: {  	s31 =	simm.s32 $0x2;
	[sflag:s2] =	ssyncpa.u1 $0x1  }
0x3f: {  	[sflag:s31] =	ssyncpa.u1 $0x1  }
0x40: {  	p0 =	sne.s32 s0, $0x0;
	_ =	strace $0x9000004A  }
0x41: {  	s0 =	sadd.s32 @!p0 $0x100000, s1;
	[bflag:$0x2] =	sbarrier.arrive $0xFFFF  }
0x42: {  	[sflag:s0] =	ssyncadd.tile.s32 @!p0 $0x1;
	_ =	shalt  }
.Lfunc_end1:
_tile_overlayer_lowered:
.L_overlay_start_2:
0x43: {  	(tag) =	ssettag $0x2  }
0x44: {  	s0 =	rddreg [dreg:$0x0];
	s2 =	stileid.u32  }
0x45: {  	s1 =	rddreg [dreg:$0x1];
	p0 =	sne.s32 s2, $0x0  }
0x46: {  	s3 =	rddreg [dreg:$0x2];
	[bflag:$0x3] =	sbarrier.arrive $0xFFFF;
	s2 =	simm.s32 @!p0 $0x1C01  }
0x47: {  	[timem:s3], [sflag:s2] =	dma.local @!p0 [hbm:s0], s1  }
0x48: {  	s0 =	simm.s32 @!p0 $0x1  }
0x49: {  	_ =	swait.ge @!p0 [sflag:s0], s1  }
0x4a: {  	s1 =	ssub.s32 @!p0 $0x0, s1;
	[sflag:s0] =	ssyncset.done @!p0 $0x0  }
0x4b: {  	[sflag:s0] =	ssyncadd.s32 @!p0 s1  }
0x4c: {  	[bflag:$0x3] =	sbarrier.arrive $0xFFFF  }
0x4d: {  	_ =	shalt  }

</sc_bundles>
